<compile_context>
chip_gen: v7x
topology: tpu7x:2x2x1
jax: 0.10.2.dev20260603
libtpu: 0.0.44.dev20260713+nightly
codegen_flags: <defaults>
</compile_context>

<pallas_src>
import functools

import jax
import jax.numpy as jnp
from jax import lax
from jax.experimental import pallas as pl
from jax.experimental.pallas import tpu as pltpu
from jax.experimental.pallas import tpu_sc as plsc

_NUM_CORES = 2
_NUM_SUBCORES = 16
_NW = _NUM_CORES * _NUM_SUBCORES


@functools.lru_cache(maxsize=None)
def _make_sc_gather(B, D):
    bpw = B // _NW
    mesh = plsc.VectorSubcoreMesh(core_axis_name="c", subcore_axis_name="s")

    @functools.partial(
        pl.kernel,
        mesh=mesh,
        out_type=[jax.ShapeDtypeStruct((B, D), jnp.float32)] * 2,
        scratch_types=[
            pltpu.VMEM((bpw,), jnp.int32),
            pltpu.VMEM((bpw,), jnp.int32),
            pltpu.VMEM((bpw // 2, D), jnp.float32),
            pltpu.VMEM((bpw // 2, D), jnp.float32),
            pltpu.SemaphoreType.DMA,
        ],
        compiler_params=pltpu.CompilerParams(needs_layout_passes=False),
    )
    def sc_gather(x3_hbm, hidx_hbm, tidx_hbm,
                  h_out, t_out,
                  hiv, tiv, hrows, trows, sem):
        wid = lax.axis_index("s") * _NUM_CORES + lax.axis_index("c")
        base = wid * bpw
        pltpu.sync_copy(hidx_hbm.at[pl.ds(base, bpw)], hiv)
        pltpu.sync_copy(tidx_hbm.at[pl.ds(base, bpw)], tiv)
        lanes = lax.broadcasted_iota(jnp.int32, (16,), 0)
        half = bpw // 2

        for p in range(2):
            def group(g, _, p=p):
                hvec = hiv[pl.ds(p * half + g * 16, 16)]
                tvec = tiv[pl.ds(p * half + g * 16, 16)]
                cps = []
                for i in range(16):
                    hidx = jnp.sum(jnp.where(lanes == i, hvec, 0))
                    tidx = jnp.sum(jnp.where(lanes == i, tvec, 0))
                    dst = pl.ds(g * 16 + i, 1)
                    cps.append(pltpu.async_copy(
                        x3_hbm.at[pl.ds(hidx >> 3, 1), hidx & 7],
                        hrows.at[dst], sem))
                    cps.append(pltpu.async_copy(
                        x3_hbm.at[pl.ds(tidx >> 3, 1), tidx & 7],
                        trows.at[dst], sem))
                for cp in cps:
                    cp.wait()
                return 0

            lax.fori_loop(0, half // 16, group, 0)
            dst = pl.ds(base + p * half, half)
            pltpu.sync_copy(hrows, h_out.at[dst])
            pltpu.sync_copy(trows, t_out.at[dst])

    return sc_gather


def _tc_score_body(h_ref, t_ref, rie_ref, rio_ref, rel2_ref, w_ref, cb_ref,
                   g2_ref, s_ref, l2_ref, *, out_ch, n_rel, d, l2_scale):
    i = pl.program_id(0)
    h = h_ref[...]
    t = t_ref[...]
    rows = h_ref.shape[0]
    io = lax.broadcasted_iota(jnp.int32, (rows, 2 * n_rel), 1)
    oh = ((io == rie_ref[...]) | (io == rio_ref[...] + n_rel)
          ).astype(jnp.float32)
    r = jnp.dot(oh, rel2_ref[...], preferred_element_type=jnp.float32)
    acc = None
    for o in range(out_ch):
        pre = h * w_ref[o, 0] + r * w_ref[o, 1] + t * w_ref[o, 2] + cb_ref[o]
        z = jnp.maximum(pre, 0.0)
        term = z * g2_ref[pl.ds(o, 1), :]
        acc = term if acc is None else acc + term
    s0 = jnp.sum(acc[:, :d], axis=1, keepdims=True)
    s1 = jnp.sum(acc[:, d:], axis=1, keepdims=True)
    s_ref[...] = jnp.concatenate([s0, s1], axis=1)
    part = (jnp.sum(h * h) + jnp.sum(t * t) + jnp.sum(r * r)) * l2_scale

    @pl.when(i == 0)
    def _():
        l2_ref[0, 0] = part

    @pl.when(i > 0)
    def _():
        l2_ref[0, 0] = l2_ref[0, 0] + part


def _tc_score(h2, t2, rie, rio, rel2, w, cb, g2, *, out_ch, d,
              interpret=False):
    B2 = h2.shape[0]
    n_rel = rel2.shape[0] // 2
    tile = 1024
    nsteps = B2 // tile
    body = functools.partial(
        _tc_score_body, out_ch=out_ch, n_rel=n_rel, d=d,
        l2_scale=1.0 / (3.0 * B2 * 2 * d))
    return pl.pallas_call(
        body,
        grid=(nsteps,),
        in_specs=[
            pl.BlockSpec((tile, 2 * d), lambda i: (i, 0)),
            pl.BlockSpec((tile, 2 * d), lambda i: (i, 0)),
            pl.BlockSpec((tile, 1), lambda i: (i, 0)),
            pl.BlockSpec((tile, 1), lambda i: (i, 0)),
            pl.BlockSpec((2 * n_rel, 2 * d), lambda i: (0, 0)),
            pl.BlockSpec(memory_space=pltpu.SMEM),
            pl.BlockSpec(memory_space=pltpu.SMEM),
            pl.BlockSpec((out_ch, 2 * d), lambda i: (0, 0)),
        ],
        out_specs=[
            pl.BlockSpec((tile, 2), lambda i: (i, 0)),
            pl.BlockSpec(memory_space=pltpu.SMEM),
        ],
        out_shape=[
            jax.ShapeDtypeStruct((B2, 2), jnp.float32),
            jax.ShapeDtypeStruct((1, 1), jnp.float32),
        ],
        compiler_params=pltpu.CompilerParams(
            dimension_semantics=("arbitrary",)),
        interpret=interpret,
    )(h2, t2, rie, rio, rel2, w, cb, g2)


def kernel(x, rel_emb, head_index, rel_type, tail_index, conv_w, conv_b, fc_w):
    B = head_index.shape[0]
    D = x.shape[1]
    out_ch = conv_w.shape[0]

    hi = head_index.astype(jnp.int32)
    ti = tail_index.astype(jnp.int32)
    ri = rel_type.astype(jnp.int32)

    x3 = x.reshape(x.shape[0] // 8, 8, D)
    sc_gather = _make_sc_gather(B, D)
    h, t = sc_gather(x3, hi, ti)

    h2 = h.reshape(B // 2, 2 * D)
    t2 = t.reshape(B // 2, 2 * D)
    rie = ri.reshape(B // 2, 2)[:, 0:1]
    rio = ri.reshape(B // 2, 2)[:, 1:2]
    zr = jnp.zeros_like(rel_emb)
    rel2 = jnp.concatenate([
        jnp.concatenate([rel_emb, zr], axis=1),
        jnp.concatenate([zr, rel_emb], axis=1)], axis=0)
    w = conv_w.reshape(out_ch, 3)
    g = fc_w.reshape(out_ch, D)
    g2 = jnp.concatenate([g, g], axis=1)
    score2, l2s = _tc_score(
        h2, t2, rie, rio, rel2, w, conv_b, g2, out_ch=out_ch, d=D)
    return score2.reshape(B), l2s[0, 0]

# --- scband reference (transcript-rebuilt; emitter-appended) ---
"""Pipeline reference for scband-decoder-56702158242137 (READ-ONLY COPY).

The authoritative reference and input builder live on the scoring server;
editing this copy changes nothing except your own understanding.
"""

import jax, jax.numpy as jnp
import numpy as np

NODE_NUM, REL_NUM, D, B = 1000000, 1000, 64, 16384
OUT_CH, KSZ = 32, 1

def setup_inputs(seed: int = 0) -> dict:
    key = jax.random.key(seed)
    ks = jax.random.split(key, 8)
    x = jax.random.normal(ks[0], (NODE_NUM, D), dtype=jnp.float32)
    rel_emb = jax.random.normal(ks[1], (REL_NUM, D), dtype=jnp.float32)
    head_index = jax.random.randint(ks[2], (B,), 0, NODE_NUM)
    rel_type = jax.random.randint(ks[3], (B,), 0, REL_NUM)
    tail_index = jax.random.randint(ks[4], (B,), 0, NODE_NUM)
    # ConvKB learned parameters: conv filters over the [D, 3] triple matrix, then fc to a scalar score
    conv_w = jax.random.normal(ks[5], (OUT_CH, 1, KSZ, 3), dtype=jnp.float32) * 0.1
    conv_b = jnp.zeros((OUT_CH,), dtype=jnp.float32)
    fc_w = jax.random.normal(ks[6], (OUT_CH * (D - KSZ + 1), 1), dtype=jnp.float32) * 0.1
    return {"x": x, "rel_emb": rel_emb, "head_index": head_index, "rel_type": rel_type, "tail_index": tail_index, "conv_w": conv_w, "conv_b": conv_b, "fc_w": fc_w}


def reference(x, rel_emb, head_index, rel_type, tail_index, conv_w, conv_b, fc_w):
    # Embedding lookups (the memory-bound gathers)
    h = jnp.take(x, head_index, axis=0)          # [B, D]
    r = jnp.take(rel_emb, rel_type, axis=0)      # [B, D]
    t = jnp.take(x, tail_index, axis=0)          # [B, D]
    # ConvKB: stack triple as [B, 1, D, 3] image, conv with (KSZ, 3) filters
    stacked = jnp.stack([h, r, t], axis=2)[:, None, :, :]  # [B, 1, D, 3]
    dn = jax.lax.conv_dimension_numbers(stacked.shape, conv_w.shape, ('NCHW', 'OIHW', 'NCHW'))
    c = jax.lax.conv_general_dilated(stacked, conv_w, (1, 1), 'VALID', dimension_numbers=dn)  # [B, OUT_CH, D-KSZ+1, 1]
    c = jax.nn.relu(c + conv_b[None, :, None, None])
    flat = c.reshape(c.shape[0], -1)             # [B, OUT_CH*(D-KSZ+1)]
    score = (flat @ fc_w)[:, 0]                  # [B]
    # l2 regularizer over gathered triple embeddings
    l2 = (jnp.mean(h ** 2) + jnp.mean(r ** 2) + jnp.mean(t ** 2)) / 3.0
    return (score, l2)

if __name__ == "__main__":
    import jax
    _d = setup_inputs()
    print(jax.jit(kernel)(*tuple(_d.values())))

</pallas_src>

<mosaic_0001>
#map = affine_map<(d0, d1) -> (0, 0, 0)>
#map1 = affine_map<(d0, d1) -> (0)>
#map2 = affine_map<(d0, d1) -> (0, 0)>
module attributes {stable_mosaic.version = 14 : i64} {
  func.func @sc_gather(%arg0: i32, %arg1: i32, %arg2: memref<125000x8x64xf32, #tpu.memory_space<hbm>>, %arg3: memref<16384xi32, #tpu.memory_space<hbm>>, %arg4: memref<16384xi32, #tpu.memory_space<hbm>>, %arg5: memref<16384x64xf32, #tpu.memory_space<hbm>>, %arg6: memref<16384x64xf32, #tpu.memory_space<hbm>>, %arg7: memref<512xi32, #tpu.memory_space<vmem>>, %arg8: memref<512xi32, #tpu.memory_space<vmem>>, %arg9: memref<256x64xf32, #tpu.memory_space<vmem>>, %arg10: memref<256x64xf32, #tpu.memory_space<vmem>>, %arg11: memref<!tpu.dma_semaphore, #tpu.memory_space<semaphore_mem>>) attributes {dimension_semantics = [#tpu.dimension_semantics<core_parallel>, #tpu.dimension_semantics<subcore_parallel>], iteration_bounds = array<i64: 2, 16>, scalar_prefetch = 0 : i64, scratch_operands = 5 : i64, tpu.core_type = #tpu.core_type<sc_vector_subcore>, window_params = [{transform_indices = #map}, {transform_indices = #map1}, {transform_indices = #map1}, {transform_indices = #map2}, {transform_indices = #map2}]} {
    %mul3A = arith.constant 2 : i32
    %mul3A_0 = arith.muli %arg1, %mul3A : i32
    %add3A = arith.addi %mul3A_0, %arg0 : i32
    %mul3A_1 = arith.constant 512 : i32
    %mul3A_2 = arith.muli %add3A, %mul3A_1 : i32
    "tpu.region"() ({
      %run_scoped3A = tpu.sem_alloc : memref<!tpu.dma_semaphore, #tpu.memory_space<semaphore_mem>>
      %dma_start3A = tpu.memref_slice %arg3[%mul3A_2] : memref<16384xi32, #tpu.memory_space<hbm>> -> memref<512xi32, #tpu.memory_space<hbm>>
      %dma_start3A_20 = tpu.memref_slice %arg3[%mul3A_2] : memref<16384xi32, #tpu.memory_space<hbm>> -> memref<512xi32, #tpu.memory_space<hbm>>
      tpu.enqueue_dma source(%dma_start3A_20 : memref<512xi32, #tpu.memory_space<hbm>>) target(%arg7 : memref<512xi32, #tpu.memory_space<vmem>>) target_semaphore(%run_scoped3A : memref<!tpu.dma_semaphore, #tpu.memory_space<semaphore_mem>>)
      %dma_wait3A = tpu.memref_slice %arg3[%mul3A_2] : memref<16384xi32, #tpu.memory_space<hbm>> -> memref<512xi32, #tpu.memory_space<hbm>>
      %dma_wait3A_21 = tpu.memref_slice %arg3[%mul3A_2] : memref<16384xi32, #tpu.memory_space<hbm>> -> memref<512xi32, #tpu.memory_space<hbm>>
      tpu.wait_dma2 semaphore(%run_scoped3A : memref<!tpu.dma_semaphore, #tpu.memory_space<semaphore_mem>>) src(%dma_wait3A_21 : memref<512xi32, #tpu.memory_space<hbm>>) dst(%arg7 : memref<512xi32, #tpu.memory_space<vmem>>)
      tpu.yield
    }) : () -> ()
    "tpu.region"() ({
      %run_scoped3A = tpu.sem_alloc : memref<!tpu.dma_semaphore, #tpu.memory_space<semaphore_mem>>
      %dma_start3A = tpu.memref_slice %arg4[%mul3A_2] : memref<16384xi32, #tpu.memory_space<hbm>> -> memref<512xi32, #tpu.memory_space<hbm>>
      %dma_start3A_20 = tpu.memref_slice %arg4[%mul3A_2] : memref<16384xi32, #tpu.memory_space<hbm>> -> memref<512xi32, #tpu.memory_space<hbm>>
      tpu.enqueue_dma source(%dma_start3A_20 : memref<512xi32, #tpu.memory_space<hbm>>) target(%arg8 : memref<512xi32, #tpu.memory_space<vmem>>) target_semaphore(%run_scoped3A : memref<!tpu.dma_semaphore, #tpu.memory_space<semaphore_mem>>)
      %dma_wait3A = tpu.memref_slice %arg4[%mul3A_2] : memref<16384xi32, #tpu.memory_space<hbm>> -> memref<512xi32, #tpu.memory_space<hbm>>
      %dma_wait3A_21 = tpu.memref_slice %arg4[%mul3A_2] : memref<16384xi32, #tpu.memory_space<hbm>> -> memref<512xi32, #tpu.memory_space<hbm>>
      tpu.wait_dma2 semaphore(%run_scoped3A : memref<!tpu.dma_semaphore, #tpu.memory_space<semaphore_mem>>) src(%dma_wait3A_21 : memref<512xi32, #tpu.memory_space<hbm>>) dst(%arg8 : memref<512xi32, #tpu.memory_space<vmem>>)
      tpu.yield
    }) : () -> ()
    %iota3A = tpu.iota {dimensions = array<i32: 0>} : vector<16xi32>
    %scan3A = arith.constant 0 : i32
    %scan3A_3 = arith.constant 0 : i32
    %scan3A_4 = arith.constant 16 : i32
    %scan3A_5 = arith.addi %scan3A_3, %scan3A_4 : i32
    %scan3A_6 = arith.constant 1 : i32
    %scan3A_7 = scf.for %scan3A_20 = %scan3A_3 to %scan3A_5 step %scan3A_6 iter_args(%scan3A_21 = %scan3A) -> (i32)  : i32 {
      %mul3A_22 = arith.constant 16 : i32
      %mul3A_23 = arith.muli %scan3A_20, %mul3A_22 : i32
      %add3A_24 = arith.constant 0 : i32
      %add3A_25 = arith.addi %add3A_24, %mul3A_23 : i32
      %get3A = arith.index_cast %add3A_25 : i32 to index
      %get3A_26 = tpu.vector_load %arg7[%get3A] {strides = array<i32>} : memref<512xi32, #tpu.memory_space<vmem>>, vector<16xi32>,
      %mul3A_27 = arith.constant 16 : i32
      %mul3A_28 = arith.muli %scan3A_20, %mul3A_27 : i32
      %add3A_29 = arith.constant 0 : i32
      %add3A_30 = arith.addi %add3A_29, %mul3A_28 : i32
      %get3A_31 = arith.index_cast %add3A_30 : i32 to index
      %get3A_32 = tpu.vector_load %arg8[%get3A_31] {strides = array<i32>} : memref<512xi32, #tpu.memory_space<vmem>>, vector<16xi32>,
      %eq3A = arith.constant 0 : i32
      %eq3A_33 = vector.broadcast %eq3A : i32 to vector<16xi32>
      %eq3A_34 = arith.cmpi eq, %iota3A, %eq3A_33 : vector<16xi32>
      %jit3A = arith.constant 0 : i32
      %broadcast_in_dim3A = vector.broadcast %jit3A : i32 to vector<16xi32>
      %select_n3A = arith.select %eq3A_34, %get3A_26, %broadcast_in_dim3A : vector<16xi1>, vector<16xi32>
      %reduce_sum3A = arith.constant true
      %reduce_sum3A_35 = vector.broadcast %reduce_sum3A : i1 to vector<16xi1>
      %reduce_sum3A_36 = tpu.scan <sum>, %select_n3A masked %reduce_sum3A_35 : vector<16xi32>, vector<16xi1> -> vector<16xi32>
      %reduce_sum3A_37 = vector.extract %reduce_sum3A_36[15] : i32 from vector<16xi32>
      %eq3A_38 = arith.constant 0 : i32
      %eq3A_39 = vector.broadcast %eq3A_38 : i32 to vector<16xi32>
      %eq3A_40 = arith.cmpi eq, %iota3A, %eq3A_39 : vector<16xi32>
      %jit3A_41 = arith.constant 0 : i32
      %broadcast_in_dim3A_42 = vector.broadcast %jit3A_41 : i32 to vector<16xi32>
      %select_n3A_43 = arith.select %eq3A_40, %get3A_32, %broadcast_in_dim3A_42 : vector<16xi1>, vector<16xi32>
      %reduce_sum3A_44 = arith.constant true
      %reduce_sum3A_45 = vector.broadcast %reduce_sum3A_44 : i1 to vector<16xi1>
      %reduce_sum3A_46 = tpu.scan <sum>, %select_n3A_43 masked %reduce_sum3A_45 : vector<16xi32>, vector<16xi1> -> vector<16xi32>
      %reduce_sum3A_47 = vector.extract %reduce_sum3A_46[15] : i32 from vector<16xi32>
      %mul3A_48 = arith.constant 16 : i32
      %mul3A_49 = arith.muli %scan3A_20, %mul3A_48 : i32
      %add3A_50 = arith.constant 0 : i32
      %add3A_51 = arith.addi %mul3A_49, %add3A_50 : i32
      %shift_right_arithmetic3A = arith.constant 3 : i32
      %shift_right_arithmetic3A_52 = arith.shrsi %reduce_sum3A_37, %shift_right_arithmetic3A : i32
      %and3A = arith.constant 7 : i32
      %and3A_53 = arith.andi %reduce_sum3A_37, %and3A : i32
      %dma_start3A = arith.constant 0 : i32
      %dma_start3A_54 = tpu.memref_slice %arg9[%add3A_51, %dma_start3A] : memref<256x64xf32, #tpu.memory_space<vmem>> -> memref<1x64xf32, #tpu.memory_space<vmem>>
      %dma_start3A_55 = arith.constant 0 : i32
      %dma_start3A_56 = tpu.memref_slice %arg2[%shift_right_arithmetic3A_52, %and3A_53, %dma_start3A_55] : memref<125000x8x64xf32, #tpu.memory_space<hbm>> -> memref<1x1x64xf32, #tpu.memory_space<hbm>>
      %dma_start3A_57 = tpu.memref_squeeze %dma_start3A_56 : memref<1x1x64xf32, #tpu.memory_space<hbm>> -> memref<1x64xf32, #tpu.memory_space<hbm>>
      %dma_start3A_58 = arith.constant 0 : i32
      %dma_start3A_59 = tpu.memref_slice %arg9[%add3A_51, %dma_start3A_58] : memref<256x64xf32, #tpu.memory_space<vmem>> -> memref<1x64xf32, #tpu.memory_space<vmem>>
      %dma_start3A_60 = arith.constant 0 : i32
      %dma_start3A_61 = tpu.memref_slice %arg2[%shift_right_arithmetic3A_52, %and3A_53, %dma_start3A_60] : memref<125000x8x64xf32, #tpu.memory_space<hbm>> -> memref<1x1x64xf32, #tpu.memory_space<hbm>>
      %dma_start3A_62 = tpu.memref_squeeze %dma_start3A_61 : memref<1x1x64xf32, #tpu.memory_space<hbm>> -> memref<1x64xf32, #tpu.memory_space<hbm>>
      tpu.enqueue_dma source(%dma_start3A_62 : memref<1x64xf32, #tpu.memory_space<hbm>>) target(%dma_start3A_59 : memref<1x64xf32, #tpu.memory_space<vmem>>) target_semaphore(%arg11 : memref<!tpu.dma_semaphore, #tpu.memory_space<semaphore_mem>>)
      %shift_right_arithmetic3A_63 = arith.constant 3 : i32
      %shift_right_arithmetic3A_64 = arith.shrsi %reduce_sum3A_47, %shift_right_arithmetic3A_63 : i32
      %and3A_65 = arith.constant 7 : i32
      %and3A_66 = arith.andi %reduce_sum3A_47, %and3A_65 : i32
      %dma_start3A_67 = arith.constant 0 : i32
      %dma_start3A_68 = tpu.memref_slice %arg10[%add3A_51, %dma_start3A_67] : memref<256x64xf32, #tpu.memory_space<vmem>> -> memref<1x64xf32, #tpu.memory_space<vmem>>
      %dma_start3A_69 = arith.constant 0 : i32
      %dma_start3A_70 = tpu.memref_slice %arg2[%shift_right_arithmetic3A_64, %and3A_66, %dma_start3A_69] : memref<125000x8x64xf32, #tpu.memory_space<hbm>> -> memref<1x1x64xf32, #tpu.memory_space<hbm>>
      %dma_start3A_71 = tpu.memref_squeeze %dma_start3A_70 : memref<1x1x64xf32, #tpu.memory_space<hbm>> -> memref<1x64xf32, #tpu.memory_space<hbm>>
      %dma_start3A_72 = arith.constant 0 : i32
      %dma_start3A_73 = tpu.memref_slice %arg10[%add3A_51, %dma_start3A_72] : memref<256x64xf32, #tpu.memory_space<vmem>> -> memref<1x64xf32, #tpu.memory_space<vmem>>
      %dma_start3A_74 = arith.constant 0 : i32
      %dma_start3A_75 = tpu.memref_slice %arg2[%shift_right_arithmetic3A_64, %and3A_66, %dma_start3A_74] : memref<125000x8x64xf32, #tpu.memory_space<hbm>> -> memref<1x1x64xf32, #tpu.memory_space<hbm>>
      %dma_start3A_76 = tpu.memref_squeeze %dma_start3A_75 : memref<1x1x64xf32, #tpu.memory_space<hbm>> -> memref<1x64xf32, #tpu.memory_space<hbm>>
      tpu.enqueue_dma source(%dma_start3A_76 : memref<1x64xf32, #tpu.memory_space<hbm>>) target(%dma_start3A_73 : memref<1x64xf32, #tpu.memory_space<vmem>>) target_semaphore(%arg11 : memref<!tpu.dma_semaphore, #tpu.memory_space<semaphore_mem>>)
      %eq3A_77 = arith.constant 1 : i32
      %eq3A_78 = vector.broadcast %eq3A_77 : i32 to vector<16xi32>
      %eq3A_79 = arith.cmpi eq, %iota3A, %eq3A_78 : vector<16xi32>
      %jit3A_80 = arith.constant 0 : i32
      %broadcast_in_dim3A_81 = vector.broadcast %jit3A_80 : i32 to vector<16xi32>
      %select_n3A_82 = arith.select %eq3A_79, %get3A_26, %broadcast_in_dim3A_81 : vector<16xi1>, vector<16xi32>
      %reduce_sum3A_83 = arith.constant true
      %reduce_sum3A_84 = vector.broadcast %reduce_sum3A_83 : i1 to vector<16xi1>
      %reduce_sum3A_85 = tpu.scan <sum>, %select_n3A_82 masked %reduce_sum3A_84 : vector<16xi32>, vector<16xi1> -> vector<16xi32>
      %reduce_sum3A_86 = vector.extract %reduce_sum3A_85[15] : i32 from vector<16xi32>
      %eq3A_87 = arith.constant 1 : i32
      %eq3A_88 = vector.broadcast %eq3A_87 : i32 to vector<16xi32>
      %eq3A_89 = arith.cmpi eq, %iota3A, %eq3A_88 : vector<16xi32>
      %jit3A_90 = arith.constant 0 : i32
      %broadcast_in_dim3A_91 = vector.broadcast %jit3A_90 : i32 to vector<16xi32>
      %select_n3A_92 = arith.select %eq3A_89, %get3A_32, %broadcast_in_dim3A_91 : vector<16xi1>, vector<16xi32>
      %reduce_sum3A_93 = arith.constant true
      %reduce_sum3A_94 = vector.broadcast %reduce_sum3A_93 : i1 to vector<16xi1>
      %reduce_sum3A_95 = tpu.scan <sum>, %select_n3A_92 masked %reduce_sum3A_94 : vector<16xi32>, vector<16xi1> -> vector<16xi32>
      %reduce_sum3A_96 = vector.extract %reduce_sum3A_95[15] : i32 from vector<16xi32>
      %mul3A_97 = arith.constant 16 : i32
      %mul3A_98 = arith.muli %scan3A_20, %mul3A_97 : i32
      %add3A_99 = arith.constant 1 : i32
      %add3A_100 = arith.addi %mul3A_98, %add3A_99 : i32
      %shift_right_arithmetic3A_101 = arith.constant 3 : i32
      %shift_right_arithmetic3A_102 = arith.shrsi %reduce_sum3A_86, %shift_right_arithmetic3A_101 : i32
      %and3A_103 = arith.constant 7 : i32
      %and3A_104 = arith.andi %reduce_sum3A_86, %and3A_103 : i32
      %dma_start3A_105 = arith.constant 0 : i32
      %dma_start3A_106 = tpu.memref_slice %arg9[%add3A_100, %dma_start3A_105] : memref<256x64xf32, #tpu.memory_space<vmem>> -> memref<1x64xf32, #tpu.memory_space<vmem>>
      %dma_start3A_107 = arith.constant 0 : i32
      %dma_start3A_108 = tpu.memref_slice %arg2[%shift_right_arithmetic3A_102, %and3A_104, %dma_start3A_107] : memref<125000x8x64xf32, #tpu.memory_space<hbm>> -> memref<1x1x64xf32, #tpu.memory_space<hbm>>
      %dma_start3A_109 = tpu.memref_squeeze %dma_start3A_108 : memref<1x1x64xf32, #tpu.memory_space<hbm>> -> memref<1x64xf32, #tpu.memory_space<hbm>>
      %dma_start3A_110 = arith.constant 0 : i32
      %dma_start3A_111 = tpu.memref_slice %arg9[%add3A_100, %dma_start3A_110] : memref<256x64xf32, #tpu.memory_space<vmem>> -> memref<1x64xf32, #tpu.memory_space<vmem>>
      %dma_start3A_112 = arith.constant 0 : i32
      %dma_start3A_113 = tpu.memref_slice %arg2[%shift_right_arithmetic3A_102, %and3A_104, %dma_start3A_112] : memref<125000x8x64xf32, #tpu.memory_space<hbm>> -> memref<1x1x64xf32, #tpu.memory_space<hbm>>
      %dma_start3A_114 = tpu.memref_squeeze %dma_start3A_113 : memref<1x1x64xf32, #tpu.memory_space<hbm>> -> memref<1x64xf32, #tpu.memory_space<hbm>>
      tpu.enqueue_dma source(%dma_start3A_114 : memref<1x64xf32, #tpu.memory_space<hbm>>) target(%dma_start3A_111 : memref<1x64xf32, #tpu.memory_space<vmem>>) target_semaphore(%arg11 : memref<!tpu.dma_semaphore, #tpu.memory_space<semaphore_mem>>)
      %shift_right_arithmetic3A_115 = arith.constant 3 : i32
      %shift_right_arithmetic3A_116 = arith.shrsi %reduce_sum3A_96, %shift_right_arithmetic3A_115 : i32
      %and3A_117 = arith.constant 7 : i32
      %and3A_118 = arith.andi %reduce_sum3A_96, %and3A_117 : i32
      %dma_start3A_119 = arith.constant 0 : i32
      %dma_start3A_120 = tpu.memref_slice %arg10[%add3A_100, %dma_start3A_119] : memref<256x64xf32, #tpu.memory_space<vmem>> -> memref<1x64xf32, #tpu.memory_space<vmem>>
      %dma_start3A_121 = arith.constant 0 : i32
      %dma_start3A_122 = tpu.memref_slice %arg2[%shift_right_arithmetic3A_116, %and3A_118, %dma_start3A_121] : memref<125000x8x64xf32, #tpu.memory_space<hbm>> -> memref<1x1x64xf32, #tpu.memory_space<hbm>>
      %dma_start3A_123 = tpu.memref_squeeze %dma_start3A_122 : memref<1x1x64xf32, #tpu.memory_space<hbm>> -> memref<1x64xf32, #tpu.memory_space<hbm>>
      %dma_start3A_124 = arith.constant 0 : i32
      %dma_start3A_125 = tpu.memref_slice %arg10[%add3A_100, %dma_start3A_124] : memref<256x64xf32, #tpu.memory_space<vmem>> -> memref<1x64xf32, #tpu.memory_space<vmem>>
      %dma_start3A_126 = arith.constant 0 : i32
      %dma_start3A_127 = tpu.memref_slice %arg2[%shift_right_arithmetic3A_116, %and3A_118, %dma_start3A_126] : memref<125000x8x64xf32, #tpu.memory_space<hbm>> -> memref<1x1x64xf32, #tpu.memory_space<hbm>>
      %dma_start3A_128 = tpu.memref_squeeze %dma_start3A_127 : memref<1x1x64xf32, #tpu.memory_space<hbm>> -> memref<1x64xf32, #tpu.memory_space<hbm>>
      tpu.enqueue_dma source(%dma_start3A_128 : memref<1x64xf32, #tpu.memory_space<hbm>>) target(%dma_start3A_125 : memref<1x64xf32, #tpu.memory_space<vmem>>) target_semaphore(%arg11 : memref<!tpu.dma_semaphore, #tpu.memory_space<semaphore_mem>>)
      %eq3A_129 = arith.constant 2 : i32
      %eq3A_130 = vector.broadcast %eq3A_129 : i32 to vector<16xi32>
      %eq3A_131 = arith.cmpi eq, %iota3A, %eq3A_130 : vector<16xi32>
      %jit3A_132 = arith.constant 0 : i32
      %broadcast_in_dim3A_133 = vector.broadcast %jit3A_132 : i32 to vector<16xi32>
      %select_n3A_134 = arith.select %eq3A_131, %get3A_26, %broadcast_in_dim3A_133 : vector<16xi1>, vector<16xi32>
      %reduce_sum3A_135 = arith.constant true
      %reduce_sum3A_136 = vector.broadcast %reduce_sum3A_135 : i1 to vector<16xi1>
      %reduce_sum3A_137 = tpu.scan <sum>, %select_n3A_134 masked %reduce_sum3A_136 : vector<16xi32>, vector<16xi1> -> vector<16xi32>
      %reduce_sum3A_138 = vector.extract %reduce_sum3A_137[15] : i32 from vector<16xi32>
      %eq3A_139 = arith.constant 2 : i32
      %eq3A_140 = vector.broadcast %eq3A_139 : i32 to vector<16xi32>
      %eq3A_141 = arith.cmpi eq, %iota3A, %eq3A_140 : vector<16xi32>
      %jit3A_142 = arith.constant 0 : i32
      %broadcast_in_dim3A_143 = vector.broadcast %jit3A_142 : i32 to vector<16xi32>
      %select_n3A_144 = arith.select %eq3A_141, %get3A_32, %broadcast_in_dim3A_143 : vector<16xi1>, vector<16xi32>
      %reduce_sum3A_145 = arith.constant true
      %reduce_sum3A_146 = vector.broadcast %reduce_sum3A_145 : i1 to vector<16xi1>
      %reduce_sum3A_147 = tpu.scan <sum>, %select_n3A_144 masked %reduce_sum3A_146 : vector<16xi32>, vector<16xi1> -> vector<16xi32>
      %reduce_sum3A_148 = vector.extract %reduce_sum3A_147[15] : i32 from vector<16xi32>
      %mul3A_149 = arith.constant 16 : i32
      %mul3A_150 = arith.muli %scan3A_20, %mul3A_149 : i32
      %add3A_151 = arith.constant 2 : i32
      %add3A_152 = arith.addi %mul3A_150, %add3A_151 : i32
      %shift_right_arithmetic3A_153 = arith.constant 3 : i32
      %shift_right_arithmetic3A_154 = arith.shrsi %reduce_sum3A_138, %shift_right_arithmetic3A_153 : i32
      %and3A_155 = arith.constant 7 : i32
      %and3A_156 = arith.andi %reduce_sum3A_138, %and3A_155 : i32
      %dma_start3A_157 = arith.constant 0 : i32
      %dma_start3A_158 = tpu.memref_slice %arg9[%add3A_152, %dma_start3A_157] : memref<256x64xf32, #tpu.memory_space<vmem>> -> memref<1x64xf32, #tpu.memory_space<vmem>>
      %dma_start3A_159 = arith.constant 0 : i32
      %dma_start3A_160 = tpu.memref_slice %arg2[%shift_right_arithmetic3A_154, %and3A_156, %dma_start3A_159] : memref<125000x8x64xf32, #tpu.memory_space<hbm>> -> memref<1x1x64xf32, #tpu.memory_space<hbm>>
      %dma_start3A_161 = tpu.memref_squeeze %dma_start3A_160 : memref<1x1x64xf32, #tpu.memory_space<hbm>> -> memref<1x64xf32, #tpu.memory_space<hbm>>
      %dma_start3A_162 = arith.constant 0 : i32
      %dma_start3A_163 = tpu.memref_slice %arg9[%add3A_152, %dma_start3A_162] : memref<256x64xf32, #tpu.memory_space<vmem>> -> memref<1x64xf32, #tpu.memory_space<vmem>>
      %dma_start3A_164 = arith.constant 0 : i32
      %dma_start3A_165 = tpu.memref_slice %arg2[%shift_right_arithmetic3A_154, %and3A_156, %dma_start3A_164] : memref<125000x8x64xf32, #tpu.memory_space<hbm>> -> memref<1x1x64xf32, #tpu.memory_space<hbm>>
      %dma_start3A_166 = tpu.memref_squeeze %dma_start3A_165 : memref<1x1x64xf32, #tpu.memory_space<hbm>> -> memref<1x64xf32, #tpu.memory_space<hbm>>
      tpu.enqueue_dma source(%dma_start3A_166 : memref<1x64xf32, #tpu.memory_space<hbm>>) target(%dma_start3A_163 : memref<1x64xf32, #tpu.memory_space<vmem>>) target_semaphore(%arg11 : memref<!tpu.dma_semaphore, #tpu.memory_space<semaphore_mem>>)
      %shift_right_arithmetic3A_167 = arith.constant 3 : i32
      %shift_right_arithmetic3A_168 = arith.shrsi %reduce_sum3A_148, %shift_right_arithmetic3A_167 : i32
      %and3A_169 = arith.constant 7 : i32
      %and3A_170 = arith.andi %reduce_sum3A_148, %and3A_169 : i32
      %dma_start3A_171 = arith.constant 0 : i32
      %dma_start3A_172 = tpu.memref_slice %arg10[%add3A_152, %dma_start3A_171] : memref<256x64xf32, #tpu.memory_space<vmem>> -> memref<1x64xf32, #tpu.memory_space<vmem>>
      %dma_start3A_173 = arith.constant 0 : i32
      %dma_start3A_174 = tpu.memref_slice %arg2[%shift_right_arithmetic3A_168, %and3A_170, %dma_start3A_173] : memref<125000x8x64xf32, #tpu.memory_space<hbm>> -> memref<1x1x64xf32, #tpu.memory_space<hbm>>
      %dma_start3A_175 = tpu.memref_squeeze %dma_start3A_174 : memref<1x1x64xf32, #tpu.memory_space<hbm>> -> memref<1x64xf32, #tpu.memory_space<hbm>>
      %dma_start3A_176 = arith.constant 0 : i32
      %dma_start3A_177 = tpu.memref_slice %arg10[%add3A_152, %dma_start3A_176] : memref<256x64xf32, #tpu.memory_space<vmem>> -> memref<1x64xf32, #tpu.memory_space<vmem>>
      %dma_start3A_178 = arith.constant 0 : i32
      %dma_start3A_179 = tpu.memref_slice %arg2[%shift_right_arithmetic3A_168, %and3A_170, %dma_start3A_178] : memref<125000x8x64xf32, #tpu.memory_space<hbm>> -> memref<1x1x64xf32, #tpu.memory_space<hbm>>
      %dma_start3A_180 = tpu.memref_squeeze %dma_start3A_179 : memref<1x1x64xf32, #tpu.memory_space<hbm>> -> memref<1x64xf32, #tpu.memory_space<hbm>>
      tpu.enqueue_dma source(%dma_start3A_180 : memref<1x64xf32, #tpu.memory_space<hbm>>) target(%dma_start3A_177 : memref<1x64xf32, #tpu.memory_space<vmem>>) target_semaphore(%arg11 : memref<!tpu.dma_semaphore, #tpu.memory_space<semaphore_mem>>)
      %eq3A_181 = arith.constant 3 : i32
      %eq3A_182 = vector.broadcast %eq3A_181 : i32 to vector<16xi32>
      %eq3A_183 = arith.cmpi eq, %iota3A, %eq3A_182 : vector<16xi32>
      %jit3A_184 = arith.constant 0 : i32
      %broadcast_in_dim3A_185 = vector.broadcast %jit3A_184 : i32 to vector<16xi32>
      %select_n3A_186 = arith.select %eq3A_183, %get3A_26, %broadcast_in_dim3A_185 : vector<16xi1>, vector<16xi32>
      %reduce_sum3A_187 = arith.constant true
      %reduce_sum3A_188 = vector.broadcast %reduce_sum3A_187 : i1 to vector<16xi1>
      %reduce_sum3A_189 = tpu.scan <sum>, %select_n3A_186 masked %reduce_sum3A_188 : vector<16xi32>, vector<16xi1> -> vector<16xi32>
      %reduce_sum3A_190 = vector.extract %reduce_sum3A_189[15] : i32 from vector<16xi32>
      %eq3A_191 = arith.constant 3 : i32
      %eq3A_192 = vector.broadcast %eq3A_191 : i32 to vector<16xi32>
      %eq3A_193 = arith.cmpi eq, %iota3A, %eq3A_192 : vector<16xi32>
      %jit3A_194 = arith.constant 0 : i32
      %broadcast_in_dim3A_195 = vector.broadcast %jit3A_194 : i32 to vector<16xi32>
      %select_n3A_196 = arith.select %eq3A_193, %get3A_32, %broadcast_in_dim3A_195 : vector<16xi1>, vector<16xi32>
      %reduce_sum3A_197 = arith.constant true
      %reduce_sum3A_198 = vector.broadcast %reduce_sum3A_197 : i1 to vector<16xi1>
      %reduce_sum3A_199 = tpu.scan <sum>, %select_n3A_196 masked %reduce_sum3A_198 : vector<16xi32>, vector<16xi1> -> vector<16xi32>
      %reduce_sum3A_200 = vector.extract %reduce_sum3A_199[15] : i32 from vector<16xi32>
      %mul3A_201 = arith.constant 16 : i32
      %mul3A_202 = arith.muli %scan3A_20, %mul3A_201 : i32
      %add3A_203 = arith.constant 3 : i32
      %add3A_204 = arith.addi %mul3A_202, %add3A_203 : i32
      %shift_right_arithmetic3A_205 = arith.constant 3 : i32
      %shift_right_arithmetic3A_206 = arith.shrsi %reduce_sum3A_190, %shift_right_arithmetic3A_205 : i32
      %and3A_207 = arith.constant 7 : i32
      %and3A_208 = arith.andi %reduce_sum3A_190, %and3A_207 : i32
      %dma_start3A_209 = arith.constant 0 : i32
      %dma_start3A_210 = tpu.memref_slice %arg9[%add3A_204, %dma_start3A_209] : memref<256x64xf32, #tpu.memory_space<vmem>> -> memref<1x64xf32, #tpu.memory_space<vmem>>
      %dma_start3A_211 = arith.constant 0 : i32
      %dma_start3A_212 = tpu.memref_slice %arg2[%shift_right_arithmetic3A_206, %and3A_208, %dma_start3A_211] : memref<125000x8x64xf32, #tpu.memory_space<hbm>> -> memref<1x1x64xf32, #tpu.memory_space<hbm>>
      %dma_start3A_213 = tpu.memref_squeeze %dma_start3A_212 : memref<1x1x64xf32, #tpu.memory_space<hbm>> -> memref<1x64xf32, #tpu.memory_space<hbm>>
      %dma_start3A_214 = arith.constant 0 : i32
      %dma_start3A_215 = tpu.memref_slice %arg9[%add3A_204, %dma_start3A_214] : memref<256x64xf32, #tpu.memory_space<vmem>> -> memref<1x64xf32, #tpu.memory_space<vmem>>
      %dma_start3A_216 = arith.constant 0 : i32
      %dma_start3A_217 = tpu.memref_slice %arg2[%shift_right_arithmetic3A_206, %and3A_208, %dma_start3A_216] : memref<125000x8x64xf32, #tpu.memory_space<hbm>> -> memref<1x1x64xf32, #tpu.memory_space<hbm>>
      %dma_start3A_218 = tpu.memref_squeeze %dma_start3A_217 : memref<1x1x64xf32, #tpu.memory_space<hbm>> -> memref<1x64xf32, #tpu.memory_space<hbm>>
      tpu.enqueue_dma source(%dma_start3A_218 : memref<1x64xf32, #tpu.memory_space<hbm>>) target(%dma_start3A_215 : memref<1x64xf32, #tpu.memory_space<vmem>>) target_semaphore(%arg11 : memref<!tpu.dma_semaphore, #tpu.memory_space<semaphore_mem>>)
      %shift_right_arithmetic3A_219 = arith.constant 3 : i32
      %shift_right_arithmetic3A_220 = arith.shrsi %reduce_sum3A_200, %shift_right_arithmetic3A_219 : i32
      %and3A_221 = arith.constant 7 : i32
      %and3A_222 = arith.andi %reduce_sum3A_200, %and3A_221 : i32
      %dma_start3A_223 = arith.constant 0 : i32
      %dma_start3A_224 = tpu.memref_slice %arg10[%add3A_204, %dma_start3A_223] : memref<256x64xf32, #tpu.memory_space<vmem>> -> memref<1x64xf32, #tpu.memory_space<vmem>>
      %dma_start3A_225 = arith.constant 0 : i32
      %dma_start3A_226 = tpu.memref_slice %arg2[%shift_right_arithmetic3A_220, %and3A_222, %dma_start3A_225] : memref<125000x8x64xf32, #tpu.memory_space<hbm>> -> memref<1x1x64xf32, #tpu.memory_space<hbm>>
      %dma_start3A_227 = tpu.memref_squeeze %dma_start3A_226 : memref<1x1x64xf32, #tpu.memory_space<hbm>> -> memref<1x64xf32, #tpu.memory_space<hbm>>
      %dma_start3A_228 = arith.constant 0 : i32
      %dma_start3A_229 = tpu.memref_slice %arg10[%add3A_204, %dma_start3A_228] : memref<256x64xf32, #tpu.memory_space<vmem>> -> memref<1x64xf32, #tpu.memory_space<vmem>>
      %dma_start3A_230 = arith.constant 0 : i32
      %dma_start3A_231 = tpu.memref_slice %arg2[%shift_right_arithmetic3A_220, %and3A_222, %dma_start3A_230] : memref<125000x8x64xf32, #tpu.memory_space<hbm>> -> memref<1x1x64xf32, #tpu.memory_space<hbm>>
      %dma_start3A_232 = tpu.memref_squeeze %dma_start3A_231 : memref<1x1x64xf32, #tpu.memory_space<hbm>> -> memref<1x64xf32, #tpu.memory_space<hbm>>
      tpu.enqueue_dma source(%dma_start3A_232 : memref<1x64xf32, #tpu.memory_space<hbm>>) target(%dma_start3A_229 : memref<1x64xf32, #tpu.memory_space<vmem>>) target_semaphore(%arg11 : memref<!tpu.dma_semaphore, #tpu.memory_space<semaphore_mem>>)
      %eq3A_233 = arith.constant 4 : i32
      %eq3A_234 = vector.broadcast %eq3A_233 : i32 to vector<16xi32>
      %eq3A_235 = arith.cmpi eq, %iota3A, %eq3A_234 : vector<16xi32>
      %jit3A_236 = arith.constant 0 : i32
      %broadcast_in_dim3A_237 = vector.broadcast %jit3A_236 : i32 to vector<16xi32>
      %select_n3A_238 = arith.select %eq3A_235, %get3A_26, %broadcast_in_dim3A_237 : vector<16xi1>, vector<16xi32>
      %reduce_sum3A_239 = arith.constant true
      %reduce_sum3A_240 = vector.broadcast %reduce_sum3A_239 : i1 to vector<16xi1>
      %reduce_sum3A_241 = tpu.scan <sum>, %select_n3A_238 masked %reduce_sum3A_240 : vector<16xi32>, vector<16xi1> -> vector<16xi32>
      %reduce_sum3A_242 = vector.extract %reduce_sum3A_241[15] : i32 from vector<16xi32>
      %eq3A_243 = arith.constant 4 : i32
      %eq3A_244 = vector.broadcast %eq3A_243 : i32 to vector<16xi32>
      %eq3A_245 = arith.cmpi eq, %iota3A, %eq3A_244 : vector<16xi32>
      %jit3A_246 = arith.constant 0 : i32
      %broadcast_in_dim3A_247 = vector.broadcast %jit3A_246 : i32 to vector<16xi32>
      %select_n3A_248 = arith.select %eq3A_245, %get3A_32, %broadcast_in_dim3A_247 : vector<16xi1>, vector<16xi32>
      %reduce_sum3A_249 = arith.constant true
      %reduce_sum3A_250 = vector.broadcast %reduce_sum3A_249 : i1 to vector<16xi1>
      %reduce_sum3A_251 = tpu.scan <sum>, %select_n3A_248 masked %reduce_sum3A_250 : vector<16xi32>, vector<16xi1> -> vector<16xi32>
      %reduce_sum3A_252 = vector.extract %reduce_sum3A_251[15] : i32 from vector<16xi32>
      %mul3A_253 = arith.constant 16 : i32
      %mul3A_254 = arith.muli %scan3A_20, %mul3A_253 : i32
      %add3A_255 = arith.constant 4 : i32
      %add3A_256 = arith.addi %mul3A_254, %add3A_255 : i32
      %shift_right_arithmetic3A_257 = arith.constant 3 : i32
      %shift_right_arithmetic3A_258 = arith.shrsi %reduce_sum3A_242, %shift_right_arithmetic3A_257 : i32
      %and3A_259 = arith.constant 7 : i32
      %and3A_260 = arith.andi %reduce_sum3A_242, %and3A_259 : i32
      %dma_start3A_261 = arith.constant 0 : i32
      %dma_start3A_262 = tpu.memref_slice %arg9[%add3A_256, %dma_start3A_261] : memref<256x64xf32, #tpu.memory_space<vmem>> -> memref<1x64xf32, #tpu.memory_space<vmem>>
      %dma_start3A_263 = arith.constant 0 : i32
      %dma_start3A_264 = tpu.memref_slice %arg2[%shift_right_arithmetic3A_258, %and3A_260, %dma_start3A_263] : memref<125000x8x64xf32, #tpu.memory_space<hbm>> -> memref<1x1x64xf32, #tpu.memory_space<hbm>>
      %dma_start3A_265 = tpu.memref_squeeze %dma_start3A_264 : memref<1x1x64xf32, #tpu.memory_space<hbm>> -> memref<1x64xf32, #tpu.memory_space<hbm>>
      %dma_start3A_266 = arith.constant 0 : i32
      %dma_start3A_267 = tpu.memref_slice %arg9[%add3A_256, %dma_start3A_266] : memref<256x64xf32, #tpu.memory_space<vmem>> -> memref<1x64xf32, #tpu.memory_space<vmem>>
      %dma_start3A_268 = arith.constant 0 : i32
      %dma_start3A_269 = tpu.memref_slice %arg2[%shift_right_arithmetic3A_258, %and3A_260, %dma_start3A_268] : memref<125000x8x64xf32, #tpu.memory_space<hbm>> -> memref<1x1x64xf32, #tpu.memory_space<hbm>>
      %dma_start3A_270 = tpu.memref_squeeze %dma_start3A_269 : memref<1x1x64xf32, #tpu.memory_space<hbm>> -> memref<1x64xf32, #tpu.memory_space<hbm>>
      tpu.enqueue_dma source(%dma_start3A_270 : memref<1x64xf32, #tpu.memory_space<hbm>>) target(%dma_start3A_267 : memref<1x64xf32, #tpu.memory_space<vmem>>) target_semaphore(%arg11 : memref<!tpu.dma_semaphore, #tpu.memory_space<semaphore_mem>>)
      %shift_right_arithmetic3A_271 = arith.constant 3 : i32
      %shift_right_arithmetic3A_272 = arith.shrsi %reduce_sum3A_252, %shift_right_arithmetic3A_271 : i32
      %and3A_273 = arith.constant 7 : i32
      %and3A_274 = arith.andi %reduce_sum3A_252, %and3A_273 : i32
      %dma_start3A_275 = arith.constant 0 : i32
      %dma_start3A_276 = tpu.memref_slice %arg10[%add3A_256, %dma_start3A_275] : memref<256x64xf32, #tpu.memory_space<vmem>> -> memref<1x64xf32, #tpu.memory_space<vmem>>
      %dma_start3A_277 = arith.constant 0 : i32
      %dma_start3A_278 = tpu.memref_slice %arg2[%shift_right_arithmetic3A_272, %and3A_274, %dma_start3A_277] : memref<125000x8x64xf32, #tpu.memory_space<hbm>> -> memref<1x1x64xf32, #tpu.memory_space<hbm>>
      %dma_start3A_279 = tpu.memref_squeeze %dma_start3A_278 : memref<1x1x64xf32, #tpu.memory_space<hbm>> -> memref<1x64xf32, #tpu.memory_space<hbm>>
      %dma_start3A_280 = arith.constant 0 : i32
      %dma_start3A_281 = tpu.memref_slice %arg10[%add3A_256, %dma_start3A_280] : memref<256x64xf32, #tpu.memory_space<vmem>> -> memref<1x64xf32, #tpu.memory_space<vmem>>
      %dma_start3A_282 = arith.constant 0 : i32
      %dma_start3A_283 = tpu.memref_slice %arg2[%shift_right_arithmetic3A_272, %and3A_274, %dma_start3A_282] : memref<125000x8x64xf32, #tpu.memory_space<hbm>> -> memref<1x1x64xf32, #tpu.memory_space<hbm>>
      %dma_start3A_284 = tpu.memref_squeeze %dma_start3A_283 : memref<1x1x64xf32, #tpu.memory_space<hbm>> -> memref<1x64xf32, #tpu.memory_space<hbm>>
      tpu.enqueue_dma source(%dma_start3A_284 : memref<1x64xf32, #tpu.memory_space<hbm>>) target(%dma_start3A_281 : memref<1x64xf32, #tpu.memory_space<vmem>>) target_semaphore(%arg11 : memref<!tpu.dma_semaphore, #tpu.memory_space<semaphore_mem>>)
      %eq3A_285 = arith.constant 5 : i32
      %eq3A_286 = vector.broadcast %eq3A_285 : i32 to vector<16xi32>
      %eq3A_287 = arith.cmpi eq, %iota3A, %eq3A_286 : vector<16xi32>
      %jit3A_288 = arith.constant 0 : i32
      %broadcast_in_dim3A_289 = vector.broadcast %jit3A_288 : i32 to vector<16xi32>
      %select_n3A_290 = arith.select %eq3A_287, %get3A_26, %broadcast_in_dim3A_289 : vector<16xi1>, vector<16xi32>
      %reduce_sum3A_291 = arith.constant true
      %reduce_sum3A_292 = vector.broadcast %reduce_sum3A_291 : i1 to vector<16xi1>
      %reduce_sum3A_293 = tpu.scan <sum>, %select_n3A_290 masked %reduce_sum3A_292 : vector<16xi32>, vector<16xi1> -> vector<16xi32>
      %reduce_sum3A_294 = vector.extract %reduce_sum3A_293[15] : i32 from vector<16xi32>
      %eq3A_295 = arith.constant 5 : i32
      %eq3A_296 = vector.broadcast %eq3A_295 : i32 to vector<16xi32>
      %eq3A_297 = arith.cmpi eq, %iota3A, %eq3A_296 : vector<16xi32>
      %jit3A_298 = arith.constant 0 : i32
      %broadcast_in_dim3A_299 = vector.broadcast %jit3A_298 : i32 to vector<16xi32>
      %select_n3A_300 = arith.select %eq3A_297, %get3A_32, %broadcast_in_dim3A_299 : vector<16xi1>, vector<16xi32>
      %reduce_sum3A_301 = arith.constant true
      %reduce_sum3A_302 = vector.broadcast %reduce_sum3A_301 : i1 to vector<16xi1>
      %reduce_sum3A_303 = tpu.scan <sum>, %select_n3A_300 masked %reduce_sum3A_302 : vector<16xi32>, vector<16xi1> -> vector<16xi32>
      %reduce_sum3A_304 = vector.extract %reduce_sum3A_303[15] : i32 from vector<16xi32>
      %mul3A_305 = arith.constant 16 : i32
      %mul3A_306 = arith.muli %scan3A_20, %mul3A_305 : i32
      %add3A_307 = arith.constant 5 : i32
      %add3A_308 = arith.addi %mul3A_306, %add3A_307 : i32
      %shift_right_arithmetic3A_309 = arith.constant 3 : i32
      %shift_right_arithmetic3A_310 = arith.shrsi %reduce_sum3A_294, %shift_right_arithmetic3A_309 : i32
      %and3A_311 = arith.constant 7 : i32
      %and3A_312 = arith.andi %reduce_sum3A_294, %and3A_311 : i32
      %dma_start3A_313 = arith.constant 0 : i32
      %dma_start3A_314 = tpu.memref_slice %arg9[%add3A_308, %dma_start3A_313] : memref<256x64xf32, #tpu.memory_space<vmem>> -> memref<1x64xf32, #tpu.memory_space<vmem>>
      %dma_start3A_315 = arith.constant 0 : i32
      %dma_start3A_316 = tpu.memref_slice %arg2[%shift_right_arithmetic3A_310, %and3A_312, %dma_start3A_315] : memref<125000x8x64xf32, #tpu.memory_space<hbm>> -> memref<1x1x64xf32, #tpu.memory_space<hbm>>
      %dma_start3A_317 = tpu.memref_squeeze %dma_start3A_316 : memref<1x1x64xf32, #tpu.memory_space<hbm>> -> memref<1x64xf32, #tpu.memory_space<hbm>>
      %dma_start3A_318 = arith.constant 0 : i32
      %dma_start3A_319 = tpu.memref_slice %arg9[%add3A_308, %dma_start3A_318] : memref<256x64xf32, #tpu.memory_space<vmem>> -> memref<1x64xf32, #tpu.memory_space<vmem>>
      %dma_start3A_320 = arith.constant 0 : i32
      %dma_start3A_321 = tpu.memref_slice %arg2[%shift_right_arithmetic3A_310, %and3A_312, %dma_start3A_320] : memref<125000x8x64xf32, #tpu.memory_space<hbm>> -> memref<1x1x64xf32, #tpu.memory_space<hbm>>
      %dma_start3A_322 = tpu.memref_squeeze %dma_start3A_321 : memref<1x1x64xf32, #tpu.memory_space<hbm>> -> memref<1x64xf32, #tpu.memory_space<hbm>>
      tpu.enqueue_dma source(%dma_start3A_322 : memref<1x64xf32, #tpu.memory_space<hbm>>) target(%dma_start3A_319 : memref<1x64xf32, #tpu.memory_space<vmem>>) target_semaphore(%arg11 : memref<!tpu.dma_semaphore, #tpu.memory_space<semaphore_mem>>)
      %shift_right_arithmetic3A_323 = arith.constant 3 : i32
      %shift_right_arithmetic3A_324 = arith.shrsi %reduce_sum3A_304, %shift_right_arithmetic3A_323 : i32
      %and3A_325 = arith.constant 7 : i32
      %and3A_326 = arith.andi %reduce_sum3A_304, %and3A_325 : i32
      %dma_start3A_327 = arith.constant 0 : i32
      %dma_start3A_328 = tpu.memref_slice %arg10[%add3A_308, %dma_start3A_327] : memref<256x64xf32, #tpu.memory_space<vmem>> -> memref<1x64xf32, #tpu.memory_space<vmem>>
      %dma_start3A_329 = arith.constant 0 : i32
      %dma_start3A_330 = tpu.memref_slice %arg2[%shift_right_arithmetic3A_324, %and3A_326, %dma_start3A_329] : memref<125000x8x64xf32, #tpu.memory_space<hbm>> -> memref<1x1x64xf32, #tpu.memory_space<hbm>>
      %dma_start3A_331 = tpu.memref_squeeze %dma_start3A_330 : memref<1x1x64xf32, #tpu.memory_space<hbm>> -> memref<1x64xf32, #tpu.memory_space<hbm>>
      %dma_start3A_332 = arith.constant 0 : i32
      %dma_start3A_333 = tpu.memref_slice %arg10[%add3A_308, %dma_start3A_332] : memref<256x64xf32, #tpu.memory_space<vmem>> -> memref<1x64xf32, #tpu.memory_space<vmem>>
      %dma_start3A_334 = arith.constant 0 : i32
      %dma_start3A_335 = tpu.memref_slice %arg2[%shift_right_arithmetic3A_324, %and3A_326, %dma_start3A_334] : memref<125000x8x64xf32, #tpu.memory_space<hbm>> -> memref<1x1x64xf32, #tpu.memory_space<hbm>>
      %dma_start3A_336 = tpu.memref_squeeze %dma_start3A_335 : memref<1x1x64xf32, #tpu.memory_space<hbm>> -> memref<1x64xf32, #tpu.memory_space<hbm>>
      tpu.enqueue_dma source(%dma_start3A_336 : memref<1x64xf32, #tpu.memory_space<hbm>>) target(%dma_start3A_333 : memref<1x64xf32, #tpu.memory_space<vmem>>) target_semaphore(%arg11 : memref<!tpu.dma_semaphore, #tpu.memory_space<semaphore_mem>>)
      %eq3A_337 = arith.constant 6 : i32
      %eq3A_338 = vector.broadcast %eq3A_337 : i32 to vector<16xi32>
      %eq3A_339 = arith.cmpi eq, %iota3A, %eq3A_338 : vector<16xi32>
      %jit3A_340 = arith.constant 0 : i32
      %broadcast_in_dim3A_341 = vector.broadcast %jit3A_340 : i32 to vector<16xi32>
      %select_n3A_342 = arith.select %eq3A_339, %get3A_26, %broadcast_in_dim3A_341 : vector<16xi1>, vector<16xi32>
      %reduce_sum3A_343 = arith.constant true
      %reduce_sum3A_344 = vector.broadcast %reduce_sum3A_343 : i1 to vector<16xi1>
      %reduce_sum3A_345 = tpu.scan <sum>, %select_n3A_342 masked %reduce_sum3A_344 : vector<16xi32>, vector<16xi1> -> vector<16xi32>
      %reduce_sum3A_346 = vector.extract %reduce_sum3A_345[15] : i32 from vector<16xi32>
      %eq3A_347 = arith.constant 6 : i32
      %eq3A_348 = vector.broadcast %eq3A_347 : i32 to vector<16xi32>
      %eq3A_349 = arith.cmpi eq, %iota3A, %eq3A_348 : vector<16xi32>
      %jit3A_350 = arith.constant 0 : i32
      %broadcast_in_dim3A_351 = vector.broadcast %jit3A_350 : i32 to vector<16xi32>
      %select_n3A_352 = arith.select %eq3A_349, %get3A_32, %broadcast_in_dim3A_351 : vector<16xi1>, vector<16xi32>
      %reduce_sum3A_353 = arith.constant true
      %reduce_sum3A_354 = vector.broadcast %reduce_sum3A_353 : i1 to vector<16xi1>
      %reduce_sum3A_355 = tpu.scan <sum>, %select_n3A_352 masked %reduce_sum3A_354 : vector<16xi32>, vector<16xi1> -> vector<16xi32>
      %reduce_sum3A_356 = vector.extract %reduce_sum3A_355[15] : i32 from vector<16xi32>
      %mul3A_357 = arith.constant 16 : i32
      %mul3A_358 = arith.muli %scan3A_20, %mul3A_357 : i32
      %add3A_359 = arith.constant 6 : i32
      %add3A_360 = arith.addi %mul3A_358, %add3A_359 : i32
      %shift_right_arithmetic3A_361 = arith.constant 3 : i32
      %shift_right_arithmetic3A_362 = arith.shrsi %reduce_sum3A_346, %shift_right_arithmetic3A_361 : i32
      %and3A_363 = arith.constant 7 : i32
      %and3A_364 = arith.andi %reduce_sum3A_346, %and3A_363 : i32
      %dma_start3A_365 = arith.constant 0 : i32
      %dma_start3A_366 = tpu.memref_slice %arg9[%add3A_360, %dma_start3A_365] : memref<256x64xf32, #tpu.memory_space<vmem>> -> memref<1x64xf32, #tpu.memory_space<vmem>>
      %dma_start3A_367 = arith.constant 0 : i32
      %dma_start3A_368 = tpu.memref_slice %arg2[%shift_right_arithmetic3A_362, %and3A_364, %dma_start3A_367] : memref<125000x8x64xf32, #tpu.memory_space<hbm>> -> memref<1x1x64xf32, #tpu.memory_space<hbm>>
      %dma_start3A_369 = tpu.memref_squeeze %dma_start3A_368 : memref<1x1x64xf32, #tpu.memory_space<hbm>> -> memref<1x64xf32, #tpu.memory_space<hbm>>
      %dma_start3A_370 = arith.constant 0 : i32
      %dma_start3A_371 = tpu.memref_slice %arg9[%add3A_360, %dma_start3A_370] : memref<256x64xf32, #tpu.memory_space<vmem>> -> memref<1x64xf32, #tpu.memory_space<vmem>>
      %dma_start3A_372 = arith.constant 0 : i32
      %dma_start3A_373 = tpu.memref_slice %arg2[%shift_right_arithmetic3A_362, %and3A_364, %dma_start3A_372] : memref<125000x8x64xf32, #tpu.memory_space<hbm>> -> memref<1x1x64xf32, #tpu.memory_space<hbm>>
      %dma_start3A_374 = tpu.memref_squeeze %dma_start3A_373 : memref<1x1x64xf32, #tpu.memory_space<hbm>> -> memref<1x64xf32, #tpu.memory_space<hbm>>
      tpu.enqueue_dma source(%dma_start3A_374 : memref<1x64xf32, #tpu.memory_space<hbm>>) target(%dma_start3A_371 : memref<1x64xf32, #tpu.memory_space<vmem>>) target_semaphore(%arg11 : memref<!tpu.dma_semaphore, #tpu.memory_space<semaphore_mem>>)
      %shift_right_arithmetic3A_375 = arith.constant 3 : i32
      %shift_right_arithmetic3A_376 = arith.shrsi %reduce_sum3A_356, %shift_right_arithmetic3A_375 : i32
      %and3A_377 = arith.constant 7 : i32
      %and3A_378 = arith.andi %reduce_sum3A_356, %and3A_377 : i32
      %dma_start3A_379 = arith.constant 0 : i32
      %dma_start3A_380 = tpu.memref_slice %arg10[%add3A_360, %dma_start3A_379] : memref<256x64xf32, #tpu.memory_space<vmem>> -> memref<1x64xf32, #tpu.memory_space<vmem>>
      %dma_start3A_381 = arith.constant 0 : i32
      %dma_start3A_382 = tpu.memref_slice %arg2[%shift_right_arithmetic3A_376, %and3A_378, %dma_start3A_381] : memref<125000x8x64xf32, #tpu.memory_space<hbm>> -> memref<1x1x64xf32, #tpu.memory_space<hbm>>
      %dma_start3A_383 = tpu.memref_squeeze %dma_start3A_382 : memref<1x1x64xf32, #tpu.memory_space<hbm>> -> memref<1x64xf32, #tpu.memory_space<hbm>>
      %dma_start3A_384 = arith.constant 0 : i32
      %dma_start3A_385 = tpu.memref_slice %arg10[%add3A_360, %dma_start3A_384] : memref<256x64xf32, #tpu.memory_space<vmem>> -> memref<1x64xf32, #tpu.memory_space<vmem>>
      %dma_start3A_386 = arith.constant 0 : i32
      %dma_start3A_387 = tpu.memref_slice %arg2[%shift_right_arithmetic3A_376, %and3A_378, %dma_start3A_386] : memref<125000x8x64xf32, #tpu.memory_space<hbm>> -> memref<1x1x64xf32, #tpu.memory_space<hbm>>
      %dma_start3A_388 = tpu.memref_squeeze %dma_start3A_387 : memref<1x1x64xf32, #tpu.memory_space<hbm>> -> memref<1x64xf32, #tpu.memory_space<hbm>>
      tpu.enqueue_dma source(%dma_start3A_388 : memref<1x64xf32, #tpu.memory_space<hbm>>) target(%dma_start3A_385 : memref<1x64xf32, #tpu.memory_space<vmem>>) target_semaphore(%arg11 : memref<!tpu.dma_semaphore, #tpu.memory_space<semaphore_mem>>)
      %eq3A_389 = arith.constant 7 : i32
      %eq3A_390 = vector.broadcast %eq3A_389 : i32 to vector<16xi32>
      %eq3A_391 = arith.cmpi eq, %iota3A, %eq3A_390 : vector<16xi32>
      %jit3A_392 = arith.constant 0 : i32
      %broadcast_in_dim3A_393 = vector.broadcast %jit3A_392 : i32 to vector<16xi32>
      %select_n3A_394 = arith.select %eq3A_391, %get3A_26, %broadcast_in_dim3A_393 : vector<16xi1>, vector<16xi32>
      %reduce_sum3A_395 = arith.constant true
      %reduce_sum3A_396 = vector.broadcast %reduce_sum3A_395 : i1 to vector<16xi1>
      %reduce_sum3A_397 = tpu.scan <sum>, %select_n3A_394 masked %reduce_sum3A_396 : vector<16xi32>, vector<16xi1> -> vector<16xi32>
      %reduce_sum3A_398 = vector.extract %reduce_sum3A_397[15] : i32 from vector<16xi32>
      %eq3A_399 = arith.constant 7 : i32
      %eq3A_400 = vector.broadcast %eq3A_399 : i32 to vector<16xi32>
      %eq3A_401 = arith.cmpi eq, %iota3A, %eq3A_400 : vector<16xi32>
      %jit3A_402 = arith.constant 0 : i32
      %broadcast_in_dim3A_403 = vector.broadcast %jit3A_402 : i32 to vector<16xi32>
      %select_n3A_404 = arith.select %eq3A_401, %get3A_32, %broadcast_in_dim3A_403 : vector<16xi1>, vector<16xi32>
      %reduce_sum3A_405 = arith.constant true
      %reduce_sum3A_406 = vector.broadcast %reduce_sum3A_405 : i1 to vector<16xi1>
      %reduce_sum3A_407 = tpu.scan <sum>, %select_n3A_404 masked %reduce_sum3A_406 : vector<16xi32>, vector<16xi1> -> vector<16xi32>
      %reduce_sum3A_408 = vector.extract %reduce_sum3A_407[15] : i32 from vector<16xi32>
      %mul3A_409 = arith.constant 16 : i32
      %mul3A_410 = arith.muli %scan3A_20, %mul3A_409 : i32
      %add3A_411 = arith.constant 7 : i32
      %add3A_412 = arith.addi %mul3A_410, %add3A_411 : i32
      %shift_right_arithmetic3A_413 = arith.constant 3 : i32
      %shift_right_arithmetic3A_414 = arith.shrsi %reduce_sum3A_398, %shift_right_arithmetic3A_413 : i32
      %and3A_415 = arith.constant 7 : i32
      %and3A_416 = arith.andi %reduce_sum3A_398, %and3A_415 : i32
      %dma_start3A_417 = arith.constant 0 : i32
      %dma_start3A_418 = tpu.memref_slice %arg9[%add3A_412, %dma_start3A_417] : memref<256x64xf32, #tpu.memory_space<vmem>> -> memref<1x64xf32, #tpu.memory_space<vmem>>
      %dma_start3A_419 = arith.constant 0 : i32
      %dma_start3A_420 = tpu.memref_slice %arg2[%shift_right_arithmetic3A_414, %and3A_416, %dma_start3A_419] : memref<125000x8x64xf32, #tpu.memory_space<hbm>> -> memref<1x1x64xf32, #tpu.memory_space<hbm>>
      %dma_start3A_421 = tpu.memref_squeeze %dma_start3A_420 : memref<1x1x64xf32, #tpu.memory_space<hbm>> -> memref<1x64xf32, #tpu.memory_space<hbm>>
      %dma_start3A_422 = arith.constant 0 : i32
      %dma_start3A_423 = tpu.memref_slice %arg9[%add3A_412, %dma_start3A_422] : memref<256x64xf32, #tpu.memory_space<vmem>> -> memref<1x64xf32, #tpu.memory_space<vmem>>
      %dma_start3A_424 = arith.constant 0 : i32
      %dma_start3A_425 = tpu.memref_slice %arg2[%shift_right_arithmetic3A_414, %and3A_416, %dma_start3A_424] : memref<125000x8x64xf32, #tpu.memory_space<hbm>> -> memref<1x1x64xf32, #tpu.memory_space<hbm>>
      %dma_start3A_426 = tpu.memref_squeeze %dma_start3A_425 : memref<1x1x64xf32, #tpu.memory_space<hbm>> -> memref<1x64xf32, #tpu.memory_space<hbm>>
      tpu.enqueue_dma source(%dma_start3A_426 : memref<1x64xf32, #tpu.memory_space<hbm>>) target(%dma_start3A_423 : memref<1x64xf32, #tpu.memory_space<vmem>>) target_semaphore(%arg11 : memref<!tpu.dma_semaphore, #tpu.memory_space<semaphore_mem>>)
      %shift_right_arithmetic3A_427 = arith.constant 3 : i32
      %shift_right_arithmetic3A_428 = arith.shrsi %reduce_sum3A_408, %shift_right_arithmetic3A_427 : i32
      %and3A_429 = arith.constant 7 : i32
      %and3A_430 = arith.andi %reduce_sum3A_408, %and3A_429 : i32
      %dma_start3A_431 = arith.constant 0 : i32
      %dma_start3A_432 = tpu.memref_slice %arg10[%add3A_412, %dma_start3A_431] : memref<256x64xf32, #tpu.memory_space<vmem>> -> memref<1x64xf32, #tpu.memory_space<vmem>>
      %dma_start3A_433 = arith.constant 0 : i32
      %dma_start3A_434 = tpu.memref_slice %arg2[%shift_right_arithmetic3A_428, %and3A_430, %dma_start3A_433] : memref<125000x8x64xf32, #tpu.memory_space<hbm>> -> memref<1x1x64xf32, #tpu.memory_space<hbm>>
      %dma_start3A_435 = tpu.memref_squeeze %dma_start3A_434 : memref<1x1x64xf32, #tpu.memory_space<hbm>> -> memref<1x64xf32, #tpu.memory_space<hbm>>
      %dma_start3A_436 = arith.constant 0 : i32
      %dma_start3A_437 = tpu.memref_slice %arg10[%add3A_412, %dma_start3A_436] : memref<256x64xf32, #tpu.memory_space<vmem>> -> memref<1x64xf32, #tpu.memory_space<vmem>>
      %dma_start3A_438 = arith.constant 0 : i32
      %dma_start3A_439 = tpu.memref_slice %arg2[%shift_right_arithmetic3A_428, %and3A_430, %dma_start3A_438] : memref<125000x8x64xf32, #tpu.memory_space<hbm>> -> memref<1x1x64xf32, #tpu.memory_space<hbm>>
      %dma_start3A_440 = tpu.memref_squeeze %dma_start3A_439 : memref<1x1x64xf32, #tpu.memory_space<hbm>> -> memref<1x64xf32, #tpu.memory_space<hbm>>
      tpu.enqueue_dma source(%dma_start3A_440 : memref<1x64xf32, #tpu.memory_space<hbm>>) target(%dma_start3A_437 : memref<1x64xf32, #tpu.memory_space<vmem>>) target_semaphore(%arg11 : memref<!tpu.dma_semaphore, #tpu.memory_space<semaphore_mem>>)
      %eq3A_441 = arith.constant 8 : i32
      %eq3A_442 = vector.broadcast %eq3A_441 : i32 to vector<16xi32>
      %eq3A_443 = arith.cmpi eq, %iota3A, %eq3A_442 : vector<16xi32>
      %jit3A_444 = arith.constant 0 : i32
      %broadcast_in_dim3A_445 = vector.broadcast %jit3A_444 : i32 to vector<16xi32>
      %select_n3A_446 = arith.select %eq3A_443, %get3A_26, %broadcast_in_dim3A_445 : vector<16xi1>, vector<16xi32>
      %reduce_sum3A_447 = arith.constant true
      %reduce_sum3A_448 = vector.broadcast %reduce_sum3A_447 : i1 to vector<16xi1>
      %reduce_sum3A_449 = tpu.scan <sum>, %select_n3A_446 masked %reduce_sum3A_448 : vector<16xi32>, vector<16xi1> -> vector<16xi32>
      %reduce_sum3A_450 = vector.extract %reduce_sum3A_449[15] : i32 from vector<16xi32>
      %eq3A_451 = arith.constant 8 : i32
      %eq3A_452 = vector.broadcast %eq3A_451 : i32 to vector<16xi32>
      %eq3A_453 = arith.cmpi eq, %iota3A, %eq3A_452 : vector<16xi32>
      %jit3A_454 = arith.constant 0 : i32
      %broadcast_in_dim3A_455 = vector.broadcast %jit3A_454 : i32 to vector<16xi32>
      %select_n3A_456 = arith.select %eq3A_453, %get3A_32, %broadcast_in_dim3A_455 : vector<16xi1>, vector<16xi32>
      %reduce_sum3A_457 = arith.constant true
      %reduce_sum3A_458 = vector.broadcast %reduce_sum3A_457 : i1 to vector<16xi1>
      %reduce_sum3A_459 = tpu.scan <sum>, %select_n3A_456 masked %reduce_sum3A_458 : vector<16xi32>, vector<16xi1> -> vector<16xi32>
      %reduce_sum3A_460 = vector.extract %reduce_sum3A_459[15] : i32 from vector<16xi32>
      %mul3A_461 = arith.constant 16 : i32
      %mul3A_462 = arith.muli %scan3A_20, %mul3A_461 : i32
      %add3A_463 = arith.constant 8 : i32
      %add3A_464 = arith.addi %mul3A_462, %add3A_463 : i32
      %shift_right_arithmetic3A_465 = arith.constant 3 : i32
      %shift_right_arithmetic3A_466 = arith.shrsi %reduce_sum3A_450, %shift_right_arithmetic3A_465 : i32
      %and3A_467 = arith.constant 7 : i32
      %and3A_468 = arith.andi %reduce_sum3A_450, %and3A_467 : i32
      %dma_start3A_469 = arith.constant 0 : i32
      %dma_start3A_470 = tpu.memref_slice %arg9[%add3A_464, %dma_start3A_469] : memref<256x64xf32, #tpu.memory_space<vmem>> -> memref<1x64xf32, #tpu.memory_space<vmem>>
      %dma_start3A_471 = arith.constant 0 : i32
      %dma_start3A_472 = tpu.memref_slice %arg2[%shift_right_arithmetic3A_466, %and3A_468, %dma_start3A_471] : memref<125000x8x64xf32, #tpu.memory_space<hbm>> -> memref<1x1x64xf32, #tpu.memory_space<hbm>>
      %dma_start3A_473 = tpu.memref_squeeze %dma_start3A_472 : memref<1x1x64xf32, #tpu.memory_space<hbm>> -> memref<1x64xf32, #tpu.memory_space<hbm>>
      %dma_start3A_474 = arith.constant 0 : i32
      %dma_start3A_475 = tpu.memref_slice %arg9[%add3A_464, %dma_start3A_474] : memref<256x64xf32, #tpu.memory_space<vmem>> -> memref<1x64xf32, #tpu.memory_space<vmem>>
      %dma_start3A_476 = arith.constant 0 : i32
      %dma_start3A_477 = tpu.memref_slice %arg2[%shift_right_arithmetic3A_466, %and3A_468, %dma_start3A_476] : memref<125000x8x64xf32, #tpu.memory_space<hbm>> -> memref<1x1x64xf32, #tpu.memory_space<hbm>>
      %dma_start3A_478 = tpu.memref_squeeze %dma_start3A_477 : memref<1x1x64xf32, #tpu.memory_space<hbm>> -> memref<1x64xf32, #tpu.memory_space<hbm>>
      tpu.enqueue_dma source(%dma_start3A_478 : memref<1x64xf32, #tpu.memory_space<hbm>>) target(%dma_start3A_475 : memref<1x64xf32, #tpu.memory_space<vmem>>) target_semaphore(%arg11 : memref<!tpu.dma_semaphore, #tpu.memory_space<semaphore_mem>>)
      %shift_right_arithmetic3A_479 = arith.constant 3 : i32
      %shift_right_arithmetic3A_480 = arith.shrsi %reduce_sum3A_460, %shift_right_arithmetic3A_479 : i32
      %and3A_481 = arith.constant 7 : i32
      %and3A_482 = arith.andi %reduce_sum3A_460, %and3A_481 : i32
      %dma_start3A_483 = arith.constant 0 : i32
      %dma_start3A_484 = tpu.memref_slice %arg10[%add3A_464, %dma_start3A_483] : memref<256x64xf32, #tpu.memory_space<vmem>> -> memref<1x64xf32, #tpu.memory_space<vmem>>
      %dma_start3A_485 = arith.constant 0 : i32
      %dma_start3A_486 = tpu.memref_slice %arg2[%shift_right_arithmetic3A_480, %and3A_482, %dma_start3A_485] : memref<125000x8x64xf32, #tpu.memory_space<hbm>> -> memref<1x1x64xf32, #tpu.memory_space<hbm>>
      %dma_start3A_487 = tpu.memref_squeeze %dma_start3A_486 : memref<1x1x64xf32, #tpu.memory_space<hbm>> -> memref<1x64xf32, #tpu.memory_space<hbm>>
      %dma_start3A_488 = arith.constant 0 : i32
      %dma_start3A_489 = tpu.memref_slice %arg10[%add3A_464, %dma_start3A_488] : memref<256x64xf32, #tpu.memory_space<vmem>> -> memref<1x64xf32, #tpu.memory_space<vmem>>
      %dma_start3A_490 = arith.constant 0 : i32
      %dma_start3A_491 = tpu.memref_slice %arg2[%shift_right_arithmetic3A_480, %and3A_482, %dma_start3A_490] : memref<125000x8x64xf32, #tpu.memory_space<hbm>> -> memref<1x1x64xf32, #tpu.memory_space<hbm>>
      %dma_start3A_492 = tpu.memref_squeeze %dma_start3A_491 : memref<1x1x64xf32, #tpu.memory_space<hbm>> -> memref<1x64xf32, #tpu.memory_space<hbm>>
      tpu.enqueue_dma source(%dma_start3A_492 : memref<1x64xf32, #tpu.memory_space<hbm>>) target(%dma_start3A_489 : memref<1x64xf32, #tpu.memory_space<vmem>>) target_semaphore(%arg11 : memref<!tpu.dma_semaphore, #tpu.memory_space<semaphore_mem>>)
      %eq3A_493 = arith.constant 9 : i32
      %eq3A_494 = vector.broadcast %eq3A_493 : i32 to vector<16xi32>
      %eq3A_495 = arith.cmpi eq, %iota3A, %eq3A_494 : vector<16xi32>
      %jit3A_496 = arith.constant 0 : i32
      %broadcast_in_dim3A_497 = vector.broadcast %jit3A_496 : i32 to vector<16xi32>
      %select_n3A_498 = arith.select %eq3A_495, %get3A_26, %broadcast_in_dim3A_497 : vector<16xi1>, vector<16xi32>
      %reduce_sum3A_499 = arith.constant true
      %reduce_sum3A_500 = vector.broadcast %reduce_sum3A_499 : i1 to vector<16xi1>
      %reduce_sum3A_501 = tpu.scan <sum>, %select_n3A_498 masked %reduce_sum3A_500 : vector<16xi32>, vector<16xi1> -> vector<16xi32>
      %reduce_sum3A_502 = vector.extract %reduce_sum3A_501[15] : i32 from vector<16xi32>
      %eq3A_503 = arith.constant 9 : i32
      %eq3A_504 = vector.broadcast %eq3A_503 : i32 to vector<16xi32>
      %eq3A_505 = arith.cmpi eq, %iota3A, %eq3A_504 : vector<16xi32>
      %jit3A_506 = arith.constant 0 : i32
      %broadcast_in_dim3A_507 = vector.broadcast %jit3A_506 : i32 to vector<16xi32>
      %select_n3A_508 = arith.select %eq3A_505, %get3A_32, %broadcast_in_dim3A_507 : vector<16xi1>, vector<16xi32>
      %reduce_sum3A_509 = arith.constant true
      %reduce_sum3A_510 = vector.broadcast %reduce_sum3A_509 : i1 to vector<16xi1>
      %reduce_sum3A_511 = tpu.scan <sum>, %select_n3A_508 masked %reduce_sum3A_510 : vector<16xi32>, vector<16xi1> -> vector<16xi32>
      %reduce_sum3A_512 = vector.extract %reduce_sum3A_511[15] : i32 from vector<16xi32>
      %mul3A_513 = arith.constant 16 : i32
      %mul3A_514 = arith.muli %scan3A_20, %mul3A_513 : i32
      %add3A_515 = arith.constant 9 : i32
      %add3A_516 = arith.addi %mul3A_514, %add3A_515 : i32
      %shift_right_arithmetic3A_517 = arith.constant 3 : i32
      %shift_right_arithmetic3A_518 = arith.shrsi %reduce_sum3A_502, %shift_right_arithmetic3A_517 : i32
      %and3A_519 = arith.constant 7 : i32
      %and3A_520 = arith.andi %reduce_sum3A_502, %and3A_519 : i32
      %dma_start3A_521 = arith.constant 0 : i32
      %dma_start3A_522 = tpu.memref_slice %arg9[%add3A_516, %dma_start3A_521] : memref<256x64xf32, #tpu.memory_space<vmem>> -> memref<1x64xf32, #tpu.memory_space<vmem>>
      %dma_start3A_523 = arith.constant 0 : i32
      %dma_start3A_524 = tpu.memref_slice %arg2[%shift_right_arithmetic3A_518, %and3A_520, %dma_start3A_523] : memref<125000x8x64xf32, #tpu.memory_space<hbm>> -> memref<1x1x64xf32, #tpu.memory_space<hbm>>
      %dma_start3A_525 = tpu.memref_squeeze %dma_start3A_524 : memref<1x1x64xf32, #tpu.memory_space<hbm>> -> memref<1x64xf32, #tpu.memory_space<hbm>>
      %dma_start3A_526 = arith.constant 0 : i32
      %dma_start3A_527 = tpu.memref_slice %arg9[%add3A_516, %dma_start3A_526] : memref<256x64xf32, #tpu.memory_space<vmem>> -> memref<1x64xf32, #tpu.memory_space<vmem>>
      %dma_start3A_528 = arith.constant 0 : i32
      %dma_start3A_529 = tpu.memref_slice %arg2[%shift_right_arithmetic3A_518, %and3A_520, %dma_start3A_528] : memref<125000x8x64xf32, #tpu.memory_space<hbm>> -> memref<1x1x64xf32, #tpu.memory_space<hbm>>
      %dma_start3A_530 = tpu.memref_squeeze %dma_start3A_529 : memref<1x1x64xf32, #tpu.memory_space<hbm>> -> memref<1x64xf32, #tpu.memory_space<hbm>>
      tpu.enqueue_dma source(%dma_start3A_530 : memref<1x64xf32, #tpu.memory_space<hbm>>) target(%dma_start3A_527 : memref<1x64xf32, #tpu.memory_space<vmem>>) target_semaphore(%arg11 : memref<!tpu.dma_semaphore, #tpu.memory_space<semaphore_mem>>)
      %shift_right_arithmetic3A_531 = arith.constant 3 : i32
      %shift_right_arithmetic3A_532 = arith.shrsi %reduce_sum3A_512, %shift_right_arithmetic3A_531 : i32
      %and3A_533 = arith.constant 7 : i32
      %and3A_534 = arith.andi %reduce_sum3A_512, %and3A_533 : i32
      %dma_start3A_535 = arith.constant 0 : i32
      %dma_start3A_536 = tpu.memref_slice %arg10[%add3A_516, %dma_start3A_535] : memref<256x64xf32, #tpu.memory_space<vmem>> -> memref<1x64xf32, #tpu.memory_space<vmem>>
      %dma_start3A_537 = arith.constant 0 : i32
      %dma_start3A_538 = tpu.memref_slice %arg2[%shift_right_arithmetic3A_532, %and3A_534, %dma_start3A_537] : memref<125000x8x64xf32, #tpu.memory_space<hbm>> -> memref<1x1x64xf32, #tpu.memory_space<hbm>>
      %dma_start3A_539 = tpu.memref_squeeze %dma_start3A_538 : memref<1x1x64xf32, #tpu.memory_space<hbm>> -> memref<1x64xf32, #tpu.memory_space<hbm>>
      %dma_start3A_540 = arith.constant 0 : i32
      %dma_start3A_541 = tpu.memref_slice %arg10[%add3A_516, %dma_start3A_540] : memref<256x64xf32, #tpu.memory_space<vmem>> -> memref<1x64xf32, #tpu.memory_space<vmem>>
      %dma_start3A_542 = arith.constant 0 : i32
      %dma_start3A_543 = tpu.memref_slice %arg2[%shift_right_arithmetic3A_532, %and3A_534, %dma_start3A_542] : memref<125000x8x64xf32, #tpu.memory_space<hbm>> -> memref<1x1x64xf32, #tpu.memory_space<hbm>>
      %dma_start3A_544 = tpu.memref_squeeze %dma_start3A_543 : memref<1x1x64xf32, #tpu.memory_space<hbm>> -> memref<1x64xf32, #tpu.memory_space<hbm>>
      tpu.enqueue_dma source(%dma_start3A_544 : memref<1x64xf32, #tpu.memory_space<hbm>>) target(%dma_start3A_541 : memref<1x64xf32, #tpu.memory_space<vmem>>) target_semaphore(%arg11 : memref<!tpu.dma_semaphore, #tpu.memory_space<semaphore_mem>>)
      %eq3A_545 = arith.constant 10 : i32
      %eq3A_546 = vector.broadcast %eq3A_545 : i32 to vector<16xi32>
      %eq3A_547 = arith.cmpi eq, %iota3A, %eq3A_546 : vector<16xi32>
      %jit3A_548 = arith.constant 0 : i32
      %broadcast_in_dim3A_549 = vector.broadcast %jit3A_548 : i32 to vector<16xi32>
      %select_n3A_550 = arith.select %eq3A_547, %get3A_26, %broadcast_in_dim3A_549 : vector<16xi1>, vector<16xi32>
      %reduce_sum3A_551 = arith.constant true
      %reduce_sum3A_552 = vector.broadcast %reduce_sum3A_551 : i1 to vector<16xi1>
      %reduce_sum3A_553 = tpu.scan <sum>, %select_n3A_550 masked %reduce_sum3A_552 : vector<16xi32>, vector<16xi1> -> vector<16xi32>
      %reduce_sum3A_554 = vector.extract %reduce_sum3A_553[15] : i32 from vector<16xi32>
      %eq3A_555 = arith.constant 10 : i32
      %eq3A_556 = vector.broadcast %eq3A_555 : i32 to vector<16xi32>
      %eq3A_557 = arith.cmpi eq, %iota3A, %eq3A_556 : vector<16xi32>
      %jit3A_558 = arith.constant 0 : i32
      %broadcast_in_dim3A_559 = vector.broadcast %jit3A_558 : i32 to vector<16xi32>
      %select_n3A_560 = arith.select %eq3A_557, %get3A_32, %broadcast_in_dim3A_559 : vector<16xi1>, vector<16xi32>
      %reduce_sum3A_561 = arith.constant true
      %reduce_sum3A_562 = vector.broadcast %reduce_sum3A_561 : i1 to vector<16xi1>
      %reduce_sum3A_563 = tpu.scan <sum>, %select_n3A_560 masked %reduce_sum3A_562 : vector<16xi32>, vector<16xi1> -> vector<16xi32>
      %reduce_sum3A_564 = vector.extract %reduce_sum3A_563[15] : i32 from vector<16xi32>
      %mul3A_565 = arith.constant 16 : i32
      %mul3A_566 = arith.muli %scan3A_20, %mul3A_565 : i32
      %add3A_567 = arith.constant 10 : i32
      %add3A_568 = arith.addi %mul3A_566, %add3A_567 : i32
      %shift_right_arithmetic3A_569 = arith.constant 3 : i32
      %shift_right_arithmetic3A_570 = arith.shrsi %reduce_sum3A_554, %shift_right_arithmetic3A_569 : i32
      %and3A_571 = arith.constant 7 : i32
      %and3A_572 = arith.andi %reduce_sum3A_554, %and3A_571 : i32
      %dma_start3A_573 = arith.constant 0 : i32
      %dma_start3A_574 = tpu.memref_slice %arg9[%add3A_568, %dma_start3A_573] : memref<256x64xf32, #tpu.memory_space<vmem>> -> memref<1x64xf32, #tpu.memory_space<vmem>>
      %dma_start3A_575 = arith.constant 0 : i32
      %dma_start3A_576 = tpu.memref_slice %arg2[%shift_right_arithmetic3A_570, %and3A_572, %dma_start3A_575] : memref<125000x8x64xf32, #tpu.memory_space<hbm>> -> memref<1x1x64xf32, #tpu.memory_space<hbm>>
      %dma_start3A_577 = tpu.memref_squeeze %dma_start3A_576 : memref<1x1x64xf32, #tpu.memory_space<hbm>> -> memref<1x64xf32, #tpu.memory_space<hbm>>
      %dma_start3A_578 = arith.constant 0 : i32
      %dma_start3A_579 = tpu.memref_slice %arg9[%add3A_568, %dma_start3A_578] : memref<256x64xf32, #tpu.memory_space<vmem>> -> memref<1x64xf32, #tpu.memory_space<vmem>>
      %dma_start3A_580 = arith.constant 0 : i32
      %dma_start3A_581 = tpu.memref_slice %arg2[%shift_right_arithmetic3A_570, %and3A_572, %dma_start3A_580] : memref<125000x8x64xf32, #tpu.memory_space<hbm>> -> memref<1x1x64xf32, #tpu.memory_space<hbm>>
      %dma_start3A_582 = tpu.memref_squeeze %dma_start3A_581 : memref<1x1x64xf32, #tpu.memory_space<hbm>> -> memref<1x64xf32, #tpu.memory_space<hbm>>
      tpu.enqueue_dma source(%dma_start3A_582 : memref<1x64xf32, #tpu.memory_space<hbm>>) target(%dma_start3A_579 : memref<1x64xf32, #tpu.memory_space<vmem>>) target_semaphore(%arg11 : memref<!tpu.dma_semaphore, #tpu.memory_space<semaphore_mem>>)
      %shift_right_arithmetic3A_583 = arith.constant 3 : i32
      %shift_right_arithmetic3A_584 = arith.shrsi %reduce_sum3A_564, %shift_right_arithmetic3A_583 : i32
      %and3A_585 = arith.constant 7 : i32
      %and3A_586 = arith.andi %reduce_sum3A_564, %and3A_585 : i32
      %dma_start3A_587 = arith.constant 0 : i32
      %dma_start3A_588 = tpu.memref_slice %arg10[%add3A_568, %dma_start3A_587] : memref<256x64xf32, #tpu.memory_space<vmem>> -> memref<1x64xf32, #tpu.memory_space<vmem>>
      %dma_start3A_589 = arith.constant 0 : i32
      %dma_start3A_590 = tpu.memref_slice %arg2[%shift_right_arithmetic3A_584, %and3A_586, %dma_start3A_589] : memref<125000x8x64xf32, #tpu.memory_space<hbm>> -> memref<1x1x64xf32, #tpu.memory_space<hbm>>
      %dma_start3A_591 = tpu.memref_squeeze %dma_start3A_590 : memref<1x1x64xf32, #tpu.memory_space<hbm>> -> memref<1x64xf32, #tpu.memory_space<hbm>>
      %dma_start3A_592 = arith.constant 0 : i32
      %dma_start3A_593 = tpu.memref_slice %arg10[%add3A_568, %dma_start3A_592] : memref<256x64xf32, #tpu.memory_space<vmem>> -> memref<1x64xf32, #tpu.memory_space<vmem>>
      %dma_start3A_594 = arith.constant 0 : i32
      %dma_start3A_595 = tpu.memref_slice %arg2[%shift_right_arithmetic3A_584, %and3A_586, %dma_start3A_594] : memref<125000x8x64xf32, #tpu.memory_space<hbm>> -> memref<1x1x64xf32, #tpu.memory_space<hbm>>
      %dma_start3A_596 = tpu.memref_squeeze %dma_start3A_595 : memref<1x1x64xf32, #tpu.memory_space<hbm>> -> memref<1x64xf32, #tpu.memory_space<hbm>>
      tpu.enqueue_dma source(%dma_start3A_596 : memref<1x64xf32, #tpu.memory_space<hbm>>) target(%dma_start3A_593 : memref<1x64xf32, #tpu.memory_space<vmem>>) target_semaphore(%arg11 : memref<!tpu.dma_semaphore, #tpu.memory_space<semaphore_mem>>)
      %eq3A_597 = arith.constant 11 : i32
      %eq3A_598 = vector.broadcast %eq3A_597 : i32 to vector<16xi32>
      %eq3A_599 = arith.cmpi eq, %iota3A, %eq3A_598 : vector<16xi32>
      %jit3A_600 = arith.constant 0 : i32
      %broadcast_in_dim3A_601 = vector.broadcast %jit3A_600 : i32 to vector<16xi32>
      %select_n3A_602 = arith.select %eq3A_599, %get3A_26, %broadcast_in_dim3A_601 : vector<16xi1>, vector<16xi32>
      %reduce_sum3A_603 = arith.constant true
      %reduce_sum3A_604 = vector.broadcast %reduce_sum3A_603 : i1 to vector<16xi1>
      %reduce_sum3A_605 = tpu.scan <sum>, %select_n3A_602 masked %reduce_sum3A_604 : vector<16xi32>, vector<16xi1> -> vector<16xi32>
      %reduce_sum3A_606 = vector.extract %reduce_sum3A_605[15] : i32 from vector<16xi32>
      %eq3A_607 = arith.constant 11 : i32
      %eq3A_608 = vector.broadcast %eq3A_607 : i32 to vector<16xi32>
      %eq3A_609 = arith.cmpi eq, %iota3A, %eq3A_608 : vector<16xi32>
      %jit3A_610 = arith.constant 0 : i32
      %broadcast_in_dim3A_611 = vector.broadcast %jit3A_610 : i32 to vector<16xi32>
      %select_n3A_612 = arith.select %eq3A_609, %get3A_32, %broadcast_in_dim3A_611 : vector<16xi1>, vector<16xi32>
      %reduce_sum3A_613 = arith.constant true
      %reduce_sum3A_614 = vector.broadcast %reduce_sum3A_613 : i1 to vector<16xi1>
      %reduce_sum3A_615 = tpu.scan <sum>, %select_n3A_612 masked %reduce_sum3A_614 : vector<16xi32>, vector<16xi1> -> vector<16xi32>
      %reduce_sum3A_616 = vector.extract %reduce_sum3A_615[15] : i32 from vector<16xi32>
      %mul3A_617 = arith.constant 16 : i32
      %mul3A_618 = arith.muli %scan3A_20, %mul3A_617 : i32
      %add3A_619 = arith.constant 11 : i32
      %add3A_620 = arith.addi %mul3A_618, %add3A_619 : i32
      %shift_right_arithmetic3A_621 = arith.constant 3 : i32
      %shift_right_arithmetic3A_622 = arith.shrsi %reduce_sum3A_606, %shift_right_arithmetic3A_621 : i32
      %and3A_623 = arith.constant 7 : i32
      %and3A_624 = arith.andi %reduce_sum3A_606, %and3A_623 : i32
      %dma_start3A_625 = arith.constant 0 : i32
      %dma_start3A_626 = tpu.memref_slice %arg9[%add3A_620, %dma_start3A_625] : memref<256x64xf32, #tpu.memory_space<vmem>> -> memref<1x64xf32, #tpu.memory_space<vmem>>
      %dma_start3A_627 = arith.constant 0 : i32
      %dma_start3A_628 = tpu.memref_slice %arg2[%shift_right_arithmetic3A_622, %and3A_624, %dma_start3A_627] : memref<125000x8x64xf32, #tpu.memory_space<hbm>> -> memref<1x1x64xf32, #tpu.memory_space<hbm>>
      %dma_start3A_629 = tpu.memref_squeeze %dma_start3A_628 : memref<1x1x64xf32, #tpu.memory_space<hbm>> -> memref<1x64xf32, #tpu.memory_space<hbm>>
      %dma_start3A_630 = arith.constant 0 : i32
      %dma_start3A_631 = tpu.memref_slice %arg9[%add3A_620, %dma_start3A_630] : memref<256x64xf32, #tpu.memory_space<vmem>> -> memref<1x64xf32, #tpu.memory_space<vmem>>
      %dma_start3A_632 = arith.constant 0 : i32
      %dma_start3A_633 = tpu.memref_slice %arg2[%shift_right_arithmetic3A_622, %and3A_624, %dma_start3A_632] : memref<125000x8x64xf32, #tpu.memory_space<hbm>> -> memref<1x1x64xf32, #tpu.memory_space<hbm>>
      %dma_start3A_634 = tpu.memref_squeeze %dma_start3A_633 : memref<1x1x64xf32, #tpu.memory_space<hbm>> -> memref<1x64xf32, #tpu.memory_space<hbm>>
      tpu.enqueue_dma source(%dma_start3A_634 : memref<1x64xf32, #tpu.memory_space<hbm>>) target(%dma_start3A_631 : memref<1x64xf32, #tpu.memory_space<vmem>>) target_semaphore(%arg11 : memref<!tpu.dma_semaphore, #tpu.memory_space<semaphore_mem>>)
      %shift_right_arithmetic3A_635 = arith.constant 3 : i32
      %shift_right_arithmetic3A_636 = arith.shrsi %reduce_sum3A_616, %shift_right_arithmetic3A_635 : i32
      %and3A_637 = arith.constant 7 : i32
      %and3A_638 = arith.andi %reduce_sum3A_616, %and3A_637 : i32
      %dma_start3A_639 = arith.constant 0 : i32
      %dma_start3A_640 = tpu.memref_slice %arg10[%add3A_620, %dma_start3A_639] : memref<256x64xf32, #tpu.memory_space<vmem>> -> memref<1x64xf32, #tpu.memory_space<vmem>>
      %dma_start3A_641 = arith.constant 0 : i32
      %dma_start3A_642 = tpu.memref_slice %arg2[%shift_right_arithmetic3A_636, %and3A_638, %dma_start3A_641] : memref<125000x8x64xf32, #tpu.memory_space<hbm>> -> memref<1x1x64xf32, #tpu.memory_space<hbm>>
      %dma_start3A_643 = tpu.memref_squeeze %dma_start3A_642 : memref<1x1x64xf32, #tpu.memory_space<hbm>> -> memref<1x64xf32, #tpu.memory_space<hbm>>
      %dma_start3A_644 = arith.constant 0 : i32
      %dma_start3A_645 = tpu.memref_slice %arg10[%add3A_620, %dma_start3A_644] : memref<256x64xf32, #tpu.memory_space<vmem>> -> memref<1x64xf32, #tpu.memory_space<vmem>>
      %dma_start3A_646 = arith.constant 0 : i32
      %dma_start3A_647 = tpu.memref_slice %arg2[%shift_right_arithmetic3A_636, %and3A_638, %dma_start3A_646] : memref<125000x8x64xf32, #tpu.memory_space<hbm>> -> memref<1x1x64xf32, #tpu.memory_space<hbm>>
      %dma_start3A_648 = tpu.memref_squeeze %dma_start3A_647 : memref<1x1x64xf32, #tpu.memory_space<hbm>> -> memref<1x64xf32, #tpu.memory_space<hbm>>
      tpu.enqueue_dma source(%dma_start3A_648 : memref<1x64xf32, #tpu.memory_space<hbm>>) target(%dma_start3A_645 : memref<1x64xf32, #tpu.memory_space<vmem>>) target_semaphore(%arg11 : memref<!tpu.dma_semaphore, #tpu.memory_space<semaphore_mem>>)
      %eq3A_649 = arith.constant 12 : i32
      %eq3A_650 = vector.broadcast %eq3A_649 : i32 to vector<16xi32>
      %eq3A_651 = arith.cmpi eq, %iota3A, %eq3A_650 : vector<16xi32>
      %jit3A_652 = arith.constant 0 : i32
      %broadcast_in_dim3A_653 = vector.broadcast %jit3A_652 : i32 to vector<16xi32>
      %select_n3A_654 = arith.select %eq3A_651, %get3A_26, %broadcast_in_dim3A_653 : vector<16xi1>, vector<16xi32>
      %reduce_sum3A_655 = arith.constant true
      %reduce_sum3A_656 = vector.broadcast %reduce_sum3A_655 : i1 to vector<16xi1>
      %reduce_sum3A_657 = tpu.scan <sum>, %select_n3A_654 masked %reduce_sum3A_656 : vector<16xi32>, vector<16xi1> -> vector<16xi32>
      %reduce_sum3A_658 = vector.extract %reduce_sum3A_657[15] : i32 from vector<16xi32>
      %eq3A_659 = arith.constant 12 : i32
      %eq3A_660 = vector.broadcast %eq3A_659 : i32 to vector<16xi32>
      %eq3A_661 = arith.cmpi eq, %iota3A, %eq3A_660 : vector<16xi32>
      %jit3A_662 = arith.constant 0 : i32
      %broadcast_in_dim3A_663 = vector.broadcast %jit3A_662 : i32 to vector<16xi32>
      %select_n3A_664 = arith.select %eq3A_661, %get3A_32, %broadcast_in_dim3A_663 : vector<16xi1>, vector<16xi32>
      %reduce_sum3A_665 = arith.constant true
      %reduce_sum3A_666 = vector.broadcast %reduce_sum3A_665 : i1 to vector<16xi1>
      %reduce_sum3A_667 = tpu.scan <sum>, %select_n3A_664 masked %reduce_sum3A_666 : vector<16xi32>, vector<16xi1> -> vector<16xi32>
      %reduce_sum3A_668 = vector.extract %reduce_sum3A_667[15] : i32 from vector<16xi32>
      %mul3A_669 = arith.constant 16 : i32
      %mul3A_670 = arith.muli %scan3A_20, %mul3A_669 : i32
      %add3A_671 = arith.constant 12 : i32
      %add3A_672 = arith.addi %mul3A_670, %add3A_671 : i32
      %shift_right_arithmetic3A_673 = arith.constant 3 : i32
      %shift_right_arithmetic3A_674 = arith.shrsi %reduce_sum3A_658, %shift_right_arithmetic3A_673 : i32
      %and3A_675 = arith.constant 7 : i32
      %and3A_676 = arith.andi %reduce_sum3A_658, %and3A_675 : i32
      %dma_start3A_677 = arith.constant 0 : i32
      %dma_start3A_678 = tpu.memref_slice %arg9[%add3A_672, %dma_start3A_677] : memref<256x64xf32, #tpu.memory_space<vmem>> -> memref<1x64xf32, #tpu.memory_space<vmem>>
      %dma_start3A_679 = arith.constant 0 : i32
      %dma_start3A_680 = tpu.memref_slice %arg2[%shift_right_arithmetic3A_674, %and3A_676, %dma_start3A_679] : memref<125000x8x64xf32, #tpu.memory_space<hbm>> -> memref<1x1x64xf32, #tpu.memory_space<hbm>>
      %dma_start3A_681 = tpu.memref_squeeze %dma_start3A_680 : memref<1x1x64xf32, #tpu.memory_space<hbm>> -> memref<1x64xf32, #tpu.memory_space<hbm>>
      %dma_start3A_682 = arith.constant 0 : i32
      %dma_start3A_683 = tpu.memref_slice %arg9[%add3A_672, %dma_start3A_682] : memref<256x64xf32, #tpu.memory_space<vmem>> -> memref<1x64xf32, #tpu.memory_space<vmem>>
      %dma_start3A_684 = arith.constant 0 : i32
      %dma_start3A_685 = tpu.memref_slice %arg2[%shift_right_arithmetic3A_674, %and3A_676, %dma_start3A_684] : memref<125000x8x64xf32, #tpu.memory_space<hbm>> -> memref<1x1x64xf32, #tpu.memory_space<hbm>>
      %dma_start3A_686 = tpu.memref_squeeze %dma_start3A_685 : memref<1x1x64xf32, #tpu.memory_space<hbm>> -> memref<1x64xf32, #tpu.memory_space<hbm>>
      tpu.enqueue_dma source(%dma_start3A_686 : memref<1x64xf32, #tpu.memory_space<hbm>>) target(%dma_start3A_683 : memref<1x64xf32, #tpu.memory_space<vmem>>) target_semaphore(%arg11 : memref<!tpu.dma_semaphore, #tpu.memory_space<semaphore_mem>>)
      %shift_right_arithmetic3A_687 = arith.constant 3 : i32
      %shift_right_arithmetic3A_688 = arith.shrsi %reduce_sum3A_668, %shift_right_arithmetic3A_687 : i32
      %and3A_689 = arith.constant 7 : i32
      %and3A_690 = arith.andi %reduce_sum3A_668, %and3A_689 : i32
      %dma_start3A_691 = arith.constant 0 : i32
      %dma_start3A_692 = tpu.memref_slice %arg10[%add3A_672, %dma_start3A_691] : memref<256x64xf32, #tpu.memory_space<vmem>> -> memref<1x64xf32, #tpu.memory_space<vmem>>
      %dma_start3A_693 = arith.constant 0 : i32
      %dma_start3A_694 = tpu.memref_slice %arg2[%shift_right_arithmetic3A_688, %and3A_690, %dma_start3A_693] : memref<125000x8x64xf32, #tpu.memory_space<hbm>> -> memref<1x1x64xf32, #tpu.memory_space<hbm>>
      %dma_start3A_695 = tpu.memref_squeeze %dma_start3A_694 : memref<1x1x64xf32, #tpu.memory_space<hbm>> -> memref<1x64xf32, #tpu.memory_space<hbm>>
      %dma_start3A_696 = arith.constant 0 : i32
      %dma_start3A_697 = tpu.memref_slice %arg10[%add3A_672, %dma_start3A_696] : memref<256x64xf32, #tpu.memory_space<vmem>> -> memref<1x64xf32, #tpu.memory_space<vmem>>
      %dma_start3A_698 = arith.constant 0 : i32
      %dma_start3A_699 = tpu.memref_slice %arg2[%shift_right_arithmetic3A_688, %and3A_690, %dma_start3A_698] : memref<125000x8x64xf32, #tpu.memory_space<hbm>> -> memref<1x1x64xf32, #tpu.memory_space<hbm>>
      %dma_start3A_700 = tpu.memref_squeeze %dma_start3A_699 : memref<1x1x64xf32, #tpu.memory_space<hbm>> -> memref<1x64xf32, #tpu.memory_space<hbm>>
      tpu.enqueue_dma source(%dma_start3A_700 : memref<1x64xf32, #tpu.memory_space<hbm>>) target(%dma_start3A_697 : memref<1x64xf32, #tpu.memory_space<vmem>>) target_semaphore(%arg11 : memref<!tpu.dma_semaphore, #tpu.memory_space<semaphore_mem>>)
      %eq3A_701 = arith.constant 13 : i32
      %eq3A_702 = vector.broadcast %eq3A_701 : i32 to vector<16xi32>
      %eq3A_703 = arith.cmpi eq, %iota3A, %eq3A_702 : vector<16xi32>
      %jit3A_704 = arith.constant 0 : i32
      %broadcast_in_dim3A_705 = vector.broadcast %jit3A_704 : i32 to vector<16xi32>
      %select_n3A_706 = arith.select %eq3A_703, %get3A_26, %broadcast_in_dim3A_705 : vector<16xi1>, vector<16xi32>
      %reduce_sum3A_707 = arith.constant true
      %reduce_sum3A_708 = vector.broadcast %reduce_sum3A_707 : i1 to vector<16xi1>
      %reduce_sum3A_709 = tpu.scan <sum>, %select_n3A_706 masked %reduce_sum3A_708 : vector<16xi32>, vector<16xi1> -> vector<16xi32>
      %reduce_sum3A_710 = vector.extract %reduce_sum3A_709[15] : i32 from vector<16xi32>
      %eq3A_711 = arith.constant 13 : i32
      %eq3A_712 = vector.broadcast %eq3A_711 : i32 to vector<16xi32>
      %eq3A_713 = arith.cmpi eq, %iota3A, %eq3A_712 : vector<16xi32>
      %jit3A_714 = arith.constant 0 : i32
      %broadcast_in_dim3A_715 = vector.broadcast %jit3A_714 : i32 to vector<16xi32>
      %select_n3A_716 = arith.select %eq3A_713, %get3A_32, %broadcast_in_dim3A_715 : vector<16xi1>, vector<16xi32>
      %reduce_sum3A_717 = arith.constant true
      %reduce_sum3A_718 = vector.broadcast %reduce_sum3A_717 : i1 to vector<16xi1>
      %reduce_sum3A_719 = tpu.scan <sum>, %select_n3A_716 masked %reduce_sum3A_718 : vector<16xi32>, vector<16xi1> -> vector<16xi32>
      %reduce_sum3A_720 = vector.extract %reduce_sum3A_719[15] : i32 from vector<16xi32>
      %mul3A_721 = arith.constant 16 : i32
      %mul3A_722 = arith.muli %scan3A_20, %mul3A_721 : i32
      %add3A_723 = arith.constant 13 : i32
      %add3A_724 = arith.addi %mul3A_722, %add3A_723 : i32
      %shift_right_arithmetic3A_725 = arith.constant 3 : i32
      %shift_right_arithmetic3A_726 = arith.shrsi %reduce_sum3A_710, %shift_right_arithmetic3A_725 : i32
      %and3A_727 = arith.constant 7 : i32
      %and3A_728 = arith.andi %reduce_sum3A_710, %and3A_727 : i32
      %dma_start3A_729 = arith.constant 0 : i32
      %dma_start3A_730 = tpu.memref_slice %arg9[%add3A_724, %dma_start3A_729] : memref<256x64xf32, #tpu.memory_space<vmem>> -> memref<1x64xf32, #tpu.memory_space<vmem>>
      %dma_start3A_731 = arith.constant 0 : i32
      %dma_start3A_732 = tpu.memref_slice %arg2[%shift_right_arithmetic3A_726, %and3A_728, %dma_start3A_731] : memref<125000x8x64xf32, #tpu.memory_space<hbm>> -> memref<1x1x64xf32, #tpu.memory_space<hbm>>
      %dma_start3A_733 = tpu.memref_squeeze %dma_start3A_732 : memref<1x1x64xf32, #tpu.memory_space<hbm>> -> memref<1x64xf32, #tpu.memory_space<hbm>>
      %dma_start3A_734 = arith.constant 0 : i32
      %dma_start3A_735 = tpu.memref_slice %arg9[%add3A_724, %dma_start3A_734] : memref<256x64xf32, #tpu.memory_space<vmem>> -> memref<1x64xf32, #tpu.memory_space<vmem>>
      %dma_start3A_736 = arith.constant 0 : i32
      %dma_start3A_737 = tpu.memref_slice %arg2[%shift_right_arithmetic3A_726, %and3A_728, %dma_start3A_736] : memref<125000x8x64xf32, #tpu.memory_space<hbm>> -> memref<1x1x64xf32, #tpu.memory_space<hbm>>
      %dma_start3A_738 = tpu.memref_squeeze %dma_start3A_737 : memref<1x1x64xf32, #tpu.memory_space<hbm>> -> memref<1x64xf32, #tpu.memory_space<hbm>>
      tpu.enqueue_dma source(%dma_start3A_738 : memref<1x64xf32, #tpu.memory_space<hbm>>) target(%dma_start3A_735 : memref<1x64xf32, #tpu.memory_space<vmem>>) target_semaphore(%arg11 : memref<!tpu.dma_semaphore, #tpu.memory_space<semaphore_mem>>)
      %shift_right_arithmetic3A_739 = arith.constant 3 : i32
      %shift_right_arithmetic3A_740 = arith.shrsi %reduce_sum3A_720, %shift_right_arithmetic3A_739 : i32
      %and3A_741 = arith.constant 7 : i32
      %and3A_742 = arith.andi %reduce_sum3A_720, %and3A_741 : i32
      %dma_start3A_743 = arith.constant 0 : i32
      %dma_start3A_744 = tpu.memref_slice %arg10[%add3A_724, %dma_start3A_743] : memref<256x64xf32, #tpu.memory_space<vmem>> -> memref<1x64xf32, #tpu.memory_space<vmem>>
      %dma_start3A_745 = arith.constant 0 : i32
      %dma_start3A_746 = tpu.memref_slice %arg2[%shift_right_arithmetic3A_740, %and3A_742, %dma_start3A_745] : memref<125000x8x64xf32, #tpu.memory_space<hbm>> -> memref<1x1x64xf32, #tpu.memory_space<hbm>>
      %dma_start3A_747 = tpu.memref_squeeze %dma_start3A_746 : memref<1x1x64xf32, #tpu.memory_space<hbm>> -> memref<1x64xf32, #tpu.memory_space<hbm>>
      %dma_start3A_748 = arith.constant 0 : i32
      %dma_start3A_749 = tpu.memref_slice %arg10[%add3A_724, %dma_start3A_748] : memref<256x64xf32, #tpu.memory_space<vmem>> -> memref<1x64xf32, #tpu.memory_space<vmem>>
      %dma_start3A_750 = arith.constant 0 : i32
      %dma_start3A_751 = tpu.memref_slice %arg2[%shift_right_arithmetic3A_740, %and3A_742, %dma_start3A_750] : memref<125000x8x64xf32, #tpu.memory_space<hbm>> -> memref<1x1x64xf32, #tpu.memory_space<hbm>>
      %dma_start3A_752 = tpu.memref_squeeze %dma_start3A_751 : memref<1x1x64xf32, #tpu.memory_space<hbm>> -> memref<1x64xf32, #tpu.memory_space<hbm>>
      tpu.enqueue_dma source(%dma_start3A_752 : memref<1x64xf32, #tpu.memory_space<hbm>>) target(%dma_start3A_749 : memref<1x64xf32, #tpu.memory_space<vmem>>) target_semaphore(%arg11 : memref<!tpu.dma_semaphore, #tpu.memory_space<semaphore_mem>>)
      %eq3A_753 = arith.constant 14 : i32
      %eq3A_754 = vector.broadcast %eq3A_753 : i32 to vector<16xi32>
      %eq3A_755 = arith.cmpi eq, %iota3A, %eq3A_754 : vector<16xi32>
      %jit3A_756 = arith.constant 0 : i32
      %broadcast_in_dim3A_757 = vector.broadcast %jit3A_756 : i32 to vector<16xi32>
      %select_n3A_758 = arith.select %eq3A_755, %get3A_26, %broadcast_in_dim3A_757 : vector<16xi1>, vector<16xi32>
      %reduce_sum3A_759 = arith.constant true
      %reduce_sum3A_760 = vector.broadcast %reduce_sum3A_759 : i1 to vector<16xi1>
      %reduce_sum3A_761 = tpu.scan <sum>, %select_n3A_758 masked %reduce_sum3A_760 : vector<16xi32>, vector<16xi1> -> vector<16xi32>
      %reduce_sum3A_762 = vector.extract %reduce_sum3A_761[15] : i32 from vector<16xi32>
      %eq3A_763 = arith.constant 14 : i32
      %eq3A_764 = vector.broadcast %eq3A_763 : i32 to vector<16xi32>
      %eq3A_765 = arith.cmpi eq, %iota3A, %eq3A_764 : vector<16xi32>
      %jit3A_766 = arith.constant 0 : i32
      %broadcast_in_dim3A_767 = vector.broadcast %jit3A_766 : i32 to vector<16xi32>
      %select_n3A_768 = arith.select %eq3A_765, %get3A_32, %broadcast_in_dim3A_767 : vector<16xi1>, vector<16xi32>
      %reduce_sum3A_769 = arith.constant true
      %reduce_sum3A_770 = vector.broadcast %reduce_sum3A_769 : i1 to vector<16xi1>
      %reduce_sum3A_771 = tpu.scan <sum>, %select_n3A_768 masked %reduce_sum3A_770 : vector<16xi32>, vector<16xi1> -> vector<16xi32>
      %reduce_sum3A_772 = vector.extract %reduce_sum3A_771[15] : i32 from vector<16xi32>
      %mul3A_773 = arith.constant 16 : i32
      %mul3A_774 = arith.muli %scan3A_20, %mul3A_773 : i32
      %add3A_775 = arith.constant 14 : i32
      %add3A_776 = arith.addi %mul3A_774, %add3A_775 : i32
      %shift_right_arithmetic3A_777 = arith.constant 3 : i32
      %shift_right_arithmetic3A_778 = arith.shrsi %reduce_sum3A_762, %shift_right_arithmetic3A_777 : i32
      %and3A_779 = arith.constant 7 : i32
      %and3A_780 = arith.andi %reduce_sum3A_762, %and3A_779 : i32
      %dma_start3A_781 = arith.constant 0 : i32
      %dma_start3A_782 = tpu.memref_slice %arg9[%add3A_776, %dma_start3A_781] : memref<256x64xf32, #tpu.memory_space<vmem>> -> memref<1x64xf32, #tpu.memory_space<vmem>>
      %dma_start3A_783 = arith.constant 0 : i32
      %dma_start3A_784 = tpu.memref_slice %arg2[%shift_right_arithmetic3A_778, %and3A_780, %dma_start3A_783] : memref<125000x8x64xf32, #tpu.memory_space<hbm>> -> memref<1x1x64xf32, #tpu.memory_space<hbm>>
      %dma_start3A_785 = tpu.memref_squeeze %dma_start3A_784 : memref<1x1x64xf32, #tpu.memory_space<hbm>> -> memref<1x64xf32, #tpu.memory_space<hbm>>
      %dma_start3A_786 = arith.constant 0 : i32
      %dma_start3A_787 = tpu.memref_slice %arg9[%add3A_776, %dma_start3A_786] : memref<256x64xf32, #tpu.memory_space<vmem>> -> memref<1x64xf32, #tpu.memory_space<vmem>>
      %dma_start3A_788 = arith.constant 0 : i32
      %dma_start3A_789 = tpu.memref_slice %arg2[%shift_right_arithmetic3A_778, %and3A_780, %dma_start3A_788] : memref<125000x8x64xf32, #tpu.memory_space<hbm>> -> memref<1x1x64xf32, #tpu.memory_space<hbm>>
      %dma_start3A_790 = tpu.memref_squeeze %dma_start3A_789 : memref<1x1x64xf32, #tpu.memory_space<hbm>> -> memref<1x64xf32, #tpu.memory_space<hbm>>
      tpu.enqueue_dma source(%dma_start3A_790 : memref<1x64xf32, #tpu.memory_space<hbm>>) target(%dma_start3A_787 : memref<1x64xf32, #tpu.memory_space<vmem>>) target_semaphore(%arg11 : memref<!tpu.dma_semaphore, #tpu.memory_space<semaphore_mem>>)
      %shift_right_arithmetic3A_791 = arith.constant 3 : i32
      %shift_right_arithmetic3A_792 = arith.shrsi %reduce_sum3A_772, %shift_right_arithmetic3A_791 : i32
      %and3A_793 = arith.constant 7 : i32
      %and3A_794 = arith.andi %reduce_sum3A_772, %and3A_793 : i32
      %dma_start3A_795 = arith.constant 0 : i32
      %dma_start3A_796 = tpu.memref_slice %arg10[%add3A_776, %dma_start3A_795] : memref<256x64xf32, #tpu.memory_space<vmem>> -> memref<1x64xf32, #tpu.memory_space<vmem>>
      %dma_start3A_797 = arith.constant 0 : i32
      %dma_start3A_798 = tpu.memref_slice %arg2[%shift_right_arithmetic3A_792, %and3A_794, %dma_start3A_797] : memref<125000x8x64xf32, #tpu.memory_space<hbm>> -> memref<1x1x64xf32, #tpu.memory_space<hbm>>
      %dma_start3A_799 = tpu.memref_squeeze %dma_start3A_798 : memref<1x1x64xf32, #tpu.memory_space<hbm>> -> memref<1x64xf32, #tpu.memory_space<hbm>>
      %dma_start3A_800 = arith.constant 0 : i32
      %dma_start3A_801 = tpu.memref_slice %arg10[%add3A_776, %dma_start3A_800] : memref<256x64xf32, #tpu.memory_space<vmem>> -> memref<1x64xf32, #tpu.memory_space<vmem>>
      %dma_start3A_802 = arith.constant 0 : i32
      %dma_start3A_803 = tpu.memref_slice %arg2[%shift_right_arithmetic3A_792, %and3A_794, %dma_start3A_802] : memref<125000x8x64xf32, #tpu.memory_space<hbm>> -> memref<1x1x64xf32, #tpu.memory_space<hbm>>
      %dma_start3A_804 = tpu.memref_squeeze %dma_start3A_803 : memref<1x1x64xf32, #tpu.memory_space<hbm>> -> memref<1x64xf32, #tpu.memory_space<hbm>>
      tpu.enqueue_dma source(%dma_start3A_804 : memref<1x64xf32, #tpu.memory_space<hbm>>) target(%dma_start3A_801 : memref<1x64xf32, #tpu.memory_space<vmem>>) target_semaphore(%arg11 : memref<!tpu.dma_semaphore, #tpu.memory_space<semaphore_mem>>)
      %eq3A_805 = arith.constant 15 : i32
      %eq3A_806 = vector.broadcast %eq3A_805 : i32 to vector<16xi32>
      %eq3A_807 = arith.cmpi eq, %iota3A, %eq3A_806 : vector<16xi32>
      %jit3A_808 = arith.constant 0 : i32
      %broadcast_in_dim3A_809 = vector.broadcast %jit3A_808 : i32 to vector<16xi32>
      %select_n3A_810 = arith.select %eq3A_807, %get3A_26, %broadcast_in_dim3A_809 : vector<16xi1>, vector<16xi32>
      %reduce_sum3A_811 = arith.constant true
      %reduce_sum3A_812 = vector.broadcast %reduce_sum3A_811 : i1 to vector<16xi1>
      %reduce_sum3A_813 = tpu.scan <sum>, %select_n3A_810 masked %reduce_sum3A_812 : vector<16xi32>, vector<16xi1> -> vector<16xi32>
      %reduce_sum3A_814 = vector.extract %reduce_sum3A_813[15] : i32 from vector<16xi32>
      %eq3A_815 = arith.constant 15 : i32
      %eq3A_816 = vector.broadcast %eq3A_815 : i32 to vector<16xi32>
      %eq3A_817 = arith.cmpi eq, %iota3A, %eq3A_816 : vector<16xi32>
      %jit3A_818 = arith.constant 0 : i32
      %broadcast_in_dim3A_819 = vector.broadcast %jit3A_818 : i32 to vector<16xi32>
      %select_n3A_820 = arith.select %eq3A_817, %get3A_32, %broadcast_in_dim3A_819 : vector<16xi1>, vector<16xi32>
      %reduce_sum3A_821 = arith.constant true
      %reduce_sum3A_822 = vector.broadcast %reduce_sum3A_821 : i1 to vector<16xi1>
      %reduce_sum3A_823 = tpu.scan <sum>, %select_n3A_820 masked %reduce_sum3A_822 : vector<16xi32>, vector<16xi1> -> vector<16xi32>
      %reduce_sum3A_824 = vector.extract %reduce_sum3A_823[15] : i32 from vector<16xi32>
      %mul3A_825 = arith.constant 16 : i32
      %mul3A_826 = arith.muli %scan3A_20, %mul3A_825 : i32
      %add3A_827 = arith.constant 15 : i32
      %add3A_828 = arith.addi %mul3A_826, %add3A_827 : i32
      %shift_right_arithmetic3A_829 = arith.constant 3 : i32
      %shift_right_arithmetic3A_830 = arith.shrsi %reduce_sum3A_814, %shift_right_arithmetic3A_829 : i32
      %and3A_831 = arith.constant 7 : i32
      %and3A_832 = arith.andi %reduce_sum3A_814, %and3A_831 : i32
      %dma_start3A_833 = arith.constant 0 : i32
      %dma_start3A_834 = tpu.memref_slice %arg9[%add3A_828, %dma_start3A_833] : memref<256x64xf32, #tpu.memory_space<vmem>> -> memref<1x64xf32, #tpu.memory_space<vmem>>
      %dma_start3A_835 = arith.constant 0 : i32
      %dma_start3A_836 = tpu.memref_slice %arg2[%shift_right_arithmetic3A_830, %and3A_832, %dma_start3A_835] : memref<125000x8x64xf32, #tpu.memory_space<hbm>> -> memref<1x1x64xf32, #tpu.memory_space<hbm>>
      %dma_start3A_837 = tpu.memref_squeeze %dma_start3A_836 : memref<1x1x64xf32, #tpu.memory_space<hbm>> -> memref<1x64xf32, #tpu.memory_space<hbm>>
      %dma_start3A_838 = arith.constant 0 : i32
      %dma_start3A_839 = tpu.memref_slice %arg9[%add3A_828, %dma_start3A_838] : memref<256x64xf32, #tpu.memory_space<vmem>> -> memref<1x64xf32, #tpu.memory_space<vmem>>
      %dma_start3A_840 = arith.constant 0 : i32
      %dma_start3A_841 = tpu.memref_slice %arg2[%shift_right_arithmetic3A_830, %and3A_832, %dma_start3A_840] : memref<125000x8x64xf32, #tpu.memory_space<hbm>> -> memref<1x1x64xf32, #tpu.memory_space<hbm>>
      %dma_start3A_842 = tpu.memref_squeeze %dma_start3A_841 : memref<1x1x64xf32, #tpu.memory_space<hbm>> -> memref<1x64xf32, #tpu.memory_space<hbm>>
      tpu.enqueue_dma source(%dma_start3A_842 : memref<1x64xf32, #tpu.memory_space<hbm>>) target(%dma_start3A_839 : memref<1x64xf32, #tpu.memory_space<vmem>>) target_semaphore(%arg11 : memref<!tpu.dma_semaphore, #tpu.memory_space<semaphore_mem>>)
      %shift_right_arithmetic3A_843 = arith.constant 3 : i32
      %shift_right_arithmetic3A_844 = arith.shrsi %reduce_sum3A_824, %shift_right_arithmetic3A_843 : i32
      %and3A_845 = arith.constant 7 : i32
      %and3A_846 = arith.andi %reduce_sum3A_824, %and3A_845 : i32
      %dma_start3A_847 = arith.constant 0 : i32
      %dma_start3A_848 = tpu.memref_slice %arg10[%add3A_828, %dma_start3A_847] : memref<256x64xf32, #tpu.memory_space<vmem>> -> memref<1x64xf32, #tpu.memory_space<vmem>>
      %dma_start3A_849 = arith.constant 0 : i32
      %dma_start3A_850 = tpu.memref_slice %arg2[%shift_right_arithmetic3A_844, %and3A_846, %dma_start3A_849] : memref<125000x8x64xf32, #tpu.memory_space<hbm>> -> memref<1x1x64xf32, #tpu.memory_space<hbm>>
      %dma_start3A_851 = tpu.memref_squeeze %dma_start3A_850 : memref<1x1x64xf32, #tpu.memory_space<hbm>> -> memref<1x64xf32, #tpu.memory_space<hbm>>
      %dma_start3A_852 = arith.constant 0 : i32
      %dma_start3A_853 = tpu.memref_slice %arg10[%add3A_828, %dma_start3A_852] : memref<256x64xf32, #tpu.memory_space<vmem>> -> memref<1x64xf32, #tpu.memory_space<vmem>>
      %dma_start3A_854 = arith.constant 0 : i32
      %dma_start3A_855 = tpu.memref_slice %arg2[%shift_right_arithmetic3A_844, %and3A_846, %dma_start3A_854] : memref<125000x8x64xf32, #tpu.memory_space<hbm>> -> memref<1x1x64xf32, #tpu.memory_space<hbm>>
      %dma_start3A_856 = tpu.memref_squeeze %dma_start3A_855 : memref<1x1x64xf32, #tpu.memory_space<hbm>> -> memref<1x64xf32, #tpu.memory_space<hbm>>
      tpu.enqueue_dma source(%dma_start3A_856 : memref<1x64xf32, #tpu.memory_space<hbm>>) target(%dma_start3A_853 : memref<1x64xf32, #tpu.memory_space<vmem>>) target_semaphore(%arg11 : memref<!tpu.dma_semaphore, #tpu.memory_space<semaphore_mem>>)
      %dma_wait3A = arith.constant 0 : i32
      %dma_wait3A_857 = tpu.memref_slice %arg9[%add3A_51, %dma_wait3A] : memref<256x64xf32, #tpu.memory_space<vmem>> -> memref<1x64xf32, #tpu.memory_space<vmem>>
      %dma_wait3A_858 = arith.constant 0 : i32
      %dma_wait3A_859 = tpu.memref_slice %arg2[%shift_right_arithmetic3A_52, %and3A_53, %dma_wait3A_858] : memref<125000x8x64xf32, #tpu.memory_space<hbm>> -> memref<1x1x64xf32, #tpu.memory_space<hbm>>
      %dma_wait3A_860 = tpu.memref_squeeze %dma_wait3A_859 : memref<1x1x64xf32, #tpu.memory_space<hbm>> -> memref<1x64xf32, #tpu.memory_space<hbm>>
      %dma_wait3A_861 = arith.constant 0 : i32
      %dma_wait3A_862 = tpu.memref_slice %arg9[%add3A_51, %dma_wait3A_861] : memref<256x64xf32, #tpu.memory_space<vmem>> -> memref<1x64xf32, #tpu.memory_space<vmem>>
      %dma_wait3A_863 = arith.constant 0 : i32
      %dma_wait3A_864 = tpu.memref_slice %arg2[%shift_right_arithmetic3A_52, %and3A_53, %dma_wait3A_863] : memref<125000x8x64xf32, #tpu.memory_space<hbm>> -> memref<1x1x64xf32, #tpu.memory_space<hbm>>
      %dma_wait3A_865 = tpu.memref_squeeze %dma_wait3A_864 : memref<1x1x64xf32, #tpu.memory_space<hbm>> -> memref<1x64xf32, #tpu.memory_space<hbm>>
      tpu.wait_dma2 semaphore(%arg11 : memref<!tpu.dma_semaphore, #tpu.memory_space<semaphore_mem>>) src(%dma_wait3A_865 : memref<1x64xf32, #tpu.memory_space<hbm>>) dst(%dma_wait3A_862 : memref<1x64xf32, #tpu.memory_space<vmem>>)
      %dma_wait3A_866 = arith.constant 0 : i32
      %dma_wait3A_867 = tpu.memref_slice %arg10[%add3A_51, %dma_wait3A_866] : memref<256x64xf32, #tpu.memory_space<vmem>> -> memref<1x64xf32, #tpu.memory_space<vmem>>
      %dma_wait3A_868 = arith.constant 0 : i32
      %dma_wait3A_869 = tpu.memref_slice %arg2[%shift_right_arithmetic3A_64, %and3A_66, %dma_wait3A_868] : memref<125000x8x64xf32, #tpu.memory_space<hbm>> -> memref<1x1x64xf32, #tpu.memory_space<hbm>>
      %dma_wait3A_870 = tpu.memref_squeeze %dma_wait3A_869 : memref<1x1x64xf32, #tpu.memory_space<hbm>> -> memref<1x64xf32, #tpu.memory_space<hbm>>
      %dma_wait3A_871 = arith.constant 0 : i32
      %dma_wait3A_872 = tpu.memref_slice %arg10[%add3A_51, %dma_wait3A_871] : memref<256x64xf32, #tpu.memory_space<vmem>> -> memref<1x64xf32, #tpu.memory_space<vmem>>
      %dma_wait3A_873 = arith.constant 0 : i32
      %dma_wait3A_874 = tpu.memref_slice %arg2[%shift_right_arithmetic3A_64, %and3A_66, %dma_wait3A_873] : memref<125000x8x64xf32, #tpu.memory_space<hbm>> -> memref<1x1x64xf32, #tpu.memory_space<hbm>>
      %dma_wait3A_875 = tpu.memref_squeeze %dma_wait3A_874 : memref<1x1x64xf32, #tpu.memory_space<hbm>> -> memref<1x64xf32, #tpu.memory_space<hbm>>
      tpu.wait_dma2 semaphore(%arg11 : memref<!tpu.dma_semaphore, #tpu.memory_space<semaphore_mem>>) src(%dma_wait3A_875 : memref<1x64xf32, #tpu.memory_space<hbm>>) dst(%dma_wait3A_872 : memref<1x64xf32, #tpu.memory_space<vmem>>)
      %dma_wait3A_876 = arith.constant 0 : i32
      %dma_wait3A_877 = tpu.memref_slice %arg9[%add3A_100, %dma_wait3A_876] : memref<256x64xf32, #tpu.memory_space<vmem>> -> memref<1x64xf32, #tpu.memory_space<vmem>>
      %dma_wait3A_878 = arith.constant 0 : i32
      %dma_wait3A_879 = tpu.memref_slice %arg2[%shift_right_arithmetic3A_102, %and3A_104, %dma_wait3A_878] : memref<125000x8x64xf32, #tpu.memory_space<hbm>> -> memref<1x1x64xf32, #tpu.memory_space<hbm>>
      %dma_wait3A_880 = tpu.memref_squeeze %dma_wait3A_879 : memref<1x1x64xf32, #tpu.memory_space<hbm>> -> memref<1x64xf32, #tpu.memory_space<hbm>>
      %dma_wait3A_881 = arith.constant 0 : i32
      %dma_wait3A_882 = tpu.memref_slice %arg9[%add3A_100, %dma_wait3A_881] : memref<256x64xf32, #tpu.memory_space<vmem>> -> memref<1x64xf32, #tpu.memory_space<vmem>>
      %dma_wait3A_883 = arith.constant 0 : i32
      %dma_wait3A_884 = tpu.memref_slice %arg2[%shift_right_arithmetic3A_102, %and3A_104, %dma_wait3A_883] : memref<125000x8x64xf32, #tpu.memory_space<hbm>> -> memref<1x1x64xf32, #tpu.memory_space<hbm>>
      %dma_wait3A_885 = tpu.memref_squeeze %dma_wait3A_884 : memref<1x1x64xf32, #tpu.memory_space<hbm>> -> memref<1x64xf32, #tpu.memory_space<hbm>>
      tpu.wait_dma2 semaphore(%arg11 : memref<!tpu.dma_semaphore, #tpu.memory_space<semaphore_mem>>) src(%dma_wait3A_885 : memref<1x64xf32, #tpu.memory_space<hbm>>) dst(%dma_wait3A_882 : memref<1x64xf32, #tpu.memory_space<vmem>>)
      %dma_wait3A_886 = arith.constant 0 : i32
      %dma_wait3A_887 = tpu.memref_slice %arg10[%add3A_100, %dma_wait3A_886] : memref<256x64xf32, #tpu.memory_space<vmem>> -> memref<1x64xf32, #tpu.memory_space<vmem>>
      %dma_wait3A_888 = arith.constant 0 : i32
      %dma_wait3A_889 = tpu.memref_slice %arg2[%shift_right_arithmetic3A_116, %and3A_118, %dma_wait3A_888] : memref<125000x8x64xf32, #tpu.memory_space<hbm>> -> memref<1x1x64xf32, #tpu.memory_space<hbm>>
      %dma_wait3A_890 = tpu.memref_squeeze %dma_wait3A_889 : memref<1x1x64xf32, #tpu.memory_space<hbm>> -> memref<1x64xf32, #tpu.memory_space<hbm>>
      %dma_wait3A_891 = arith.constant 0 : i32
      %dma_wait3A_892 = tpu.memref_slice %arg10[%add3A_100, %dma_wait3A_891] : memref<256x64xf32, #tpu.memory_space<vmem>> -> memref<1x64xf32, #tpu.memory_space<vmem>>
      %dma_wait3A_893 = arith.constant 0 : i32
      %dma_wait3A_894 = tpu.memref_slice %arg2[%shift_right_arithmetic3A_116, %and3A_118, %dma_wait3A_893] : memref<125000x8x64xf32, #tpu.memory_space<hbm>> -> memref<1x1x64xf32, #tpu.memory_space<hbm>>
      %dma_wait3A_895 = tpu.memref_squeeze %dma_wait3A_894 : memref<1x1x64xf32, #tpu.memory_space<hbm>> -> memref<1x64xf32, #tpu.memory_space<hbm>>
      tpu.wait_dma2 semaphore(%arg11 : memref<!tpu.dma_semaphore, #tpu.memory_space<semaphore_mem>>) src(%dma_wait3A_895 : memref<1x64xf32, #tpu.memory_space<hbm>>) dst(%dma_wait3A_892 : memref<1x64xf32, #tpu.memory_space<vmem>>)
      %dma_wait3A_896 = arith.constant 0 : i32
      %dma_wait3A_897 = tpu.memref_slice %arg9[%add3A_152, %dma_wait3A_896] : memref<256x64xf32, #tpu.memory_space<vmem>> -> memref<1x64xf32, #tpu.memory_space<vmem>>
      %dma_wait3A_898 = arith.constant 0 : i32
      %dma_wait3A_899 = tpu.memref_slice %arg2[%shift_right_arithmetic3A_154, %and3A_156, %dma_wait3A_898] : memref<125000x8x64xf32, #tpu.memory_space<hbm>> -> memref<1x1x64xf32, #tpu.memory_space<hbm>>
      %dma_wait3A_900 = tpu.memref_squeeze %dma_wait3A_899 : memref<1x1x64xf32, #tpu.memory_space<hbm>> -> memref<1x64xf32, #tpu.memory_space<hbm>>
      %dma_wait3A_901 = arith.constant 0 : i32
      %dma_wait3A_902 = tpu.memref_slice %arg9[%add3A_152, %dma_wait3A_901] : memref<256x64xf32, #tpu.memory_space<vmem>> -> memref<1x64xf32, #tpu.memory_space<vmem>>
      %dma_wait3A_903 = arith.constant 0 : i32
      %dma_wait3A_904 = tpu.memref_slice %arg2[%shift_right_arithmetic3A_154, %and3A_156, %dma_wait3A_903] : memref<125000x8x64xf32, #tpu.memory_space<hbm>> -> memref<1x1x64xf32, #tpu.memory_space<hbm>>
      %dma_wait3A_905 = tpu.memref_squeeze %dma_wait3A_904 : memref<1x1x64xf32, #tpu.memory_space<hbm>> -> memref<1x64xf32, #tpu.memory_space<hbm>>
      tpu.wait_dma2 semaphore(%arg11 : memref<!tpu.dma_semaphore, #tpu.memory_space<semaphore_mem>>) src(%dma_wait3A_905 : memref<1x64xf32, #tpu.memory_space<hbm>>) dst(%dma_wait3A_902 : memref<1x64xf32, #tpu.memory_space<vmem>>)
      %dma_wait3A_906 = arith.constant 0 : i32
      %dma_wait3A_907 = tpu.memref_slice %arg10[%add3A_152, %dma_wait3A_906] : memref<256x64xf32, #tpu.memory_space<vmem>> -> memref<1x64xf32, #tpu.memory_space<vmem>>
      %dma_wait3A_908 = arith.constant 0 : i32
      %dma_wait3A_909 = tpu.memref_slice %arg2[%shift_right_arithmetic3A_168, %and3A_170, %dma_wait3A_908] : memref<125000x8x64xf32, #tpu.memory_space<hbm>> -> memref<1x1x64xf32, #tpu.memory_space<hbm>>
      %dma_wait3A_910 = tpu.memref_squeeze %dma_wait3A_909 : memref<1x1x64xf32, #tpu.memory_space<hbm>> -> memref<1x64xf32, #tpu.memory_space<hbm>>
      %dma_wait3A_911 = arith.constant 0 : i32
      %dma_wait3A_912 = tpu.memref_slice %arg10[%add3A_152, %dma_wait3A_911] : memref<256x64xf32, #tpu.memory_space<vmem>> -> memref<1x64xf32, #tpu.memory_space<vmem>>
      %dma_wait3A_913 = arith.constant 0 : i32
      %dma_wait3A_914 = tpu.memref_slice %arg2[%shift_right_arithmetic3A_168, %and3A_170, %dma_wait3A_913] : memref<125000x8x64xf32, #tpu.memory_space<hbm>> -> memref<1x1x64xf32, #tpu.memory_space<hbm>>
      %dma_wait3A_915 = tpu.memref_squeeze %dma_wait3A_914 : memref<1x1x64xf32, #tpu.memory_space<hbm>> -> memref<1x64xf32, #tpu.memory_space<hbm>>
      tpu.wait_dma2 semaphore(%arg11 : memref<!tpu.dma_semaphore, #tpu.memory_space<semaphore_mem>>) src(%dma_wait3A_915 : memref<1x64xf32, #tpu.memory_space<hbm>>) dst(%dma_wait3A_912 : memref<1x64xf32, #tpu.memory_space<vmem>>)
      %dma_wait3A_916 = arith.constant 0 : i32
      %dma_wait3A_917 = tpu.memref_slice %arg9[%add3A_204, %dma_wait3A_916] : memref<256x64xf32, #tpu.memory_space<vmem>> -> memref<1x64xf32, #tpu.memory_space<vmem>>
      %dma_wait3A_918 = arith.constant 0 : i32
      %dma_wait3A_919 = tpu.memref_slice %arg2[%shift_right_arithmetic3A_206, %and3A_208, %dma_wait3A_918] : memref<125000x8x64xf32, #tpu.memory_space<hbm>> -> memref<1x1x64xf32, #tpu.memory_space<hbm>>
      %dma_wait3A_920 = tpu.memref_squeeze %dma_wait3A_919 : memref<1x1x64xf32, #tpu.memory_space<hbm>> -> memref<1x64xf32, #tpu.memory_space<hbm>>
      %dma_wait3A_921 = arith.constant 0 : i32
      %dma_wait3A_922 = tpu.memref_slice %arg9[%add3A_204, %dma_wait3A_921] : memref<256x64xf32, #tpu.memory_space<vmem>> -> memref<1x64xf32, #tpu.memory_space<vmem>>
      %dma_wait3A_923 = arith.constant 0 : i32
      %dma_wait3A_924 = tpu.memref_slice %arg2[%shift_right_arithmetic3A_206, %and3A_208, %dma_wait3A_923] : memref<125000x8x64xf32, #tpu.memory_space<hbm>> -> memref<1x1x64xf32, #tpu.memory_space<hbm>>
      %dma_wait3A_925 = tpu.memref_squeeze %dma_wait3A_924 : memref<1x1x64xf32, #tpu.memory_space<hbm>> -> memref<1x64xf32, #tpu.memory_space<hbm>>
      tpu.wait_dma2 semaphore(%arg11 : memref<!tpu.dma_semaphore, #tpu.memory_space<semaphore_mem>>) src(%dma_wait3A_925 : memref<1x64xf32, #tpu.memory_space<hbm>>) dst(%dma_wait3A_922 : memref<1x64xf32, #tpu.memory_space<vmem>>)
      %dma_wait3A_926 = arith.constant 0 : i32
      %dma_wait3A_927 = tpu.memref_slice %arg10[%add3A_204, %dma_wait3A_926] : memref<256x64xf32, #tpu.memory_space<vmem>> -> memref<1x64xf32, #tpu.memory_space<vmem>>
      %dma_wait3A_928 = arith.constant 0 : i32
      %dma_wait3A_929 = tpu.memref_slice %arg2[%shift_right_arithmetic3A_220, %and3A_222, %dma_wait3A_928] : memref<125000x8x64xf32, #tpu.memory_space<hbm>> -> memref<1x1x64xf32, #tpu.memory_space<hbm>>
      %dma_wait3A_930 = tpu.memref_squeeze %dma_wait3A_929 : memref<1x1x64xf32, #tpu.memory_space<hbm>> -> memref<1x64xf32, #tpu.memory_space<hbm>>
      %dma_wait3A_931 = arith.constant 0 : i32
      %dma_wait3A_932 = tpu.memref_slice %arg10[%add3A_204, %dma_wait3A_931] : memref<256x64xf32, #tpu.memory_space<vmem>> -> memref<1x64xf32, #tpu.memory_space<vmem>>
      %dma_wait3A_933 = arith.constant 0 : i32
      %dma_wait3A_934 = tpu.memref_slice %arg2[%shift_right_arithmetic3A_220, %and3A_222, %dma_wait3A_933] : memref<125000x8x64xf32, #tpu.memory_space<hbm>> -> memref<1x1x64xf32, #tpu.memory_space<hbm>>
      %dma_wait3A_935 = tpu.memref_squeeze %dma_wait3A_934 : memref<1x1x64xf32, #tpu.memory_space<hbm>> -> memref<1x64xf32, #tpu.memory_space<hbm>>
      tpu.wait_dma2 semaphore(%arg11 : memref<!tpu.dma_semaphore, #tpu.memory_space<semaphore_mem>>) src(%dma_wait3A_935 : memref<1x64xf32, #tpu.memory_space<hbm>>) dst(%dma_wait3A_932 : memref<1x64xf32, #tpu.memory_space<vmem>>)
      %dma_wait3A_936 = arith.constant 0 : i32
      %dma_wait3A_937 = tpu.memref_slice %arg9[%add3A_256, %dma_wait3A_936] : memref<256x64xf32, #tpu.memory_space<vmem>> -> memref<1x64xf32, #tpu.memory_space<vmem>>
      %dma_wait3A_938 = arith.constant 0 : i32
      %dma_wait3A_939 = tpu.memref_slice %arg2[%shift_right_arithmetic3A_258, %and3A_260, %dma_wait3A_938] : memref<125000x8x64xf32, #tpu.memory_space<hbm>> -> memref<1x1x64xf32, #tpu.memory_space<hbm>>
      %dma_wait3A_940 = tpu.memref_squeeze %dma_wait3A_939 : memref<1x1x64xf32, #tpu.memory_space<hbm>> -> memref<1x64xf32, #tpu.memory_space<hbm>>
      %dma_wait3A_941 = arith.constant 0 : i32
      %dma_wait3A_942 = tpu.memref_slice %arg9[%add3A_256, %dma_wait3A_941] : memref<256x64xf32, #tpu.memory_space<vmem>> -> memref<1x64xf32, #tpu.memory_space<vmem>>
      %dma_wait3A_943 = arith.constant 0 : i32
      %dma_wait3A_944 = tpu.memref_slice %arg2[%shift_right_arithmetic3A_258, %and3A_260, %dma_wait3A_943] : memref<125000x8x64xf32, #tpu.memory_space<hbm>> -> memref<1x1x64xf32, #tpu.memory_space<hbm>>
      %dma_wait3A_945 = tpu.memref_squeeze %dma_wait3A_944 : memref<1x1x64xf32, #tpu.memory_space<hbm>> -> memref<1x64xf32, #tpu.memory_space<hbm>>
      tpu.wait_dma2 semaphore(%arg11 : memref<!tpu.dma_semaphore, #tpu.memory_space<semaphore_mem>>) src(%dma_wait3A_945 : memref<1x64xf32, #tpu.memory_space<hbm>>) dst(%dma_wait3A_942 : memref<1x64xf32, #tpu.memory_space<vmem>>)
      %dma_wait3A_946 = arith.constant 0 : i32
      %dma_wait3A_947 = tpu.memref_slice %arg10[%add3A_256, %dma_wait3A_946] : memref<256x64xf32, #tpu.memory_space<vmem>> -> memref<1x64xf32, #tpu.memory_space<vmem>>
      %dma_wait3A_948 = arith.constant 0 : i32
      %dma_wait3A_949 = tpu.memref_slice %arg2[%shift_right_arithmetic3A_272, %and3A_274, %dma_wait3A_948] : memref<125000x8x64xf32, #tpu.memory_space<hbm>> -> memref<1x1x64xf32, #tpu.memory_space<hbm>>
      %dma_wait3A_950 = tpu.memref_squeeze %dma_wait3A_949 : memref<1x1x64xf32, #tpu.memory_space<hbm>> -> memref<1x64xf32, #tpu.memory_space<hbm>>
      %dma_wait3A_951 = arith.constant 0 : i32
      %dma_wait3A_952 = tpu.memref_slice %arg10[%add3A_256, %dma_wait3A_951] : memref<256x64xf32, #tpu.memory_space<vmem>> -> memref<1x64xf32, #tpu.memory_space<vmem>>
      %dma_wait3A_953 = arith.constant 0 : i32
      %dma_wait3A_954 = tpu.memref_slice %arg2[%shift_right_arithmetic3A_272, %and3A_274, %dma_wait3A_953] : memref<125000x8x64xf32, #tpu.memory_space<hbm>> -> memref<1x1x64xf32, #tpu.memory_space<hbm>>
      %dma_wait3A_955 = tpu.memref_squeeze %dma_wait3A_954 : memref<1x1x64xf32, #tpu.memory_space<hbm>> -> memref<1x64xf32, #tpu.memory_space<hbm>>
      tpu.wait_dma2 semaphore(%arg11 : memref<!tpu.dma_semaphore, #tpu.memory_space<semaphore_mem>>) src(%dma_wait3A_955 : memref<1x64xf32, #tpu.memory_space<hbm>>) dst(%dma_wait3A_952 : memref<1x64xf32, #tpu.memory_space<vmem>>)
      %dma_wait3A_956 = arith.constant 0 : i32
      %dma_wait3A_957 = tpu.memref_slice %arg9[%add3A_308, %dma_wait3A_956] : memref<256x64xf32, #tpu.memory_space<vmem>> -> memref<1x64xf32, #tpu.memory_space<vmem>>
      %dma_wait3A_958 = arith.constant 0 : i32
      %dma_wait3A_959 = tpu.memref_slice %arg2[%shift_right_arithmetic3A_310, %and3A_312, %dma_wait3A_958] : memref<125000x8x64xf32, #tpu.memory_space<hbm>> -> memref<1x1x64xf32, #tpu.memory_space<hbm>>
      %dma_wait3A_960 = tpu.memref_squeeze %dma_wait3A_959 : memref<1x1x64xf32, #tpu.memory_space<hbm>> -> memref<1x64xf32, #tpu.memory_space<hbm>>
      %dma_wait3A_961 = arith.constant 0 : i32
      %dma_wait3A_962 = tpu.memref_slice %arg9[%add3A_308, %dma_wait3A_961] : memref<256x64xf32, #tpu.memory_space<vmem>> -> memref<1x64xf32, #tpu.memory_space<vmem>>
      %dma_wait3A_963 = arith.constant 0 : i32
      %dma_wait3A_964 = tpu.memref_slice %arg2[%shift_right_arithmetic3A_310, %and3A_312, %dma_wait3A_963] : memref<125000x8x64xf32, #tpu.memory_space<hbm>> -> memref<1x1x64xf32, #tpu.memory_space<hbm>>
      %dma_wait3A_965 = tpu.memref_squeeze %dma_wait3A_964 : memref<1x1x64xf32, #tpu.memory_space<hbm>> -> memref<1x64xf32, #tpu.memory_space<hbm>>
      tpu.wait_dma2 semaphore(%arg11 : memref<!tpu.dma_semaphore, #tpu.memory_space<semaphore_mem>>) src(%dma_wait3A_965 : memref<1x64xf32, #tpu.memory_space<hbm>>) dst(%dma_wait3A_962 : memref<1x64xf32, #tpu.memory_space<vmem>>)
      %dma_wait3A_966 = arith.constant 0 : i32
      %dma_wait3A_967 = tpu.memref_slice %arg10[%add3A_308, %dma_wait3A_966] : memref<256x64xf32, #tpu.memory_space<vmem>> -> memref<1x64xf32, #tpu.memory_space<vmem>>
      %dma_wait3A_968 = arith.constant 0 : i32
      %dma_wait3A_969 = tpu.memref_slice %arg2[%shift_right_arithmetic3A_324, %and3A_326, %dma_wait3A_968] : memref<125000x8x64xf32, #tpu.memory_space<hbm>> -> memref<1x1x64xf32, #tpu.memory_space<hbm>>
      %dma_wait3A_970 = tpu.memref_squeeze %dma_wait3A_969 : memref<1x1x64xf32, #tpu.memory_space<hbm>> -> memref<1x64xf32, #tpu.memory_space<hbm>>
      %dma_wait3A_971 = arith.constant 0 : i32
      %dma_wait3A_972 = tpu.memref_slice %arg10[%add3A_308, %dma_wait3A_971] : memref<256x64xf32, #tpu.memory_space<vmem>> -> memref<1x64xf32, #tpu.memory_space<vmem>>
      %dma_wait3A_973 = arith.constant 0 : i32
      %dma_wait3A_974 = tpu.memref_slice %arg2[%shift_right_arithmetic3A_324, %and3A_326, %dma_wait3A_973] : memref<125000x8x64xf32, #tpu.memory_space<hbm>> -> memref<1x1x64xf32, #tpu.memory_space<hbm>>
      %dma_wait3A_975 = tpu.memref_squeeze %dma_wait3A_974 : memref<1x1x64xf32, #tpu.memory_space<hbm>> -> memref<1x64xf32, #tpu.memory_space<hbm>>
      tpu.wait_dma2 semaphore(%arg11 : memref<!tpu.dma_semaphore, #tpu.memory_space<semaphore_mem>>) src(%dma_wait3A_975 : memref<1x64xf32, #tpu.memory_space<hbm>>) dst(%dma_wait3A_972 : memref<1x64xf32, #tpu.memory_space<vmem>>)
      %dma_wait3A_976 = arith.constant 0 : i32
      %dma_wait3A_977 = tpu.memref_slice %arg9[%add3A_360, %dma_wait3A_976] : memref<256x64xf32, #tpu.memory_space<vmem>> -> memref<1x64xf32, #tpu.memory_space<vmem>>
      %dma_wait3A_978 = arith.constant 0 : i32
      %dma_wait3A_979 = tpu.memref_slice %arg2[%shift_right_arithmetic3A_362, %and3A_364, %dma_wait3A_978] : memref<125000x8x64xf32, #tpu.memory_space<hbm>> -> memref<1x1x64xf32, #tpu.memory_space<hbm>>
      %dma_wait3A_980 = tpu.memref_squeeze %dma_wait3A_979 : memref<1x1x64xf32, #tpu.memory_space<hbm>> -> memref<1x64xf32, #tpu.memory_space<hbm>>
      %dma_wait3A_981 = arith.constant 0 : i32
      %dma_wait3A_982 = tpu.memref_slice %arg9[%add3A_360, %dma_wait3A_981] : memref<256x64xf32, #tpu.memory_space<vmem>> -> memref<1x64xf32, #tpu.memory_space<vmem>>
      %dma_wait3A_983 = arith.constant 0 : i32
      %dma_wait3A_984 = tpu.memref_slice %arg2[%shift_right_arithmetic3A_362, %and3A_364, %dma_wait3A_983] : memref<125000x8x64xf32, #tpu.memory_space<hbm>> -> memref<1x1x64xf32, #tpu.memory_space<hbm>>
      %dma_wait3A_985 = tpu.memref_squeeze %dma_wait3A_984 : memref<1x1x64xf32, #tpu.memory_space<hbm>> -> memref<1x64xf32, #tpu.memory_space<hbm>>
      tpu.wait_dma2 semaphore(%arg11 : memref<!tpu.dma_semaphore, #tpu.memory_space<semaphore_mem>>) src(%dma_wait3A_985 : memref<1x64xf32, #tpu.memory_space<hbm>>) dst(%dma_wait3A_982 : memref<1x64xf32, #tpu.memory_space<vmem>>)
      %dma_wait3A_986 = arith.constant 0 : i32
      %dma_wait3A_987 = tpu.memref_slice %arg10[%add3A_360, %dma_wait3A_986] : memref<256x64xf32, #tpu.memory_space<vmem>> -> memref<1x64xf32, #tpu.memory_space<vmem>>
      %dma_wait3A_988 = arith.constant 0 : i32
      %dma_wait3A_989 = tpu.memref_slice %arg2[%shift_right_arithmetic3A_376, %and3A_378, %dma_wait3A_988] : memref<125000x8x64xf32, #tpu.memory_space<hbm>> -> memref<1x1x64xf32, #tpu.memory_space<hbm>>
      %dma_wait3A_990 = tpu.memref_squeeze %dma_wait3A_989 : memref<1x1x64xf32, #tpu.memory_space<hbm>> -> memref<1x64xf32, #tpu.memory_space<hbm>>
      %dma_wait3A_991 = arith.constant 0 : i32
      %dma_wait3A_992 = tpu.memref_slice %arg10[%add3A_360, %dma_wait3A_991] : memref<256x64xf32, #tpu.memory_space<vmem>> -> memref<1x64xf32, #tpu.memory_space<vmem>>
      %dma_wait3A_993 = arith.constant 0 : i32
      %dma_wait3A_994 = tpu.memref_slice %arg2[%shift_right_arithmetic3A_376, %and3A_378, %dma_wait3A_993] : memref<125000x8x64xf32, #tpu.memory_space<hbm>> -> memref<1x1x64xf32, #tpu.memory_space<hbm>>
      %dma_wait3A_995 = tpu.memref_squeeze %dma_wait3A_994 : memref<1x1x64xf32, #tpu.memory_space<hbm>> -> memref<1x64xf32, #tpu.memory_space<hbm>>
      tpu.wait_dma2 semaphore(%arg11 : memref<!tpu.dma_semaphore, #tpu.memory_space<semaphore_mem>>) src(%dma_wait3A_995 : memref<1x64xf32, #tpu.memory_space<hbm>>) dst(%dma_wait3A_992 : memref<1x64xf32, #tpu.memory_space<vmem>>)
      %dma_wait3A_996 = arith.constant 0 : i32
      %dma_wait3A_997 = tpu.memref_slice %arg9[%add3A_412, %dma_wait3A_996] : memref<256x64xf32, #tpu.memory_space<vmem>> -> memref<1x64xf32, #tpu.memory_space<vmem>>
      %dma_wait3A_998 = arith.constant 0 : i32
      %dma_wait3A_999 = tpu.memref_slice %arg2[%shift_right_arithmetic3A_414, %and3A_416, %dma_wait3A_998] : memref<125000x8x64xf32, #tpu.memory_space<hbm>> -> memref<1x1x64xf32, #tpu.memory_space<hbm>>
      %dma_wait3A_1000 = tpu.memref_squeeze %dma_wait3A_999 : memref<1x1x64xf32, #tpu.memory_space<hbm>> -> memref<1x64xf32, #tpu.memory_space<hbm>>
      %dma_wait3A_1001 = arith.constant 0 : i32
      %dma_wait3A_1002 = tpu.memref_slice %arg9[%add3A_412, %dma_wait3A_1001] : memref<256x64xf32, #tpu.memory_space<vmem>> -> memref<1x64xf32, #tpu.memory_space<vmem>>
      %dma_wait3A_1003 = arith.constant 0 : i32
      %dma_wait3A_1004 = tpu.memref_slice %arg2[%shift_right_arithmetic3A_414, %and3A_416, %dma_wait3A_1003] : memref<125000x8x64xf32, #tpu.memory_space<hbm>> -> memref<1x1x64xf32, #tpu.memory_space<hbm>>
      %dma_wait3A_1005 = tpu.memref_squeeze %dma_wait3A_1004 : memref<1x1x64xf32, #tpu.memory_space<hbm>> -> memref<1x64xf32, #tpu.memory_space<hbm>>
      tpu.wait_dma2 semaphore(%arg11 : memref<!tpu.dma_semaphore, #tpu.memory_space<semaphore_mem>>) src(%dma_wait3A_1005 : memref<1x64xf32, #tpu.memory_space<hbm>>) dst(%dma_wait3A_1002 : memref<1x64xf32, #tpu.memory_space<vmem>>)
      %dma_wait3A_1006 = arith.constant 0 : i32
      %dma_wait3A_1007 = tpu.memref_slice %arg10[%add3A_412, %dma_wait3A_1006] : memref<256x64xf32, #tpu.memory_space<vmem>> -> memref<1x64xf32, #tpu.memory_space<vmem>>
      %dma_wait3A_1008 = arith.constant 0 : i32
      %dma_wait3A_1009 = tpu.memref_slice %arg2[%shift_right_arithmetic3A_428, %and3A_430, %dma_wait3A_1008] : memref<125000x8x64xf32, #tpu.memory_space<hbm>> -> memref<1x1x64xf32, #tpu.memory_space<hbm>>
      %dma_wait3A_1010 = tpu.memref_squeeze %dma_wait3A_1009 : memref<1x1x64xf32, #tpu.memory_space<hbm>> -> memref<1x64xf32, #tpu.memory_space<hbm>>
      %dma_wait3A_1011 = arith.constant 0 : i32
      %dma_wait3A_1012 = tpu.memref_slice %arg10[%add3A_412, %dma_wait3A_1011] : memref<256x64xf32, #tpu.memory_space<vmem>> -> memref<1x64xf32, #tpu.memory_space<vmem>>
      %dma_wait3A_1013 = arith.constant 0 : i32
      %dma_wait3A_1014 = tpu.memref_slice %arg2[%shift_right_arithmetic3A_428, %and3A_430, %dma_wait3A_1013] : memref<125000x8x64xf32, #tpu.memory_space<hbm>> -> memref<1x1x64xf32, #tpu.memory_space<hbm>>
      %dma_wait3A_1015 = tpu.memref_squeeze %dma_wait3A_1014 : memref<1x1x64xf32, #tpu.memory_space<hbm>> -> memref<1x64xf32, #tpu.memory_space<hbm>>
      tpu.wait_dma2 semaphore(%arg11 : memref<!tpu.dma_semaphore, #tpu.memory_space<semaphore_mem>>) src(%dma_wait3A_1015 : memref<1x64xf32, #tpu.memory_space<hbm>>) dst(%dma_wait3A_1012 : memref<1x64xf32, #tpu.memory_space<vmem>>)
      %dma_wait3A_1016 = arith.constant 0 : i32
      %dma_wait3A_1017 = tpu.memref_slice %arg9[%add3A_464, %dma_wait3A_1016] : memref<256x64xf32, #tpu.memory_space<vmem>> -> memref<1x64xf32, #tpu.memory_space<vmem>>
      %dma_wait3A_1018 = arith.constant 0 : i32
      %dma_wait3A_1019 = tpu.memref_slice %arg2[%shift_right_arithmetic3A_466, %and3A_468, %dma_wait3A_1018] : memref<125000x8x64xf32, #tpu.memory_space<hbm>> -> memref<1x1x64xf32, #tpu.memory_space<hbm>>
      %dma_wait3A_1020 = tpu.memref_squeeze %dma_wait3A_1019 : memref<1x1x64xf32, #tpu.memory_space<hbm>> -> memref<1x64xf32, #tpu.memory_space<hbm>>
      %dma_wait3A_1021 = arith.constant 0 : i32
      %dma_wait3A_1022 = tpu.memref_slice %arg9[%add3A_464, %dma_wait3A_1021] : memref<256x64xf32, #tpu.memory_space<vmem>> -> memref<1x64xf32, #tpu.memory_space<vmem>>
      %dma_wait3A_1023 = arith.constant 0 : i32
      %dma_wait3A_1024 = tpu.memref_slice %arg2[%shift_right_arithmetic3A_466, %and3A_468, %dma_wait3A_1023] : memref<125000x8x64xf32, #tpu.memory_space<hbm>> -> memref<1x1x64xf32, #tpu.memory_space<hbm>>
      %dma_wait3A_1025 = tpu.memref_squeeze %dma_wait3A_1024 : memref<1x1x64xf32, #tpu.memory_space<hbm>> -> memref<1x64xf32, #tpu.memory_space<hbm>>
      tpu.wait_dma2 semaphore(%arg11 : memref<!tpu.dma_semaphore, #tpu.memory_space<semaphore_mem>>) src(%dma_wait3A_1025 : memref<1x64xf32, #tpu.memory_space<hbm>>) dst(%dma_wait3A_1022 : memref<1x64xf32, #tpu.memory_space<vmem>>)
      %dma_wait3A_1026 = arith.constant 0 : i32
      %dma_wait3A_1027 = tpu.memref_slice %arg10[%add3A_464, %dma_wait3A_1026] : memref<256x64xf32, #tpu.memory_space<vmem>> -> memref<1x64xf32, #tpu.memory_space<vmem>>
      %dma_wait3A_1028 = arith.constant 0 : i32
      %dma_wait3A_1029 = tpu.memref_slice %arg2[%shift_right_arithmetic3A_480, %and3A_482, %dma_wait3A_1028] : memref<125000x8x64xf32, #tpu.memory_space<hbm>> -> memref<1x1x64xf32, #tpu.memory_space<hbm>>
      %dma_wait3A_1030 = tpu.memref_squeeze %dma_wait3A_1029 : memref<1x1x64xf32, #tpu.memory_space<hbm>> -> memref<1x64xf32, #tpu.memory_space<hbm>>
      %dma_wait3A_1031 = arith.constant 0 : i32
      %dma_wait3A_1032 = tpu.memref_slice %arg10[%add3A_464, %dma_wait3A_1031] : memref<256x64xf32, #tpu.memory_space<vmem>> -> memref<1x64xf32, #tpu.memory_space<vmem>>
      %dma_wait3A_1033 = arith.constant 0 : i32
      %dma_wait3A_1034 = tpu.memref_slice %arg2[%shift_right_arithmetic3A_480, %and3A_482, %dma_wait3A_1033] : memref<125000x8x64xf32, #tpu.memory_space<hbm>> -> memref<1x1x64xf32, #tpu.memory_space<hbm>>
      %dma_wait3A_1035 = tpu.memref_squeeze %dma_wait3A_1034 : memref<1x1x64xf32, #tpu.memory_space<hbm>> -> memref<1x64xf32, #tpu.memory_space<hbm>>
      tpu.wait_dma2 semaphore(%arg11 : memref<!tpu.dma_semaphore, #tpu.memory_space<semaphore_mem>>) src(%dma_wait3A_1035 : memref<1x64xf32, #tpu.memory_space<hbm>>) dst(%dma_wait3A_1032 : memref<1x64xf32, #tpu.memory_space<vmem>>)
      %dma_wait3A_1036 = arith.constant 0 : i32
      %dma_wait3A_1037 = tpu.memref_slice %arg9[%add3A_516, %dma_wait3A_1036] : memref<256x64xf32, #tpu.memory_space<vmem>> -> memref<1x64xf32, #tpu.memory_space<vmem>>
      %dma_wait3A_1038 = arith.constant 0 : i32
      %dma_wait3A_1039 = tpu.memref_slice %arg2[%shift_right_arithmetic3A_518, %and3A_520, %dma_wait3A_1038] : memref<125000x8x64xf32, #tpu.memory_space<hbm>> -> memref<1x1x64xf32, #tpu.memory_space<hbm>>
      %dma_wait3A_1040 = tpu.memref_squeeze %dma_wait3A_1039 : memref<1x1x64xf32, #tpu.memory_space<hbm>> -> memref<1x64xf32, #tpu.memory_space<hbm>>
      %dma_wait3A_1041 = arith.constant 0 : i32
      %dma_wait3A_1042 = tpu.memref_slice %arg9[%add3A_516, %dma_wait3A_1041] : memref<256x64xf32, #tpu.memory_space<vmem>> -> memref<1x64xf32, #tpu.memory_space<vmem>>
      %dma_wait3A_1043 = arith.constant 0 : i32
      %dma_wait3A_1044 = tpu.memref_slice %arg2[%shift_right_arithmetic3A_518, %and3A_520, %dma_wait3A_1043] : memref<125000x8x64xf32, #tpu.memory_space<hbm>> -> memref<1x1x64xf32, #tpu.memory_space<hbm>>
      %dma_wait3A_1045 = tpu.memref_squeeze %dma_wait3A_1044 : memref<1x1x64xf32, #tpu.memory_space<hbm>> -> memref<1x64xf32, #tpu.memory_space<hbm>>
      tpu.wait_dma2 semaphore(%arg11 : memref<!tpu.dma_semaphore, #tpu.memory_space<semaphore_mem>>) src(%dma_wait3A_1045 : memref<1x64xf32, #tpu.memory_space<hbm>>) dst(%dma_wait3A_1042 : memref<1x64xf32, #tpu.memory_space<vmem>>)
      %dma_wait3A_1046 = arith.constant 0 : i32
      %dma_wait3A_1047 = tpu.memref_slice %arg10[%add3A_516, %dma_wait3A_1046] : memref<256x64xf32, #tpu.memory_space<vmem>> -> memref<1x64xf32, #tpu.memory_space<vmem>>
      %dma_wait3A_1048 = arith.constant 0 : i32
      %dma_wait3A_1049 = tpu.memref_slice %arg2[%shift_right_arithmetic3A_532, %and3A_534, %dma_wait3A_1048] : memref<125000x8x64xf32, #tpu.memory_space<hbm>> -> memref<1x1x64xf32, #tpu.memory_space<hbm>>
      %dma_wait3A_1050 = tpu.memref_squeeze %dma_wait3A_1049 : memref<1x1x64xf32, #tpu.memory_space<hbm>> -> memref<1x64xf32, #tpu.memory_space<hbm>>
      %dma_wait3A_1051 = arith.constant 0 : i32
      %dma_wait3A_1052 = tpu.memref_slice %arg10[%add3A_516, %dma_wait3A_1051] : memref<256x64xf32, #tpu.memory_space<vmem>> -> memref<1x64xf32, #tpu.memory_space<vmem>>
      %dma_wait3A_1053 = arith.constant 0 : i32
      %dma_wait3A_1054 = tpu.memref_slice %arg2[%shift_right_arithmetic3A_532, %and3A_534, %dma_wait3A_1053] : memref<125000x8x64xf32, #tpu.memory_space<hbm>> -> memref<1x1x64xf32, #tpu.memory_space<hbm>>
      %dma_wait3A_1055 = tpu.memref_squeeze %dma_wait3A_1054 : memref<1x1x64xf32, #tpu.memory_space<hbm>> -> memref<1x64xf32, #tpu.memory_space<hbm>>
      tpu.wait_dma2 semaphore(%arg11 : memref<!tpu.dma_semaphore, #tpu.memory_space<semaphore_mem>>) src(%dma_wait3A_1055 : memref<1x64xf32, #tpu.memory_space<hbm>>) dst(%dma_wait3A_1052 : memref<1x64xf32, #tpu.memory_space<vmem>>)
      %dma_wait3A_1056 = arith.constant 0 : i32
      %dma_wait3A_1057 = tpu.memref_slice %arg9[%add3A_568, %dma_wait3A_1056] : memref<256x64xf32, #tpu.memory_space<vmem>> -> memref<1x64xf32, #tpu.memory_space<vmem>>
      %dma_wait3A_1058 = arith.constant 0 : i32
      %dma_wait3A_1059 = tpu.memref_slice %arg2[%shift_right_arithmetic3A_570, %and3A_572, %dma_wait3A_1058] : memref<125000x8x64xf32, #tpu.memory_space<hbm>> -> memref<1x1x64xf32, #tpu.memory_space<hbm>>
      %dma_wait3A_1060 = tpu.memref_squeeze %dma_wait3A_1059 : memref<1x1x64xf32, #tpu.memory_space<hbm>> -> memref<1x64xf32, #tpu.memory_space<hbm>>
      %dma_wait3A_1061 = arith.constant 0 : i32
      %dma_wait3A_1062 = tpu.memref_slice %arg9[%add3A_568, %dma_wait3A_1061] : memref<256x64xf32, #tpu.memory_space<vmem>> -> memref<1x64xf32, #tpu.memory_space<vmem>>
      %dma_wait3A_1063 = arith.constant 0 : i32
      %dma_wait3A_1064 = tpu.memref_slice %arg2[%shift_right_arithmetic3A_570, %and3A_572, %dma_wait3A_1063] : memref<125000x8x64xf32, #tpu.memory_space<hbm>> -> memref<1x1x64xf32, #tpu.memory_space<hbm>>
      %dma_wait3A_1065 = tpu.memref_squeeze %dma_wait3A_1064 : memref<1x1x64xf32, #tpu.memory_space<hbm>> -> memref<1x64xf32, #tpu.memory_space<hbm>>
      tpu.wait_dma2 semaphore(%arg11 : memref<!tpu.dma_semaphore, #tpu.memory_space<semaphore_mem>>) src(%dma_wait3A_1065 : memref<1x64xf32, #tpu.memory_space<hbm>>) dst(%dma_wait3A_1062 : memref<1x64xf32, #tpu.memory_space<vmem>>)
      %dma_wait3A_1066 = arith.constant 0 : i32
      %dma_wait3A_1067 = tpu.memref_slice %arg10[%add3A_568, %dma_wait3A_1066] : memref<256x64xf32, #tpu.memory_space<vmem>> -> memref<1x64xf32, #tpu.memory_space<vmem>>
      %dma_wait3A_1068 = arith.constant 0 : i32
      %dma_wait3A_1069 = tpu.memref_slice %arg2[%shift_right_arithmetic3A_584, %and3A_586, %dma_wait3A_1068] : memref<125000x8x64xf32, #tpu.memory_space<hbm>> -> memref<1x1x64xf32, #tpu.memory_space<hbm>>
      %dma_wait3A_1070 = tpu.memref_squeeze %dma_wait3A_1069 : memref<1x1x64xf32, #tpu.memory_space<hbm>> -> memref<1x64xf32, #tpu.memory_space<hbm>>
      %dma_wait3A_1071 = arith.constant 0 : i32
      %dma_wait3A_1072 = tpu.memref_slice %arg10[%add3A_568, %dma_wait3A_1071] : memref<256x64xf32, #tpu.memory_space<vmem>> -> memref<1x64xf32, #tpu.memory_space<vmem>>
      %dma_wait3A_1073 = arith.constant 0 : i32
      %dma_wait3A_1074 = tpu.memref_slice %arg2[%shift_right_arithmetic3A_584, %and3A_586, %dma_wait3A_1073] : memref<125000x8x64xf32, #tpu.memory_space<hbm>> -> memref<1x1x64xf32, #tpu.memory_space<hbm>>
      %dma_wait3A_1075 = tpu.memref_squeeze %dma_wait3A_1074 : memref<1x1x64xf32, #tpu.memory_space<hbm>> -> memref<1x64xf32, #tpu.memory_space<hbm>>
      tpu.wait_dma2 semaphore(%arg11 : memref<!tpu.dma_semaphore, #tpu.memory_space<semaphore_mem>>) src(%dma_wait3A_1075 : memref<1x64xf32, #tpu.memory_space<hbm>>) dst(%dma_wait3A_1072 : memref<1x64xf32, #tpu.memory_space<vmem>>)
      %dma_wait3A_1076 = arith.constant 0 : i32
      %dma_wait3A_1077 = tpu.memref_slice %arg9[%add3A_620, %dma_wait3A_1076] : memref<256x64xf32, #tpu.memory_space<vmem>> -> memref<1x64xf32, #tpu.memory_space<vmem>>
      %dma_wait3A_1078 = arith.constant 0 : i32
      %dma_wait3A_1079 = tpu.memref_slice %arg2[%shift_right_arithmetic3A_622, %and3A_624, %dma_wait3A_1078] : memref<125000x8x64xf32, #tpu.memory_space<hbm>> -> memref<1x1x64xf32, #tpu.memory_space<hbm>>
      %dma_wait3A_1080 = tpu.memref_squeeze %dma_wait3A_1079 : memref<1x1x64xf32, #tpu.memory_space<hbm>> -> memref<1x64xf32, #tpu.memory_space<hbm>>
      %dma_wait3A_1081 = arith.constant 0 : i32
      %dma_wait3A_1082 = tpu.memref_slice %arg9[%add3A_620, %dma_wait3A_1081] : memref<256x64xf32, #tpu.memory_space<vmem>> -> memref<1x64xf32, #tpu.memory_space<vmem>>
      %dma_wait3A_1083 = arith.constant 0 : i32
      %dma_wait3A_1084 = tpu.memref_slice %arg2[%shift_right_arithmetic3A_622, %and3A_624, %dma_wait3A_1083] : memref<125000x8x64xf32, #tpu.memory_space<hbm>> -> memref<1x1x64xf32, #tpu.memory_space<hbm>>
      %dma_wait3A_1085 = tpu.memref_squeeze %dma_wait3A_1084 : memref<1x1x64xf32, #tpu.memory_space<hbm>> -> memref<1x64xf32, #tpu.memory_space<hbm>>
      tpu.wait_dma2 semaphore(%arg11 : memref<!tpu.dma_semaphore, #tpu.memory_space<semaphore_mem>>) src(%dma_wait3A_1085 : memref<1x64xf32, #tpu.memory_space<hbm>>) dst(%dma_wait3A_1082 : memref<1x64xf32, #tpu.memory_space<vmem>>)
      %dma_wait3A_1086 = arith.constant 0 : i32
      %dma_wait3A_1087 = tpu.memref_slice %arg10[%add3A_620, %dma_wait3A_1086] : memref<256x64xf32, #tpu.memory_space<vmem>> -> memref<1x64xf32, #tpu.memory_space<vmem>>
      %dma_wait3A_1088 = arith.constant 0 : i32
      %dma_wait3A_1089 = tpu.memref_slice %arg2[%shift_right_arithmetic3A_636, %and3A_638, %dma_wait3A_1088] : memref<125000x8x64xf32, #tpu.memory_space<hbm>> -> memref<1x1x64xf32, #tpu.memory_space<hbm>>
      %dma_wait3A_1090 = tpu.memref_squeeze %dma_wait3A_1089 : memref<1x1x64xf32, #tpu.memory_space<hbm>> -> memref<1x64xf32, #tpu.memory_space<hbm>>
      %dma_wait3A_1091 = arith.constant 0 : i32
      %dma_wait3A_1092 = tpu.memref_slice %arg10[%add3A_620, %dma_wait3A_1091] : memref<256x64xf32, #tpu.memory_space<vmem>> -> memref<1x64xf32, #tpu.memory_space<vmem>>
      %dma_wait3A_1093 = arith.constant 0 : i32
      %dma_wait3A_1094 = tpu.memref_slice %arg2[%shift_right_arithmetic3A_636, %and3A_638, %dma_wait3A_1093] : memref<125000x8x64xf32, #tpu.memory_space<hbm>> -> memref<1x1x64xf32, #tpu.memory_space<hbm>>
      %dma_wait3A_1095 = tpu.memref_squeeze %dma_wait3A_1094 : memref<1x1x64xf32, #tpu.memory_space<hbm>> -> memref<1x64xf32, #tpu.memory_space<hbm>>
      tpu.wait_dma2 semaphore(%arg11 : memref<!tpu.dma_semaphore, #tpu.memory_space<semaphore_mem>>) src(%dma_wait3A_1095 : memref<1x64xf32, #tpu.memory_space<hbm>>) dst(%dma_wait3A_1092 : memref<1x64xf32, #tpu.memory_space<vmem>>)
      %dma_wait3A_1096 = arith.constant 0 : i32
      %dma_wait3A_1097 = tpu.memref_slice %arg9[%add3A_672, %dma_wait3A_1096] : memref<256x64xf32, #tpu.memory_space<vmem>> -> memref<1x64xf32, #tpu.memory_space<vmem>>
      %dma_wait3A_1098 = arith.constant 0 : i32
      %dma_wait3A_1099 = tpu.memref_slice %arg2[%shift_right_arithmetic3A_674, %and3A_676, %dma_wait3A_1098] : memref<125000x8x64xf32, #tpu.memory_space<hbm>> -> memref<1x1x64xf32, #tpu.memory_space<hbm>>
      %dma_wait3A_1100 = tpu.memref_squeeze %dma_wait3A_1099 : memref<1x1x64xf32, #tpu.memory_space<hbm>> -> memref<1x64xf32, #tpu.memory_space<hbm>>
      %dma_wait3A_1101 = arith.constant 0 : i32
      %dma_wait3A_1102 = tpu.memref_slice %arg9[%add3A_672, %dma_wait3A_1101] : memref<256x64xf32, #tpu.memory_space<vmem>> -> memref<1x64xf32, #tpu.memory_space<vmem>>
      %dma_wait3A_1103 = arith.constant 0 : i32
      %dma_wait3A_1104 = tpu.memref_slice %arg2[%shift_right_arithmetic3A_674, %and3A_676, %dma_wait3A_1103] : memref<125000x8x64xf32, #tpu.memory_space<hbm>> -> memref<1x1x64xf32, #tpu.memory_space<hbm>>
      %dma_wait3A_1105 = tpu.memref_squeeze %dma_wait3A_1104 : memref<1x1x64xf32, #tpu.memory_space<hbm>> -> memref<1x64xf32, #tpu.memory_space<hbm>>
      tpu.wait_dma2 semaphore(%arg11 : memref<!tpu.dma_semaphore, #tpu.memory_space<semaphore_mem>>) src(%dma_wait3A_1105 : memref<1x64xf32, #tpu.memory_space<hbm>>) dst(%dma_wait3A_1102 : memref<1x64xf32, #tpu.memory_space<vmem>>)
      %dma_wait3A_1106 = arith.constant 0 : i32
      %dma_wait3A_1107 = tpu.memref_slice %arg10[%add3A_672, %dma_wait3A_1106] : memref<256x64xf32, #tpu.memory_space<vmem>> -> memref<1x64xf32, #tpu.memory_space<vmem>>
      %dma_wait3A_1108 = arith.constant 0 : i32
      %dma_wait3A_1109 = tpu.memref_slice %arg2[%shift_right_arithmetic3A_688, %and3A_690, %dma_wait3A_1108] : memref<125000x8x64xf32, #tpu.memory_space<hbm>> -> memref<1x1x64xf32, #tpu.memory_space<hbm>>
      %dma_wait3A_1110 = tpu.memref_squeeze %dma_wait3A_1109 : memref<1x1x64xf32, #tpu.memory_space<hbm>> -> memref<1x64xf32, #tpu.memory_space<hbm>>
      %dma_wait3A_1111 = arith.constant 0 : i32
      %dma_wait3A_1112 = tpu.memref_slice %arg10[%add3A_672, %dma_wait3A_1111] : memref<256x64xf32, #tpu.memory_space<vmem>> -> memref<1x64xf32, #tpu.memory_space<vmem>>
      %dma_wait3A_1113 = arith.constant 0 : i32
      %dma_wait3A_1114 = tpu.memref_slice %arg2[%shift_right_arithmetic3A_688, %and3A_690, %dma_wait3A_1113] : memref<125000x8x64xf32, #tpu.memory_space<hbm>> -> memref<1x1x64xf32, #tpu.memory_space<hbm>>
      %dma_wait3A_1115 = tpu.memref_squeeze %dma_wait3A_1114 : memref<1x1x64xf32, #tpu.memory_space<hbm>> -> memref<1x64xf32, #tpu.memory_space<hbm>>
      tpu.wait_dma2 semaphore(%arg11 : memref<!tpu.dma_semaphore, #tpu.memory_space<semaphore_mem>>) src(%dma_wait3A_1115 : memref<1x64xf32, #tpu.memory_space<hbm>>) dst(%dma_wait3A_1112 : memref<1x64xf32, #tpu.memory_space<vmem>>)
      %dma_wait3A_1116 = arith.constant 0 : i32
      %dma_wait3A_1117 = tpu.memref_slice %arg9[%add3A_724, %dma_wait3A_1116] : memref<256x64xf32, #tpu.memory_space<vmem>> -> memref<1x64xf32, #tpu.memory_space<vmem>>
      %dma_wait3A_1118 = arith.constant 0 : i32
      %dma_wait3A_1119 = tpu.memref_slice %arg2[%shift_right_arithmetic3A_726, %and3A_728, %dma_wait3A_1118] : memref<125000x8x64xf32, #tpu.memory_space<hbm>> -> memref<1x1x64xf32, #tpu.memory_space<hbm>>
      %dma_wait3A_1120 = tpu.memref_squeeze %dma_wait3A_1119 : memref<1x1x64xf32, #tpu.memory_space<hbm>> -> memref<1x64xf32, #tpu.memory_space<hbm>>
      %dma_wait3A_1121 = arith.constant 0 : i32
      %dma_wait3A_1122 = tpu.memref_slice %arg9[%add3A_724, %dma_wait3A_1121] : memref<256x64xf32, #tpu.memory_space<vmem>> -> memref<1x64xf32, #tpu.memory_space<vmem>>
      %dma_wait3A_1123 = arith.constant 0 : i32
      %dma_wait3A_1124 = tpu.memref_slice %arg2[%shift_right_arithmetic3A_726, %and3A_728, %dma_wait3A_1123] : memref<125000x8x64xf32, #tpu.memory_space<hbm>> -> memref<1x1x64xf32, #tpu.memory_space<hbm>>
      %dma_wait3A_1125 = tpu.memref_squeeze %dma_wait3A_1124 : memref<1x1x64xf32, #tpu.memory_space<hbm>> -> memref<1x64xf32, #tpu.memory_space<hbm>>
      tpu.wait_dma2 semaphore(%arg11 : memref<!tpu.dma_semaphore, #tpu.memory_space<semaphore_mem>>) src(%dma_wait3A_1125 : memref<1x64xf32, #tpu.memory_space<hbm>>) dst(%dma_wait3A_1122 : memref<1x64xf32, #tpu.memory_space<vmem>>)
      %dma_wait3A_1126 = arith.constant 0 : i32
      %dma_wait3A_1127 = tpu.memref_slice %arg10[%add3A_724, %dma_wait3A_1126] : memref<256x64xf32, #tpu.memory_space<vmem>> -> memref<1x64xf32, #tpu.memory_space<vmem>>
      %dma_wait3A_1128 = arith.constant 0 : i32
      %dma_wait3A_1129 = tpu.memref_slice %arg2[%shift_right_arithmetic3A_740, %and3A_742, %dma_wait3A_1128] : memref<125000x8x64xf32, #tpu.memory_space<hbm>> -> memref<1x1x64xf32, #tpu.memory_space<hbm>>
      %dma_wait3A_1130 = tpu.memref_squeeze %dma_wait3A_1129 : memref<1x1x64xf32, #tpu.memory_space<hbm>> -> memref<1x64xf32, #tpu.memory_space<hbm>>
      %dma_wait3A_1131 = arith.constant 0 : i32
      %dma_wait3A_1132 = tpu.memref_slice %arg10[%add3A_724, %dma_wait3A_1131] : memref<256x64xf32, #tpu.memory_space<vmem>> -> memref<1x64xf32, #tpu.memory_space<vmem>>
      %dma_wait3A_1133 = arith.constant 0 : i32
      %dma_wait3A_1134 = tpu.memref_slice %arg2[%shift_right_arithmetic3A_740, %and3A_742, %dma_wait3A_1133] : memref<125000x8x64xf32, #tpu.memory_space<hbm>> -> memref<1x1x64xf32, #tpu.memory_space<hbm>>
      %dma_wait3A_1135 = tpu.memref_squeeze %dma_wait3A_1134 : memref<1x1x64xf32, #tpu.memory_space<hbm>> -> memref<1x64xf32, #tpu.memory_space<hbm>>
      tpu.wait_dma2 semaphore(%arg11 : memref<!tpu.dma_semaphore, #tpu.memory_space<semaphore_mem>>) src(%dma_wait3A_1135 : memref<1x64xf32, #tpu.memory_space<hbm>>) dst(%dma_wait3A_1132 : memref<1x64xf32, #tpu.memory_space<vmem>>)
      %dma_wait3A_1136 = arith.constant 0 : i32
      %dma_wait3A_1137 = tpu.memref_slice %arg9[%add3A_776, %dma_wait3A_1136] : memref<256x64xf32, #tpu.memory_space<vmem>> -> memref<1x64xf32, #tpu.memory_space<vmem>>
      %dma_wait3A_1138 = arith.constant 0 : i32
      %dma_wait3A_1139 = tpu.memref_slice %arg2[%shift_right_arithmetic3A_778, %and3A_780, %dma_wait3A_1138] : memref<125000x8x64xf32, #tpu.memory_space<hbm>> -> memref<1x1x64xf32, #tpu.memory_space<hbm>>
      %dma_wait3A_1140 = tpu.memref_squeeze %dma_wait3A_1139 : memref<1x1x64xf32, #tpu.memory_space<hbm>> -> memref<1x64xf32, #tpu.memory_space<hbm>>
      %dma_wait3A_1141 = arith.constant 0 : i32
      %dma_wait3A_1142 = tpu.memref_slice %arg9[%add3A_776, %dma_wait3A_1141] : memref<256x64xf32, #tpu.memory_space<vmem>> -> memref<1x64xf32, #tpu.memory_space<vmem>>
      %dma_wait3A_1143 = arith.constant 0 : i32
      %dma_wait3A_1144 = tpu.memref_slice %arg2[%shift_right_arithmetic3A_778, %and3A_780, %dma_wait3A_1143] : memref<125000x8x64xf32, #tpu.memory_space<hbm>> -> memref<1x1x64xf32, #tpu.memory_space<hbm>>
      %dma_wait3A_1145 = tpu.memref_squeeze %dma_wait3A_1144 : memref<1x1x64xf32, #tpu.memory_space<hbm>> -> memref<1x64xf32, #tpu.memory_space<hbm>>
      tpu.wait_dma2 semaphore(%arg11 : memref<!tpu.dma_semaphore, #tpu.memory_space<semaphore_mem>>) src(%dma_wait3A_1145 : memref<1x64xf32, #tpu.memory_space<hbm>>) dst(%dma_wait3A_1142 : memref<1x64xf32, #tpu.memory_space<vmem>>)
      %dma_wait3A_1146 = arith.constant 0 : i32
      %dma_wait3A_1147 = tpu.memref_slice %arg10[%add3A_776, %dma_wait3A_1146] : memref<256x64xf32, #tpu.memory_space<vmem>> -> memref<1x64xf32, #tpu.memory_space<vmem>>
      %dma_wait3A_1148 = arith.constant 0 : i32
      %dma_wait3A_1149 = tpu.memref_slice %arg2[%shift_right_arithmetic3A_792, %and3A_794, %dma_wait3A_1148] : memref<125000x8x64xf32, #tpu.memory_space<hbm>> -> memref<1x1x64xf32, #tpu.memory_space<hbm>>
      %dma_wait3A_1150 = tpu.memref_squeeze %dma_wait3A_1149 : memref<1x1x64xf32, #tpu.memory_space<hbm>> -> memref<1x64xf32, #tpu.memory_space<hbm>>
      %dma_wait3A_1151 = arith.constant 0 : i32
      %dma_wait3A_1152 = tpu.memref_slice %arg10[%add3A_776, %dma_wait3A_1151] : memref<256x64xf32, #tpu.memory_space<vmem>> -> memref<1x64xf32, #tpu.memory_space<vmem>>
      %dma_wait3A_1153 = arith.constant 0 : i32
      %dma_wait3A_1154 = tpu.memref_slice %arg2[%shift_right_arithmetic3A_792, %and3A_794, %dma_wait3A_1153] : memref<125000x8x64xf32, #tpu.memory_space<hbm>> -> memref<1x1x64xf32, #tpu.memory_space<hbm>>
      %dma_wait3A_1155 = tpu.memref_squeeze %dma_wait3A_1154 : memref<1x1x64xf32, #tpu.memory_space<hbm>> -> memref<1x64xf32, #tpu.memory_space<hbm>>
      tpu.wait_dma2 semaphore(%arg11 : memref<!tpu.dma_semaphore, #tpu.memory_space<semaphore_mem>>) src(%dma_wait3A_1155 : memref<1x64xf32, #tpu.memory_space<hbm>>) dst(%dma_wait3A_1152 : memref<1x64xf32, #tpu.memory_space<vmem>>)
      %dma_wait3A_1156 = arith.constant 0 : i32
      %dma_wait3A_1157 = tpu.memref_slice %arg9[%add3A_828, %dma_wait3A_1156] : memref<256x64xf32, #tpu.memory_space<vmem>> -> memref<1x64xf32, #tpu.memory_space<vmem>>
      %dma_wait3A_1158 = arith.constant 0 : i32
      %dma_wait3A_1159 = tpu.memref_slice %arg2[%shift_right_arithmetic3A_830, %and3A_832, %dma_wait3A_1158] : memref<125000x8x64xf32, #tpu.memory_space<hbm>> -> memref<1x1x64xf32, #tpu.memory_space<hbm>>
      %dma_wait3A_1160 = tpu.memref_squeeze %dma_wait3A_1159 : memref<1x1x64xf32, #tpu.memory_space<hbm>> -> memref<1x64xf32, #tpu.memory_space<hbm>>
      %dma_wait3A_1161 = arith.constant 0 : i32
      %dma_wait3A_1162 = tpu.memref_slice %arg9[%add3A_828, %dma_wait3A_1161] : memref<256x64xf32, #tpu.memory_space<vmem>> -> memref<1x64xf32, #tpu.memory_space<vmem>>
      %dma_wait3A_1163 = arith.constant 0 : i32
      %dma_wait3A_1164 = tpu.memref_slice %arg2[%shift_right_arithmetic3A_830, %and3A_832, %dma_wait3A_1163] : memref<125000x8x64xf32, #tpu.memory_space<hbm>> -> memref<1x1x64xf32, #tpu.memory_space<hbm>>
      %dma_wait3A_1165 = tpu.memref_squeeze %dma_wait3A_1164 : memref<1x1x64xf32, #tpu.memory_space<hbm>> -> memref<1x64xf32, #tpu.memory_space<hbm>>
      tpu.wait_dma2 semaphore(%arg11 : memref<!tpu.dma_semaphore, #tpu.memory_space<semaphore_mem>>) src(%dma_wait3A_1165 : memref<1x64xf32, #tpu.memory_space<hbm>>) dst(%dma_wait3A_1162 : memref<1x64xf32, #tpu.memory_space<vmem>>)
      %dma_wait3A_1166 = arith.constant 0 : i32
      %dma_wait3A_1167 = tpu.memref_slice %arg10[%add3A_828, %dma_wait3A_1166] : memref<256x64xf32, #tpu.memory_space<vmem>> -> memref<1x64xf32, #tpu.memory_space<vmem>>
      %dma_wait3A_1168 = arith.constant 0 : i32
      %dma_wait3A_1169 = tpu.memref_slice %arg2[%shift_right_arithmetic3A_844, %and3A_846, %dma_wait3A_1168] : memref<125000x8x64xf32, #tpu.memory_space<hbm>> -> memref<1x1x64xf32, #tpu.memory_space<hbm>>
      %dma_wait3A_1170 = tpu.memref_squeeze %dma_wait3A_1169 : memref<1x1x64xf32, #tpu.memory_space<hbm>> -> memref<1x64xf32, #tpu.memory_space<hbm>>
      %dma_wait3A_1171 = arith.constant 0 : i32
      %dma_wait3A_1172 = tpu.memref_slice %arg10[%add3A_828, %dma_wait3A_1171] : memref<256x64xf32, #tpu.memory_space<vmem>> -> memref<1x64xf32, #tpu.memory_space<vmem>>
      %dma_wait3A_1173 = arith.constant 0 : i32
      %dma_wait3A_1174 = tpu.memref_slice %arg2[%shift_right_arithmetic3A_844, %and3A_846, %dma_wait3A_1173] : memref<125000x8x64xf32, #tpu.memory_space<hbm>> -> memref<1x1x64xf32, #tpu.memory_space<hbm>>
      %dma_wait3A_1175 = tpu.memref_squeeze %dma_wait3A_1174 : memref<1x1x64xf32, #tpu.memory_space<hbm>> -> memref<1x64xf32, #tpu.memory_space<hbm>>
      tpu.wait_dma2 semaphore(%arg11 : memref<!tpu.dma_semaphore, #tpu.memory_space<semaphore_mem>>) src(%dma_wait3A_1175 : memref<1x64xf32, #tpu.memory_space<hbm>>) dst(%dma_wait3A_1172 : memref<1x64xf32, #tpu.memory_space<vmem>>)
      %scan3A_1176 = arith.constant 0 : i32
      scf.yield %scan3A_1176 : i32
    }
    %scan3A_8 = arith.constant 16 : i32
    %add3A_9 = arith.constant 0 : i32
    %add3A_10 = arith.addi %mul3A_2, %add3A_9 : i32
    "tpu.region"() ({
      %run_scoped3A = tpu.sem_alloc : memref<!tpu.dma_semaphore, #tpu.memory_space<semaphore_mem>>
      %dma_start3A = arith.constant 0 : i32
      %dma_start3A_20 = tpu.memref_slice %arg5[%add3A_10, %dma_start3A] : memref<16384x64xf32, #tpu.memory_space<hbm>> -> memref<256x64xf32, #tpu.memory_space<hbm>>
      %dma_start3A_21 = arith.constant 0 : i32
      %dma_start3A_22 = tpu.memref_slice %arg5[%add3A_10, %dma_start3A_21] : memref<16384x64xf32, #tpu.memory_space<hbm>> -> memref<256x64xf32, #tpu.memory_space<hbm>>
      tpu.enqueue_dma source(%arg9 : memref<256x64xf32, #tpu.memory_space<vmem>>) target(%dma_start3A_22 : memref<256x64xf32, #tpu.memory_space<hbm>>) target_semaphore(%run_scoped3A : memref<!tpu.dma_semaphore, #tpu.memory_space<semaphore_mem>>)
      %dma_wait3A = arith.constant 0 : i32
      %dma_wait3A_23 = tpu.memref_slice %arg5[%add3A_10, %dma_wait3A] : memref<16384x64xf32, #tpu.memory_space<hbm>> -> memref<256x64xf32, #tpu.memory_space<hbm>>
      %dma_wait3A_24 = arith.constant 0 : i32
      %dma_wait3A_25 = tpu.memref_slice %arg5[%add3A_10, %dma_wait3A_24] : memref<16384x64xf32, #tpu.memory_space<hbm>> -> memref<256x64xf32, #tpu.memory_space<hbm>>
      tpu.wait_dma2 semaphore(%run_scoped3A : memref<!tpu.dma_semaphore, #tpu.memory_space<semaphore_mem>>) src(%arg9 : memref<256x64xf32, #tpu.memory_space<vmem>>) dst(%dma_wait3A_25 : memref<256x64xf32, #tpu.memory_space<hbm>>)
      tpu.yield
    }) : () -> ()
    "tpu.region"() ({
      %run_scoped3A = tpu.sem_alloc : memref<!tpu.dma_semaphore, #tpu.memory_space<semaphore_mem>>
      %dma_start3A = arith.constant 0 : i32
      %dma_start3A_20 = tpu.memref_slice %arg6[%add3A_10, %dma_start3A] : memref<16384x64xf32, #tpu.memory_space<hbm>> -> memref<256x64xf32, #tpu.memory_space<hbm>>
      %dma_start3A_21 = arith.constant 0 : i32
      %dma_start3A_22 = tpu.memref_slice %arg6[%add3A_10, %dma_start3A_21] : memref<16384x64xf32, #tpu.memory_space<hbm>> -> memref<256x64xf32, #tpu.memory_space<hbm>>
      tpu.enqueue_dma source(%arg10 : memref<256x64xf32, #tpu.memory_space<vmem>>) target(%dma_start3A_22 : memref<256x64xf32, #tpu.memory_space<hbm>>) target_semaphore(%run_scoped3A : memref<!tpu.dma_semaphore, #tpu.memory_space<semaphore_mem>>)
      %dma_wait3A = arith.constant 0 : i32
      %dma_wait3A_23 = tpu.memref_slice %arg6[%add3A_10, %dma_wait3A] : memref<16384x64xf32, #tpu.memory_space<hbm>> -> memref<256x64xf32, #tpu.memory_space<hbm>>
      %dma_wait3A_24 = arith.constant 0 : i32
      %dma_wait3A_25 = tpu.memref_slice %arg6[%add3A_10, %dma_wait3A_24] : memref<16384x64xf32, #tpu.memory_space<hbm>> -> memref<256x64xf32, #tpu.memory_space<hbm>>
      tpu.wait_dma2 semaphore(%run_scoped3A : memref<!tpu.dma_semaphore, #tpu.memory_space<semaphore_mem>>) src(%arg10 : memref<256x64xf32, #tpu.memory_space<vmem>>) dst(%dma_wait3A_25 : memref<256x64xf32, #tpu.memory_space<hbm>>)
      tpu.yield
    }) : () -> ()
    %scan3A_11 = arith.constant 0 : i32
    %scan3A_12 = arith.constant 0 : i32
    %scan3A_13 = arith.constant 16 : i32
    %scan3A_14 = arith.addi %scan3A_12, %scan3A_13 : i32
    %scan3A_15 = arith.constant 1 : i32
    %scan3A_16 = scf.for %scan3A_20 = %scan3A_12 to %scan3A_14 step %scan3A_15 iter_args(%scan3A_21 = %scan3A_11) -> (i32)  : i32 {
      %mul3A_22 = arith.constant 16 : i32
      %mul3A_23 = arith.muli %scan3A_20, %mul3A_22 : i32
      %add3A_24 = arith.constant 256 : i32
      %add3A_25 = arith.addi %add3A_24, %mul3A_23 : i32
      %get3A = arith.index_cast %add3A_25 : i32 to index
      %get3A_26 = tpu.vector_load %arg7[%get3A] {strides = array<i32>} : memref<512xi32, #tpu.memory_space<vmem>>, vector<16xi32>,
      %mul3A_27 = arith.constant 16 : i32
      %mul3A_28 = arith.muli %scan3A_20, %mul3A_27 : i32
      %add3A_29 = arith.constant 256 : i32
      %add3A_30 = arith.addi %add3A_29, %mul3A_28 : i32
      %get3A_31 = arith.index_cast %add3A_30 : i32 to index
      %get3A_32 = tpu.vector_load %arg8[%get3A_31] {strides = array<i32>} : memref<512xi32, #tpu.memory_space<vmem>>, vector<16xi32>,
      %eq3A = arith.constant 0 : i32
      %eq3A_33 = vector.broadcast %eq3A : i32 to vector<16xi32>
      %eq3A_34 = arith.cmpi eq, %iota3A, %eq3A_33 : vector<16xi32>
      %jit3A = arith.constant 0 : i32
      %broadcast_in_dim3A = vector.broadcast %jit3A : i32 to vector<16xi32>
      %select_n3A = arith.select %eq3A_34, %get3A_26, %broadcast_in_dim3A : vector<16xi1>, vector<16xi32>
      %reduce_sum3A = arith.constant true
      %reduce_sum3A_35 = vector.broadcast %reduce_sum3A : i1 to vector<16xi1>
      %reduce_sum3A_36 = tpu.scan <sum>, %select_n3A masked %reduce_sum3A_35 : vector<16xi32>, vector<16xi1> -> vector<16xi32>
      %reduce_sum3A_37 = vector.extract %reduce_sum3A_36[15] : i32 from vector<16xi32>
      %eq3A_38 = arith.constant 0 : i32
      %eq3A_39 = vector.broadcast %eq3A_38 : i32 to vector<16xi32>
      %eq3A_40 = arith.cmpi eq, %iota3A, %eq3A_39 : vector<16xi32>
      %jit3A_41 = arith.constant 0 : i32
      %broadcast_in_dim3A_42 = vector.broadcast %jit3A_41 : i32 to vector<16xi32>
      %select_n3A_43 = arith.select %eq3A_40, %get3A_32, %broadcast_in_dim3A_42 : vector<16xi1>, vector<16xi32>
      %reduce_sum3A_44 = arith.constant true
      %reduce_sum3A_45 = vector.broadcast %reduce_sum3A_44 : i1 to vector<16xi1>
      %reduce_sum3A_46 = tpu.scan <sum>, %select_n3A_43 masked %reduce_sum3A_45 : vector<16xi32>, vector<16xi1> -> vector<16xi32>
      %reduce_sum3A_47 = vector.extract %reduce_sum3A_46[15] : i32 from vector<16xi32>
      %mul3A_48 = arith.constant 16 : i32
      %mul3A_49 = arith.muli %scan3A_20, %mul3A_48 : i32
      %add3A_50 = arith.constant 0 : i32
      %add3A_51 = arith.addi %mul3A_49, %add3A_50 : i32
      %shift_right_arithmetic3A = arith.constant 3 : i32
      %shift_right_arithmetic3A_52 = arith.shrsi %reduce_sum3A_37, %shift_right_arithmetic3A : i32
      %and3A = arith.constant 7 : i32
      %and3A_53 = arith.andi %reduce_sum3A_37, %and3A : i32
      %dma_start3A = arith.constant 0 : i32
      %dma_start3A_54 = tpu.memref_slice %arg9[%add3A_51, %dma_start3A] : memref<256x64xf32, #tpu.memory_space<vmem>> -> memref<1x64xf32, #tpu.memory_space<vmem>>
      %dma_start3A_55 = arith.constant 0 : i32
      %dma_start3A_56 = tpu.memref_slice %arg2[%shift_right_arithmetic3A_52, %and3A_53, %dma_start3A_55] : memref<125000x8x64xf32, #tpu.memory_space<hbm>> -> memref<1x1x64xf32, #tpu.memory_space<hbm>>
      %dma_start3A_57 = tpu.memref_squeeze %dma_start3A_56 : memref<1x1x64xf32, #tpu.memory_space<hbm>> -> memref<1x64xf32, #tpu.memory_space<hbm>>
      %dma_start3A_58 = arith.constant 0 : i32
      %dma_start3A_59 = tpu.memref_slice %arg9[%add3A_51, %dma_start3A_58] : memref<256x64xf32, #tpu.memory_space<vmem>> -> memref<1x64xf32, #tpu.memory_space<vmem>>
      %dma_start3A_60 = arith.constant 0 : i32
      %dma_start3A_61 = tpu.memref_slice %arg2[%shift_right_arithmetic3A_52, %and3A_53, %dma_start3A_60] : memref<125000x8x64xf32, #tpu.memory_space<hbm>> -> memref<1x1x64xf32, #tpu.memory_space<hbm>>
      %dma_start3A_62 = tpu.memref_squeeze %dma_start3A_61 : memref<1x1x64xf32, #tpu.memory_space<hbm>> -> memref<1x64xf32, #tpu.memory_space<hbm>>
      tpu.enqueue_dma source(%dma_start3A_62 : memref<1x64xf32, #tpu.memory_space<hbm>>) target(%dma_start3A_59 : memref<1x64xf32, #tpu.memory_space<vmem>>) target_semaphore(%arg11 : memref<!tpu.dma_semaphore, #tpu.memory_space<semaphore_mem>>)
      %shift_right_arithmetic3A_63 = arith.constant 3 : i32
      %shift_right_arithmetic3A_64 = arith.shrsi %reduce_sum3A_47, %shift_right_arithmetic3A_63 : i32
      %and3A_65 = arith.constant 7 : i32
      %and3A_66 = arith.andi %reduce_sum3A_47, %and3A_65 : i32
      %dma_start3A_67 = arith.constant 0 : i32
      %dma_start3A_68 = tpu.memref_slice %arg10[%add3A_51, %dma_start3A_67] : memref<256x64xf32, #tpu.memory_space<vmem>> -> memref<1x64xf32, #tpu.memory_space<vmem>>
      %dma_start3A_69 = arith.constant 0 : i32
      %dma_start3A_70 = tpu.memref_slice %arg2[%shift_right_arithmetic3A_64, %and3A_66, %dma_start3A_69] : memref<125000x8x64xf32, #tpu.memory_space<hbm>> -> memref<1x1x64xf32, #tpu.memory_space<hbm>>
      %dma_start3A_71 = tpu.memref_squeeze %dma_start3A_70 : memref<1x1x64xf32, #tpu.memory_space<hbm>> -> memref<1x64xf32, #tpu.memory_space<hbm>>
      %dma_start3A_72 = arith.constant 0 : i32
      %dma_start3A_73 = tpu.memref_slice %arg10[%add3A_51, %dma_start3A_72] : memref<256x64xf32, #tpu.memory_space<vmem>> -> memref<1x64xf32, #tpu.memory_space<vmem>>
      %dma_start3A_74 = arith.constant 0 : i32
      %dma_start3A_75 = tpu.memref_slice %arg2[%shift_right_arithmetic3A_64, %and3A_66, %dma_start3A_74] : memref<125000x8x64xf32, #tpu.memory_space<hbm>> -> memref<1x1x64xf32, #tpu.memory_space<hbm>>
      %dma_start3A_76 = tpu.memref_squeeze %dma_start3A_75 : memref<1x1x64xf32, #tpu.memory_space<hbm>> -> memref<1x64xf32, #tpu.memory_space<hbm>>
      tpu.enqueue_dma source(%dma_start3A_76 : memref<1x64xf32, #tpu.memory_space<hbm>>) target(%dma_start3A_73 : memref<1x64xf32, #tpu.memory_space<vmem>>) target_semaphore(%arg11 : memref<!tpu.dma_semaphore, #tpu.memory_space<semaphore_mem>>)
      %eq3A_77 = arith.constant 1 : i32
      %eq3A_78 = vector.broadcast %eq3A_77 : i32 to vector<16xi32>
      %eq3A_79 = arith.cmpi eq, %iota3A, %eq3A_78 : vector<16xi32>
      %jit3A_80 = arith.constant 0 : i32
      %broadcast_in_dim3A_81 = vector.broadcast %jit3A_80 : i32 to vector<16xi32>
      %select_n3A_82 = arith.select %eq3A_79, %get3A_26, %broadcast_in_dim3A_81 : vector<16xi1>, vector<16xi32>
      %reduce_sum3A_83 = arith.constant true
      %reduce_sum3A_84 = vector.broadcast %reduce_sum3A_83 : i1 to vector<16xi1>
      %reduce_sum3A_85 = tpu.scan <sum>, %select_n3A_82 masked %reduce_sum3A_84 : vector<16xi32>, vector<16xi1> -> vector<16xi32>
      %reduce_sum3A_86 = vector.extract %reduce_sum3A_85[15] : i32 from vector<16xi32>
      %eq3A_87 = arith.constant 1 : i32
      %eq3A_88 = vector.broadcast %eq3A_87 : i32 to vector<16xi32>
      %eq3A_89 = arith.cmpi eq, %iota3A, %eq3A_88 : vector<16xi32>
      %jit3A_90 = arith.constant 0 : i32
      %broadcast_in_dim3A_91 = vector.broadcast %jit3A_90 : i32 to vector<16xi32>
      %select_n3A_92 = arith.select %eq3A_89, %get3A_32, %broadcast_in_dim3A_91 : vector<16xi1>, vector<16xi32>
      %reduce_sum3A_93 = arith.constant true
      %reduce_sum3A_94 = vector.broadcast %reduce_sum3A_93 : i1 to vector<16xi1>
      %reduce_sum3A_95 = tpu.scan <sum>, %select_n3A_92 masked %reduce_sum3A_94 : vector<16xi32>, vector<16xi1> -> vector<16xi32>
      %reduce_sum3A_96 = vector.extract %reduce_sum3A_95[15] : i32 from vector<16xi32>
      %mul3A_97 = arith.constant 16 : i32
      %mul3A_98 = arith.muli %scan3A_20, %mul3A_97 : i32
      %add3A_99 = arith.constant 1 : i32
      %add3A_100 = arith.addi %mul3A_98, %add3A_99 : i32
      %shift_right_arithmetic3A_101 = arith.constant 3 : i32
      %shift_right_arithmetic3A_102 = arith.shrsi %reduce_sum3A_86, %shift_right_arithmetic3A_101 : i32
      %and3A_103 = arith.constant 7 : i32
      %and3A_104 = arith.andi %reduce_sum3A_86, %and3A_103 : i32
      %dma_start3A_105 = arith.constant 0 : i32
      %dma_start3A_106 = tpu.memref_slice %arg9[%add3A_100, %dma_start3A_105] : memref<256x64xf32, #tpu.memory_space<vmem>> -> memref<1x64xf32, #tpu.memory_space<vmem>>
      %dma_start3A_107 = arith.constant 0 : i32
      %dma_start3A_108 = tpu.memref_slice %arg2[%shift_right_arithmetic3A_102, %and3A_104, %dma_start3A_107] : memref<125000x8x64xf32, #tpu.memory_space<hbm>> -> memref<1x1x64xf32, #tpu.memory_space<hbm>>
      %dma_start3A_109 = tpu.memref_squeeze %dma_start3A_108 : memref<1x1x64xf32, #tpu.memory_space<hbm>> -> memref<1x64xf32, #tpu.memory_space<hbm>>
      %dma_start3A_110 = arith.constant 0 : i32
      %dma_start3A_111 = tpu.memref_slice %arg9[%add3A_100, %dma_start3A_110] : memref<256x64xf32, #tpu.memory_space<vmem>> -> memref<1x64xf32, #tpu.memory_space<vmem>>
      %dma_start3A_112 = arith.constant 0 : i32
      %dma_start3A_113 = tpu.memref_slice %arg2[%shift_right_arithmetic3A_102, %and3A_104, %dma_start3A_112] : memref<125000x8x64xf32, #tpu.memory_space<hbm>> -> memref<1x1x64xf32, #tpu.memory_space<hbm>>
      %dma_start3A_114 = tpu.memref_squeeze %dma_start3A_113 : memref<1x1x64xf32, #tpu.memory_space<hbm>> -> memref<1x64xf32, #tpu.memory_space<hbm>>
      tpu.enqueue_dma source(%dma_start3A_114 : memref<1x64xf32, #tpu.memory_space<hbm>>) target(%dma_start3A_111 : memref<1x64xf32, #tpu.memory_space<vmem>>) target_semaphore(%arg11 : memref<!tpu.dma_semaphore, #tpu.memory_space<semaphore_mem>>)
      %shift_right_arithmetic3A_115 = arith.constant 3 : i32
      %shift_right_arithmetic3A_116 = arith.shrsi %reduce_sum3A_96, %shift_right_arithmetic3A_115 : i32
      %and3A_117 = arith.constant 7 : i32
      %and3A_118 = arith.andi %reduce_sum3A_96, %and3A_117 : i32
      %dma_start3A_119 = arith.constant 0 : i32
      %dma_start3A_120 = tpu.memref_slice %arg10[%add3A_100, %dma_start3A_119] : memref<256x64xf32, #tpu.memory_space<vmem>> -> memref<1x64xf32, #tpu.memory_space<vmem>>
      %dma_start3A_121 = arith.constant 0 : i32
      %dma_start3A_122 = tpu.memref_slice %arg2[%shift_right_arithmetic3A_116, %and3A_118, %dma_start3A_121] : memref<125000x8x64xf32, #tpu.memory_space<hbm>> -> memref<1x1x64xf32, #tpu.memory_space<hbm>>
      %dma_start3A_123 = tpu.memref_squeeze %dma_start3A_122 : memref<1x1x64xf32, #tpu.memory_space<hbm>> -> memref<1x64xf32, #tpu.memory_space<hbm>>
      %dma_start3A_124 = arith.constant 0 : i32
      %dma_start3A_125 = tpu.memref_slice %arg10[%add3A_100, %dma_start3A_124] : memref<256x64xf32, #tpu.memory_space<vmem>> -> memref<1x64xf32, #tpu.memory_space<vmem>>
      %dma_start3A_126 = arith.constant 0 : i32
      %dma_start3A_127 = tpu.memref_slice %arg2[%shift_right_arithmetic3A_116, %and3A_118, %dma_start3A_126] : memref<125000x8x64xf32, #tpu.memory_space<hbm>> -> memref<1x1x64xf32, #tpu.memory_space<hbm>>
      %dma_start3A_128 = tpu.memref_squeeze %dma_start3A_127 : memref<1x1x64xf32, #tpu.memory_space<hbm>> -> memref<1x64xf32, #tpu.memory_space<hbm>>
      tpu.enqueue_dma source(%dma_start3A_128 : memref<1x64xf32, #tpu.memory_space<hbm>>) target(%dma_start3A_125 : memref<1x64xf32, #tpu.memory_space<vmem>>) target_semaphore(%arg11 : memref<!tpu.dma_semaphore, #tpu.memory_space<semaphore_mem>>)
      %eq3A_129 = arith.constant 2 : i32
      %eq3A_130 = vector.broadcast %eq3A_129 : i32 to vector<16xi32>
      %eq3A_131 = arith.cmpi eq, %iota3A, %eq3A_130 : vector<16xi32>
      %jit3A_132 = arith.constant 0 : i32
      %broadcast_in_dim3A_133 = vector.broadcast %jit3A_132 : i32 to vector<16xi32>
      %select_n3A_134 = arith.select %eq3A_131, %get3A_26, %broadcast_in_dim3A_133 : vector<16xi1>, vector<16xi32>
      %reduce_sum3A_135 = arith.constant true
      %reduce_sum3A_136 = vector.broadcast %reduce_sum3A_135 : i1 to vector<16xi1>
      %reduce_sum3A_137 = tpu.scan <sum>, %select_n3A_134 masked %reduce_sum3A_136 : vector<16xi32>, vector<16xi1> -> vector<16xi32>
      %reduce_sum3A_138 = vector.extract %reduce_sum3A_137[15] : i32 from vector<16xi32>
      %eq3A_139 = arith.constant 2 : i32
      %eq3A_140 = vector.broadcast %eq3A_139 : i32 to vector<16xi32>
      %eq3A_141 = arith.cmpi eq, %iota3A, %eq3A_140 : vector<16xi32>
      %jit3A_142 = arith.constant 0 : i32
      %broadcast_in_dim3A_143 = vector.broadcast %jit3A_142 : i32 to vector<16xi32>
      %select_n3A_144 = arith.select %eq3A_141, %get3A_32, %broadcast_in_dim3A_143 : vector<16xi1>, vector<16xi32>
      %reduce_sum3A_145 = arith.constant true
      %reduce_sum3A_146 = vector.broadcast %reduce_sum3A_145 : i1 to vector<16xi1>
      %reduce_sum3A_147 = tpu.scan <sum>, %select_n3A_144 masked %reduce_sum3A_146 : vector<16xi32>, vector<16xi1> -> vector<16xi32>
      %reduce_sum3A_148 = vector.extract %reduce_sum3A_147[15] : i32 from vector<16xi32>
      %mul3A_149 = arith.constant 16 : i32
      %mul3A_150 = arith.muli %scan3A_20, %mul3A_149 : i32
      %add3A_151 = arith.constant 2 : i32
      %add3A_152 = arith.addi %mul3A_150, %add3A_151 : i32
      %shift_right_arithmetic3A_153 = arith.constant 3 : i32
      %shift_right_arithmetic3A_154 = arith.shrsi %reduce_sum3A_138, %shift_right_arithmetic3A_153 : i32
      %and3A_155 = arith.constant 7 : i32
      %and3A_156 = arith.andi %reduce_sum3A_138, %and3A_155 : i32
      %dma_start3A_157 = arith.constant 0 : i32
      %dma_start3A_158 = tpu.memref_slice %arg9[%add3A_152, %dma_start3A_157] : memref<256x64xf32, #tpu.memory_space<vmem>> -> memref<1x64xf32, #tpu.memory_space<vmem>>
      %dma_start3A_159 = arith.constant 0 : i32
      %dma_start3A_160 = tpu.memref_slice %arg2[%shift_right_arithmetic3A_154, %and3A_156, %dma_start3A_159] : memref<125000x8x64xf32, #tpu.memory_space<hbm>> -> memref<1x1x64xf32, #tpu.memory_space<hbm>>
      %dma_start3A_161 = tpu.memref_squeeze %dma_start3A_160 : memref<1x1x64xf32, #tpu.memory_space<hbm>> -> memref<1x64xf32, #tpu.memory_space<hbm>>
      %dma_start3A_162 = arith.constant 0 : i32
      %dma_start3A_163 = tpu.memref_slice %arg9[%add3A_152, %dma_start3A_162] : memref<256x64xf32, #tpu.memory_space<vmem>> -> memref<1x64xf32, #tpu.memory_space<vmem>>
      %dma_start3A_164 = arith.constant 0 : i32
      %dma_start3A_165 = tpu.memref_slice %arg2[%shift_right_arithmetic3A_154, %and3A_156, %dma_start3A_164] : memref<125000x8x64xf32, #tpu.memory_space<hbm>> -> memref<1x1x64xf32, #tpu.memory_space<hbm>>
      %dma_start3A_166 = tpu.memref_squeeze %dma_start3A_165 : memref<1x1x64xf32, #tpu.memory_space<hbm>> -> memref<1x64xf32, #tpu.memory_space<hbm>>
      tpu.enqueue_dma source(%dma_start3A_166 : memref<1x64xf32, #tpu.memory_space<hbm>>) target(%dma_start3A_163 : memref<1x64xf32, #tpu.memory_space<vmem>>) target_semaphore(%arg11 : memref<!tpu.dma_semaphore, #tpu.memory_space<semaphore_mem>>)
      %shift_right_arithmetic3A_167 = arith.constant 3 : i32
      %shift_right_arithmetic3A_168 = arith.shrsi %reduce_sum3A_148, %shift_right_arithmetic3A_167 : i32
      %and3A_169 = arith.constant 7 : i32
      %and3A_170 = arith.andi %reduce_sum3A_148, %and3A_169 : i32
      %dma_start3A_171 = arith.constant 0 : i32
      %dma_start3A_172 = tpu.memref_slice %arg10[%add3A_152, %dma_start3A_171] : memref<256x64xf32, #tpu.memory_space<vmem>> -> memref<1x64xf32, #tpu.memory_space<vmem>>
      %dma_start3A_173 = arith.constant 0 : i32
      %dma_start3A_174 = tpu.memref_slice %arg2[%shift_right_arithmetic3A_168, %and3A_170, %dma_start3A_173] : memref<125000x8x64xf32, #tpu.memory_space<hbm>> -> memref<1x1x64xf32, #tpu.memory_space<hbm>>
      %dma_start3A_175 = tpu.memref_squeeze %dma_start3A_174 : memref<1x1x64xf32, #tpu.memory_space<hbm>> -> memref<1x64xf32, #tpu.memory_space<hbm>>
      %dma_start3A_176 = arith.constant 0 : i32
      %dma_start3A_177 = tpu.memref_slice %arg10[%add3A_152, %dma_start3A_176] : memref<256x64xf32, #tpu.memory_space<vmem>> -> memref<1x64xf32, #tpu.memory_space<vmem>>
      %dma_start3A_178 = arith.constant 0 : i32
      %dma_start3A_179 = tpu.memref_slice %arg2[%shift_right_arithmetic3A_168, %and3A_170, %dma_start3A_178] : memref<125000x8x64xf32, #tpu.memory_space<hbm>> -> memref<1x1x64xf32, #tpu.memory_space<hbm>>
      %dma_start3A_180 = tpu.memref_squeeze %dma_start3A_179 : memref<1x1x64xf32, #tpu.memory_space<hbm>> -> memref<1x64xf32, #tpu.memory_space<hbm>>
      tpu.enqueue_dma source(%dma_start3A_180 : memref<1x64xf32, #tpu.memory_space<hbm>>) target(%dma_start3A_177 : memref<1x64xf32, #tpu.memory_space<vmem>>) target_semaphore(%arg11 : memref<!tpu.dma_semaphore, #tpu.memory_space<semaphore_mem>>)
      %eq3A_181 = arith.constant 3 : i32
      %eq3A_182 = vector.broadcast %eq3A_181 : i32 to vector<16xi32>
      %eq3A_183 = arith.cmpi eq, %iota3A, %eq3A_182 : vector<16xi32>
      %jit3A_184 = arith.constant 0 : i32
      %broadcast_in_dim3A_185 = vector.broadcast %jit3A_184 : i32 to vector<16xi32>
      %select_n3A_186 = arith.select %eq3A_183, %get3A_26, %broadcast_in_dim3A_185 : vector<16xi1>, vector<16xi32>
      %reduce_sum3A_187 = arith.constant true
      %reduce_sum3A_188 = vector.broadcast %reduce_sum3A_187 : i1 to vector<16xi1>
      %reduce_sum3A_189 = tpu.scan <sum>, %select_n3A_186 masked %reduce_sum3A_188 : vector<16xi32>, vector<16xi1> -> vector<16xi32>
      %reduce_sum3A_190 = vector.extract %reduce_sum3A_189[15] : i32 from vector<16xi32>
      %eq3A_191 = arith.constant 3 : i32
      %eq3A_192 = vector.broadcast %eq3A_191 : i32 to vector<16xi32>
      %eq3A_193 = arith.cmpi eq, %iota3A, %eq3A_192 : vector<16xi32>
      %jit3A_194 = arith.constant 0 : i32
      %broadcast_in_dim3A_195 = vector.broadcast %jit3A_194 : i32 to vector<16xi32>
      %select_n3A_196 = arith.select %eq3A_193, %get3A_32, %broadcast_in_dim3A_195 : vector<16xi1>, vector<16xi32>
      %reduce_sum3A_197 = arith.constant true
      %reduce_sum3A_198 = vector.broadcast %reduce_sum3A_197 : i1 to vector<16xi1>
      %reduce_sum3A_199 = tpu.scan <sum>, %select_n3A_196 masked %reduce_sum3A_198 : vector<16xi32>, vector<16xi1> -> vector<16xi32>
      %reduce_sum3A_200 = vector.extract %reduce_sum3A_199[15] : i32 from vector<16xi32>
      %mul3A_201 = arith.constant 16 : i32
      %mul3A_202 = arith.muli %scan3A_20, %mul3A_201 : i32
      %add3A_203 = arith.constant 3 : i32
      %add3A_204 = arith.addi %mul3A_202, %add3A_203 : i32
      %shift_right_arithmetic3A_205 = arith.constant 3 : i32
      %shift_right_arithmetic3A_206 = arith.shrsi %reduce_sum3A_190, %shift_right_arithmetic3A_205 : i32
      %and3A_207 = arith.constant 7 : i32
      %and3A_208 = arith.andi %reduce_sum3A_190, %and3A_207 : i32
      %dma_start3A_209 = arith.constant 0 : i32
      %dma_start3A_210 = tpu.memref_slice %arg9[%add3A_204, %dma_start3A_209] : memref<256x64xf32, #tpu.memory_space<vmem>> -> memref<1x64xf32, #tpu.memory_space<vmem>>
      %dma_start3A_211 = arith.constant 0 : i32
      %dma_start3A_212 = tpu.memref_slice %arg2[%shift_right_arithmetic3A_206, %and3A_208, %dma_start3A_211] : memref<125000x8x64xf32, #tpu.memory_space<hbm>> -> memref<1x1x64xf32, #tpu.memory_space<hbm>>
      %dma_start3A_213 = tpu.memref_squeeze %dma_start3A_212 : memref<1x1x64xf32, #tpu.memory_space<hbm>> -> memref<1x64xf32, #tpu.memory_space<hbm>>
      %dma_start3A_214 = arith.constant 0 : i32
      %dma_start3A_215 = tpu.memref_slice %arg9[%add3A_204, %dma_start3A_214] : memref<256x64xf32, #tpu.memory_space<vmem>> -> memref<1x64xf32, #tpu.memory_space<vmem>>
      %dma_start3A_216 = arith.constant 0 : i32
      %dma_start3A_217 = tpu.memref_slice %arg2[%shift_right_arithmetic3A_206, %and3A_208, %dma_start3A_216] : memref<125000x8x64xf32, #tpu.memory_space<hbm>> -> memref<1x1x64xf32, #tpu.memory_space<hbm>>
      %dma_start3A_218 = tpu.memref_squeeze %dma_start3A_217 : memref<1x1x64xf32, #tpu.memory_space<hbm>> -> memref<1x64xf32, #tpu.memory_space<hbm>>
      tpu.enqueue_dma source(%dma_start3A_218 : memref<1x64xf32, #tpu.memory_space<hbm>>) target(%dma_start3A_215 : memref<1x64xf32, #tpu.memory_space<vmem>>) target_semaphore(%arg11 : memref<!tpu.dma_semaphore, #tpu.memory_space<semaphore_mem>>)
      %shift_right_arithmetic3A_219 = arith.constant 3 : i32
      %shift_right_arithmetic3A_220 = arith.shrsi %reduce_sum3A_200, %shift_right_arithmetic3A_219 : i32
      %and3A_221 = arith.constant 7 : i32
      %and3A_222 = arith.andi %reduce_sum3A_200, %and3A_221 : i32
      %dma_start3A_223 = arith.constant 0 : i32
      %dma_start3A_224 = tpu.memref_slice %arg10[%add3A_204, %dma_start3A_223] : memref<256x64xf32, #tpu.memory_space<vmem>> -> memref<1x64xf32, #tpu.memory_space<vmem>>
      %dma_start3A_225 = arith.constant 0 : i32
      %dma_start3A_226 = tpu.memref_slice %arg2[%shift_right_arithmetic3A_220, %and3A_222, %dma_start3A_225] : memref<125000x8x64xf32, #tpu.memory_space<hbm>> -> memref<1x1x64xf32, #tpu.memory_space<hbm>>
      %dma_start3A_227 = tpu.memref_squeeze %dma_start3A_226 : memref<1x1x64xf32, #tpu.memory_space<hbm>> -> memref<1x64xf32, #tpu.memory_space<hbm>>
      %dma_start3A_228 = arith.constant 0 : i32
      %dma_start3A_229 = tpu.memref_slice %arg10[%add3A_204, %dma_start3A_228] : memref<256x64xf32, #tpu.memory_space<vmem>> -> memref<1x64xf32, #tpu.memory_space<vmem>>
      %dma_start3A_230 = arith.constant 0 : i32
      %dma_start3A_231 = tpu.memref_slice %arg2[%shift_right_arithmetic3A_220, %and3A_222, %dma_start3A_230] : memref<125000x8x64xf32, #tpu.memory_space<hbm>> -> memref<1x1x64xf32, #tpu.memory_space<hbm>>
      %dma_start3A_232 = tpu.memref_squeeze %dma_start3A_231 : memref<1x1x64xf32, #tpu.memory_space<hbm>> -> memref<1x64xf32, #tpu.memory_space<hbm>>
      tpu.enqueue_dma source(%dma_start3A_232 : memref<1x64xf32, #tpu.memory_space<hbm>>) target(%dma_start3A_229 : memref<1x64xf32, #tpu.memory_space<vmem>>) target_semaphore(%arg11 : memref<!tpu.dma_semaphore, #tpu.memory_space<semaphore_mem>>)
      %eq3A_233 = arith.constant 4 : i32
      %eq3A_234 = vector.broadcast %eq3A_233 : i32 to vector<16xi32>
      %eq3A_235 = arith.cmpi eq, %iota3A, %eq3A_234 : vector<16xi32>
      %jit3A_236 = arith.constant 0 : i32
      %broadcast_in_dim3A_237 = vector.broadcast %jit3A_236 : i32 to vector<16xi32>
      %select_n3A_238 = arith.select %eq3A_235, %get3A_26, %broadcast_in_dim3A_237 : vector<16xi1>, vector<16xi32>
      %reduce_sum3A_239 = arith.constant true
      %reduce_sum3A_240 = vector.broadcast %reduce_sum3A_239 : i1 to vector<16xi1>
      %reduce_sum3A_241 = tpu.scan <sum>, %select_n3A_238 masked %reduce_sum3A_240 : vector<16xi32>, vector<16xi1> -> vector<16xi32>
      %reduce_sum3A_242 = vector.extract %reduce_sum3A_241[15] : i32 from vector<16xi32>
      %eq3A_243 = arith.constant 4 : i32
      %eq3A_244 = vector.broadcast %eq3A_243 : i32 to vector<16xi32>
      %eq3A_245 = arith.cmpi eq, %iota3A, %eq3A_244 : vector<16xi32>
      %jit3A_246 = arith.constant 0 : i32
      %broadcast_in_dim3A_247 = vector.broadcast %jit3A_246 : i32 to vector<16xi32>
      %select_n3A_248 = arith.select %eq3A_245, %get3A_32, %broadcast_in_dim3A_247 : vector<16xi1>, vector<16xi32>
      %reduce_sum3A_249 = arith.constant true
      %reduce_sum3A_250 = vector.broadcast %reduce_sum3A_249 : i1 to vector<16xi1>
      %reduce_sum3A_251 = tpu.scan <sum>, %select_n3A_248 masked %reduce_sum3A_250 : vector<16xi32>, vector<16xi1> -> vector<16xi32>
      %reduce_sum3A_252 = vector.extract %reduce_sum3A_251[15] : i32 from vector<16xi32>
      %mul3A_253 = arith.constant 16 : i32
      %mul3A_254 = arith.muli %scan3A_20, %mul3A_253 : i32
      %add3A_255 = arith.constant 4 : i32
      %add3A_256 = arith.addi %mul3A_254, %add3A_255 : i32
      %shift_right_arithmetic3A_257 = arith.constant 3 : i32
      %shift_right_arithmetic3A_258 = arith.shrsi %reduce_sum3A_242, %shift_right_arithmetic3A_257 : i32
      %and3A_259 = arith.constant 7 : i32
      %and3A_260 = arith.andi %reduce_sum3A_242, %and3A_259 : i32
      %dma_start3A_261 = arith.constant 0 : i32
      %dma_start3A_262 = tpu.memref_slice %arg9[%add3A_256, %dma_start3A_261] : memref<256x64xf32, #tpu.memory_space<vmem>> -> memref<1x64xf32, #tpu.memory_space<vmem>>
      %dma_start3A_263 = arith.constant 0 : i32
      %dma_start3A_264 = tpu.memref_slice %arg2[%shift_right_arithmetic3A_258, %and3A_260, %dma_start3A_263] : memref<125000x8x64xf32, #tpu.memory_space<hbm>> -> memref<1x1x64xf32, #tpu.memory_space<hbm>>
      %dma_start3A_265 = tpu.memref_squeeze %dma_start3A_264 : memref<1x1x64xf32, #tpu.memory_space<hbm>> -> memref<1x64xf32, #tpu.memory_space<hbm>>
      %dma_start3A_266 = arith.constant 0 : i32
      %dma_start3A_267 = tpu.memref_slice %arg9[%add3A_256, %dma_start3A_266] : memref<256x64xf32, #tpu.memory_space<vmem>> -> memref<1x64xf32, #tpu.memory_space<vmem>>
      %dma_start3A_268 = arith.constant 0 : i32
      %dma_start3A_269 = tpu.memref_slice %arg2[%shift_right_arithmetic3A_258, %and3A_260, %dma_start3A_268] : memref<125000x8x64xf32, #tpu.memory_space<hbm>> -> memref<1x1x64xf32, #tpu.memory_space<hbm>>
      %dma_start3A_270 = tpu.memref_squeeze %dma_start3A_269 : memref<1x1x64xf32, #tpu.memory_space<hbm>> -> memref<1x64xf32, #tpu.memory_space<hbm>>
      tpu.enqueue_dma source(%dma_start3A_270 : memref<1x64xf32, #tpu.memory_space<hbm>>) target(%dma_start3A_267 : memref<1x64xf32, #tpu.memory_space<vmem>>) target_semaphore(%arg11 : memref<!tpu.dma_semaphore, #tpu.memory_space<semaphore_mem>>)
      %shift_right_arithmetic3A_271 = arith.constant 3 : i32
      %shift_right_arithmetic3A_272 = arith.shrsi %reduce_sum3A_252, %shift_right_arithmetic3A_271 : i32
      %and3A_273 = arith.constant 7 : i32
      %and3A_274 = arith.andi %reduce_sum3A_252, %and3A_273 : i32
      %dma_start3A_275 = arith.constant 0 : i32
      %dma_start3A_276 = tpu.memref_slice %arg10[%add3A_256, %dma_start3A_275] : memref<256x64xf32, #tpu.memory_space<vmem>> -> memref<1x64xf32, #tpu.memory_space<vmem>>
      %dma_start3A_277 = arith.constant 0 : i32
      %dma_start3A_278 = tpu.memref_slice %arg2[%shift_right_arithmetic3A_272, %and3A_274, %dma_start3A_277] : memref<125000x8x64xf32, #tpu.memory_space<hbm>> -> memref<1x1x64xf32, #tpu.memory_space<hbm>>
      %dma_start3A_279 = tpu.memref_squeeze %dma_start3A_278 : memref<1x1x64xf32, #tpu.memory_space<hbm>> -> memref<1x64xf32, #tpu.memory_space<hbm>>
      %dma_start3A_280 = arith.constant 0 : i32
      %dma_start3A_281 = tpu.memref_slice %arg10[%add3A_256, %dma_start3A_280] : memref<256x64xf32, #tpu.memory_space<vmem>> -> memref<1x64xf32, #tpu.memory_space<vmem>>
      %dma_start3A_282 = arith.constant 0 : i32
      %dma_start3A_283 = tpu.memref_slice %arg2[%shift_right_arithmetic3A_272, %and3A_274, %dma_start3A_282] : memref<125000x8x64xf32, #tpu.memory_space<hbm>> -> memref<1x1x64xf32, #tpu.memory_space<hbm>>
      %dma_start3A_284 = tpu.memref_squeeze %dma_start3A_283 : memref<1x1x64xf32, #tpu.memory_space<hbm>> -> memref<1x64xf32, #tpu.memory_space<hbm>>
      tpu.enqueue_dma source(%dma_start3A_284 : memref<1x64xf32, #tpu.memory_space<hbm>>) target(%dma_start3A_281 : memref<1x64xf32, #tpu.memory_space<vmem>>) target_semaphore(%arg11 : memref<!tpu.dma_semaphore, #tpu.memory_space<semaphore_mem>>)
      %eq3A_285 = arith.constant 5 : i32
      %eq3A_286 = vector.broadcast %eq3A_285 : i32 to vector<16xi32>
      %eq3A_287 = arith.cmpi eq, %iota3A, %eq3A_286 : vector<16xi32>
      %jit3A_288 = arith.constant 0 : i32
      %broadcast_in_dim3A_289 = vector.broadcast %jit3A_288 : i32 to vector<16xi32>
      %select_n3A_290 = arith.select %eq3A_287, %get3A_26, %broadcast_in_dim3A_289 : vector<16xi1>, vector<16xi32>
      %reduce_sum3A_291 = arith.constant true
      %reduce_sum3A_292 = vector.broadcast %reduce_sum3A_291 : i1 to vector<16xi1>
      %reduce_sum3A_293 = tpu.scan <sum>, %select_n3A_290 masked %reduce_sum3A_292 : vector<16xi32>, vector<16xi1> -> vector<16xi32>
      %reduce_sum3A_294 = vector.extract %reduce_sum3A_293[15] : i32 from vector<16xi32>
      %eq3A_295 = arith.constant 5 : i32
      %eq3A_296 = vector.broadcast %eq3A_295 : i32 to vector<16xi32>
      %eq3A_297 = arith.cmpi eq, %iota3A, %eq3A_296 : vector<16xi32>
      %jit3A_298 = arith.constant 0 : i32
      %broadcast_in_dim3A_299 = vector.broadcast %jit3A_298 : i32 to vector<16xi32>
      %select_n3A_300 = arith.select %eq3A_297, %get3A_32, %broadcast_in_dim3A_299 : vector<16xi1>, vector<16xi32>
      %reduce_sum3A_301 = arith.constant true
      %reduce_sum3A_302 = vector.broadcast %reduce_sum3A_301 : i1 to vector<16xi1>
      %reduce_sum3A_303 = tpu.scan <sum>, %select_n3A_300 masked %reduce_sum3A_302 : vector<16xi32>, vector<16xi1> -> vector<16xi32>
      %reduce_sum3A_304 = vector.extract %reduce_sum3A_303[15] : i32 from vector<16xi32>
      %mul3A_305 = arith.constant 16 : i32
      %mul3A_306 = arith.muli %scan3A_20, %mul3A_305 : i32
      %add3A_307 = arith.constant 5 : i32
      %add3A_308 = arith.addi %mul3A_306, %add3A_307 : i32
      %shift_right_arithmetic3A_309 = arith.constant 3 : i32
      %shift_right_arithmetic3A_310 = arith.shrsi %reduce_sum3A_294, %shift_right_arithmetic3A_309 : i32
      %and3A_311 = arith.constant 7 : i32
      %and3A_312 = arith.andi %reduce_sum3A_294, %and3A_311 : i32
      %dma_start3A_313 = arith.constant 0 : i32
      %dma_start3A_314 = tpu.memref_slice %arg9[%add3A_308, %dma_start3A_313] : memref<256x64xf32, #tpu.memory_space<vmem>> -> memref<1x64xf32, #tpu.memory_space<vmem>>
      %dma_start3A_315 = arith.constant 0 : i32
      %dma_start3A_316 = tpu.memref_slice %arg2[%shift_right_arithmetic3A_310, %and3A_312, %dma_start3A_315] : memref<125000x8x64xf32, #tpu.memory_space<hbm>> -> memref<1x1x64xf32, #tpu.memory_space<hbm>>
      %dma_start3A_317 = tpu.memref_squeeze %dma_start3A_316 : memref<1x1x64xf32, #tpu.memory_space<hbm>> -> memref<1x64xf32, #tpu.memory_space<hbm>>
      %dma_start3A_318 = arith.constant 0 : i32
      %dma_start3A_319 = tpu.memref_slice %arg9[%add3A_308, %dma_start3A_318] : memref<256x64xf32, #tpu.memory_space<vmem>> -> memref<1x64xf32, #tpu.memory_space<vmem>>
      %dma_start3A_320 = arith.constant 0 : i32
      %dma_start3A_321 = tpu.memref_slice %arg2[%shift_right_arithmetic3A_310, %and3A_312, %dma_start3A_320] : memref<125000x8x64xf32, #tpu.memory_space<hbm>> -> memref<1x1x64xf32, #tpu.memory_space<hbm>>
      %dma_start3A_322 = tpu.memref_squeeze %dma_start3A_321 : memref<1x1x64xf32, #tpu.memory_space<hbm>> -> memref<1x64xf32, #tpu.memory_space<hbm>>
      tpu.enqueue_dma source(%dma_start3A_322 : memref<1x64xf32, #tpu.memory_space<hbm>>) target(%dma_start3A_319 : memref<1x64xf32, #tpu.memory_space<vmem>>) target_semaphore(%arg11 : memref<!tpu.dma_semaphore, #tpu.memory_space<semaphore_mem>>)
      %shift_right_arithmetic3A_323 = arith.constant 3 : i32
      %shift_right_arithmetic3A_324 = arith.shrsi %reduce_sum3A_304, %shift_right_arithmetic3A_323 : i32
      %and3A_325 = arith.constant 7 : i32
      %and3A_326 = arith.andi %reduce_sum3A_304, %and3A_325 : i32
      %dma_start3A_327 = arith.constant 0 : i32
      %dma_start3A_328 = tpu.memref_slice %arg10[%add3A_308, %dma_start3A_327] : memref<256x64xf32, #tpu.memory_space<vmem>> -> memref<1x64xf32, #tpu.memory_space<vmem>>
      %dma_start3A_329 = arith.constant 0 : i32
      %dma_start3A_330 = tpu.memref_slice %arg2[%shift_right_arithmetic3A_324, %and3A_326, %dma_start3A_329] : memref<125000x8x64xf32, #tpu.memory_space<hbm>> -> memref<1x1x64xf32, #tpu.memory_space<hbm>>
      %dma_start3A_331 = tpu.memref_squeeze %dma_start3A_330 : memref<1x1x64xf32, #tpu.memory_space<hbm>> -> memref<1x64xf32, #tpu.memory_space<hbm>>
      %dma_start3A_332 = arith.constant 0 : i32
      %dma_start3A_333 = tpu.memref_slice %arg10[%add3A_308, %dma_start3A_332] : memref<256x64xf32, #tpu.memory_space<vmem>> -> memref<1x64xf32, #tpu.memory_space<vmem>>
      %dma_start3A_334 = arith.constant 0 : i32
      %dma_start3A_335 = tpu.memref_slice %arg2[%shift_right_arithmetic3A_324, %and3A_326, %dma_start3A_334] : memref<125000x8x64xf32, #tpu.memory_space<hbm>> -> memref<1x1x64xf32, #tpu.memory_space<hbm>>
      %dma_start3A_336 = tpu.memref_squeeze %dma_start3A_335 : memref<1x1x64xf32, #tpu.memory_space<hbm>> -> memref<1x64xf32, #tpu.memory_space<hbm>>
      tpu.enqueue_dma source(%dma_start3A_336 : memref<1x64xf32, #tpu.memory_space<hbm>>) target(%dma_start3A_333 : memref<1x64xf32, #tpu.memory_space<vmem>>) target_semaphore(%arg11 : memref<!tpu.dma_semaphore, #tpu.memory_space<semaphore_mem>>)
      %eq3A_337 = arith.constant 6 : i32
      %eq3A_338 = vector.broadcast %eq3A_337 : i32 to vector<16xi32>
      %eq3A_339 = arith.cmpi eq, %iota3A, %eq3A_338 : vector<16xi32>
      %jit3A_340 = arith.constant 0 : i32
      %broadcast_in_dim3A_341 = vector.broadcast %jit3A_340 : i32 to vector<16xi32>
      %select_n3A_342 = arith.select %eq3A_339, %get3A_26, %broadcast_in_dim3A_341 : vector<16xi1>, vector<16xi32>
      %reduce_sum3A_343 = arith.constant true
      %reduce_sum3A_344 = vector.broadcast %reduce_sum3A_343 : i1 to vector<16xi1>
      %reduce_sum3A_345 = tpu.scan <sum>, %select_n3A_342 masked %reduce_sum3A_344 : vector<16xi32>, vector<16xi1> -> vector<16xi32>
      %reduce_sum3A_346 = vector.extract %reduce_sum3A_345[15] : i32 from vector<16xi32>
      %eq3A_347 = arith.constant 6 : i32
      %eq3A_348 = vector.broadcast %eq3A_347 : i32 to vector<16xi32>
      %eq3A_349 = arith.cmpi eq, %iota3A, %eq3A_348 : vector<16xi32>
      %jit3A_350 = arith.constant 0 : i32
      %broadcast_in_dim3A_351 = vector.broadcast %jit3A_350 : i32 to vector<16xi32>
      %select_n3A_352 = arith.select %eq3A_349, %get3A_32, %broadcast_in_dim3A_351 : vector<16xi1>, vector<16xi32>
      %reduce_sum3A_353 = arith.constant true
      %reduce_sum3A_354 = vector.broadcast %reduce_sum3A_353 : i1 to vector<16xi1>
      %reduce_sum3A_355 = tpu.scan <sum>, %select_n3A_352 masked %reduce_sum3A_354 : vector<16xi32>, vector<16xi1> -> vector<16xi32>
      %reduce_sum3A_356 = vector.extract %reduce_sum3A_355[15] : i32 from vector<16xi32>
      %mul3A_357 = arith.constant 16 : i32
      %mul3A_358 = arith.muli %scan3A_20, %mul3A_357 : i32
      %add3A_359 = arith.constant 6 : i32
      %add3A_360 = arith.addi %mul3A_358, %add3A_359 : i32
      %shift_right_arithmetic3A_361 = arith.constant 3 : i32
      %shift_right_arithmetic3A_362 = arith.shrsi %reduce_sum3A_346, %shift_right_arithmetic3A_361 : i32
      %and3A_363 = arith.constant 7 : i32
      %and3A_364 = arith.andi %reduce_sum3A_346, %and3A_363 : i32
      %dma_start3A_365 = arith.constant 0 : i32
      %dma_start3A_366 = tpu.memref_slice %arg9[%add3A_360, %dma_start3A_365] : memref<256x64xf32, #tpu.memory_space<vmem>> -> memref<1x64xf32, #tpu.memory_space<vmem>>
      %dma_start3A_367 = arith.constant 0 : i32
      %dma_start3A_368 = tpu.memref_slice %arg2[%shift_right_arithmetic3A_362, %and3A_364, %dma_start3A_367] : memref<125000x8x64xf32, #tpu.memory_space<hbm>> -> memref<1x1x64xf32, #tpu.memory_space<hbm>>
      %dma_start3A_369 = tpu.memref_squeeze %dma_start3A_368 : memref<1x1x64xf32, #tpu.memory_space<hbm>> -> memref<1x64xf32, #tpu.memory_space<hbm>>
      %dma_start3A_370 = arith.constant 0 : i32
      %dma_start3A_371 = tpu.memref_slice %arg9[%add3A_360, %dma_start3A_370] : memref<256x64xf32, #tpu.memory_space<vmem>> -> memref<1x64xf32, #tpu.memory_space<vmem>>
      %dma_start3A_372 = arith.constant 0 : i32
      %dma_start3A_373 = tpu.memref_slice %arg2[%shift_right_arithmetic3A_362, %and3A_364, %dma_start3A_372] : memref<125000x8x64xf32, #tpu.memory_space<hbm>> -> memref<1x1x64xf32, #tpu.memory_space<hbm>>
      %dma_start3A_374 = tpu.memref_squeeze %dma_start3A_373 : memref<1x1x64xf32, #tpu.memory_space<hbm>> -> memref<1x64xf32, #tpu.memory_space<hbm>>
      tpu.enqueue_dma source(%dma_start3A_374 : memref<1x64xf32, #tpu.memory_space<hbm>>) target(%dma_start3A_371 : memref<1x64xf32, #tpu.memory_space<vmem>>) target_semaphore(%arg11 : memref<!tpu.dma_semaphore, #tpu.memory_space<semaphore_mem>>)
      %shift_right_arithmetic3A_375 = arith.constant 3 : i32
      %shift_right_arithmetic3A_376 = arith.shrsi %reduce_sum3A_356, %shift_right_arithmetic3A_375 : i32
      %and3A_377 = arith.constant 7 : i32
      %and3A_378 = arith.andi %reduce_sum3A_356, %and3A_377 : i32
      %dma_start3A_379 = arith.constant 0 : i32
      %dma_start3A_380 = tpu.memref_slice %arg10[%add3A_360, %dma_start3A_379] : memref<256x64xf32, #tpu.memory_space<vmem>> -> memref<1x64xf32, #tpu.memory_space<vmem>>
      %dma_start3A_381 = arith.constant 0 : i32
      %dma_start3A_382 = tpu.memref_slice %arg2[%shift_right_arithmetic3A_376, %and3A_378, %dma_start3A_381] : memref<125000x8x64xf32, #tpu.memory_space<hbm>> -> memref<1x1x64xf32, #tpu.memory_space<hbm>>
      %dma_start3A_383 = tpu.memref_squeeze %dma_start3A_382 : memref<1x1x64xf32, #tpu.memory_space<hbm>> -> memref<1x64xf32, #tpu.memory_space<hbm>>
      %dma_start3A_384 = arith.constant 0 : i32
      %dma_start3A_385 = tpu.memref_slice %arg10[%add3A_360, %dma_start3A_384] : memref<256x64xf32, #tpu.memory_space<vmem>> -> memref<1x64xf32, #tpu.memory_space<vmem>>
      %dma_start3A_386 = arith.constant 0 : i32
      %dma_start3A_387 = tpu.memref_slice %arg2[%shift_right_arithmetic3A_376, %and3A_378, %dma_start3A_386] : memref<125000x8x64xf32, #tpu.memory_space<hbm>> -> memref<1x1x64xf32, #tpu.memory_space<hbm>>
      %dma_start3A_388 = tpu.memref_squeeze %dma_start3A_387 : memref<1x1x64xf32, #tpu.memory_space<hbm>> -> memref<1x64xf32, #tpu.memory_space<hbm>>
      tpu.enqueue_dma source(%dma_start3A_388 : memref<1x64xf32, #tpu.memory_space<hbm>>) target(%dma_start3A_385 : memref<1x64xf32, #tpu.memory_space<vmem>>) target_semaphore(%arg11 : memref<!tpu.dma_semaphore, #tpu.memory_space<semaphore_mem>>)
      %eq3A_389 = arith.constant 7 : i32
      %eq3A_390 = vector.broadcast %eq3A_389 : i32 to vector<16xi32>
      %eq3A_391 = arith.cmpi eq, %iota3A, %eq3A_390 : vector<16xi32>
      %jit3A_392 = arith.constant 0 : i32
      %broadcast_in_dim3A_393 = vector.broadcast %jit3A_392 : i32 to vector<16xi32>
      %select_n3A_394 = arith.select %eq3A_391, %get3A_26, %broadcast_in_dim3A_393 : vector<16xi1>, vector<16xi32>
      %reduce_sum3A_395 = arith.constant true
      %reduce_sum3A_396 = vector.broadcast %reduce_sum3A_395 : i1 to vector<16xi1>
      %reduce_sum3A_397 = tpu.scan <sum>, %select_n3A_394 masked %reduce_sum3A_396 : vector<16xi32>, vector<16xi1> -> vector<16xi32>
      %reduce_sum3A_398 = vector.extract %reduce_sum3A_397[15] : i32 from vector<16xi32>
      %eq3A_399 = arith.constant 7 : i32
      %eq3A_400 = vector.broadcast %eq3A_399 : i32 to vector<16xi32>
      %eq3A_401 = arith.cmpi eq, %iota3A, %eq3A_400 : vector<16xi32>
      %jit3A_402 = arith.constant 0 : i32
      %broadcast_in_dim3A_403 = vector.broadcast %jit3A_402 : i32 to vector<16xi32>
      %select_n3A_404 = arith.select %eq3A_401, %get3A_32, %broadcast_in_dim3A_403 : vector<16xi1>, vector<16xi32>
      %reduce_sum3A_405 = arith.constant true
      %reduce_sum3A_406 = vector.broadcast %reduce_sum3A_405 : i1 to vector<16xi1>
      %reduce_sum3A_407 = tpu.scan <sum>, %select_n3A_404 masked %reduce_sum3A_406 : vector<16xi32>, vector<16xi1> -> vector<16xi32>
      %reduce_sum3A_408 = vector.extract %reduce_sum3A_407[15] : i32 from vector<16xi32>
      %mul3A_409 = arith.constant 16 : i32
      %mul3A_410 = arith.muli %scan3A_20, %mul3A_409 : i32
      %add3A_411 = arith.constant 7 : i32
      %add3A_412 = arith.addi %mul3A_410, %add3A_411 : i32
      %shift_right_arithmetic3A_413 = arith.constant 3 : i32
      %shift_right_arithmetic3A_414 = arith.shrsi %reduce_sum3A_398, %shift_right_arithmetic3A_413 : i32
      %and3A_415 = arith.constant 7 : i32
      %and3A_416 = arith.andi %reduce_sum3A_398, %and3A_415 : i32
      %dma_start3A_417 = arith.constant 0 : i32
      %dma_start3A_418 = tpu.memref_slice %arg9[%add3A_412, %dma_start3A_417] : memref<256x64xf32, #tpu.memory_space<vmem>> -> memref<1x64xf32, #tpu.memory_space<vmem>>
      %dma_start3A_419 = arith.constant 0 : i32
      %dma_start3A_420 = tpu.memref_slice %arg2[%shift_right_arithmetic3A_414, %and3A_416, %dma_start3A_419] : memref<125000x8x64xf32, #tpu.memory_space<hbm>> -> memref<1x1x64xf32, #tpu.memory_space<hbm>>
      %dma_start3A_421 = tpu.memref_squeeze %dma_start3A_420 : memref<1x1x64xf32, #tpu.memory_space<hbm>> -> memref<1x64xf32, #tpu.memory_space<hbm>>
      %dma_start3A_422 = arith.constant 0 : i32
      %dma_start3A_423 = tpu.memref_slice %arg9[%add3A_412, %dma_start3A_422] : memref<256x64xf32, #tpu.memory_space<vmem>> -> memref<1x64xf32, #tpu.memory_space<vmem>>
      %dma_start3A_424 = arith.constant 0 : i32
      %dma_start3A_425 = tpu.memref_slice %arg2[%shift_right_arithmetic3A_414, %and3A_416, %dma_start3A_424] : memref<125000x8x64xf32, #tpu.memory_space<hbm>> -> memref<1x1x64xf32, #tpu.memory_space<hbm>>
      %dma_start3A_426 = tpu.memref_squeeze %dma_start3A_425 : memref<1x1x64xf32, #tpu.memory_space<hbm>> -> memref<1x64xf32, #tpu.memory_space<hbm>>
      tpu.enqueue_dma source(%dma_start3A_426 : memref<1x64xf32, #tpu.memory_space<hbm>>) target(%dma_start3A_423 : memref<1x64xf32, #tpu.memory_space<vmem>>) target_semaphore(%arg11 : memref<!tpu.dma_semaphore, #tpu.memory_space<semaphore_mem>>)
      %shift_right_arithmetic3A_427 = arith.constant 3 : i32
      %shift_right_arithmetic3A_428 = arith.shrsi %reduce_sum3A_408, %shift_right_arithmetic3A_427 : i32
      %and3A_429 = arith.constant 7 : i32
      %and3A_430 = arith.andi %reduce_sum3A_408, %and3A_429 : i32
      %dma_start3A_431 = arith.constant 0 : i32
      %dma_start3A_432 = tpu.memref_slice %arg10[%add3A_412, %dma_start3A_431] : memref<256x64xf32, #tpu.memory_space<vmem>> -> memref<1x64xf32, #tpu.memory_space<vmem>>
      %dma_start3A_433 = arith.constant 0 : i32
      %dma_start3A_434 = tpu.memref_slice %arg2[%shift_right_arithmetic3A_428, %and3A_430, %dma_start3A_433] : memref<125000x8x64xf32, #tpu.memory_space<hbm>> -> memref<1x1x64xf32, #tpu.memory_space<hbm>>
      %dma_start3A_435 = tpu.memref_squeeze %dma_start3A_434 : memref<1x1x64xf32, #tpu.memory_space<hbm>> -> memref<1x64xf32, #tpu.memory_space<hbm>>
      %dma_start3A_436 = arith.constant 0 : i32
      %dma_start3A_437 = tpu.memref_slice %arg10[%add3A_412, %dma_start3A_436] : memref<256x64xf32, #tpu.memory_space<vmem>> -> memref<1x64xf32, #tpu.memory_space<vmem>>
      %dma_start3A_438 = arith.constant 0 : i32
      %dma_start3A_439 = tpu.memref_slice %arg2[%shift_right_arithmetic3A_428, %and3A_430, %dma_start3A_438] : memref<125000x8x64xf32, #tpu.memory_space<hbm>> -> memref<1x1x64xf32, #tpu.memory_space<hbm>>
      %dma_start3A_440 = tpu.memref_squeeze %dma_start3A_439 : memref<1x1x64xf32, #tpu.memory_space<hbm>> -> memref<1x64xf32, #tpu.memory_space<hbm>>
      tpu.enqueue_dma source(%dma_start3A_440 : memref<1x64xf32, #tpu.memory_space<hbm>>) target(%dma_start3A_437 : memref<1x64xf32, #tpu.memory_space<vmem>>) target_semaphore(%arg11 : memref<!tpu.dma_semaphore, #tpu.memory_space<semaphore_mem>>)
      %eq3A_441 = arith.constant 8 : i32
      %eq3A_442 = vector.broadcast %eq3A_441 : i32 to vector<16xi32>
      %eq3A_443 = arith.cmpi eq, %iota3A, %eq3A_442 : vector<16xi32>
      %jit3A_444 = arith.constant 0 : i32
      %broadcast_in_dim3A_445 = vector.broadcast %jit3A_444 : i32 to vector<16xi32>
      %select_n3A_446 = arith.select %eq3A_443, %get3A_26, %broadcast_in_dim3A_445 : vector<16xi1>, vector<16xi32>
      %reduce_sum3A_447 = arith.constant true
      %reduce_sum3A_448 = vector.broadcast %reduce_sum3A_447 : i1 to vector<16xi1>
      %reduce_sum3A_449 = tpu.scan <sum>, %select_n3A_446 masked %reduce_sum3A_448 : vector<16xi32>, vector<16xi1> -> vector<16xi32>
      %reduce_sum3A_450 = vector.extract %reduce_sum3A_449[15] : i32 from vector<16xi32>
      %eq3A_451 = arith.constant 8 : i32
      %eq3A_452 = vector.broadcast %eq3A_451 : i32 to vector<16xi32>
      %eq3A_453 = arith.cmpi eq, %iota3A, %eq3A_452 : vector<16xi32>
      %jit3A_454 = arith.constant 0 : i32
      %broadcast_in_dim3A_455 = vector.broadcast %jit3A_454 : i32 to vector<16xi32>
      %select_n3A_456 = arith.select %eq3A_453, %get3A_32, %broadcast_in_dim3A_455 : vector<16xi1>, vector<16xi32>
      %reduce_sum3A_457 = arith.constant true
      %reduce_sum3A_458 = vector.broadcast %reduce_sum3A_457 : i1 to vector<16xi1>
      %reduce_sum3A_459 = tpu.scan <sum>, %select_n3A_456 masked %reduce_sum3A_458 : vector<16xi32>, vector<16xi1> -> vector<16xi32>
      %reduce_sum3A_460 = vector.extract %reduce_sum3A_459[15] : i32 from vector<16xi32>
      %mul3A_461 = arith.constant 16 : i32
      %mul3A_462 = arith.muli %scan3A_20, %mul3A_461 : i32
      %add3A_463 = arith.constant 8 : i32
      %add3A_464 = arith.addi %mul3A_462, %add3A_463 : i32
      %shift_right_arithmetic3A_465 = arith.constant 3 : i32
      %shift_right_arithmetic3A_466 = arith.shrsi %reduce_sum3A_450, %shift_right_arithmetic3A_465 : i32
      %and3A_467 = arith.constant 7 : i32
      %and3A_468 = arith.andi %reduce_sum3A_450, %and3A_467 : i32
      %dma_start3A_469 = arith.constant 0 : i32
      %dma_start3A_470 = tpu.memref_slice %arg9[%add3A_464, %dma_start3A_469] : memref<256x64xf32, #tpu.memory_space<vmem>> -> memref<1x64xf32, #tpu.memory_space<vmem>>
      %dma_start3A_471 = arith.constant 0 : i32
      %dma_start3A_472 = tpu.memref_slice %arg2[%shift_right_arithmetic3A_466, %and3A_468, %dma_start3A_471] : memref<125000x8x64xf32, #tpu.memory_space<hbm>> -> memref<1x1x64xf32, #tpu.memory_space<hbm>>
      %dma_start3A_473 = tpu.memref_squeeze %dma_start3A_472 : memref<1x1x64xf32, #tpu.memory_space<hbm>> -> memref<1x64xf32, #tpu.memory_space<hbm>>
      %dma_start3A_474 = arith.constant 0 : i32
      %dma_start3A_475 = tpu.memref_slice %arg9[%add3A_464, %dma_start3A_474] : memref<256x64xf32, #tpu.memory_space<vmem>> -> memref<1x64xf32, #tpu.memory_space<vmem>>
      %dma_start3A_476 = arith.constant 0 : i32
      %dma_start3A_477 = tpu.memref_slice %arg2[%shift_right_arithmetic3A_466, %and3A_468, %dma_start3A_476] : memref<125000x8x64xf32, #tpu.memory_space<hbm>> -> memref<1x1x64xf32, #tpu.memory_space<hbm>>
      %dma_start3A_478 = tpu.memref_squeeze %dma_start3A_477 : memref<1x1x64xf32, #tpu.memory_space<hbm>> -> memref<1x64xf32, #tpu.memory_space<hbm>>
      tpu.enqueue_dma source(%dma_start3A_478 : memref<1x64xf32, #tpu.memory_space<hbm>>) target(%dma_start3A_475 : memref<1x64xf32, #tpu.memory_space<vmem>>) target_semaphore(%arg11 : memref<!tpu.dma_semaphore, #tpu.memory_space<semaphore_mem>>)
      %shift_right_arithmetic3A_479 = arith.constant 3 : i32
      %shift_right_arithmetic3A_480 = arith.shrsi %reduce_sum3A_460, %shift_right_arithmetic3A_479 : i32
      %and3A_481 = arith.constant 7 : i32
      %and3A_482 = arith.andi %reduce_sum3A_460, %and3A_481 : i32
      %dma_start3A_483 = arith.constant 0 : i32
      %dma_start3A_484 = tpu.memref_slice %arg10[%add3A_464, %dma_start3A_483] : memref<256x64xf32, #tpu.memory_space<vmem>> -> memref<1x64xf32, #tpu.memory_space<vmem>>
      %dma_start3A_485 = arith.constant 0 : i32
      %dma_start3A_486 = tpu.memref_slice %arg2[%shift_right_arithmetic3A_480, %and3A_482, %dma_start3A_485] : memref<125000x8x64xf32, #tpu.memory_space<hbm>> -> memref<1x1x64xf32, #tpu.memory_space<hbm>>
      %dma_start3A_487 = tpu.memref_squeeze %dma_start3A_486 : memref<1x1x64xf32, #tpu.memory_space<hbm>> -> memref<1x64xf32, #tpu.memory_space<hbm>>
      %dma_start3A_488 = arith.constant 0 : i32
      %dma_start3A_489 = tpu.memref_slice %arg10[%add3A_464, %dma_start3A_488] : memref<256x64xf32, #tpu.memory_space<vmem>> -> memref<1x64xf32, #tpu.memory_space<vmem>>
      %dma_start3A_490 = arith.constant 0 : i32
      %dma_start3A_491 = tpu.memref_slice %arg2[%shift_right_arithmetic3A_480, %and3A_482, %dma_start3A_490] : memref<125000x8x64xf32, #tpu.memory_space<hbm>> -> memref<1x1x64xf32, #tpu.memory_space<hbm>>
      %dma_start3A_492 = tpu.memref_squeeze %dma_start3A_491 : memref<1x1x64xf32, #tpu.memory_space<hbm>> -> memref<1x64xf32, #tpu.memory_space<hbm>>
      tpu.enqueue_dma source(%dma_start3A_492 : memref<1x64xf32, #tpu.memory_space<hbm>>) target(%dma_start3A_489 : memref<1x64xf32, #tpu.memory_space<vmem>>) target_semaphore(%arg11 : memref<!tpu.dma_semaphore, #tpu.memory_space<semaphore_mem>>)
      %eq3A_493 = arith.constant 9 : i32
      %eq3A_494 = vector.broadcast %eq3A_493 : i32 to vector<16xi32>
      %eq3A_495 = arith.cmpi eq, %iota3A, %eq3A_494 : vector<16xi32>
      %jit3A_496 = arith.constant 0 : i32
      %broadcast_in_dim3A_497 = vector.broadcast %jit3A_496 : i32 to vector<16xi32>
      %select_n3A_498 = arith.select %eq3A_495, %get3A_26, %broadcast_in_dim3A_497 : vector<16xi1>, vector<16xi32>
      %reduce_sum3A_499 = arith.constant true
      %reduce_sum3A_500 = vector.broadcast %reduce_sum3A_499 : i1 to vector<16xi1>
      %reduce_sum3A_501 = tpu.scan <sum>, %select_n3A_498 masked %reduce_sum3A_500 : vector<16xi32>, vector<16xi1> -> vector<16xi32>
      %reduce_sum3A_502 = vector.extract %reduce_sum3A_501[15] : i32 from vector<16xi32>
      %eq3A_503 = arith.constant 9 : i32
      %eq3A_504 = vector.broadcast %eq3A_503 : i32 to vector<16xi32>
      %eq3A_505 = arith.cmpi eq, %iota3A, %eq3A_504 : vector<16xi32>
      %jit3A_506 = arith.constant 0 : i32
      %broadcast_in_dim3A_507 = vector.broadcast %jit3A_506 : i32 to vector<16xi32>
      %select_n3A_508 = arith.select %eq3A_505, %get3A_32, %broadcast_in_dim3A_507 : vector<16xi1>, vector<16xi32>
      %reduce_sum3A_509 = arith.constant true
      %reduce_sum3A_510 = vector.broadcast %reduce_sum3A_509 : i1 to vector<16xi1>
      %reduce_sum3A_511 = tpu.scan <sum>, %select_n3A_508 masked %reduce_sum3A_510 : vector<16xi32>, vector<16xi1> -> vector<16xi32>
      %reduce_sum3A_512 = vector.extract %reduce_sum3A_511[15] : i32 from vector<16xi32>
      %mul3A_513 = arith.constant 16 : i32
      %mul3A_514 = arith.muli %scan3A_20, %mul3A_513 : i32
      %add3A_515 = arith.constant 9 : i32
      %add3A_516 = arith.addi %mul3A_514, %add3A_515 : i32
      %shift_right_arithmetic3A_517 = arith.constant 3 : i32
      %shift_right_arithmetic3A_518 = arith.shrsi %reduce_sum3A_502, %shift_right_arithmetic3A_517 : i32
      %and3A_519 = arith.constant 7 : i32
      %and3A_520 = arith.andi %reduce_sum3A_502, %and3A_519 : i32
      %dma_start3A_521 = arith.constant 0 : i32
      %dma_start3A_522 = tpu.memref_slice %arg9[%add3A_516, %dma_start3A_521] : memref<256x64xf32, #tpu.memory_space<vmem>> -> memref<1x64xf32, #tpu.memory_space<vmem>>
      %dma_start3A_523 = arith.constant 0 : i32
      %dma_start3A_524 = tpu.memref_slice %arg2[%shift_right_arithmetic3A_518, %and3A_520, %dma_start3A_523] : memref<125000x8x64xf32, #tpu.memory_space<hbm>> -> memref<1x1x64xf32, #tpu.memory_space<hbm>>
      %dma_start3A_525 = tpu.memref_squeeze %dma_start3A_524 : memref<1x1x64xf32, #tpu.memory_space<hbm>> -> memref<1x64xf32, #tpu.memory_space<hbm>>
      %dma_start3A_526 = arith.constant 0 : i32
      %dma_start3A_527 = tpu.memref_slice %arg9[%add3A_516, %dma_start3A_526] : memref<256x64xf32, #tpu.memory_space<vmem>> -> memref<1x64xf32, #tpu.memory_space<vmem>>
      %dma_start3A_528 = arith.constant 0 : i32
      %dma_start3A_529 = tpu.memref_slice %arg2[%shift_right_arithmetic3A_518, %and3A_520, %dma_start3A_528] : memref<125000x8x64xf32, #tpu.memory_space<hbm>> -> memref<1x1x64xf32, #tpu.memory_space<hbm>>
      %dma_start3A_530 = tpu.memref_squeeze %dma_start3A_529 : memref<1x1x64xf32, #tpu.memory_space<hbm>> -> memref<1x64xf32, #tpu.memory_space<hbm>>
      tpu.enqueue_dma source(%dma_start3A_530 : memref<1x64xf32, #tpu.memory_space<hbm>>) target(%dma_start3A_527 : memref<1x64xf32, #tpu.memory_space<vmem>>) target_semaphore(%arg11 : memref<!tpu.dma_semaphore, #tpu.memory_space<semaphore_mem>>)
      %shift_right_arithmetic3A_531 = arith.constant 3 : i32
      %shift_right_arithmetic3A_532 = arith.shrsi %reduce_sum3A_512, %shift_right_arithmetic3A_531 : i32
      %and3A_533 = arith.constant 7 : i32
      %and3A_534 = arith.andi %reduce_sum3A_512, %and3A_533 : i32
      %dma_start3A_535 = arith.constant 0 : i32
      %dma_start3A_536 = tpu.memref_slice %arg10[%add3A_516, %dma_start3A_535] : memref<256x64xf32, #tpu.memory_space<vmem>> -> memref<1x64xf32, #tpu.memory_space<vmem>>
      %dma_start3A_537 = arith.constant 0 : i32
      %dma_start3A_538 = tpu.memref_slice %arg2[%shift_right_arithmetic3A_532, %and3A_534, %dma_start3A_537] : memref<125000x8x64xf32, #tpu.memory_space<hbm>> -> memref<1x1x64xf32, #tpu.memory_space<hbm>>
      %dma_start3A_539 = tpu.memref_squeeze %dma_start3A_538 : memref<1x1x64xf32, #tpu.memory_space<hbm>> -> memref<1x64xf32, #tpu.memory_space<hbm>>
      %dma_start3A_540 = arith.constant 0 : i32
      %dma_start3A_541 = tpu.memref_slice %arg10[%add3A_516, %dma_start3A_540] : memref<256x64xf32, #tpu.memory_space<vmem>> -> memref<1x64xf32, #tpu.memory_space<vmem>>
      %dma_start3A_542 = arith.constant 0 : i32
      %dma_start3A_543 = tpu.memref_slice %arg2[%shift_right_arithmetic3A_532, %and3A_534, %dma_start3A_542] : memref<125000x8x64xf32, #tpu.memory_space<hbm>> -> memref<1x1x64xf32, #tpu.memory_space<hbm>>
      %dma_start3A_544 = tpu.memref_squeeze %dma_start3A_543 : memref<1x1x64xf32, #tpu.memory_space<hbm>> -> memref<1x64xf32, #tpu.memory_space<hbm>>
      tpu.enqueue_dma source(%dma_start3A_544 : memref<1x64xf32, #tpu.memory_space<hbm>>) target(%dma_start3A_541 : memref<1x64xf32, #tpu.memory_space<vmem>>) target_semaphore(%arg11 : memref<!tpu.dma_semaphore, #tpu.memory_space<semaphore_mem>>)
      %eq3A_545 = arith.constant 10 : i32
      %eq3A_546 = vector.broadcast %eq3A_545 : i32 to vector<16xi32>
      %eq3A_547 = arith.cmpi eq, %iota3A, %eq3A_546 : vector<16xi32>
      %jit3A_548 = arith.constant 0 : i32
      %broadcast_in_dim3A_549 = vector.broadcast %jit3A_548 : i32 to vector<16xi32>
      %select_n3A_550 = arith.select %eq3A_547, %get3A_26, %broadcast_in_dim3A_549 : vector<16xi1>, vector<16xi32>
      %reduce_sum3A_551 = arith.constant true
      %reduce_sum3A_552 = vector.broadcast %reduce_sum3A_551 : i1 to vector<16xi1>
      %reduce_sum3A_553 = tpu.scan <sum>, %select_n3A_550 masked %reduce_sum3A_552 : vector<16xi32>, vector<16xi1> -> vector<16xi32>
      %reduce_sum3A_554 = vector.extract %reduce_sum3A_553[15] : i32 from vector<16xi32>
      %eq3A_555 = arith.constant 10 : i32
      %eq3A_556 = vector.broadcast %eq3A_555 : i32 to vector<16xi32>
      %eq3A_557 = arith.cmpi eq, %iota3A, %eq3A_556 : vector<16xi32>
      %jit3A_558 = arith.constant 0 : i32
      %broadcast_in_dim3A_559 = vector.broadcast %jit3A_558 : i32 to vector<16xi32>
      %select_n3A_560 = arith.select %eq3A_557, %get3A_32, %broadcast_in_dim3A_559 : vector<16xi1>, vector<16xi32>
      %reduce_sum3A_561 = arith.constant true
      %reduce_sum3A_562 = vector.broadcast %reduce_sum3A_561 : i1 to vector<16xi1>
      %reduce_sum3A_563 = tpu.scan <sum>, %select_n3A_560 masked %reduce_sum3A_562 : vector<16xi32>, vector<16xi1> -> vector<16xi32>
      %reduce_sum3A_564 = vector.extract %reduce_sum3A_563[15] : i32 from vector<16xi32>
      %mul3A_565 = arith.constant 16 : i32
      %mul3A_566 = arith.muli %scan3A_20, %mul3A_565 : i32
      %add3A_567 = arith.constant 10 : i32
      %add3A_568 = arith.addi %mul3A_566, %add3A_567 : i32
      %shift_right_arithmetic3A_569 = arith.constant 3 : i32
      %shift_right_arithmetic3A_570 = arith.shrsi %reduce_sum3A_554, %shift_right_arithmetic3A_569 : i32
      %and3A_571 = arith.constant 7 : i32
      %and3A_572 = arith.andi %reduce_sum3A_554, %and3A_571 : i32
      %dma_start3A_573 = arith.constant 0 : i32
      %dma_start3A_574 = tpu.memref_slice %arg9[%add3A_568, %dma_start3A_573] : memref<256x64xf32, #tpu.memory_space<vmem>> -> memref<1x64xf32, #tpu.memory_space<vmem>>
      %dma_start3A_575 = arith.constant 0 : i32
      %dma_start3A_576 = tpu.memref_slice %arg2[%shift_right_arithmetic3A_570, %and3A_572, %dma_start3A_575] : memref<125000x8x64xf32, #tpu.memory_space<hbm>> -> memref<1x1x64xf32, #tpu.memory_space<hbm>>
      %dma_start3A_577 = tpu.memref_squeeze %dma_start3A_576 : memref<1x1x64xf32, #tpu.memory_space<hbm>> -> memref<1x64xf32, #tpu.memory_space<hbm>>
      %dma_start3A_578 = arith.constant 0 : i32
      %dma_start3A_579 = tpu.memref_slice %arg9[%add3A_568, %dma_start3A_578] : memref<256x64xf32, #tpu.memory_space<vmem>> -> memref<1x64xf32, #tpu.memory_space<vmem>>
      %dma_start3A_580 = arith.constant 0 : i32
      %dma_start3A_581 = tpu.memref_slice %arg2[%shift_right_arithmetic3A_570, %and3A_572, %dma_start3A_580] : memref<125000x8x64xf32, #tpu.memory_space<hbm>> -> memref<1x1x64xf32, #tpu.memory_space<hbm>>
      %dma_start3A_582 = tpu.memref_squeeze %dma_start3A_581 : memref<1x1x64xf32, #tpu.memory_space<hbm>> -> memref<1x64xf32, #tpu.memory_space<hbm>>
      tpu.enqueue_dma source(%dma_start3A_582 : memref<1x64xf32, #tpu.memory_space<hbm>>) target(%dma_start3A_579 : memref<1x64xf32, #tpu.memory_space<vmem>>) target_semaphore(%arg11 : memref<!tpu.dma_semaphore, #tpu.memory_space<semaphore_mem>>)
      %shift_right_arithmetic3A_583 = arith.constant 3 : i32
      %shift_right_arithmetic3A_584 = arith.shrsi %reduce_sum3A_564, %shift_right_arithmetic3A_583 : i32
      %and3A_585 = arith.constant 7 : i32
      %and3A_586 = arith.andi %reduce_sum3A_564, %and3A_585 : i32
      %dma_start3A_587 = arith.constant 0 : i32
      %dma_start3A_588 = tpu.memref_slice %arg10[%add3A_568, %dma_start3A_587] : memref<256x64xf32, #tpu.memory_space<vmem>> -> memref<1x64xf32, #tpu.memory_space<vmem>>
      %dma_start3A_589 = arith.constant 0 : i32
      %dma_start3A_590 = tpu.memref_slice %arg2[%shift_right_arithmetic3A_584, %and3A_586, %dma_start3A_589] : memref<125000x8x64xf32, #tpu.memory_space<hbm>> -> memref<1x1x64xf32, #tpu.memory_space<hbm>>
      %dma_start3A_591 = tpu.memref_squeeze %dma_start3A_590 : memref<1x1x64xf32, #tpu.memory_space<hbm>> -> memref<1x64xf32, #tpu.memory_space<hbm>>
      %dma_start3A_592 = arith.constant 0 : i32
      %dma_start3A_593 = tpu.memref_slice %arg10[%add3A_568, %dma_start3A_592] : memref<256x64xf32, #tpu.memory_space<vmem>> -> memref<1x64xf32, #tpu.memory_space<vmem>>
      %dma_start3A_594 = arith.constant 0 : i32
      %dma_start3A_595 = tpu.memref_slice %arg2[%shift_right_arithmetic3A_584, %and3A_586, %dma_start3A_594] : memref<125000x8x64xf32, #tpu.memory_space<hbm>> -> memref<1x1x64xf32, #tpu.memory_space<hbm>>
      %dma_start3A_596 = tpu.memref_squeeze %dma_start3A_595 : memref<1x1x64xf32, #tpu.memory_space<hbm>> -> memref<1x64xf32, #tpu.memory_space<hbm>>
      tpu.enqueue_dma source(%dma_start3A_596 : memref<1x64xf32, #tpu.memory_space<hbm>>) target(%dma_start3A_593 : memref<1x64xf32, #tpu.memory_space<vmem>>) target_semaphore(%arg11 : memref<!tpu.dma_semaphore, #tpu.memory_space<semaphore_mem>>)
      %eq3A_597 = arith.constant 11 : i32
      %eq3A_598 = vector.broadcast %eq3A_597 : i32 to vector<16xi32>
      %eq3A_599 = arith.cmpi eq, %iota3A, %eq3A_598 : vector<16xi32>
      %jit3A_600 = arith.constant 0 : i32
      %broadcast_in_dim3A_601 = vector.broadcast %jit3A_600 : i32 to vector<16xi32>
      %select_n3A_602 = arith.select %eq3A_599, %get3A_26, %broadcast_in_dim3A_601 : vector<16xi1>, vector<16xi32>
      %reduce_sum3A_603 = arith.constant true
      %reduce_sum3A_604 = vector.broadcast %reduce_sum3A_603 : i1 to vector<16xi1>
      %reduce_sum3A_605 = tpu.scan <sum>, %select_n3A_602 masked %reduce_sum3A_604 : vector<16xi32>, vector<16xi1> -> vector<16xi32>
      %reduce_sum3A_606 = vector.extract %reduce_sum3A_605[15] : i32 from vector<16xi32>
      %eq3A_607 = arith.constant 11 : i32
      %eq3A_608 = vector.broadcast %eq3A_607 : i32 to vector<16xi32>
      %eq3A_609 = arith.cmpi eq, %iota3A, %eq3A_608 : vector<16xi32>
      %jit3A_610 = arith.constant 0 : i32
      %broadcast_in_dim3A_611 = vector.broadcast %jit3A_610 : i32 to vector<16xi32>
      %select_n3A_612 = arith.select %eq3A_609, %get3A_32, %broadcast_in_dim3A_611 : vector<16xi1>, vector<16xi32>
      %reduce_sum3A_613 = arith.constant true
      %reduce_sum3A_614 = vector.broadcast %reduce_sum3A_613 : i1 to vector<16xi1>
      %reduce_sum3A_615 = tpu.scan <sum>, %select_n3A_612 masked %reduce_sum3A_614 : vector<16xi32>, vector<16xi1> -> vector<16xi32>
      %reduce_sum3A_616 = vector.extract %reduce_sum3A_615[15] : i32 from vector<16xi32>
      %mul3A_617 = arith.constant 16 : i32
      %mul3A_618 = arith.muli %scan3A_20, %mul3A_617 : i32
      %add3A_619 = arith.constant 11 : i32
      %add3A_620 = arith.addi %mul3A_618, %add3A_619 : i32
      %shift_right_arithmetic3A_621 = arith.constant 3 : i32
      %shift_right_arithmetic3A_622 = arith.shrsi %reduce_sum3A_606, %shift_right_arithmetic3A_621 : i32
      %and3A_623 = arith.constant 7 : i32
      %and3A_624 = arith.andi %reduce_sum3A_606, %and3A_623 : i32
      %dma_start3A_625 = arith.constant 0 : i32
      %dma_start3A_626 = tpu.memref_slice %arg9[%add3A_620, %dma_start3A_625] : memref<256x64xf32, #tpu.memory_space<vmem>> -> memref<1x64xf32, #tpu.memory_space<vmem>>
      %dma_start3A_627 = arith.constant 0 : i32
      %dma_start3A_628 = tpu.memref_slice %arg2[%shift_right_arithmetic3A_622, %and3A_624, %dma_start3A_627] : memref<125000x8x64xf32, #tpu.memory_space<hbm>> -> memref<1x1x64xf32, #tpu.memory_space<hbm>>
      %dma_start3A_629 = tpu.memref_squeeze %dma_start3A_628 : memref<1x1x64xf32, #tpu.memory_space<hbm>> -> memref<1x64xf32, #tpu.memory_space<hbm>>
      %dma_start3A_630 = arith.constant 0 : i32
      %dma_start3A_631 = tpu.memref_slice %arg9[%add3A_620, %dma_start3A_630] : memref<256x64xf32, #tpu.memory_space<vmem>> -> memref<1x64xf32, #tpu.memory_space<vmem>>
      %dma_start3A_632 = arith.constant 0 : i32
      %dma_start3A_633 = tpu.memref_slice %arg2[%shift_right_arithmetic3A_622, %and3A_624, %dma_start3A_632] : memref<125000x8x64xf32, #tpu.memory_space<hbm>> -> memref<1x1x64xf32, #tpu.memory_space<hbm>>
      %dma_start3A_634 = tpu.memref_squeeze %dma_start3A_633 : memref<1x1x64xf32, #tpu.memory_space<hbm>> -> memref<1x64xf32, #tpu.memory_space<hbm>>
      tpu.enqueue_dma source(%dma_start3A_634 : memref<1x64xf32, #tpu.memory_space<hbm>>) target(%dma_start3A_631 : memref<1x64xf32, #tpu.memory_space<vmem>>) target_semaphore(%arg11 : memref<!tpu.dma_semaphore, #tpu.memory_space<semaphore_mem>>)
      %shift_right_arithmetic3A_635 = arith.constant 3 : i32
      %shift_right_arithmetic3A_636 = arith.shrsi %reduce_sum3A_616, %shift_right_arithmetic3A_635 : i32
      %and3A_637 = arith.constant 7 : i32
      %and3A_638 = arith.andi %reduce_sum3A_616, %and3A_637 : i32
      %dma_start3A_639 = arith.constant 0 : i32
      %dma_start3A_640 = tpu.memref_slice %arg10[%add3A_620, %dma_start3A_639] : memref<256x64xf32, #tpu.memory_space<vmem>> -> memref<1x64xf32, #tpu.memory_space<vmem>>
      %dma_start3A_641 = arith.constant 0 : i32
      %dma_start3A_642 = tpu.memref_slice %arg2[%shift_right_arithmetic3A_636, %and3A_638, %dma_start3A_641] : memref<125000x8x64xf32, #tpu.memory_space<hbm>> -> memref<1x1x64xf32, #tpu.memory_space<hbm>>
      %dma_start3A_643 = tpu.memref_squeeze %dma_start3A_642 : memref<1x1x64xf32, #tpu.memory_space<hbm>> -> memref<1x64xf32, #tpu.memory_space<hbm>>
      %dma_start3A_644 = arith.constant 0 : i32
      %dma_start3A_645 = tpu.memref_slice %arg10[%add3A_620, %dma_start3A_644] : memref<256x64xf32, #tpu.memory_space<vmem>> -> memref<1x64xf32, #tpu.memory_space<vmem>>
      %dma_start3A_646 = arith.constant 0 : i32
      %dma_start3A_647 = tpu.memref_slice %arg2[%shift_right_arithmetic3A_636, %and3A_638, %dma_start3A_646] : memref<125000x8x64xf32, #tpu.memory_space<hbm>> -> memref<1x1x64xf32, #tpu.memory_space<hbm>>
      %dma_start3A_648 = tpu.memref_squeeze %dma_start3A_647 : memref<1x1x64xf32, #tpu.memory_space<hbm>> -> memref<1x64xf32, #tpu.memory_space<hbm>>
      tpu.enqueue_dma source(%dma_start3A_648 : memref<1x64xf32, #tpu.memory_space<hbm>>) target(%dma_start3A_645 : memref<1x64xf32, #tpu.memory_space<vmem>>) target_semaphore(%arg11 : memref<!tpu.dma_semaphore, #tpu.memory_space<semaphore_mem>>)
      %eq3A_649 = arith.constant 12 : i32
      %eq3A_650 = vector.broadcast %eq3A_649 : i32 to vector<16xi32>
      %eq3A_651 = arith.cmpi eq, %iota3A, %eq3A_650 : vector<16xi32>
      %jit3A_652 = arith.constant 0 : i32
      %broadcast_in_dim3A_653 = vector.broadcast %jit3A_652 : i32 to vector<16xi32>
      %select_n3A_654 = arith.select %eq3A_651, %get3A_26, %broadcast_in_dim3A_653 : vector<16xi1>, vector<16xi32>
      %reduce_sum3A_655 = arith.constant true
      %reduce_sum3A_656 = vector.broadcast %reduce_sum3A_655 : i1 to vector<16xi1>
      %reduce_sum3A_657 = tpu.scan <sum>, %select_n3A_654 masked %reduce_sum3A_656 : vector<16xi32>, vector<16xi1> -> vector<16xi32>
      %reduce_sum3A_658 = vector.extract %reduce_sum3A_657[15] : i32 from vector<16xi32>
      %eq3A_659 = arith.constant 12 : i32
      %eq3A_660 = vector.broadcast %eq3A_659 : i32 to vector<16xi32>
      %eq3A_661 = arith.cmpi eq, %iota3A, %eq3A_660 : vector<16xi32>
      %jit3A_662 = arith.constant 0 : i32
      %broadcast_in_dim3A_663 = vector.broadcast %jit3A_662 : i32 to vector<16xi32>
      %select_n3A_664 = arith.select %eq3A_661, %get3A_32, %broadcast_in_dim3A_663 : vector<16xi1>, vector<16xi32>
      %reduce_sum3A_665 = arith.constant true
      %reduce_sum3A_666 = vector.broadcast %reduce_sum3A_665 : i1 to vector<16xi1>
      %reduce_sum3A_667 = tpu.scan <sum>, %select_n3A_664 masked %reduce_sum3A_666 : vector<16xi32>, vector<16xi1> -> vector<16xi32>
      %reduce_sum3A_668 = vector.extract %reduce_sum3A_667[15] : i32 from vector<16xi32>
      %mul3A_669 = arith.constant 16 : i32
      %mul3A_670 = arith.muli %scan3A_20, %mul3A_669 : i32
      %add3A_671 = arith.constant 12 : i32
      %add3A_672 = arith.addi %mul3A_670, %add3A_671 : i32
      %shift_right_arithmetic3A_673 = arith.constant 3 : i32
      %shift_right_arithmetic3A_674 = arith.shrsi %reduce_sum3A_658, %shift_right_arithmetic3A_673 : i32
      %and3A_675 = arith.constant 7 : i32
      %and3A_676 = arith.andi %reduce_sum3A_658, %and3A_675 : i32
      %dma_start3A_677 = arith.constant 0 : i32
      %dma_start3A_678 = tpu.memref_slice %arg9[%add3A_672, %dma_start3A_677] : memref<256x64xf32, #tpu.memory_space<vmem>> -> memref<1x64xf32, #tpu.memory_space<vmem>>
      %dma_start3A_679 = arith.constant 0 : i32
      %dma_start3A_680 = tpu.memref_slice %arg2[%shift_right_arithmetic3A_674, %and3A_676, %dma_start3A_679] : memref<125000x8x64xf32, #tpu.memory_space<hbm>> -> memref<1x1x64xf32, #tpu.memory_space<hbm>>
      %dma_start3A_681 = tpu.memref_squeeze %dma_start3A_680 : memref<1x1x64xf32, #tpu.memory_space<hbm>> -> memref<1x64xf32, #tpu.memory_space<hbm>>
      %dma_start3A_682 = arith.constant 0 : i32
      %dma_start3A_683 = tpu.memref_slice %arg9[%add3A_672, %dma_start3A_682] : memref<256x64xf32, #tpu.memory_space<vmem>> -> memref<1x64xf32, #tpu.memory_space<vmem>>
      %dma_start3A_684 = arith.constant 0 : i32
      %dma_start3A_685 = tpu.memref_slice %arg2[%shift_right_arithmetic3A_674, %and3A_676, %dma_start3A_684] : memref<125000x8x64xf32, #tpu.memory_space<hbm>> -> memref<1x1x64xf32, #tpu.memory_space<hbm>>
      %dma_start3A_686 = tpu.memref_squeeze %dma_start3A_685 : memref<1x1x64xf32, #tpu.memory_space<hbm>> -> memref<1x64xf32, #tpu.memory_space<hbm>>
      tpu.enqueue_dma source(%dma_start3A_686 : memref<1x64xf32, #tpu.memory_space<hbm>>) target(%dma_start3A_683 : memref<1x64xf32, #tpu.memory_space<vmem>>) target_semaphore(%arg11 : memref<!tpu.dma_semaphore, #tpu.memory_space<semaphore_mem>>)
      %shift_right_arithmetic3A_687 = arith.constant 3 : i32
      %shift_right_arithmetic3A_688 = arith.shrsi %reduce_sum3A_668, %shift_right_arithmetic3A_687 : i32
      %and3A_689 = arith.constant 7 : i32
      %and3A_690 = arith.andi %reduce_sum3A_668, %and3A_689 : i32
      %dma_start3A_691 = arith.constant 0 : i32
      %dma_start3A_692 = tpu.memref_slice %arg10[%add3A_672, %dma_start3A_691] : memref<256x64xf32, #tpu.memory_space<vmem>> -> memref<1x64xf32, #tpu.memory_space<vmem>>
      %dma_start3A_693 = arith.constant 0 : i32
      %dma_start3A_694 = tpu.memref_slice %arg2[%shift_right_arithmetic3A_688, %and3A_690, %dma_start3A_693] : memref<125000x8x64xf32, #tpu.memory_space<hbm>> -> memref<1x1x64xf32, #tpu.memory_space<hbm>>
      %dma_start3A_695 = tpu.memref_squeeze %dma_start3A_694 : memref<1x1x64xf32, #tpu.memory_space<hbm>> -> memref<1x64xf32, #tpu.memory_space<hbm>>
      %dma_start3A_696 = arith.constant 0 : i32
      %dma_start3A_697 = tpu.memref_slice %arg10[%add3A_672, %dma_start3A_696] : memref<256x64xf32, #tpu.memory_space<vmem>> -> memref<1x64xf32, #tpu.memory_space<vmem>>
      %dma_start3A_698 = arith.constant 0 : i32
      %dma_start3A_699 = tpu.memref_slice %arg2[%shift_right_arithmetic3A_688, %and3A_690, %dma_start3A_698] : memref<125000x8x64xf32, #tpu.memory_space<hbm>> -> memref<1x1x64xf32, #tpu.memory_space<hbm>>
      %dma_start3A_700 = tpu.memref_squeeze %dma_start3A_699 : memref<1x1x64xf32, #tpu.memory_space<hbm>> -> memref<1x64xf32, #tpu.memory_space<hbm>>
      tpu.enqueue_dma source(%dma_start3A_700 : memref<1x64xf32, #tpu.memory_space<hbm>>) target(%dma_start3A_697 : memref<1x64xf32, #tpu.memory_space<vmem>>) target_semaphore(%arg11 : memref<!tpu.dma_semaphore, #tpu.memory_space<semaphore_mem>>)
      %eq3A_701 = arith.constant 13 : i32
      %eq3A_702 = vector.broadcast %eq3A_701 : i32 to vector<16xi32>
      %eq3A_703 = arith.cmpi eq, %iota3A, %eq3A_702 : vector<16xi32>
      %jit3A_704 = arith.constant 0 : i32
      %broadcast_in_dim3A_705 = vector.broadcast %jit3A_704 : i32 to vector<16xi32>
      %select_n3A_706 = arith.select %eq3A_703, %get3A_26, %broadcast_in_dim3A_705 : vector<16xi1>, vector<16xi32>
      %reduce_sum3A_707 = arith.constant true
      %reduce_sum3A_708 = vector.broadcast %reduce_sum3A_707 : i1 to vector<16xi1>
      %reduce_sum3A_709 = tpu.scan <sum>, %select_n3A_706 masked %reduce_sum3A_708 : vector<16xi32>, vector<16xi1> -> vector<16xi32>
      %reduce_sum3A_710 = vector.extract %reduce_sum3A_709[15] : i32 from vector<16xi32>
      %eq3A_711 = arith.constant 13 : i32
      %eq3A_712 = vector.broadcast %eq3A_711 : i32 to vector<16xi32>
      %eq3A_713 = arith.cmpi eq, %iota3A, %eq3A_712 : vector<16xi32>
      %jit3A_714 = arith.constant 0 : i32
      %broadcast_in_dim3A_715 = vector.broadcast %jit3A_714 : i32 to vector<16xi32>
      %select_n3A_716 = arith.select %eq3A_713, %get3A_32, %broadcast_in_dim3A_715 : vector<16xi1>, vector<16xi32>
      %reduce_sum3A_717 = arith.constant true
      %reduce_sum3A_718 = vector.broadcast %reduce_sum3A_717 : i1 to vector<16xi1>
      %reduce_sum3A_719 = tpu.scan <sum>, %select_n3A_716 masked %reduce_sum3A_718 : vector<16xi32>, vector<16xi1> -> vector<16xi32>
      %reduce_sum3A_720 = vector.extract %reduce_sum3A_719[15] : i32 from vector<16xi32>
      %mul3A_721 = arith.constant 16 : i32
      %mul3A_722 = arith.muli %scan3A_20, %mul3A_721 : i32
      %add3A_723 = arith.constant 13 : i32
      %add3A_724 = arith.addi %mul3A_722, %add3A_723 : i32
      %shift_right_arithmetic3A_725 = arith.constant 3 : i32
      %shift_right_arithmetic3A_726 = arith.shrsi %reduce_sum3A_710, %shift_right_arithmetic3A_725 : i32
      %and3A_727 = arith.constant 7 : i32
      %and3A_728 = arith.andi %reduce_sum3A_710, %and3A_727 : i32
      %dma_start3A_729 = arith.constant 0 : i32
      %dma_start3A_730 = tpu.memref_slice %arg9[%add3A_724, %dma_start3A_729] : memref<256x64xf32, #tpu.memory_space<vmem>> -> memref<1x64xf32, #tpu.memory_space<vmem>>
      %dma_start3A_731 = arith.constant 0 : i32
      %dma_start3A_732 = tpu.memref_slice %arg2[%shift_right_arithmetic3A_726, %and3A_728, %dma_start3A_731] : memref<125000x8x64xf32, #tpu.memory_space<hbm>> -> memref<1x1x64xf32, #tpu.memory_space<hbm>>
      %dma_start3A_733 = tpu.memref_squeeze %dma_start3A_732 : memref<1x1x64xf32, #tpu.memory_space<hbm>> -> memref<1x64xf32, #tpu.memory_space<hbm>>
      %dma_start3A_734 = arith.constant 0 : i32
      %dma_start3A_735 = tpu.memref_slice %arg9[%add3A_724, %dma_start3A_734] : memref<256x64xf32, #tpu.memory_space<vmem>> -> memref<1x64xf32, #tpu.memory_space<vmem>>
      %dma_start3A_736 = arith.constant 0 : i32
      %dma_start3A_737 = tpu.memref_slice %arg2[%shift_right_arithmetic3A_726, %and3A_728, %dma_start3A_736] : memref<125000x8x64xf32, #tpu.memory_space<hbm>> -> memref<1x1x64xf32, #tpu.memory_space<hbm>>
      %dma_start3A_738 = tpu.memref_squeeze %dma_start3A_737 : memref<1x1x64xf32, #tpu.memory_space<hbm>> -> memref<1x64xf32, #tpu.memory_space<hbm>>
      tpu.enqueue_dma source(%dma_start3A_738 : memref<1x64xf32, #tpu.memory_space<hbm>>) target(%dma_start3A_735 : memref<1x64xf32, #tpu.memory_space<vmem>>) target_semaphore(%arg11 : memref<!tpu.dma_semaphore, #tpu.memory_space<semaphore_mem>>)
      %shift_right_arithmetic3A_739 = arith.constant 3 : i32
      %shift_right_arithmetic3A_740 = arith.shrsi %reduce_sum3A_720, %shift_right_arithmetic3A_739 : i32
      %and3A_741 = arith.constant 7 : i32
      %and3A_742 = arith.andi %reduce_sum3A_720, %and3A_741 : i32
      %dma_start3A_743 = arith.constant 0 : i32
      %dma_start3A_744 = tpu.memref_slice %arg10[%add3A_724, %dma_start3A_743] : memref<256x64xf32, #tpu.memory_space<vmem>> -> memref<1x64xf32, #tpu.memory_space<vmem>>
      %dma_start3A_745 = arith.constant 0 : i32
      %dma_start3A_746 = tpu.memref_slice %arg2[%shift_right_arithmetic3A_740, %and3A_742, %dma_start3A_745] : memref<125000x8x64xf32, #tpu.memory_space<hbm>> -> memref<1x1x64xf32, #tpu.memory_space<hbm>>
      %dma_start3A_747 = tpu.memref_squeeze %dma_start3A_746 : memref<1x1x64xf32, #tpu.memory_space<hbm>> -> memref<1x64xf32, #tpu.memory_space<hbm>>
      %dma_start3A_748 = arith.constant 0 : i32
      %dma_start3A_749 = tpu.memref_slice %arg10[%add3A_724, %dma_start3A_748] : memref<256x64xf32, #tpu.memory_space<vmem>> -> memref<1x64xf32, #tpu.memory_space<vmem>>
      %dma_start3A_750 = arith.constant 0 : i32
      %dma_start3A_751 = tpu.memref_slice %arg2[%shift_right_arithmetic3A_740, %and3A_742, %dma_start3A_750] : memref<125000x8x64xf32, #tpu.memory_space<hbm>> -> memref<1x1x64xf32, #tpu.memory_space<hbm>>
      %dma_start3A_752 = tpu.memref_squeeze %dma_start3A_751 : memref<1x1x64xf32, #tpu.memory_space<hbm>> -> memref<1x64xf32, #tpu.memory_space<hbm>>
      tpu.enqueue_dma source(%dma_start3A_752 : memref<1x64xf32, #tpu.memory_space<hbm>>) target(%dma_start3A_749 : memref<1x64xf32, #tpu.memory_space<vmem>>) target_semaphore(%arg11 : memref<!tpu.dma_semaphore, #tpu.memory_space<semaphore_mem>>)
      %eq3A_753 = arith.constant 14 : i32
      %eq3A_754 = vector.broadcast %eq3A_753 : i32 to vector<16xi32>
      %eq3A_755 = arith.cmpi eq, %iota3A, %eq3A_754 : vector<16xi32>
      %jit3A_756 = arith.constant 0 : i32
      %broadcast_in_dim3A_757 = vector.broadcast %jit3A_756 : i32 to vector<16xi32>
      %select_n3A_758 = arith.select %eq3A_755, %get3A_26, %broadcast_in_dim3A_757 : vector<16xi1>, vector<16xi32>
      %reduce_sum3A_759 = arith.constant true
      %reduce_sum3A_760 = vector.broadcast %reduce_sum3A_759 : i1 to vector<16xi1>
      %reduce_sum3A_761 = tpu.scan <sum>, %select_n3A_758 masked %reduce_sum3A_760 : vector<16xi32>, vector<16xi1> -> vector<16xi32>
      %reduce_sum3A_762 = vector.extract %reduce_sum3A_761[15] : i32 from vector<16xi32>
      %eq3A_763 = arith.constant 14 : i32
      %eq3A_764 = vector.broadcast %eq3A_763 : i32 to vector<16xi32>
      %eq3A_765 = arith.cmpi eq, %iota3A, %eq3A_764 : vector<16xi32>
      %jit3A_766 = arith.constant 0 : i32
      %broadcast_in_dim3A_767 = vector.broadcast %jit3A_766 : i32 to vector<16xi32>
      %select_n3A_768 = arith.select %eq3A_765, %get3A_32, %broadcast_in_dim3A_767 : vector<16xi1>, vector<16xi32>
      %reduce_sum3A_769 = arith.constant true
      %reduce_sum3A_770 = vector.broadcast %reduce_sum3A_769 : i1 to vector<16xi1>
      %reduce_sum3A_771 = tpu.scan <sum>, %select_n3A_768 masked %reduce_sum3A_770 : vector<16xi32>, vector<16xi1> -> vector<16xi32>
      %reduce_sum3A_772 = vector.extract %reduce_sum3A_771[15] : i32 from vector<16xi32>
      %mul3A_773 = arith.constant 16 : i32
      %mul3A_774 = arith.muli %scan3A_20, %mul3A_773 : i32
      %add3A_775 = arith.constant 14 : i32
      %add3A_776 = arith.addi %mul3A_774, %add3A_775 : i32
      %shift_right_arithmetic3A_777 = arith.constant 3 : i32
      %shift_right_arithmetic3A_778 = arith.shrsi %reduce_sum3A_762, %shift_right_arithmetic3A_777 : i32
      %and3A_779 = arith.constant 7 : i32
      %and3A_780 = arith.andi %reduce_sum3A_762, %and3A_779 : i32
      %dma_start3A_781 = arith.constant 0 : i32
      %dma_start3A_782 = tpu.memref_slice %arg9[%add3A_776, %dma_start3A_781] : memref<256x64xf32, #tpu.memory_space<vmem>> -> memref<1x64xf32, #tpu.memory_space<vmem>>
      %dma_start3A_783 = arith.constant 0 : i32
      %dma_start3A_784 = tpu.memref_slice %arg2[%shift_right_arithmetic3A_778, %and3A_780, %dma_start3A_783] : memref<125000x8x64xf32, #tpu.memory_space<hbm>> -> memref<1x1x64xf32, #tpu.memory_space<hbm>>
      %dma_start3A_785 = tpu.memref_squeeze %dma_start3A_784 : memref<1x1x64xf32, #tpu.memory_space<hbm>> -> memref<1x64xf32, #tpu.memory_space<hbm>>
      %dma_start3A_786 = arith.constant 0 : i32
      %dma_start3A_787 = tpu.memref_slice %arg9[%add3A_776, %dma_start3A_786] : memref<256x64xf32, #tpu.memory_space<vmem>> -> memref<1x64xf32, #tpu.memory_space<vmem>>
      %dma_start3A_788 = arith.constant 0 : i32
      %dma_start3A_789 = tpu.memref_slice %arg2[%shift_right_arithmetic3A_778, %and3A_780, %dma_start3A_788] : memref<125000x8x64xf32, #tpu.memory_space<hbm>> -> memref<1x1x64xf32, #tpu.memory_space<hbm>>
      %dma_start3A_790 = tpu.memref_squeeze %dma_start3A_789 : memref<1x1x64xf32, #tpu.memory_space<hbm>> -> memref<1x64xf32, #tpu.memory_space<hbm>>
      tpu.enqueue_dma source(%dma_start3A_790 : memref<1x64xf32, #tpu.memory_space<hbm>>) target(%dma_start3A_787 : memref<1x64xf32, #tpu.memory_space<vmem>>) target_semaphore(%arg11 : memref<!tpu.dma_semaphore, #tpu.memory_space<semaphore_mem>>)
      %shift_right_arithmetic3A_791 = arith.constant 3 : i32
      %shift_right_arithmetic3A_792 = arith.shrsi %reduce_sum3A_772, %shift_right_arithmetic3A_791 : i32
      %and3A_793 = arith.constant 7 : i32
      %and3A_794 = arith.andi %reduce_sum3A_772, %and3A_793 : i32
      %dma_start3A_795 = arith.constant 0 : i32
      %dma_start3A_796 = tpu.memref_slice %arg10[%add3A_776, %dma_start3A_795] : memref<256x64xf32, #tpu.memory_space<vmem>> -> memref<1x64xf32, #tpu.memory_space<vmem>>
      %dma_start3A_797 = arith.constant 0 : i32
      %dma_start3A_798 = tpu.memref_slice %arg2[%shift_right_arithmetic3A_792, %and3A_794, %dma_start3A_797] : memref<125000x8x64xf32, #tpu.memory_space<hbm>> -> memref<1x1x64xf32, #tpu.memory_space<hbm>>
      %dma_start3A_799 = tpu.memref_squeeze %dma_start3A_798 : memref<1x1x64xf32, #tpu.memory_space<hbm>> -> memref<1x64xf32, #tpu.memory_space<hbm>>
      %dma_start3A_800 = arith.constant 0 : i32
      %dma_start3A_801 = tpu.memref_slice %arg10[%add3A_776, %dma_start3A_800] : memref<256x64xf32, #tpu.memory_space<vmem>> -> memref<1x64xf32, #tpu.memory_space<vmem>>
      %dma_start3A_802 = arith.constant 0 : i32
      %dma_start3A_803 = tpu.memref_slice %arg2[%shift_right_arithmetic3A_792, %and3A_794, %dma_start3A_802] : memref<125000x8x64xf32, #tpu.memory_space<hbm>> -> memref<1x1x64xf32, #tpu.memory_space<hbm>>
      %dma_start3A_804 = tpu.memref_squeeze %dma_start3A_803 : memref<1x1x64xf32, #tpu.memory_space<hbm>> -> memref<1x64xf32, #tpu.memory_space<hbm>>
      tpu.enqueue_dma source(%dma_start3A_804 : memref<1x64xf32, #tpu.memory_space<hbm>>) target(%dma_start3A_801 : memref<1x64xf32, #tpu.memory_space<vmem>>) target_semaphore(%arg11 : memref<!tpu.dma_semaphore, #tpu.memory_space<semaphore_mem>>)
      %eq3A_805 = arith.constant 15 : i32
      %eq3A_806 = vector.broadcast %eq3A_805 : i32 to vector<16xi32>
      %eq3A_807 = arith.cmpi eq, %iota3A, %eq3A_806 : vector<16xi32>
      %jit3A_808 = arith.constant 0 : i32
      %broadcast_in_dim3A_809 = vector.broadcast %jit3A_808 : i32 to vector<16xi32>
      %select_n3A_810 = arith.select %eq3A_807, %get3A_26, %broadcast_in_dim3A_809 : vector<16xi1>, vector<16xi32>
      %reduce_sum3A_811 = arith.constant true
      %reduce_sum3A_812 = vector.broadcast %reduce_sum3A_811 : i1 to vector<16xi1>
      %reduce_sum3A_813 = tpu.scan <sum>, %select_n3A_810 masked %reduce_sum3A_812 : vector<16xi32>, vector<16xi1> -> vector<16xi32>
      %reduce_sum3A_814 = vector.extract %reduce_sum3A_813[15] : i32 from vector<16xi32>
      %eq3A_815 = arith.constant 15 : i32
      %eq3A_816 = vector.broadcast %eq3A_815 : i32 to vector<16xi32>
      %eq3A_817 = arith.cmpi eq, %iota3A, %eq3A_816 : vector<16xi32>
      %jit3A_818 = arith.constant 0 : i32
      %broadcast_in_dim3A_819 = vector.broadcast %jit3A_818 : i32 to vector<16xi32>
      %select_n3A_820 = arith.select %eq3A_817, %get3A_32, %broadcast_in_dim3A_819 : vector<16xi1>, vector<16xi32>
      %reduce_sum3A_821 = arith.constant true
      %reduce_sum3A_822 = vector.broadcast %reduce_sum3A_821 : i1 to vector<16xi1>
      %reduce_sum3A_823 = tpu.scan <sum>, %select_n3A_820 masked %reduce_sum3A_822 : vector<16xi32>, vector<16xi1> -> vector<16xi32>
      %reduce_sum3A_824 = vector.extract %reduce_sum3A_823[15] : i32 from vector<16xi32>
      %mul3A_825 = arith.constant 16 : i32
      %mul3A_826 = arith.muli %scan3A_20, %mul3A_825 : i32
      %add3A_827 = arith.constant 15 : i32
      %add3A_828 = arith.addi %mul3A_826, %add3A_827 : i32
      %shift_right_arithmetic3A_829 = arith.constant 3 : i32
      %shift_right_arithmetic3A_830 = arith.shrsi %reduce_sum3A_814, %shift_right_arithmetic3A_829 : i32
      %and3A_831 = arith.constant 7 : i32
      %and3A_832 = arith.andi %reduce_sum3A_814, %and3A_831 : i32
      %dma_start3A_833 = arith.constant 0 : i32
      %dma_start3A_834 = tpu.memref_slice %arg9[%add3A_828, %dma_start3A_833] : memref<256x64xf32, #tpu.memory_space<vmem>> -> memref<1x64xf32, #tpu.memory_space<vmem>>
      %dma_start3A_835 = arith.constant 0 : i32
      %dma_start3A_836 = tpu.memref_slice %arg2[%shift_right_arithmetic3A_830, %and3A_832, %dma_start3A_835] : memref<125000x8x64xf32, #tpu.memory_space<hbm>> -> memref<1x1x64xf32, #tpu.memory_space<hbm>>
      %dma_start3A_837 = tpu.memref_squeeze %dma_start3A_836 : memref<1x1x64xf32, #tpu.memory_space<hbm>> -> memref<1x64xf32, #tpu.memory_space<hbm>>
      %dma_start3A_838 = arith.constant 0 : i32
      %dma_start3A_839 = tpu.memref_slice %arg9[%add3A_828, %dma_start3A_838] : memref<256x64xf32, #tpu.memory_space<vmem>> -> memref<1x64xf32, #tpu.memory_space<vmem>>
      %dma_start3A_840 = arith.constant 0 : i32
      %dma_start3A_841 = tpu.memref_slice %arg2[%shift_right_arithmetic3A_830, %and3A_832, %dma_start3A_840] : memref<125000x8x64xf32, #tpu.memory_space<hbm>> -> memref<1x1x64xf32, #tpu.memory_space<hbm>>
      %dma_start3A_842 = tpu.memref_squeeze %dma_start3A_841 : memref<1x1x64xf32, #tpu.memory_space<hbm>> -> memref<1x64xf32, #tpu.memory_space<hbm>>
      tpu.enqueue_dma source(%dma_start3A_842 : memref<1x64xf32, #tpu.memory_space<hbm>>) target(%dma_start3A_839 : memref<1x64xf32, #tpu.memory_space<vmem>>) target_semaphore(%arg11 : memref<!tpu.dma_semaphore, #tpu.memory_space<semaphore_mem>>)
      %shift_right_arithmetic3A_843 = arith.constant 3 : i32
      %shift_right_arithmetic3A_844 = arith.shrsi %reduce_sum3A_824, %shift_right_arithmetic3A_843 : i32
      %and3A_845 = arith.constant 7 : i32
      %and3A_846 = arith.andi %reduce_sum3A_824, %and3A_845 : i32
      %dma_start3A_847 = arith.constant 0 : i32
      %dma_start3A_848 = tpu.memref_slice %arg10[%add3A_828, %dma_start3A_847] : memref<256x64xf32, #tpu.memory_space<vmem>> -> memref<1x64xf32, #tpu.memory_space<vmem>>
      %dma_start3A_849 = arith.constant 0 : i32
      %dma_start3A_850 = tpu.memref_slice %arg2[%shift_right_arithmetic3A_844, %and3A_846, %dma_start3A_849] : memref<125000x8x64xf32, #tpu.memory_space<hbm>> -> memref<1x1x64xf32, #tpu.memory_space<hbm>>
      %dma_start3A_851 = tpu.memref_squeeze %dma_start3A_850 : memref<1x1x64xf32, #tpu.memory_space<hbm>> -> memref<1x64xf32, #tpu.memory_space<hbm>>
      %dma_start3A_852 = arith.constant 0 : i32
      %dma_start3A_853 = tpu.memref_slice %arg10[%add3A_828, %dma_start3A_852] : memref<256x64xf32, #tpu.memory_space<vmem>> -> memref<1x64xf32, #tpu.memory_space<vmem>>
      %dma_start3A_854 = arith.constant 0 : i32
      %dma_start3A_855 = tpu.memref_slice %arg2[%shift_right_arithmetic3A_844, %and3A_846, %dma_start3A_854] : memref<125000x8x64xf32, #tpu.memory_space<hbm>> -> memref<1x1x64xf32, #tpu.memory_space<hbm>>
      %dma_start3A_856 = tpu.memref_squeeze %dma_start3A_855 : memref<1x1x64xf32, #tpu.memory_space<hbm>> -> memref<1x64xf32, #tpu.memory_space<hbm>>
      tpu.enqueue_dma source(%dma_start3A_856 : memref<1x64xf32, #tpu.memory_space<hbm>>) target(%dma_start3A_853 : memref<1x64xf32, #tpu.memory_space<vmem>>) target_semaphore(%arg11 : memref<!tpu.dma_semaphore, #tpu.memory_space<semaphore_mem>>)
      %dma_wait3A = arith.constant 0 : i32
      %dma_wait3A_857 = tpu.memref_slice %arg9[%add3A_51, %dma_wait3A] : memref<256x64xf32, #tpu.memory_space<vmem>> -> memref<1x64xf32, #tpu.memory_space<vmem>>
      %dma_wait3A_858 = arith.constant 0 : i32
      %dma_wait3A_859 = tpu.memref_slice %arg2[%shift_right_arithmetic3A_52, %and3A_53, %dma_wait3A_858] : memref<125000x8x64xf32, #tpu.memory_space<hbm>> -> memref<1x1x64xf32, #tpu.memory_space<hbm>>
      %dma_wait3A_860 = tpu.memref_squeeze %dma_wait3A_859 : memref<1x1x64xf32, #tpu.memory_space<hbm>> -> memref<1x64xf32, #tpu.memory_space<hbm>>
      %dma_wait3A_861 = arith.constant 0 : i32
      %dma_wait3A_862 = tpu.memref_slice %arg9[%add3A_51, %dma_wait3A_861] : memref<256x64xf32, #tpu.memory_space<vmem>> -> memref<1x64xf32, #tpu.memory_space<vmem>>
      %dma_wait3A_863 = arith.constant 0 : i32
      %dma_wait3A_864 = tpu.memref_slice %arg2[%shift_right_arithmetic3A_52, %and3A_53, %dma_wait3A_863] : memref<125000x8x64xf32, #tpu.memory_space<hbm>> -> memref<1x1x64xf32, #tpu.memory_space<hbm>>
      %dma_wait3A_865 = tpu.memref_squeeze %dma_wait3A_864 : memref<1x1x64xf32, #tpu.memory_space<hbm>> -> memref<1x64xf32, #tpu.memory_space<hbm>>
      tpu.wait_dma2 semaphore(%arg11 : memref<!tpu.dma_semaphore, #tpu.memory_space<semaphore_mem>>) src(%dma_wait3A_865 : memref<1x64xf32, #tpu.memory_space<hbm>>) dst(%dma_wait3A_862 : memref<1x64xf32, #tpu.memory_space<vmem>>)
      %dma_wait3A_866 = arith.constant 0 : i32
      %dma_wait3A_867 = tpu.memref_slice %arg10[%add3A_51, %dma_wait3A_866] : memref<256x64xf32, #tpu.memory_space<vmem>> -> memref<1x64xf32, #tpu.memory_space<vmem>>
      %dma_wait3A_868 = arith.constant 0 : i32
      %dma_wait3A_869 = tpu.memref_slice %arg2[%shift_right_arithmetic3A_64, %and3A_66, %dma_wait3A_868] : memref<125000x8x64xf32, #tpu.memory_space<hbm>> -> memref<1x1x64xf32, #tpu.memory_space<hbm>>
      %dma_wait3A_870 = tpu.memref_squeeze %dma_wait3A_869 : memref<1x1x64xf32, #tpu.memory_space<hbm>> -> memref<1x64xf32, #tpu.memory_space<hbm>>
      %dma_wait3A_871 = arith.constant 0 : i32
      %dma_wait3A_872 = tpu.memref_slice %arg10[%add3A_51, %dma_wait3A_871] : memref<256x64xf32, #tpu.memory_space<vmem>> -> memref<1x64xf32, #tpu.memory_space<vmem>>
      %dma_wait3A_873 = arith.constant 0 : i32
      %dma_wait3A_874 = tpu.memref_slice %arg2[%shift_right_arithmetic3A_64, %and3A_66, %dma_wait3A_873] : memref<125000x8x64xf32, #tpu.memory_space<hbm>> -> memref<1x1x64xf32, #tpu.memory_space<hbm>>
      %dma_wait3A_875 = tpu.memref_squeeze %dma_wait3A_874 : memref<1x1x64xf32, #tpu.memory_space<hbm>> -> memref<1x64xf32, #tpu.memory_space<hbm>>
      tpu.wait_dma2 semaphore(%arg11 : memref<!tpu.dma_semaphore, #tpu.memory_space<semaphore_mem>>) src(%dma_wait3A_875 : memref<1x64xf32, #tpu.memory_space<hbm>>) dst(%dma_wait3A_872 : memref<1x64xf32, #tpu.memory_space<vmem>>)
      %dma_wait3A_876 = arith.constant 0 : i32
      %dma_wait3A_877 = tpu.memref_slice %arg9[%add3A_100, %dma_wait3A_876] : memref<256x64xf32, #tpu.memory_space<vmem>> -> memref<1x64xf32, #tpu.memory_space<vmem>>
      %dma_wait3A_878 = arith.constant 0 : i32
      %dma_wait3A_879 = tpu.memref_slice %arg2[%shift_right_arithmetic3A_102, %and3A_104, %dma_wait3A_878] : memref<125000x8x64xf32, #tpu.memory_space<hbm>> -> memref<1x1x64xf32, #tpu.memory_space<hbm>>
      %dma_wait3A_880 = tpu.memref_squeeze %dma_wait3A_879 : memref<1x1x64xf32, #tpu.memory_space<hbm>> -> memref<1x64xf32, #tpu.memory_space<hbm>>
      %dma_wait3A_881 = arith.constant 0 : i32
      %dma_wait3A_882 = tpu.memref_slice %arg9[%add3A_100, %dma_wait3A_881] : memref<256x64xf32, #tpu.memory_space<vmem>> -> memref<1x64xf32, #tpu.memory_space<vmem>>
      %dma_wait3A_883 = arith.constant 0 : i32
      %dma_wait3A_884 = tpu.memref_slice %arg2[%shift_right_arithmetic3A_102, %and3A_104, %dma_wait3A_883] : memref<125000x8x64xf32, #tpu.memory_space<hbm>> -> memref<1x1x64xf32, #tpu.memory_space<hbm>>
      %dma_wait3A_885 = tpu.memref_squeeze %dma_wait3A_884 : memref<1x1x64xf32, #tpu.memory_space<hbm>> -> memref<1x64xf32, #tpu.memory_space<hbm>>
      tpu.wait_dma2 semaphore(%arg11 : memref<!tpu.dma_semaphore, #tpu.memory_space<semaphore_mem>>) src(%dma_wait3A_885 : memref<1x64xf32, #tpu.memory_space<hbm>>) dst(%dma_wait3A_882 : memref<1x64xf32, #tpu.memory_space<vmem>>)
      %dma_wait3A_886 = arith.constant 0 : i32
      %dma_wait3A_887 = tpu.memref_slice %arg10[%add3A_100, %dma_wait3A_886] : memref<256x64xf32, #tpu.memory_space<vmem>> -> memref<1x64xf32, #tpu.memory_space<vmem>>
      %dma_wait3A_888 = arith.constant 0 : i32
      %dma_wait3A_889 = tpu.memref_slice %arg2[%shift_right_arithmetic3A_116, %and3A_118, %dma_wait3A_888] : memref<125000x8x64xf32, #tpu.memory_space<hbm>> -> memref<1x1x64xf32, #tpu.memory_space<hbm>>
      %dma_wait3A_890 = tpu.memref_squeeze %dma_wait3A_889 : memref<1x1x64xf32, #tpu.memory_space<hbm>> -> memref<1x64xf32, #tpu.memory_space<hbm>>
      %dma_wait3A_891 = arith.constant 0 : i32
      %dma_wait3A_892 = tpu.memref_slice %arg10[%add3A_100, %dma_wait3A_891] : memref<256x64xf32, #tpu.memory_space<vmem>> -> memref<1x64xf32, #tpu.memory_space<vmem>>
      %dma_wait3A_893 = arith.constant 0 : i32
      %dma_wait3A_894 = tpu.memref_slice %arg2[%shift_right_arithmetic3A_116, %and3A_118, %dma_wait3A_893] : memref<125000x8x64xf32, #tpu.memory_space<hbm>> -> memref<1x1x64xf32, #tpu.memory_space<hbm>>
      %dma_wait3A_895 = tpu.memref_squeeze %dma_wait3A_894 : memref<1x1x64xf32, #tpu.memory_space<hbm>> -> memref<1x64xf32, #tpu.memory_space<hbm>>
      tpu.wait_dma2 semaphore(%arg11 : memref<!tpu.dma_semaphore, #tpu.memory_space<semaphore_mem>>) src(%dma_wait3A_895 : memref<1x64xf32, #tpu.memory_space<hbm>>) dst(%dma_wait3A_892 : memref<1x64xf32, #tpu.memory_space<vmem>>)
      %dma_wait3A_896 = arith.constant 0 : i32
      %dma_wait3A_897 = tpu.memref_slice %arg9[%add3A_152, %dma_wait3A_896] : memref<256x64xf32, #tpu.memory_space<vmem>> -> memref<1x64xf32, #tpu.memory_space<vmem>>
      %dma_wait3A_898 = arith.constant 0 : i32
      %dma_wait3A_899 = tpu.memref_slice %arg2[%shift_right_arithmetic3A_154, %and3A_156, %dma_wait3A_898] : memref<125000x8x64xf32, #tpu.memory_space<hbm>> -> memref<1x1x64xf32, #tpu.memory_space<hbm>>
      %dma_wait3A_900 = tpu.memref_squeeze %dma_wait3A_899 : memref<1x1x64xf32, #tpu.memory_space<hbm>> -> memref<1x64xf32, #tpu.memory_space<hbm>>
      %dma_wait3A_901 = arith.constant 0 : i32
      %dma_wait3A_902 = tpu.memref_slice %arg9[%add3A_152, %dma_wait3A_901] : memref<256x64xf32, #tpu.memory_space<vmem>> -> memref<1x64xf32, #tpu.memory_space<vmem>>
      %dma_wait3A_903 = arith.constant 0 : i32
      %dma_wait3A_904 = tpu.memref_slice %arg2[%shift_right_arithmetic3A_154, %and3A_156, %dma_wait3A_903] : memref<125000x8x64xf32, #tpu.memory_space<hbm>> -> memref<1x1x64xf32, #tpu.memory_space<hbm>>
      %dma_wait3A_905 = tpu.memref_squeeze %dma_wait3A_904 : memref<1x1x64xf32, #tpu.memory_space<hbm>> -> memref<1x64xf32, #tpu.memory_space<hbm>>
      tpu.wait_dma2 semaphore(%arg11 : memref<!tpu.dma_semaphore, #tpu.memory_space<semaphore_mem>>) src(%dma_wait3A_905 : memref<1x64xf32, #tpu.memory_space<hbm>>) dst(%dma_wait3A_902 : memref<1x64xf32, #tpu.memory_space<vmem>>)
      %dma_wait3A_906 = arith.constant 0 : i32
      %dma_wait3A_907 = tpu.memref_slice %arg10[%add3A_152, %dma_wait3A_906] : memref<256x64xf32, #tpu.memory_space<vmem>> -> memref<1x64xf32, #tpu.memory_space<vmem>>
      %dma_wait3A_908 = arith.constant 0 : i32
      %dma_wait3A_909 = tpu.memref_slice %arg2[%shift_right_arithmetic3A_168, %and3A_170, %dma_wait3A_908] : memref<125000x8x64xf32, #tpu.memory_space<hbm>> -> memref<1x1x64xf32, #tpu.memory_space<hbm>>
      %dma_wait3A_910 = tpu.memref_squeeze %dma_wait3A_909 : memref<1x1x64xf32, #tpu.memory_space<hbm>> -> memref<1x64xf32, #tpu.memory_space<hbm>>
      %dma_wait3A_911 = arith.constant 0 : i32
      %dma_wait3A_912 = tpu.memref_slice %arg10[%add3A_152, %dma_wait3A_911] : memref<256x64xf32, #tpu.memory_space<vmem>> -> memref<1x64xf32, #tpu.memory_space<vmem>>
      %dma_wait3A_913 = arith.constant 0 : i32
      %dma_wait3A_914 = tpu.memref_slice %arg2[%shift_right_arithmetic3A_168, %and3A_170, %dma_wait3A_913] : memref<125000x8x64xf32, #tpu.memory_space<hbm>> -> memref<1x1x64xf32, #tpu.memory_space<hbm>>
      %dma_wait3A_915 = tpu.memref_squeeze %dma_wait3A_914 : memref<1x1x64xf32, #tpu.memory_space<hbm>> -> memref<1x64xf32, #tpu.memory_space<hbm>>
      tpu.wait_dma2 semaphore(%arg11 : memref<!tpu.dma_semaphore, #tpu.memory_space<semaphore_mem>>) src(%dma_wait3A_915 : memref<1x64xf32, #tpu.memory_space<hbm>>) dst(%dma_wait3A_912 : memref<1x64xf32, #tpu.memory_space<vmem>>)
      %dma_wait3A_916 = arith.constant 0 : i32
      %dma_wait3A_917 = tpu.memref_slice %arg9[%add3A_204, %dma_wait3A_916] : memref<256x64xf32, #tpu.memory_space<vmem>> -> memref<1x64xf32, #tpu.memory_space<vmem>>
      %dma_wait3A_918 = arith.constant 0 : i32
      %dma_wait3A_919 = tpu.memref_slice %arg2[%shift_right_arithmetic3A_206, %and3A_208, %dma_wait3A_918] : memref<125000x8x64xf32, #tpu.memory_space<hbm>> -> memref<1x1x64xf32, #tpu.memory_space<hbm>>
      %dma_wait3A_920 = tpu.memref_squeeze %dma_wait3A_919 : memref<1x1x64xf32, #tpu.memory_space<hbm>> -> memref<1x64xf32, #tpu.memory_space<hbm>>
      %dma_wait3A_921 = arith.constant 0 : i32
      %dma_wait3A_922 = tpu.memref_slice %arg9[%add3A_204, %dma_wait3A_921] : memref<256x64xf32, #tpu.memory_space<vmem>> -> memref<1x64xf32, #tpu.memory_space<vmem>>
      %dma_wait3A_923 = arith.constant 0 : i32
      %dma_wait3A_924 = tpu.memref_slice %arg2[%shift_right_arithmetic3A_206, %and3A_208, %dma_wait3A_923] : memref<125000x8x64xf32, #tpu.memory_space<hbm>> -> memref<1x1x64xf32, #tpu.memory_space<hbm>>
      %dma_wait3A_925 = tpu.memref_squeeze %dma_wait3A_924 : memref<1x1x64xf32, #tpu.memory_space<hbm>> -> memref<1x64xf32, #tpu.memory_space<hbm>>
      tpu.wait_dma2 semaphore(%arg11 : memref<!tpu.dma_semaphore, #tpu.memory_space<semaphore_mem>>) src(%dma_wait3A_925 : memref<1x64xf32, #tpu.memory_space<hbm>>) dst(%dma_wait3A_922 : memref<1x64xf32, #tpu.memory_space<vmem>>)
      %dma_wait3A_926 = arith.constant 0 : i32
      %dma_wait3A_927 = tpu.memref_slice %arg10[%add3A_204, %dma_wait3A_926] : memref<256x64xf32, #tpu.memory_space<vmem>> -> memref<1x64xf32, #tpu.memory_space<vmem>>
      %dma_wait3A_928 = arith.constant 0 : i32
      %dma_wait3A_929 = tpu.memref_slice %arg2[%shift_right_arithmetic3A_220, %and3A_222, %dma_wait3A_928] : memref<125000x8x64xf32, #tpu.memory_space<hbm>> -> memref<1x1x64xf32, #tpu.memory_space<hbm>>
      %dma_wait3A_930 = tpu.memref_squeeze %dma_wait3A_929 : memref<1x1x64xf32, #tpu.memory_space<hbm>> -> memref<1x64xf32, #tpu.memory_space<hbm>>
      %dma_wait3A_931 = arith.constant 0 : i32
      %dma_wait3A_932 = tpu.memref_slice %arg10[%add3A_204, %dma_wait3A_931] : memref<256x64xf32, #tpu.memory_space<vmem>> -> memref<1x64xf32, #tpu.memory_space<vmem>>
      %dma_wait3A_933 = arith.constant 0 : i32
      %dma_wait3A_934 = tpu.memref_slice %arg2[%shift_right_arithmetic3A_220, %and3A_222, %dma_wait3A_933] : memref<125000x8x64xf32, #tpu.memory_space<hbm>> -> memref<1x1x64xf32, #tpu.memory_space<hbm>>
      %dma_wait3A_935 = tpu.memref_squeeze %dma_wait3A_934 : memref<1x1x64xf32, #tpu.memory_space<hbm>> -> memref<1x64xf32, #tpu.memory_space<hbm>>
      tpu.wait_dma2 semaphore(%arg11 : memref<!tpu.dma_semaphore, #tpu.memory_space<semaphore_mem>>) src(%dma_wait3A_935 : memref<1x64xf32, #tpu.memory_space<hbm>>) dst(%dma_wait3A_932 : memref<1x64xf32, #tpu.memory_space<vmem>>)
      %dma_wait3A_936 = arith.constant 0 : i32
      %dma_wait3A_937 = tpu.memref_slice %arg9[%add3A_256, %dma_wait3A_936] : memref<256x64xf32, #tpu.memory_space<vmem>> -> memref<1x64xf32, #tpu.memory_space<vmem>>
      %dma_wait3A_938 = arith.constant 0 : i32
      %dma_wait3A_939 = tpu.memref_slice %arg2[%shift_right_arithmetic3A_258, %and3A_260, %dma_wait3A_938] : memref<125000x8x64xf32, #tpu.memory_space<hbm>> -> memref<1x1x64xf32, #tpu.memory_space<hbm>>
      %dma_wait3A_940 = tpu.memref_squeeze %dma_wait3A_939 : memref<1x1x64xf32, #tpu.memory_space<hbm>> -> memref<1x64xf32, #tpu.memory_space<hbm>>
      %dma_wait3A_941 = arith.constant 0 : i32
      %dma_wait3A_942 = tpu.memref_slice %arg9[%add3A_256, %dma_wait3A_941] : memref<256x64xf32, #tpu.memory_space<vmem>> -> memref<1x64xf32, #tpu.memory_space<vmem>>
      %dma_wait3A_943 = arith.constant 0 : i32
      %dma_wait3A_944 = tpu.memref_slice %arg2[%shift_right_arithmetic3A_258, %and3A_260, %dma_wait3A_943] : memref<125000x8x64xf32, #tpu.memory_space<hbm>> -> memref<1x1x64xf32, #tpu.memory_space<hbm>>
      %dma_wait3A_945 = tpu.memref_squeeze %dma_wait3A_944 : memref<1x1x64xf32, #tpu.memory_space<hbm>> -> memref<1x64xf32, #tpu.memory_space<hbm>>
      tpu.wait_dma2 semaphore(%arg11 : memref<!tpu.dma_semaphore, #tpu.memory_space<semaphore_mem>>) src(%dma_wait3A_945 : memref<1x64xf32, #tpu.memory_space<hbm>>) dst(%dma_wait3A_942 : memref<1x64xf32, #tpu.memory_space<vmem>>)
      %dma_wait3A_946 = arith.constant 0 : i32
      %dma_wait3A_947 = tpu.memref_slice %arg10[%add3A_256, %dma_wait3A_946] : memref<256x64xf32, #tpu.memory_space<vmem>> -> memref<1x64xf32, #tpu.memory_space<vmem>>
      %dma_wait3A_948 = arith.constant 0 : i32
      %dma_wait3A_949 = tpu.memref_slice %arg2[%shift_right_arithmetic3A_272, %and3A_274, %dma_wait3A_948] : memref<125000x8x64xf32, #tpu.memory_space<hbm>> -> memref<1x1x64xf32, #tpu.memory_space<hbm>>
      %dma_wait3A_950 = tpu.memref_squeeze %dma_wait3A_949 : memref<1x1x64xf32, #tpu.memory_space<hbm>> -> memref<1x64xf32, #tpu.memory_space<hbm>>
      %dma_wait3A_951 = arith.constant 0 : i32
      %dma_wait3A_952 = tpu.memref_slice %arg10[%add3A_256, %dma_wait3A_951] : memref<256x64xf32, #tpu.memory_space<vmem>> -> memref<1x64xf32, #tpu.memory_space<vmem>>
      %dma_wait3A_953 = arith.constant 0 : i32
      %dma_wait3A_954 = tpu.memref_slice %arg2[%shift_right_arithmetic3A_272, %and3A_274, %dma_wait3A_953] : memref<125000x8x64xf32, #tpu.memory_space<hbm>> -> memref<1x1x64xf32, #tpu.memory_space<hbm>>
      %dma_wait3A_955 = tpu.memref_squeeze %dma_wait3A_954 : memref<1x1x64xf32, #tpu.memory_space<hbm>> -> memref<1x64xf32, #tpu.memory_space<hbm>>
      tpu.wait_dma2 semaphore(%arg11 : memref<!tpu.dma_semaphore, #tpu.memory_space<semaphore_mem>>) src(%dma_wait3A_955 : memref<1x64xf32, #tpu.memory_space<hbm>>) dst(%dma_wait3A_952 : memref<1x64xf32, #tpu.memory_space<vmem>>)
      %dma_wait3A_956 = arith.constant 0 : i32
      %dma_wait3A_957 = tpu.memref_slice %arg9[%add3A_308, %dma_wait3A_956] : memref<256x64xf32, #tpu.memory_space<vmem>> -> memref<1x64xf32, #tpu.memory_space<vmem>>
      %dma_wait3A_958 = arith.constant 0 : i32
      %dma_wait3A_959 = tpu.memref_slice %arg2[%shift_right_arithmetic3A_310, %and3A_312, %dma_wait3A_958] : memref<125000x8x64xf32, #tpu.memory_space<hbm>> -> memref<1x1x64xf32, #tpu.memory_space<hbm>>
      %dma_wait3A_960 = tpu.memref_squeeze %dma_wait3A_959 : memref<1x1x64xf32, #tpu.memory_space<hbm>> -> memref<1x64xf32, #tpu.memory_space<hbm>>
      %dma_wait3A_961 = arith.constant 0 : i32
      %dma_wait3A_962 = tpu.memref_slice %arg9[%add3A_308, %dma_wait3A_961] : memref<256x64xf32, #tpu.memory_space<vmem>> -> memref<1x64xf32, #tpu.memory_space<vmem>>
      %dma_wait3A_963 = arith.constant 0 : i32
      %dma_wait3A_964 = tpu.memref_slice %arg2[%shift_right_arithmetic3A_310, %and3A_312, %dma_wait3A_963] : memref<125000x8x64xf32, #tpu.memory_space<hbm>> -> memref<1x1x64xf32, #tpu.memory_space<hbm>>
      %dma_wait3A_965 = tpu.memref_squeeze %dma_wait3A_964 : memref<1x1x64xf32, #tpu.memory_space<hbm>> -> memref<1x64xf32, #tpu.memory_space<hbm>>
      tpu.wait_dma2 semaphore(%arg11 : memref<!tpu.dma_semaphore, #tpu.memory_space<semaphore_mem>>) src(%dma_wait3A_965 : memref<1x64xf32, #tpu.memory_space<hbm>>) dst(%dma_wait3A_962 : memref<1x64xf32, #tpu.memory_space<vmem>>)
      %dma_wait3A_966 = arith.constant 0 : i32
      %dma_wait3A_967 = tpu.memref_slice %arg10[%add3A_308, %dma_wait3A_966] : memref<256x64xf32, #tpu.memory_space<vmem>> -> memref<1x64xf32, #tpu.memory_space<vmem>>
      %dma_wait3A_968 = arith.constant 0 : i32
      %dma_wait3A_969 = tpu.memref_slice %arg2[%shift_right_arithmetic3A_324, %and3A_326, %dma_wait3A_968] : memref<125000x8x64xf32, #tpu.memory_space<hbm>> -> memref<1x1x64xf32, #tpu.memory_space<hbm>>
      %dma_wait3A_970 = tpu.memref_squeeze %dma_wait3A_969 : memref<1x1x64xf32, #tpu.memory_space<hbm>> -> memref<1x64xf32, #tpu.memory_space<hbm>>
      %dma_wait3A_971 = arith.constant 0 : i32
      %dma_wait3A_972 = tpu.memref_slice %arg10[%add3A_308, %dma_wait3A_971] : memref<256x64xf32, #tpu.memory_space<vmem>> -> memref<1x64xf32, #tpu.memory_space<vmem>>
      %dma_wait3A_973 = arith.constant 0 : i32
      %dma_wait3A_974 = tpu.memref_slice %arg2[%shift_right_arithmetic3A_324, %and3A_326, %dma_wait3A_973] : memref<125000x8x64xf32, #tpu.memory_space<hbm>> -> memref<1x1x64xf32, #tpu.memory_space<hbm>>
      %dma_wait3A_975 = tpu.memref_squeeze %dma_wait3A_974 : memref<1x1x64xf32, #tpu.memory_space<hbm>> -> memref<1x64xf32, #tpu.memory_space<hbm>>
      tpu.wait_dma2 semaphore(%arg11 : memref<!tpu.dma_semaphore, #tpu.memory_space<semaphore_mem>>) src(%dma_wait3A_975 : memref<1x64xf32, #tpu.memory_space<hbm>>) dst(%dma_wait3A_972 : memref<1x64xf32, #tpu.memory_space<vmem>>)
      %dma_wait3A_976 = arith.constant 0 : i32
      %dma_wait3A_977 = tpu.memref_slice %arg9[%add3A_360, %dma_wait3A_976] : memref<256x64xf32, #tpu.memory_space<vmem>> -> memref<1x64xf32, #tpu.memory_space<vmem>>
      %dma_wait3A_978 = arith.constant 0 : i32
      %dma_wait3A_979 = tpu.memref_slice %arg2[%shift_right_arithmetic3A_362, %and3A_364, %dma_wait3A_978] : memref<125000x8x64xf32, #tpu.memory_space<hbm>> -> memref<1x1x64xf32, #tpu.memory_space<hbm>>
      %dma_wait3A_980 = tpu.memref_squeeze %dma_wait3A_979 : memref<1x1x64xf32, #tpu.memory_space<hbm>> -> memref<1x64xf32, #tpu.memory_space<hbm>>
      %dma_wait3A_981 = arith.constant 0 : i32
      %dma_wait3A_982 = tpu.memref_slice %arg9[%add3A_360, %dma_wait3A_981] : memref<256x64xf32, #tpu.memory_space<vmem>> -> memref<1x64xf32, #tpu.memory_space<vmem>>
      %dma_wait3A_983 = arith.constant 0 : i32
      %dma_wait3A_984 = tpu.memref_slice %arg2[%shift_right_arithmetic3A_362, %and3A_364, %dma_wait3A_983] : memref<125000x8x64xf32, #tpu.memory_space<hbm>> -> memref<1x1x64xf32, #tpu.memory_space<hbm>>
      %dma_wait3A_985 = tpu.memref_squeeze %dma_wait3A_984 : memref<1x1x64xf32, #tpu.memory_space<hbm>> -> memref<1x64xf32, #tpu.memory_space<hbm>>
      tpu.wait_dma2 semaphore(%arg11 : memref<!tpu.dma_semaphore, #tpu.memory_space<semaphore_mem>>) src(%dma_wait3A_985 : memref<1x64xf32, #tpu.memory_space<hbm>>) dst(%dma_wait3A_982 : memref<1x64xf32, #tpu.memory_space<vmem>>)
      %dma_wait3A_986 = arith.constant 0 : i32
      %dma_wait3A_987 = tpu.memref_slice %arg10[%add3A_360, %dma_wait3A_986] : memref<256x64xf32, #tpu.memory_space<vmem>> -> memref<1x64xf32, #tpu.memory_space<vmem>>
      %dma_wait3A_988 = arith.constant 0 : i32
      %dma_wait3A_989 = tpu.memref_slice %arg2[%shift_right_arithmetic3A_376, %and3A_378, %dma_wait3A_988] : memref<125000x8x64xf32, #tpu.memory_space<hbm>> -> memref<1x1x64xf32, #tpu.memory_space<hbm>>
      %dma_wait3A_990 = tpu.memref_squeeze %dma_wait3A_989 : memref<1x1x64xf32, #tpu.memory_space<hbm>> -> memref<1x64xf32, #tpu.memory_space<hbm>>
      %dma_wait3A_991 = arith.constant 0 : i32
      %dma_wait3A_992 = tpu.memref_slice %arg10[%add3A_360, %dma_wait3A_991] : memref<256x64xf32, #tpu.memory_space<vmem>> -> memref<1x64xf32, #tpu.memory_space<vmem>>
      %dma_wait3A_993 = arith.constant 0 : i32
      %dma_wait3A_994 = tpu.memref_slice %arg2[%shift_right_arithmetic3A_376, %and3A_378, %dma_wait3A_993] : memref<125000x8x64xf32, #tpu.memory_space<hbm>> -> memref<1x1x64xf32, #tpu.memory_space<hbm>>
      %dma_wait3A_995 = tpu.memref_squeeze %dma_wait3A_994 : memref<1x1x64xf32, #tpu.memory_space<hbm>> -> memref<1x64xf32, #tpu.memory_space<hbm>>
      tpu.wait_dma2 semaphore(%arg11 : memref<!tpu.dma_semaphore, #tpu.memory_space<semaphore_mem>>) src(%dma_wait3A_995 : memref<1x64xf32, #tpu.memory_space<hbm>>) dst(%dma_wait3A_992 : memref<1x64xf32, #tpu.memory_space<vmem>>)
      %dma_wait3A_996 = arith.constant 0 : i32
      %dma_wait3A_997 = tpu.memref_slice %arg9[%add3A_412, %dma_wait3A_996] : memref<256x64xf32, #tpu.memory_space<vmem>> -> memref<1x64xf32, #tpu.memory_space<vmem>>
      %dma_wait3A_998 = arith.constant 0 : i32
      %dma_wait3A_999 = tpu.memref_slice %arg2[%shift_right_arithmetic3A_414, %and3A_416, %dma_wait3A_998] : memref<125000x8x64xf32, #tpu.memory_space<hbm>> -> memref<1x1x64xf32, #tpu.memory_space<hbm>>
      %dma_wait3A_1000 = tpu.memref_squeeze %dma_wait3A_999 : memref<1x1x64xf32, #tpu.memory_space<hbm>> -> memref<1x64xf32, #tpu.memory_space<hbm>>
      %dma_wait3A_1001 = arith.constant 0 : i32
      %dma_wait3A_1002 = tpu.memref_slice %arg9[%add3A_412, %dma_wait3A_1001] : memref<256x64xf32, #tpu.memory_space<vmem>> -> memref<1x64xf32, #tpu.memory_space<vmem>>
      %dma_wait3A_1003 = arith.constant 0 : i32
      %dma_wait3A_1004 = tpu.memref_slice %arg2[%shift_right_arithmetic3A_414, %and3A_416, %dma_wait3A_1003] : memref<125000x8x64xf32, #tpu.memory_space<hbm>> -> memref<1x1x64xf32, #tpu.memory_space<hbm>>
      %dma_wait3A_1005 = tpu.memref_squeeze %dma_wait3A_1004 : memref<1x1x64xf32, #tpu.memory_space<hbm>> -> memref<1x64xf32, #tpu.memory_space<hbm>>
      tpu.wait_dma2 semaphore(%arg11 : memref<!tpu.dma_semaphore, #tpu.memory_space<semaphore_mem>>) src(%dma_wait3A_1005 : memref<1x64xf32, #tpu.memory_space<hbm>>) dst(%dma_wait3A_1002 : memref<1x64xf32, #tpu.memory_space<vmem>>)
      %dma_wait3A_1006 = arith.constant 0 : i32
      %dma_wait3A_1007 = tpu.memref_slice %arg10[%add3A_412, %dma_wait3A_1006] : memref<256x64xf32, #tpu.memory_space<vmem>> -> memref<1x64xf32, #tpu.memory_space<vmem>>
      %dma_wait3A_1008 = arith.constant 0 : i32
      %dma_wait3A_1009 = tpu.memref_slice %arg2[%shift_right_arithmetic3A_428, %and3A_430, %dma_wait3A_1008] : memref<125000x8x64xf32, #tpu.memory_space<hbm>> -> memref<1x1x64xf32, #tpu.memory_space<hbm>>
      %dma_wait3A_1010 = tpu.memref_squeeze %dma_wait3A_1009 : memref<1x1x64xf32, #tpu.memory_space<hbm>> -> memref<1x64xf32, #tpu.memory_space<hbm>>
      %dma_wait3A_1011 = arith.constant 0 : i32
      %dma_wait3A_1012 = tpu.memref_slice %arg10[%add3A_412, %dma_wait3A_1011] : memref<256x64xf32, #tpu.memory_space<vmem>> -> memref<1x64xf32, #tpu.memory_space<vmem>>
      %dma_wait3A_1013 = arith.constant 0 : i32
      %dma_wait3A_1014 = tpu.memref_slice %arg2[%shift_right_arithmetic3A_428, %and3A_430, %dma_wait3A_1013] : memref<125000x8x64xf32, #tpu.memory_space<hbm>> -> memref<1x1x64xf32, #tpu.memory_space<hbm>>
      %dma_wait3A_1015 = tpu.memref_squeeze %dma_wait3A_1014 : memref<1x1x64xf32, #tpu.memory_space<hbm>> -> memref<1x64xf32, #tpu.memory_space<hbm>>
      tpu.wait_dma2 semaphore(%arg11 : memref<!tpu.dma_semaphore, #tpu.memory_space<semaphore_mem>>) src(%dma_wait3A_1015 : memref<1x64xf32, #tpu.memory_space<hbm>>) dst(%dma_wait3A_1012 : memref<1x64xf32, #tpu.memory_space<vmem>>)
      %dma_wait3A_1016 = arith.constant 0 : i32
      %dma_wait3A_1017 = tpu.memref_slice %arg9[%add3A_464, %dma_wait3A_1016] : memref<256x64xf32, #tpu.memory_space<vmem>> -> memref<1x64xf32, #tpu.memory_space<vmem>>
      %dma_wait3A_1018 = arith.constant 0 : i32
      %dma_wait3A_1019 = tpu.memref_slice %arg2[%shift_right_arithmetic3A_466, %and3A_468, %dma_wait3A_1018] : memref<125000x8x64xf32, #tpu.memory_space<hbm>> -> memref<1x1x64xf32, #tpu.memory_space<hbm>>
      %dma_wait3A_1020 = tpu.memref_squeeze %dma_wait3A_1019 : memref<1x1x64xf32, #tpu.memory_space<hbm>> -> memref<1x64xf32, #tpu.memory_space<hbm>>
      %dma_wait3A_1021 = arith.constant 0 : i32
      %dma_wait3A_1022 = tpu.memref_slice %arg9[%add3A_464, %dma_wait3A_1021] : memref<256x64xf32, #tpu.memory_space<vmem>> -> memref<1x64xf32, #tpu.memory_space<vmem>>
      %dma_wait3A_1023 = arith.constant 0 : i32
      %dma_wait3A_1024 = tpu.memref_slice %arg2[%shift_right_arithmetic3A_466, %and3A_468, %dma_wait3A_1023] : memref<125000x8x64xf32, #tpu.memory_space<hbm>> -> memref<1x1x64xf32, #tpu.memory_space<hbm>>
      %dma_wait3A_1025 = tpu.memref_squeeze %dma_wait3A_1024 : memref<1x1x64xf32, #tpu.memory_space<hbm>> -> memref<1x64xf32, #tpu.memory_space<hbm>>
      tpu.wait_dma2 semaphore(%arg11 : memref<!tpu.dma_semaphore, #tpu.memory_space<semaphore_mem>>) src(%dma_wait3A_1025 : memref<1x64xf32, #tpu.memory_space<hbm>>) dst(%dma_wait3A_1022 : memref<1x64xf32, #tpu.memory_space<vmem>>)
      %dma_wait3A_1026 = arith.constant 0 : i32
      %dma_wait3A_1027 = tpu.memref_slice %arg10[%add3A_464, %dma_wait3A_1026] : memref<256x64xf32, #tpu.memory_space<vmem>> -> memref<1x64xf32, #tpu.memory_space<vmem>>
      %dma_wait3A_1028 = arith.constant 0 : i32
      %dma_wait3A_1029 = tpu.memref_slice %arg2[%shift_right_arithmetic3A_480, %and3A_482, %dma_wait3A_1028] : memref<125000x8x64xf32, #tpu.memory_space<hbm>> -> memref<1x1x64xf32, #tpu.memory_space<hbm>>
      %dma_wait3A_1030 = tpu.memref_squeeze %dma_wait3A_1029 : memref<1x1x64xf32, #tpu.memory_space<hbm>> -> memref<1x64xf32, #tpu.memory_space<hbm>>
      %dma_wait3A_1031 = arith.constant 0 : i32
      %dma_wait3A_1032 = tpu.memref_slice %arg10[%add3A_464, %dma_wait3A_1031] : memref<256x64xf32, #tpu.memory_space<vmem>> -> memref<1x64xf32, #tpu.memory_space<vmem>>
      %dma_wait3A_1033 = arith.constant 0 : i32
      %dma_wait3A_1034 = tpu.memref_slice %arg2[%shift_right_arithmetic3A_480, %and3A_482, %dma_wait3A_1033] : memref<125000x8x64xf32, #tpu.memory_space<hbm>> -> memref<1x1x64xf32, #tpu.memory_space<hbm>>
      %dma_wait3A_1035 = tpu.memref_squeeze %dma_wait3A_1034 : memref<1x1x64xf32, #tpu.memory_space<hbm>> -> memref<1x64xf32, #tpu.memory_space<hbm>>
      tpu.wait_dma2 semaphore(%arg11 : memref<!tpu.dma_semaphore, #tpu.memory_space<semaphore_mem>>) src(%dma_wait3A_1035 : memref<1x64xf32, #tpu.memory_space<hbm>>) dst(%dma_wait3A_1032 : memref<1x64xf32, #tpu.memory_space<vmem>>)
      %dma_wait3A_1036 = arith.constant 0 : i32
      %dma_wait3A_1037 = tpu.memref_slice %arg9[%add3A_516, %dma_wait3A_1036] : memref<256x64xf32, #tpu.memory_space<vmem>> -> memref<1x64xf32, #tpu.memory_space<vmem>>
      %dma_wait3A_1038 = arith.constant 0 : i32
      %dma_wait3A_1039 = tpu.memref_slice %arg2[%shift_right_arithmetic3A_518, %and3A_520, %dma_wait3A_1038] : memref<125000x8x64xf32, #tpu.memory_space<hbm>> -> memref<1x1x64xf32, #tpu.memory_space<hbm>>
      %dma_wait3A_1040 = tpu.memref_squeeze %dma_wait3A_1039 : memref<1x1x64xf32, #tpu.memory_space<hbm>> -> memref<1x64xf32, #tpu.memory_space<hbm>>
      %dma_wait3A_1041 = arith.constant 0 : i32
      %dma_wait3A_1042 = tpu.memref_slice %arg9[%add3A_516, %dma_wait3A_1041] : memref<256x64xf32, #tpu.memory_space<vmem>> -> memref<1x64xf32, #tpu.memory_space<vmem>>
      %dma_wait3A_1043 = arith.constant 0 : i32
      %dma_wait3A_1044 = tpu.memref_slice %arg2[%shift_right_arithmetic3A_518, %and3A_520, %dma_wait3A_1043] : memref<125000x8x64xf32, #tpu.memory_space<hbm>> -> memref<1x1x64xf32, #tpu.memory_space<hbm>>
      %dma_wait3A_1045 = tpu.memref_squeeze %dma_wait3A_1044 : memref<1x1x64xf32, #tpu.memory_space<hbm>> -> memref<1x64xf32, #tpu.memory_space<hbm>>
      tpu.wait_dma2 semaphore(%arg11 : memref<!tpu.dma_semaphore, #tpu.memory_space<semaphore_mem>>) src(%dma_wait3A_1045 : memref<1x64xf32, #tpu.memory_space<hbm>>) dst(%dma_wait3A_1042 : memref<1x64xf32, #tpu.memory_space<vmem>>)
      %dma_wait3A_1046 = arith.constant 0 : i32
      %dma_wait3A_1047 = tpu.memref_slice %arg10[%add3A_516, %dma_wait3A_1046] : memref<256x64xf32, #tpu.memory_space<vmem>> -> memref<1x64xf32, #tpu.memory_space<vmem>>
      %dma_wait3A_1048 = arith.constant 0 : i32
      %dma_wait3A_1049 = tpu.memref_slice %arg2[%shift_right_arithmetic3A_532, %and3A_534, %dma_wait3A_1048] : memref<125000x8x64xf32, #tpu.memory_space<hbm>> -> memref<1x1x64xf32, #tpu.memory_space<hbm>>
      %dma_wait3A_1050 = tpu.memref_squeeze %dma_wait3A_1049 : memref<1x1x64xf32, #tpu.memory_space<hbm>> -> memref<1x64xf32, #tpu.memory_space<hbm>>
      %dma_wait3A_1051 = arith.constant 0 : i32
      %dma_wait3A_1052 = tpu.memref_slice %arg10[%add3A_516, %dma_wait3A_1051] : memref<256x64xf32, #tpu.memory_space<vmem>> -> memref<1x64xf32, #tpu.memory_space<vmem>>
      %dma_wait3A_1053 = arith.constant 0 : i32
      %dma_wait3A_1054 = tpu.memref_slice %arg2[%shift_right_arithmetic3A_532, %and3A_534, %dma_wait3A_1053] : memref<125000x8x64xf32, #tpu.memory_space<hbm>> -> memref<1x1x64xf32, #tpu.memory_space<hbm>>
      %dma_wait3A_1055 = tpu.memref_squeeze %dma_wait3A_1054 : memref<1x1x64xf32, #tpu.memory_space<hbm>> -> memref<1x64xf32, #tpu.memory_space<hbm>>
      tpu.wait_dma2 semaphore(%arg11 : memref<!tpu.dma_semaphore, #tpu.memory_space<semaphore_mem>>) src(%dma_wait3A_1055 : memref<1x64xf32, #tpu.memory_space<hbm>>) dst(%dma_wait3A_1052 : memref<1x64xf32, #tpu.memory_space<vmem>>)
      %dma_wait3A_1056 = arith.constant 0 : i32
      %dma_wait3A_1057 = tpu.memref_slice %arg9[%add3A_568, %dma_wait3A_1056] : memref<256x64xf32, #tpu.memory_space<vmem>> -> memref<1x64xf32, #tpu.memory_space<vmem>>
      %dma_wait3A_1058 = arith.constant 0 : i32
      %dma_wait3A_1059 = tpu.memref_slice %arg2[%shift_right_arithmetic3A_570, %and3A_572, %dma_wait3A_1058] : memref<125000x8x64xf32, #tpu.memory_space<hbm>> -> memref<1x1x64xf32, #tpu.memory_space<hbm>>
      %dma_wait3A_1060 = tpu.memref_squeeze %dma_wait3A_1059 : memref<1x1x64xf32, #tpu.memory_space<hbm>> -> memref<1x64xf32, #tpu.memory_space<hbm>>
      %dma_wait3A_1061 = arith.constant 0 : i32
      %dma_wait3A_1062 = tpu.memref_slice %arg9[%add3A_568, %dma_wait3A_1061] : memref<256x64xf32, #tpu.memory_space<vmem>> -> memref<1x64xf32, #tpu.memory_space<vmem>>
      %dma_wait3A_1063 = arith.constant 0 : i32
      %dma_wait3A_1064 = tpu.memref_slice %arg2[%shift_right_arithmetic3A_570, %and3A_572, %dma_wait3A_1063] : memref<125000x8x64xf32, #tpu.memory_space<hbm>> -> memref<1x1x64xf32, #tpu.memory_space<hbm>>
      %dma_wait3A_1065 = tpu.memref_squeeze %dma_wait3A_1064 : memref<1x1x64xf32, #tpu.memory_space<hbm>> -> memref<1x64xf32, #tpu.memory_space<hbm>>
      tpu.wait_dma2 semaphore(%arg11 : memref<!tpu.dma_semaphore, #tpu.memory_space<semaphore_mem>>) src(%dma_wait3A_1065 : memref<1x64xf32, #tpu.memory_space<hbm>>) dst(%dma_wait3A_1062 : memref<1x64xf32, #tpu.memory_space<vmem>>)
      %dma_wait3A_1066 = arith.constant 0 : i32
      %dma_wait3A_1067 = tpu.memref_slice %arg10[%add3A_568, %dma_wait3A_1066] : memref<256x64xf32, #tpu.memory_space<vmem>> -> memref<1x64xf32, #tpu.memory_space<vmem>>
      %dma_wait3A_1068 = arith.constant 0 : i32
      %dma_wait3A_1069 = tpu.memref_slice %arg2[%shift_right_arithmetic3A_584, %and3A_586, %dma_wait3A_1068] : memref<125000x8x64xf32, #tpu.memory_space<hbm>> -> memref<1x1x64xf32, #tpu.memory_space<hbm>>
      %dma_wait3A_1070 = tpu.memref_squeeze %dma_wait3A_1069 : memref<1x1x64xf32, #tpu.memory_space<hbm>> -> memref<1x64xf32, #tpu.memory_space<hbm>>
      %dma_wait3A_1071 = arith.constant 0 : i32
      %dma_wait3A_1072 = tpu.memref_slice %arg10[%add3A_568, %dma_wait3A_1071] : memref<256x64xf32, #tpu.memory_space<vmem>> -> memref<1x64xf32, #tpu.memory_space<vmem>>
      %dma_wait3A_1073 = arith.constant 0 : i32
      %dma_wait3A_1074 = tpu.memref_slice %arg2[%shift_right_arithmetic3A_584, %and3A_586, %dma_wait3A_1073] : memref<125000x8x64xf32, #tpu.memory_space<hbm>> -> memref<1x1x64xf32, #tpu.memory_space<hbm>>
      %dma_wait3A_1075 = tpu.memref_squeeze %dma_wait3A_1074 : memref<1x1x64xf32, #tpu.memory_space<hbm>> -> memref<1x64xf32, #tpu.memory_space<hbm>>
      tpu.wait_dma2 semaphore(%arg11 : memref<!tpu.dma_semaphore, #tpu.memory_space<semaphore_mem>>) src(%dma_wait3A_1075 : memref<1x64xf32, #tpu.memory_space<hbm>>) dst(%dma_wait3A_1072 : memref<1x64xf32, #tpu.memory_space<vmem>>)
      %dma_wait3A_1076 = arith.constant 0 : i32
      %dma_wait3A_1077 = tpu.memref_slice %arg9[%add3A_620, %dma_wait3A_1076] : memref<256x64xf32, #tpu.memory_space<vmem>> -> memref<1x64xf32, #tpu.memory_space<vmem>>
      %dma_wait3A_1078 = arith.constant 0 : i32
      %dma_wait3A_1079 = tpu.memref_slice %arg2[%shift_right_arithmetic3A_622, %and3A_624, %dma_wait3A_1078] : memref<125000x8x64xf32, #tpu.memory_space<hbm>> -> memref<1x1x64xf32, #tpu.memory_space<hbm>>
      %dma_wait3A_1080 = tpu.memref_squeeze %dma_wait3A_1079 : memref<1x1x64xf32, #tpu.memory_space<hbm>> -> memref<1x64xf32, #tpu.memory_space<hbm>>
      %dma_wait3A_1081 = arith.constant 0 : i32
      %dma_wait3A_1082 = tpu.memref_slice %arg9[%add3A_620, %dma_wait3A_1081] : memref<256x64xf32, #tpu.memory_space<vmem>> -> memref<1x64xf32, #tpu.memory_space<vmem>>
      %dma_wait3A_1083 = arith.constant 0 : i32
      %dma_wait3A_1084 = tpu.memref_slice %arg2[%shift_right_arithmetic3A_622, %and3A_624, %dma_wait3A_1083] : memref<125000x8x64xf32, #tpu.memory_space<hbm>> -> memref<1x1x64xf32, #tpu.memory_space<hbm>>
      %dma_wait3A_1085 = tpu.memref_squeeze %dma_wait3A_1084 : memref<1x1x64xf32, #tpu.memory_space<hbm>> -> memref<1x64xf32, #tpu.memory_space<hbm>>
      tpu.wait_dma2 semaphore(%arg11 : memref<!tpu.dma_semaphore, #tpu.memory_space<semaphore_mem>>) src(%dma_wait3A_1085 : memref<1x64xf32, #tpu.memory_space<hbm>>) dst(%dma_wait3A_1082 : memref<1x64xf32, #tpu.memory_space<vmem>>)
      %dma_wait3A_1086 = arith.constant 0 : i32
      %dma_wait3A_1087 = tpu.memref_slice %arg10[%add3A_620, %dma_wait3A_1086] : memref<256x64xf32, #tpu.memory_space<vmem>> -> memref<1x64xf32, #tpu.memory_space<vmem>>
      %dma_wait3A_1088 = arith.constant 0 : i32
      %dma_wait3A_1089 = tpu.memref_slice %arg2[%shift_right_arithmetic3A_636, %and3A_638, %dma_wait3A_1088] : memref<125000x8x64xf32, #tpu.memory_space<hbm>> -> memref<1x1x64xf32, #tpu.memory_space<hbm>>
      %dma_wait3A_1090 = tpu.memref_squeeze %dma_wait3A_1089 : memref<1x1x64xf32, #tpu.memory_space<hbm>> -> memref<1x64xf32, #tpu.memory_space<hbm>>
      %dma_wait3A_1091 = arith.constant 0 : i32
      %dma_wait3A_1092 = tpu.memref_slice %arg10[%add3A_620, %dma_wait3A_1091] : memref<256x64xf32, #tpu.memory_space<vmem>> -> memref<1x64xf32, #tpu.memory_space<vmem>>
      %dma_wait3A_1093 = arith.constant 0 : i32
      %dma_wait3A_1094 = tpu.memref_slice %arg2[%shift_right_arithmetic3A_636, %and3A_638, %dma_wait3A_1093] : memref<125000x8x64xf32, #tpu.memory_space<hbm>> -> memref<1x1x64xf32, #tpu.memory_space<hbm>>
      %dma_wait3A_1095 = tpu.memref_squeeze %dma_wait3A_1094 : memref<1x1x64xf32, #tpu.memory_space<hbm>> -> memref<1x64xf32, #tpu.memory_space<hbm>>
      tpu.wait_dma2 semaphore(%arg11 : memref<!tpu.dma_semaphore, #tpu.memory_space<semaphore_mem>>) src(%dma_wait3A_1095 : memref<1x64xf32, #tpu.memory_space<hbm>>) dst(%dma_wait3A_1092 : memref<1x64xf32, #tpu.memory_space<vmem>>)
      %dma_wait3A_1096 = arith.constant 0 : i32
      %dma_wait3A_1097 = tpu.memref_slice %arg9[%add3A_672, %dma_wait3A_1096] : memref<256x64xf32, #tpu.memory_space<vmem>> -> memref<1x64xf32, #tpu.memory_space<vmem>>
      %dma_wait3A_1098 = arith.constant 0 : i32
      %dma_wait3A_1099 = tpu.memref_slice %arg2[%shift_right_arithmetic3A_674, %and3A_676, %dma_wait3A_1098] : memref<125000x8x64xf32, #tpu.memory_space<hbm>> -> memref<1x1x64xf32, #tpu.memory_space<hbm>>
      %dma_wait3A_1100 = tpu.memref_squeeze %dma_wait3A_1099 : memref<1x1x64xf32, #tpu.memory_space<hbm>> -> memref<1x64xf32, #tpu.memory_space<hbm>>
      %dma_wait3A_1101 = arith.constant 0 : i32
      %dma_wait3A_1102 = tpu.memref_slice %arg9[%add3A_672, %dma_wait3A_1101] : memref<256x64xf32, #tpu.memory_space<vmem>> -> memref<1x64xf32, #tpu.memory_space<vmem>>
      %dma_wait3A_1103 = arith.constant 0 : i32
      %dma_wait3A_1104 = tpu.memref_slice %arg2[%shift_right_arithmetic3A_674, %and3A_676, %dma_wait3A_1103] : memref<125000x8x64xf32, #tpu.memory_space<hbm>> -> memref<1x1x64xf32, #tpu.memory_space<hbm>>
      %dma_wait3A_1105 = tpu.memref_squeeze %dma_wait3A_1104 : memref<1x1x64xf32, #tpu.memory_space<hbm>> -> memref<1x64xf32, #tpu.memory_space<hbm>>
      tpu.wait_dma2 semaphore(%arg11 : memref<!tpu.dma_semaphore, #tpu.memory_space<semaphore_mem>>) src(%dma_wait3A_1105 : memref<1x64xf32, #tpu.memory_space<hbm>>) dst(%dma_wait3A_1102 : memref<1x64xf32, #tpu.memory_space<vmem>>)
      %dma_wait3A_1106 = arith.constant 0 : i32
      %dma_wait3A_1107 = tpu.memref_slice %arg10[%add3A_672, %dma_wait3A_1106] : memref<256x64xf32, #tpu.memory_space<vmem>> -> memref<1x64xf32, #tpu.memory_space<vmem>>
      %dma_wait3A_1108 = arith.constant 0 : i32
      %dma_wait3A_1109 = tpu.memref_slice %arg2[%shift_right_arithmetic3A_688, %and3A_690, %dma_wait3A_1108] : memref<125000x8x64xf32, #tpu.memory_space<hbm>> -> memref<1x1x64xf32, #tpu.memory_space<hbm>>
      %dma_wait3A_1110 = tpu.memref_squeeze %dma_wait3A_1109 : memref<1x1x64xf32, #tpu.memory_space<hbm>> -> memref<1x64xf32, #tpu.memory_space<hbm>>
      %dma_wait3A_1111 = arith.constant 0 : i32
      %dma_wait3A_1112 = tpu.memref_slice %arg10[%add3A_672, %dma_wait3A_1111] : memref<256x64xf32, #tpu.memory_space<vmem>> -> memref<1x64xf32, #tpu.memory_space<vmem>>
      %dma_wait3A_1113 = arith.constant 0 : i32
      %dma_wait3A_1114 = tpu.memref_slice %arg2[%shift_right_arithmetic3A_688, %and3A_690, %dma_wait3A_1113] : memref<125000x8x64xf32, #tpu.memory_space<hbm>> -> memref<1x1x64xf32, #tpu.memory_space<hbm>>
      %dma_wait3A_1115 = tpu.memref_squeeze %dma_wait3A_1114 : memref<1x1x64xf32, #tpu.memory_space<hbm>> -> memref<1x64xf32, #tpu.memory_space<hbm>>
      tpu.wait_dma2 semaphore(%arg11 : memref<!tpu.dma_semaphore, #tpu.memory_space<semaphore_mem>>) src(%dma_wait3A_1115 : memref<1x64xf32, #tpu.memory_space<hbm>>) dst(%dma_wait3A_1112 : memref<1x64xf32, #tpu.memory_space<vmem>>)
      %dma_wait3A_1116 = arith.constant 0 : i32
      %dma_wait3A_1117 = tpu.memref_slice %arg9[%add3A_724, %dma_wait3A_1116] : memref<256x64xf32, #tpu.memory_space<vmem>> -> memref<1x64xf32, #tpu.memory_space<vmem>>
      %dma_wait3A_1118 = arith.constant 0 : i32
      %dma_wait3A_1119 = tpu.memref_slice %arg2[%shift_right_arithmetic3A_726, %and3A_728, %dma_wait3A_1118] : memref<125000x8x64xf32, #tpu.memory_space<hbm>> -> memref<1x1x64xf32, #tpu.memory_space<hbm>>
      %dma_wait3A_1120 = tpu.memref_squeeze %dma_wait3A_1119 : memref<1x1x64xf32, #tpu.memory_space<hbm>> -> memref<1x64xf32, #tpu.memory_space<hbm>>
      %dma_wait3A_1121 = arith.constant 0 : i32
      %dma_wait3A_1122 = tpu.memref_slice %arg9[%add3A_724, %dma_wait3A_1121] : memref<256x64xf32, #tpu.memory_space<vmem>> -> memref<1x64xf32, #tpu.memory_space<vmem>>
      %dma_wait3A_1123 = arith.constant 0 : i32
      %dma_wait3A_1124 = tpu.memref_slice %arg2[%shift_right_arithmetic3A_726, %and3A_728, %dma_wait3A_1123] : memref<125000x8x64xf32, #tpu.memory_space<hbm>> -> memref<1x1x64xf32, #tpu.memory_space<hbm>>
      %dma_wait3A_1125 = tpu.memref_squeeze %dma_wait3A_1124 : memref<1x1x64xf32, #tpu.memory_space<hbm>> -> memref<1x64xf32, #tpu.memory_space<hbm>>
      tpu.wait_dma2 semaphore(%arg11 : memref<!tpu.dma_semaphore, #tpu.memory_space<semaphore_mem>>) src(%dma_wait3A_1125 : memref<1x64xf32, #tpu.memory_space<hbm>>) dst(%dma_wait3A_1122 : memref<1x64xf32, #tpu.memory_space<vmem>>)
      %dma_wait3A_1126 = arith.constant 0 : i32
      %dma_wait3A_1127 = tpu.memref_slice %arg10[%add3A_724, %dma_wait3A_1126] : memref<256x64xf32, #tpu.memory_space<vmem>> -> memref<1x64xf32, #tpu.memory_space<vmem>>
      %dma_wait3A_1128 = arith.constant 0 : i32
      %dma_wait3A_1129 = tpu.memref_slice %arg2[%shift_right_arithmetic3A_740, %and3A_742, %dma_wait3A_1128] : memref<125000x8x64xf32, #tpu.memory_space<hbm>> -> memref<1x1x64xf32, #tpu.memory_space<hbm>>
      %dma_wait3A_1130 = tpu.memref_squeeze %dma_wait3A_1129 : memref<1x1x64xf32, #tpu.memory_space<hbm>> -> memref<1x64xf32, #tpu.memory_space<hbm>>
      %dma_wait3A_1131 = arith.constant 0 : i32
      %dma_wait3A_1132 = tpu.memref_slice %arg10[%add3A_724, %dma_wait3A_1131] : memref<256x64xf32, #tpu.memory_space<vmem>> -> memref<1x64xf32, #tpu.memory_space<vmem>>
      %dma_wait3A_1133 = arith.constant 0 : i32
      %dma_wait3A_1134 = tpu.memref_slice %arg2[%shift_right_arithmetic3A_740, %and3A_742, %dma_wait3A_1133] : memref<125000x8x64xf32, #tpu.memory_space<hbm>> -> memref<1x1x64xf32, #tpu.memory_space<hbm>>
      %dma_wait3A_1135 = tpu.memref_squeeze %dma_wait3A_1134 : memref<1x1x64xf32, #tpu.memory_space<hbm>> -> memref<1x64xf32, #tpu.memory_space<hbm>>
      tpu.wait_dma2 semaphore(%arg11 : memref<!tpu.dma_semaphore, #tpu.memory_space<semaphore_mem>>) src(%dma_wait3A_1135 : memref<1x64xf32, #tpu.memory_space<hbm>>) dst(%dma_wait3A_1132 : memref<1x64xf32, #tpu.memory_space<vmem>>)
      %dma_wait3A_1136 = arith.constant 0 : i32
      %dma_wait3A_1137 = tpu.memref_slice %arg9[%add3A_776, %dma_wait3A_1136] : memref<256x64xf32, #tpu.memory_space<vmem>> -> memref<1x64xf32, #tpu.memory_space<vmem>>
      %dma_wait3A_1138 = arith.constant 0 : i32
      %dma_wait3A_1139 = tpu.memref_slice %arg2[%shift_right_arithmetic3A_778, %and3A_780, %dma_wait3A_1138] : memref<125000x8x64xf32, #tpu.memory_space<hbm>> -> memref<1x1x64xf32, #tpu.memory_space<hbm>>
      %dma_wait3A_1140 = tpu.memref_squeeze %dma_wait3A_1139 : memref<1x1x64xf32, #tpu.memory_space<hbm>> -> memref<1x64xf32, #tpu.memory_space<hbm>>
      %dma_wait3A_1141 = arith.constant 0 : i32
      %dma_wait3A_1142 = tpu.memref_slice %arg9[%add3A_776, %dma_wait3A_1141] : memref<256x64xf32, #tpu.memory_space<vmem>> -> memref<1x64xf32, #tpu.memory_space<vmem>>
      %dma_wait3A_1143 = arith.constant 0 : i32
      %dma_wait3A_1144 = tpu.memref_slice %arg2[%shift_right_arithmetic3A_778, %and3A_780, %dma_wait3A_1143] : memref<125000x8x64xf32, #tpu.memory_space<hbm>> -> memref<1x1x64xf32, #tpu.memory_space<hbm>>
      %dma_wait3A_1145 = tpu.memref_squeeze %dma_wait3A_1144 : memref<1x1x64xf32, #tpu.memory_space<hbm>> -> memref<1x64xf32, #tpu.memory_space<hbm>>
      tpu.wait_dma2 semaphore(%arg11 : memref<!tpu.dma_semaphore, #tpu.memory_space<semaphore_mem>>) src(%dma_wait3A_1145 : memref<1x64xf32, #tpu.memory_space<hbm>>) dst(%dma_wait3A_1142 : memref<1x64xf32, #tpu.memory_space<vmem>>)
      %dma_wait3A_1146 = arith.constant 0 : i32
      %dma_wait3A_1147 = tpu.memref_slice %arg10[%add3A_776, %dma_wait3A_1146] : memref<256x64xf32, #tpu.memory_space<vmem>> -> memref<1x64xf32, #tpu.memory_space<vmem>>
      %dma_wait3A_1148 = arith.constant 0 : i32
      %dma_wait3A_1149 = tpu.memref_slice %arg2[%shift_right_arithmetic3A_792, %and3A_794, %dma_wait3A_1148] : memref<125000x8x64xf32, #tpu.memory_space<hbm>> -> memref<1x1x64xf32, #tpu.memory_space<hbm>>
      %dma_wait3A_1150 = tpu.memref_squeeze %dma_wait3A_1149 : memref<1x1x64xf32, #tpu.memory_space<hbm>> -> memref<1x64xf32, #tpu.memory_space<hbm>>
      %dma_wait3A_1151 = arith.constant 0 : i32
      %dma_wait3A_1152 = tpu.memref_slice %arg10[%add3A_776, %dma_wait3A_1151] : memref<256x64xf32, #tpu.memory_space<vmem>> -> memref<1x64xf32, #tpu.memory_space<vmem>>
      %dma_wait3A_1153 = arith.constant 0 : i32
      %dma_wait3A_1154 = tpu.memref_slice %arg2[%shift_right_arithmetic3A_792, %and3A_794, %dma_wait3A_1153] : memref<125000x8x64xf32, #tpu.memory_space<hbm>> -> memref<1x1x64xf32, #tpu.memory_space<hbm>>
      %dma_wait3A_1155 = tpu.memref_squeeze %dma_wait3A_1154 : memref<1x1x64xf32, #tpu.memory_space<hbm>> -> memref<1x64xf32, #tpu.memory_space<hbm>>
      tpu.wait_dma2 semaphore(%arg11 : memref<!tpu.dma_semaphore, #tpu.memory_space<semaphore_mem>>) src(%dma_wait3A_1155 : memref<1x64xf32, #tpu.memory_space<hbm>>) dst(%dma_wait3A_1152 : memref<1x64xf32, #tpu.memory_space<vmem>>)
      %dma_wait3A_1156 = arith.constant 0 : i32
      %dma_wait3A_1157 = tpu.memref_slice %arg9[%add3A_828, %dma_wait3A_1156] : memref<256x64xf32, #tpu.memory_space<vmem>> -> memref<1x64xf32, #tpu.memory_space<vmem>>
      %dma_wait3A_1158 = arith.constant 0 : i32
      %dma_wait3A_1159 = tpu.memref_slice %arg2[%shift_right_arithmetic3A_830, %and3A_832, %dma_wait3A_1158] : memref<125000x8x64xf32, #tpu.memory_space<hbm>> -> memref<1x1x64xf32, #tpu.memory_space<hbm>>
      %dma_wait3A_1160 = tpu.memref_squeeze %dma_wait3A_1159 : memref<1x1x64xf32, #tpu.memory_space<hbm>> -> memref<1x64xf32, #tpu.memory_space<hbm>>
      %dma_wait3A_1161 = arith.constant 0 : i32
      %dma_wait3A_1162 = tpu.memref_slice %arg9[%add3A_828, %dma_wait3A_1161] : memref<256x64xf32, #tpu.memory_space<vmem>> -> memref<1x64xf32, #tpu.memory_space<vmem>>
      %dma_wait3A_1163 = arith.constant 0 : i32
      %dma_wait3A_1164 = tpu.memref_slice %arg2[%shift_right_arithmetic3A_830, %and3A_832, %dma_wait3A_1163] : memref<125000x8x64xf32, #tpu.memory_space<hbm>> -> memref<1x1x64xf32, #tpu.memory_space<hbm>>
      %dma_wait3A_1165 = tpu.memref_squeeze %dma_wait3A_1164 : memref<1x1x64xf32, #tpu.memory_space<hbm>> -> memref<1x64xf32, #tpu.memory_space<hbm>>
      tpu.wait_dma2 semaphore(%arg11 : memref<!tpu.dma_semaphore, #tpu.memory_space<semaphore_mem>>) src(%dma_wait3A_1165 : memref<1x64xf32, #tpu.memory_space<hbm>>) dst(%dma_wait3A_1162 : memref<1x64xf32, #tpu.memory_space<vmem>>)
      %dma_wait3A_1166 = arith.constant 0 : i32
      %dma_wait3A_1167 = tpu.memref_slice %arg10[%add3A_828, %dma_wait3A_1166] : memref<256x64xf32, #tpu.memory_space<vmem>> -> memref<1x64xf32, #tpu.memory_space<vmem>>
      %dma_wait3A_1168 = arith.constant 0 : i32
      %dma_wait3A_1169 = tpu.memref_slice %arg2[%shift_right_arithmetic3A_844, %and3A_846, %dma_wait3A_1168] : memref<125000x8x64xf32, #tpu.memory_space<hbm>> -> memref<1x1x64xf32, #tpu.memory_space<hbm>>
      %dma_wait3A_1170 = tpu.memref_squeeze %dma_wait3A_1169 : memref<1x1x64xf32, #tpu.memory_space<hbm>> -> memref<1x64xf32, #tpu.memory_space<hbm>>
      %dma_wait3A_1171 = arith.constant 0 : i32
      %dma_wait3A_1172 = tpu.memref_slice %arg10[%add3A_828, %dma_wait3A_1171] : memref<256x64xf32, #tpu.memory_space<vmem>> -> memref<1x64xf32, #tpu.memory_space<vmem>>
      %dma_wait3A_1173 = arith.constant 0 : i32
      %dma_wait3A_1174 = tpu.memref_slice %arg2[%shift_right_arithmetic3A_844, %and3A_846, %dma_wait3A_1173] : memref<125000x8x64xf32, #tpu.memory_space<hbm>> -> memref<1x1x64xf32, #tpu.memory_space<hbm>>
      %dma_wait3A_1175 = tpu.memref_squeeze %dma_wait3A_1174 : memref<1x1x64xf32, #tpu.memory_space<hbm>> -> memref<1x64xf32, #tpu.memory_space<hbm>>
      tpu.wait_dma2 semaphore(%arg11 : memref<!tpu.dma_semaphore, #tpu.memory_space<semaphore_mem>>) src(%dma_wait3A_1175 : memref<1x64xf32, #tpu.memory_space<hbm>>) dst(%dma_wait3A_1172 : memref<1x64xf32, #tpu.memory_space<vmem>>)
      %scan3A_1176 = arith.constant 0 : i32
      scf.yield %scan3A_1176 : i32
    }
    %scan3A_17 = arith.constant 16 : i32
    %add3A_18 = arith.constant 256 : i32
    %add3A_19 = arith.addi %mul3A_2, %add3A_18 : i32
    "tpu.region"() ({
      %run_scoped3A = tpu.sem_alloc : memref<!tpu.dma_semaphore, #tpu.memory_space<semaphore_mem>>
      %dma_start3A = arith.constant 0 : i32
      %dma_start3A_20 = tpu.memref_slice %arg5[%add3A_19, %dma_start3A] : memref<16384x64xf32, #tpu.memory_space<hbm>> -> memref<256x64xf32, #tpu.memory_space<hbm>>
      %dma_start3A_21 = arith.constant 0 : i32
      %dma_start3A_22 = tpu.memref_slice %arg5[%add3A_19, %dma_start3A_21] : memref<16384x64xf32, #tpu.memory_space<hbm>> -> memref<256x64xf32, #tpu.memory_space<hbm>>
      tpu.enqueue_dma source(%arg9 : memref<256x64xf32, #tpu.memory_space<vmem>>) target(%dma_start3A_22 : memref<256x64xf32, #tpu.memory_space<hbm>>) target_semaphore(%run_scoped3A : memref<!tpu.dma_semaphore, #tpu.memory_space<semaphore_mem>>)
      %dma_wait3A = arith.constant 0 : i32
      %dma_wait3A_23 = tpu.memref_slice %arg5[%add3A_19, %dma_wait3A] : memref<16384x64xf32, #tpu.memory_space<hbm>> -> memref<256x64xf32, #tpu.memory_space<hbm>>
      %dma_wait3A_24 = arith.constant 0 : i32
      %dma_wait3A_25 = tpu.memref_slice %arg5[%add3A_19, %dma_wait3A_24] : memref<16384x64xf32, #tpu.memory_space<hbm>> -> memref<256x64xf32, #tpu.memory_space<hbm>>
      tpu.wait_dma2 semaphore(%run_scoped3A : memref<!tpu.dma_semaphore, #tpu.memory_space<semaphore_mem>>) src(%arg9 : memref<256x64xf32, #tpu.memory_space<vmem>>) dst(%dma_wait3A_25 : memref<256x64xf32, #tpu.memory_space<hbm>>)
      tpu.yield
    }) : () -> ()
    "tpu.region"() ({
      %run_scoped3A = tpu.sem_alloc : memref<!tpu.dma_semaphore, #tpu.memory_space<semaphore_mem>>
      %dma_start3A = arith.constant 0 : i32
      %dma_start3A_20 = tpu.memref_slice %arg6[%add3A_19, %dma_start3A] : memref<16384x64xf32, #tpu.memory_space<hbm>> -> memref<256x64xf32, #tpu.memory_space<hbm>>
      %dma_start3A_21 = arith.constant 0 : i32
      %dma_start3A_22 = tpu.memref_slice %arg6[%add3A_19, %dma_start3A_21] : memref<16384x64xf32, #tpu.memory_space<hbm>> -> memref<256x64xf32, #tpu.memory_space<hbm>>
      tpu.enqueue_dma source(%arg10 : memref<256x64xf32, #tpu.memory_space<vmem>>) target(%dma_start3A_22 : memref<256x64xf32, #tpu.memory_space<hbm>>) target_semaphore(%run_scoped3A : memref<!tpu.dma_semaphore, #tpu.memory_space<semaphore_mem>>)
      %dma_wait3A = arith.constant 0 : i32
      %dma_wait3A_23 = tpu.memref_slice %arg6[%add3A_19, %dma_wait3A] : memref<16384x64xf32, #tpu.memory_space<hbm>> -> memref<256x64xf32, #tpu.memory_space<hbm>>
      %dma_wait3A_24 = arith.constant 0 : i32
      %dma_wait3A_25 = tpu.memref_slice %arg6[%add3A_19, %dma_wait3A_24] : memref<16384x64xf32, #tpu.memory_space<hbm>> -> memref<256x64xf32, #tpu.memory_space<hbm>>
      tpu.wait_dma2 semaphore(%run_scoped3A : memref<!tpu.dma_semaphore, #tpu.memory_space<semaphore_mem>>) src(%arg10 : memref<256x64xf32, #tpu.memory_space<vmem>>) dst(%dma_wait3A_25 : memref<256x64xf32, #tpu.memory_space<hbm>>)
      tpu.yield
    }) : () -> ()
    return
  }
}

module attributes {stable_mosaic.version = 14 : i64} {
  func.func @_tc_score_body(%arg0: i32, %arg1: memref<1024x128xf32, #tpu.memory_space<vmem>>, %arg2: memref<1024x128xf32, #tpu.memory_space<vmem>>, %arg3: memref<1024x1xi32, #tpu.memory_space<vmem>>, %arg4: memref<1024x1xi32, #tpu.memory_space<vmem>>, %arg5: memref<2000x128xf32, #tpu.memory_space<vmem>>, %arg6: memref<32x3xf32, #tpu.memory_space<smem>>, %arg7: memref<32xf32, #tpu.memory_space<smem>>, %arg8: memref<32x128xf32, #tpu.memory_space<vmem>>, %arg9: memref<1024x2xf32, #tpu.memory_space<vmem>>, %arg10: memref<1x1xf32, #tpu.memory_space<smem>>) attributes {dimension_semantics = [#tpu.dimension_semantics<arbitrary>], iteration_bounds = array<i64: 8>, scalar_prefetch = 0 : i64, scratch_operands = 0 : i64, tpu.core_type = #tpu.core_type<tc>, window_params = [{transform_indices = @transform_0, window_bounds = array<i64: 1024, 128>}, {transform_indices = @transform_1, window_bounds = array<i64: 1024, 128>}, {transform_indices = @transform_2, window_bounds = array<i64: 1024, 1>}, {transform_indices = @transform_3, window_bounds = array<i64: 1024, 1>}, {pipeline_mode = #tpu.pipeline_mode<synchronous>, transform_indices = @transform_4, window_bounds = array<i64: 2000, 128>}, {transform_indices = @transform_5, window_bounds = array<i64: 32, 3>}, {transform_indices = @transform_6, window_bounds = array<i64: 32>}, {pipeline_mode = #tpu.pipeline_mode<synchronous>, transform_indices = @transform_7, window_bounds = array<i64: 32, 128>}, {transform_indices = @transform_8, window_bounds = array<i64: 1024, 2>}, {transform_indices = @transform_9, window_bounds = array<i64: 1, 1>}]} {
    %get3A = arith.constant 0 : index
    %get3A_0 = arith.constant 0 : index
    %get3A_1 = vector.load %arg1[%get3A, %get3A_0] : memref<1024x128xf32, #tpu.memory_space<vmem>>, vector<1024x128xf32>
    %get3A_2 = arith.constant 0 : index
    %get3A_3 = arith.constant 0 : index
    %get3A_4 = vector.load %arg2[%get3A_2, %get3A_3] : memref<1024x128xf32, #tpu.memory_space<vmem>>, vector<1024x128xf32>
    %iota3A = tpu.iota {dimensions = array<i32: 1>} : vector<1024x2000xi32>
    %get3A_5 = arith.constant 0 : index
    %get3A_6 = arith.constant 0 : index
    %get3A_7 = vector.load %arg3[%get3A_5, %get3A_6] : memref<1024x1xi32, #tpu.memory_space<vmem>>, vector<1024x1xi32>
    %eq3A = vector.broadcast %get3A_7 : vector<1024x1xi32> to vector<1024x2000xi32>
    %eq3A_8 = arith.cmpi eq, %iota3A, %eq3A : vector<1024x2000xi32>
    %get3A_9 = arith.constant 0 : index
    %get3A_10 = arith.constant 0 : index
    %get3A_11 = vector.load %arg4[%get3A_9, %get3A_10] : memref<1024x1xi32, #tpu.memory_space<vmem>>, vector<1024x1xi32>
    %add3A = arith.constant 1000 : i32
    %add3A_12 = vector.broadcast %add3A : i32 to vector<1024x1xi32>
    %add3A_13 = arith.addi %get3A_11, %add3A_12 : vector<1024x1xi32>
    %eq3A_14 = vector.broadcast %add3A_13 : vector<1024x1xi32> to vector<1024x2000xi32>
    %eq3A_15 = arith.cmpi eq, %iota3A, %eq3A_14 : vector<1024x2000xi32>
    %or3A = arith.ori %eq3A_8, %eq3A_15 : vector<1024x2000xi1>
    %convert_element_type3A = arith.extui %or3A : vector<1024x2000xi1> to vector<1024x2000xi32>
    %convert_element_type3A_16 = arith.sitofp %convert_element_type3A : vector<1024x2000xi32> to vector<1024x2000xf32>
    %get3A_17 = arith.constant 0 : index
    %get3A_18 = arith.constant 0 : index
    %get3A_19 = vector.load %arg5[%get3A_17, %get3A_18] : memref<2000x128xf32, #tpu.memory_space<vmem>>, vector<2000x128xf32>
    %dot_general3A = arith.constant dense<0.000000e+00> : vector<1024x128xf32>
    %dot_general3A_20 = tpu.matmul %convert_element_type3A_16, %get3A_19, %dot_general3A {dimension_numbers = #tpu.dot_dimension_numbers<[1], [0], [0], [1], [0, 0, 1, 1], [], []>, transpose_lhs_hint = false} : vector<1024x2000xf32>, vector<2000x128xf32>, vector<1024x128xf32> -> vector<1024x128xf32>
    %get3A_21 = arith.constant 0 : index
    %get3A_22 = arith.constant 0 : index
    %get3A_23 = memref.load %arg6[%get3A_21, %get3A_22] : memref<32x3xf32, #tpu.memory_space<smem>>
    %mul3A = vector.broadcast %get3A_23 : f32 to vector<1024x128xf32>
    %mul3A_24 = arith.mulf %get3A_1, %mul3A : vector<1024x128xf32>
    %get3A_25 = arith.constant 0 : index
    %get3A_26 = arith.constant 1 : index
    %get3A_27 = memref.load %arg6[%get3A_25, %get3A_26] : memref<32x3xf32, #tpu.memory_space<smem>>
    %mul3A_28 = vector.broadcast %get3A_27 : f32 to vector<1024x128xf32>
    %mul3A_29 = arith.mulf %dot_general3A_20, %mul3A_28 : vector<1024x128xf32>
    %add3A_30 = arith.addf %mul3A_24, %mul3A_29 : vector<1024x128xf32>
    %get3A_31 = arith.constant 0 : index
    %get3A_32 = arith.constant 2 : index
    %get3A_33 = memref.load %arg6[%get3A_31, %get3A_32] : memref<32x3xf32, #tpu.memory_space<smem>>
    %mul3A_34 = vector.broadcast %get3A_33 : f32 to vector<1024x128xf32>
    %mul3A_35 = arith.mulf %get3A_4, %mul3A_34 : vector<1024x128xf32>
    %add3A_36 = arith.addf %add3A_30, %mul3A_35 : vector<1024x128xf32>
    %get3A_37 = arith.constant 0 : index
    %get3A_38 = memref.load %arg7[%get3A_37] : memref<32xf32, #tpu.memory_space<smem>>
    %add3A_39 = vector.broadcast %get3A_38 : f32 to vector<1024x128xf32>
    %add3A_40 = arith.addf %add3A_36, %add3A_39 : vector<1024x128xf32>
    %max3A = arith.constant 0.000000e+00 : f32
    %max3A_41 = vector.broadcast %max3A : f32 to vector<1024x128xf32>
    %max3A_42 = arith.maximumf %add3A_40, %max3A_41 : vector<1024x128xf32>
    %get3A_43 = arith.constant 0 : index
    %get3A_44 = arith.constant 0 : index
    %get3A_45 = vector.load %arg8[%get3A_43, %get3A_44] : memref<32x128xf32, #tpu.memory_space<vmem>>, vector<1x128xf32>
    %mul3A_46 = vector.broadcast %get3A_45 : vector<1x128xf32> to vector<1024x128xf32>
    %mul3A_47 = arith.mulf %max3A_42, %mul3A_46 : vector<1024x128xf32>
    %get3A_48 = arith.constant 1 : index
    %get3A_49 = arith.constant 0 : index
    %get3A_50 = memref.load %arg6[%get3A_48, %get3A_49] : memref<32x3xf32, #tpu.memory_space<smem>>
    %mul3A_51 = vector.broadcast %get3A_50 : f32 to vector<1024x128xf32>
    %mul3A_52 = arith.mulf %get3A_1, %mul3A_51 : vector<1024x128xf32>
    %get3A_53 = arith.constant 1 : index
    %get3A_54 = arith.constant 1 : index
    %get3A_55 = memref.load %arg6[%get3A_53, %get3A_54] : memref<32x3xf32, #tpu.memory_space<smem>>
    %mul3A_56 = vector.broadcast %get3A_55 : f32 to vector<1024x128xf32>
    %mul3A_57 = arith.mulf %dot_general3A_20, %mul3A_56 : vector<1024x128xf32>
    %add3A_58 = arith.addf %mul3A_52, %mul3A_57 : vector<1024x128xf32>
    %get3A_59 = arith.constant 1 : index
    %get3A_60 = arith.constant 2 : index
    %get3A_61 = memref.load %arg6[%get3A_59, %get3A_60] : memref<32x3xf32, #tpu.memory_space<smem>>
    %mul3A_62 = vector.broadcast %get3A_61 : f32 to vector<1024x128xf32>
    %mul3A_63 = arith.mulf %get3A_4, %mul3A_62 : vector<1024x128xf32>
    %add3A_64 = arith.addf %add3A_58, %mul3A_63 : vector<1024x128xf32>
    %get3A_65 = arith.constant 1 : index
    %get3A_66 = memref.load %arg7[%get3A_65] : memref<32xf32, #tpu.memory_space<smem>>
    %add3A_67 = vector.broadcast %get3A_66 : f32 to vector<1024x128xf32>
    %add3A_68 = arith.addf %add3A_64, %add3A_67 : vector<1024x128xf32>
    %max3A_69 = arith.constant 0.000000e+00 : f32
    %max3A_70 = vector.broadcast %max3A_69 : f32 to vector<1024x128xf32>
    %max3A_71 = arith.maximumf %add3A_68, %max3A_70 : vector<1024x128xf32>
    %get3A_72 = arith.constant 1 : index
    %get3A_73 = arith.constant 0 : index
    %get3A_74 = vector.load %arg8[%get3A_72, %get3A_73] : memref<32x128xf32, #tpu.memory_space<vmem>>, vector<1x128xf32>
    %mul3A_75 = vector.broadcast %get3A_74 : vector<1x128xf32> to vector<1024x128xf32>
    %mul3A_76 = arith.mulf %max3A_71, %mul3A_75 : vector<1024x128xf32>
    %add3A_77 = arith.addf %mul3A_47, %mul3A_76 : vector<1024x128xf32>
    %get3A_78 = arith.constant 2 : index
    %get3A_79 = arith.constant 0 : index
    %get3A_80 = memref.load %arg6[%get3A_78, %get3A_79] : memref<32x3xf32, #tpu.memory_space<smem>>
    %mul3A_81 = vector.broadcast %get3A_80 : f32 to vector<1024x128xf32>
    %mul3A_82 = arith.mulf %get3A_1, %mul3A_81 : vector<1024x128xf32>
    %get3A_83 = arith.constant 2 : index
    %get3A_84 = arith.constant 1 : index
    %get3A_85 = memref.load %arg6[%get3A_83, %get3A_84] : memref<32x3xf32, #tpu.memory_space<smem>>
    %mul3A_86 = vector.broadcast %get3A_85 : f32 to vector<1024x128xf32>
    %mul3A_87 = arith.mulf %dot_general3A_20, %mul3A_86 : vector<1024x128xf32>
    %add3A_88 = arith.addf %mul3A_82, %mul3A_87 : vector<1024x128xf32>
    %get3A_89 = arith.constant 2 : index
    %get3A_90 = arith.constant 2 : index
    %get3A_91 = memref.load %arg6[%get3A_89, %get3A_90] : memref<32x3xf32, #tpu.memory_space<smem>>
    %mul3A_92 = vector.broadcast %get3A_91 : f32 to vector<1024x128xf32>
    %mul3A_93 = arith.mulf %get3A_4, %mul3A_92 : vector<1024x128xf32>
    %add3A_94 = arith.addf %add3A_88, %mul3A_93 : vector<1024x128xf32>
    %get3A_95 = arith.constant 2 : index
    %get3A_96 = memref.load %arg7[%get3A_95] : memref<32xf32, #tpu.memory_space<smem>>
    %add3A_97 = vector.broadcast %get3A_96 : f32 to vector<1024x128xf32>
    %add3A_98 = arith.addf %add3A_94, %add3A_97 : vector<1024x128xf32>
    %max3A_99 = arith.constant 0.000000e+00 : f32
    %max3A_100 = vector.broadcast %max3A_99 : f32 to vector<1024x128xf32>
    %max3A_101 = arith.maximumf %add3A_98, %max3A_100 : vector<1024x128xf32>
    %get3A_102 = arith.constant 2 : index
    %get3A_103 = arith.constant 0 : index
    %get3A_104 = vector.load %arg8[%get3A_102, %get3A_103] : memref<32x128xf32, #tpu.memory_space<vmem>>, vector<1x128xf32>
    %mul3A_105 = vector.broadcast %get3A_104 : vector<1x128xf32> to vector<1024x128xf32>
    %mul3A_106 = arith.mulf %max3A_101, %mul3A_105 : vector<1024x128xf32>
    %add3A_107 = arith.addf %add3A_77, %mul3A_106 : vector<1024x128xf32>
    %get3A_108 = arith.constant 3 : index
    %get3A_109 = arith.constant 0 : index
    %get3A_110 = memref.load %arg6[%get3A_108, %get3A_109] : memref<32x3xf32, #tpu.memory_space<smem>>
    %mul3A_111 = vector.broadcast %get3A_110 : f32 to vector<1024x128xf32>
    %mul3A_112 = arith.mulf %get3A_1, %mul3A_111 : vector<1024x128xf32>
    %get3A_113 = arith.constant 3 : index
    %get3A_114 = arith.constant 1 : index
    %get3A_115 = memref.load %arg6[%get3A_113, %get3A_114] : memref<32x3xf32, #tpu.memory_space<smem>>
    %mul3A_116 = vector.broadcast %get3A_115 : f32 to vector<1024x128xf32>
    %mul3A_117 = arith.mulf %dot_general3A_20, %mul3A_116 : vector<1024x128xf32>
    %add3A_118 = arith.addf %mul3A_112, %mul3A_117 : vector<1024x128xf32>
    %get3A_119 = arith.constant 3 : index
    %get3A_120 = arith.constant 2 : index
    %get3A_121 = memref.load %arg6[%get3A_119, %get3A_120] : memref<32x3xf32, #tpu.memory_space<smem>>
    %mul3A_122 = vector.broadcast %get3A_121 : f32 to vector<1024x128xf32>
    %mul3A_123 = arith.mulf %get3A_4, %mul3A_122 : vector<1024x128xf32>
    %add3A_124 = arith.addf %add3A_118, %mul3A_123 : vector<1024x128xf32>
    %get3A_125 = arith.constant 3 : index
    %get3A_126 = memref.load %arg7[%get3A_125] : memref<32xf32, #tpu.memory_space<smem>>
    %add3A_127 = vector.broadcast %get3A_126 : f32 to vector<1024x128xf32>
    %add3A_128 = arith.addf %add3A_124, %add3A_127 : vector<1024x128xf32>
    %max3A_129 = arith.constant 0.000000e+00 : f32
    %max3A_130 = vector.broadcast %max3A_129 : f32 to vector<1024x128xf32>
    %max3A_131 = arith.maximumf %add3A_128, %max3A_130 : vector<1024x128xf32>
    %get3A_132 = arith.constant 3 : index
    %get3A_133 = arith.constant 0 : index
    %get3A_134 = vector.load %arg8[%get3A_132, %get3A_133] : memref<32x128xf32, #tpu.memory_space<vmem>>, vector<1x128xf32>
    %mul3A_135 = vector.broadcast %get3A_134 : vector<1x128xf32> to vector<1024x128xf32>
    %mul3A_136 = arith.mulf %max3A_131, %mul3A_135 : vector<1024x128xf32>
    %add3A_137 = arith.addf %add3A_107, %mul3A_136 : vector<1024x128xf32>
    %get3A_138 = arith.constant 4 : index
    %get3A_139 = arith.constant 0 : index
    %get3A_140 = memref.load %arg6[%get3A_138, %get3A_139] : memref<32x3xf32, #tpu.memory_space<smem>>
    %mul3A_141 = vector.broadcast %get3A_140 : f32 to vector<1024x128xf32>
    %mul3A_142 = arith.mulf %get3A_1, %mul3A_141 : vector<1024x128xf32>
    %get3A_143 = arith.constant 4 : index
    %get3A_144 = arith.constant 1 : index
    %get3A_145 = memref.load %arg6[%get3A_143, %get3A_144] : memref<32x3xf32, #tpu.memory_space<smem>>
    %mul3A_146 = vector.broadcast %get3A_145 : f32 to vector<1024x128xf32>
    %mul3A_147 = arith.mulf %dot_general3A_20, %mul3A_146 : vector<1024x128xf32>
    %add3A_148 = arith.addf %mul3A_142, %mul3A_147 : vector<1024x128xf32>
    %get3A_149 = arith.constant 4 : index
    %get3A_150 = arith.constant 2 : index
    %get3A_151 = memref.load %arg6[%get3A_149, %get3A_150] : memref<32x3xf32, #tpu.memory_space<smem>>
    %mul3A_152 = vector.broadcast %get3A_151 : f32 to vector<1024x128xf32>
    %mul3A_153 = arith.mulf %get3A_4, %mul3A_152 : vector<1024x128xf32>
    %add3A_154 = arith.addf %add3A_148, %mul3A_153 : vector<1024x128xf32>
    %get3A_155 = arith.constant 4 : index
    %get3A_156 = memref.load %arg7[%get3A_155] : memref<32xf32, #tpu.memory_space<smem>>
    %add3A_157 = vector.broadcast %get3A_156 : f32 to vector<1024x128xf32>
    %add3A_158 = arith.addf %add3A_154, %add3A_157 : vector<1024x128xf32>
    %max3A_159 = arith.constant 0.000000e+00 : f32
    %max3A_160 = vector.broadcast %max3A_159 : f32 to vector<1024x128xf32>
    %max3A_161 = arith.maximumf %add3A_158, %max3A_160 : vector<1024x128xf32>
    %get3A_162 = arith.constant 4 : index
    %get3A_163 = arith.constant 0 : index
    %get3A_164 = vector.load %arg8[%get3A_162, %get3A_163] : memref<32x128xf32, #tpu.memory_space<vmem>>, vector<1x128xf32>
    %mul3A_165 = vector.broadcast %get3A_164 : vector<1x128xf32> to vector<1024x128xf32>
    %mul3A_166 = arith.mulf %max3A_161, %mul3A_165 : vector<1024x128xf32>
    %add3A_167 = arith.addf %add3A_137, %mul3A_166 : vector<1024x128xf32>
    %get3A_168 = arith.constant 5 : index
    %get3A_169 = arith.constant 0 : index
    %get3A_170 = memref.load %arg6[%get3A_168, %get3A_169] : memref<32x3xf32, #tpu.memory_space<smem>>
    %mul3A_171 = vector.broadcast %get3A_170 : f32 to vector<1024x128xf32>
    %mul3A_172 = arith.mulf %get3A_1, %mul3A_171 : vector<1024x128xf32>
    %get3A_173 = arith.constant 5 : index
    %get3A_174 = arith.constant 1 : index
    %get3A_175 = memref.load %arg6[%get3A_173, %get3A_174] : memref<32x3xf32, #tpu.memory_space<smem>>
    %mul3A_176 = vector.broadcast %get3A_175 : f32 to vector<1024x128xf32>
    %mul3A_177 = arith.mulf %dot_general3A_20, %mul3A_176 : vector<1024x128xf32>
    %add3A_178 = arith.addf %mul3A_172, %mul3A_177 : vector<1024x128xf32>
    %get3A_179 = arith.constant 5 : index
    %get3A_180 = arith.constant 2 : index
    %get3A_181 = memref.load %arg6[%get3A_179, %get3A_180] : memref<32x3xf32, #tpu.memory_space<smem>>
    %mul3A_182 = vector.broadcast %get3A_181 : f32 to vector<1024x128xf32>
    %mul3A_183 = arith.mulf %get3A_4, %mul3A_182 : vector<1024x128xf32>
    %add3A_184 = arith.addf %add3A_178, %mul3A_183 : vector<1024x128xf32>
    %get3A_185 = arith.constant 5 : index
    %get3A_186 = memref.load %arg7[%get3A_185] : memref<32xf32, #tpu.memory_space<smem>>
    %add3A_187 = vector.broadcast %get3A_186 : f32 to vector<1024x128xf32>
    %add3A_188 = arith.addf %add3A_184, %add3A_187 : vector<1024x128xf32>
    %max3A_189 = arith.constant 0.000000e+00 : f32
    %max3A_190 = vector.broadcast %max3A_189 : f32 to vector<1024x128xf32>
    %max3A_191 = arith.maximumf %add3A_188, %max3A_190 : vector<1024x128xf32>
    %get3A_192 = arith.constant 5 : index
    %get3A_193 = arith.constant 0 : index
    %get3A_194 = vector.load %arg8[%get3A_192, %get3A_193] : memref<32x128xf32, #tpu.memory_space<vmem>>, vector<1x128xf32>
    %mul3A_195 = vector.broadcast %get3A_194 : vector<1x128xf32> to vector<1024x128xf32>
    %mul3A_196 = arith.mulf %max3A_191, %mul3A_195 : vector<1024x128xf32>
    %add3A_197 = arith.addf %add3A_167, %mul3A_196 : vector<1024x128xf32>
    %get3A_198 = arith.constant 6 : index
    %get3A_199 = arith.constant 0 : index
    %get3A_200 = memref.load %arg6[%get3A_198, %get3A_199] : memref<32x3xf32, #tpu.memory_space<smem>>
    %mul3A_201 = vector.broadcast %get3A_200 : f32 to vector<1024x128xf32>
    %mul3A_202 = arith.mulf %get3A_1, %mul3A_201 : vector<1024x128xf32>
    %get3A_203 = arith.constant 6 : index
    %get3A_204 = arith.constant 1 : index
    %get3A_205 = memref.load %arg6[%get3A_203, %get3A_204] : memref<32x3xf32, #tpu.memory_space<smem>>
    %mul3A_206 = vector.broadcast %get3A_205 : f32 to vector<1024x128xf32>
    %mul3A_207 = arith.mulf %dot_general3A_20, %mul3A_206 : vector<1024x128xf32>
    %add3A_208 = arith.addf %mul3A_202, %mul3A_207 : vector<1024x128xf32>
    %get3A_209 = arith.constant 6 : index
    %get3A_210 = arith.constant 2 : index
    %get3A_211 = memref.load %arg6[%get3A_209, %get3A_210] : memref<32x3xf32, #tpu.memory_space<smem>>
    %mul3A_212 = vector.broadcast %get3A_211 : f32 to vector<1024x128xf32>
    %mul3A_213 = arith.mulf %get3A_4, %mul3A_212 : vector<1024x128xf32>
    %add3A_214 = arith.addf %add3A_208, %mul3A_213 : vector<1024x128xf32>
    %get3A_215 = arith.constant 6 : index
    %get3A_216 = memref.load %arg7[%get3A_215] : memref<32xf32, #tpu.memory_space<smem>>
    %add3A_217 = vector.broadcast %get3A_216 : f32 to vector<1024x128xf32>
    %add3A_218 = arith.addf %add3A_214, %add3A_217 : vector<1024x128xf32>
    %max3A_219 = arith.constant 0.000000e+00 : f32
    %max3A_220 = vector.broadcast %max3A_219 : f32 to vector<1024x128xf32>
    %max3A_221 = arith.maximumf %add3A_218, %max3A_220 : vector<1024x128xf32>
    %get3A_222 = arith.constant 6 : index
    %get3A_223 = arith.constant 0 : index
    %get3A_224 = vector.load %arg8[%get3A_222, %get3A_223] : memref<32x128xf32, #tpu.memory_space<vmem>>, vector<1x128xf32>
    %mul3A_225 = vector.broadcast %get3A_224 : vector<1x128xf32> to vector<1024x128xf32>
    %mul3A_226 = arith.mulf %max3A_221, %mul3A_225 : vector<1024x128xf32>
    %add3A_227 = arith.addf %add3A_197, %mul3A_226 : vector<1024x128xf32>
    %get3A_228 = arith.constant 7 : index
    %get3A_229 = arith.constant 0 : index
    %get3A_230 = memref.load %arg6[%get3A_228, %get3A_229] : memref<32x3xf32, #tpu.memory_space<smem>>
    %mul3A_231 = vector.broadcast %get3A_230 : f32 to vector<1024x128xf32>
    %mul3A_232 = arith.mulf %get3A_1, %mul3A_231 : vector<1024x128xf32>
    %get3A_233 = arith.constant 7 : index
    %get3A_234 = arith.constant 1 : index
    %get3A_235 = memref.load %arg6[%get3A_233, %get3A_234] : memref<32x3xf32, #tpu.memory_space<smem>>
    %mul3A_236 = vector.broadcast %get3A_235 : f32 to vector<1024x128xf32>
    %mul3A_237 = arith.mulf %dot_general3A_20, %mul3A_236 : vector<1024x128xf32>
    %add3A_238 = arith.addf %mul3A_232, %mul3A_237 : vector<1024x128xf32>
    %get3A_239 = arith.constant 7 : index
    %get3A_240 = arith.constant 2 : index
    %get3A_241 = memref.load %arg6[%get3A_239, %get3A_240] : memref<32x3xf32, #tpu.memory_space<smem>>
    %mul3A_242 = vector.broadcast %get3A_241 : f32 to vector<1024x128xf32>
    %mul3A_243 = arith.mulf %get3A_4, %mul3A_242 : vector<1024x128xf32>
    %add3A_244 = arith.addf %add3A_238, %mul3A_243 : vector<1024x128xf32>
    %get3A_245 = arith.constant 7 : index
    %get3A_246 = memref.load %arg7[%get3A_245] : memref<32xf32, #tpu.memory_space<smem>>
    %add3A_247 = vector.broadcast %get3A_246 : f32 to vector<1024x128xf32>
    %add3A_248 = arith.addf %add3A_244, %add3A_247 : vector<1024x128xf32>
    %max3A_249 = arith.constant 0.000000e+00 : f32
    %max3A_250 = vector.broadcast %max3A_249 : f32 to vector<1024x128xf32>
    %max3A_251 = arith.maximumf %add3A_248, %max3A_250 : vector<1024x128xf32>
    %get3A_252 = arith.constant 7 : index
    %get3A_253 = arith.constant 0 : index
    %get3A_254 = vector.load %arg8[%get3A_252, %get3A_253] : memref<32x128xf32, #tpu.memory_space<vmem>>, vector<1x128xf32>
    %mul3A_255 = vector.broadcast %get3A_254 : vector<1x128xf32> to vector<1024x128xf32>
    %mul3A_256 = arith.mulf %max3A_251, %mul3A_255 : vector<1024x128xf32>
    %add3A_257 = arith.addf %add3A_227, %mul3A_256 : vector<1024x128xf32>
    %get3A_258 = arith.constant 8 : index
    %get3A_259 = arith.constant 0 : index
    %get3A_260 = memref.load %arg6[%get3A_258, %get3A_259] : memref<32x3xf32, #tpu.memory_space<smem>>
    %mul3A_261 = vector.broadcast %get3A_260 : f32 to vector<1024x128xf32>
    %mul3A_262 = arith.mulf %get3A_1, %mul3A_261 : vector<1024x128xf32>
    %get3A_263 = arith.constant 8 : index
    %get3A_264 = arith.constant 1 : index
    %get3A_265 = memref.load %arg6[%get3A_263, %get3A_264] : memref<32x3xf32, #tpu.memory_space<smem>>
    %mul3A_266 = vector.broadcast %get3A_265 : f32 to vector<1024x128xf32>
    %mul3A_267 = arith.mulf %dot_general3A_20, %mul3A_266 : vector<1024x128xf32>
    %add3A_268 = arith.addf %mul3A_262, %mul3A_267 : vector<1024x128xf32>
    %get3A_269 = arith.constant 8 : index
    %get3A_270 = arith.constant 2 : index
    %get3A_271 = memref.load %arg6[%get3A_269, %get3A_270] : memref<32x3xf32, #tpu.memory_space<smem>>
    %mul3A_272 = vector.broadcast %get3A_271 : f32 to vector<1024x128xf32>
    %mul3A_273 = arith.mulf %get3A_4, %mul3A_272 : vector<1024x128xf32>
    %add3A_274 = arith.addf %add3A_268, %mul3A_273 : vector<1024x128xf32>
    %get3A_275 = arith.constant 8 : index
    %get3A_276 = memref.load %arg7[%get3A_275] : memref<32xf32, #tpu.memory_space<smem>>
    %add3A_277 = vector.broadcast %get3A_276 : f32 to vector<1024x128xf32>
    %add3A_278 = arith.addf %add3A_274, %add3A_277 : vector<1024x128xf32>
    %max3A_279 = arith.constant 0.000000e+00 : f32
    %max3A_280 = vector.broadcast %max3A_279 : f32 to vector<1024x128xf32>
    %max3A_281 = arith.maximumf %add3A_278, %max3A_280 : vector<1024x128xf32>
    %get3A_282 = arith.constant 8 : index
    %get3A_283 = arith.constant 0 : index
    %get3A_284 = vector.load %arg8[%get3A_282, %get3A_283] : memref<32x128xf32, #tpu.memory_space<vmem>>, vector<1x128xf32>
    %mul3A_285 = vector.broadcast %get3A_284 : vector<1x128xf32> to vector<1024x128xf32>
    %mul3A_286 = arith.mulf %max3A_281, %mul3A_285 : vector<1024x128xf32>
    %add3A_287 = arith.addf %add3A_257, %mul3A_286 : vector<1024x128xf32>
    %get3A_288 = arith.constant 9 : index
    %get3A_289 = arith.constant 0 : index
    %get3A_290 = memref.load %arg6[%get3A_288, %get3A_289] : memref<32x3xf32, #tpu.memory_space<smem>>
    %mul3A_291 = vector.broadcast %get3A_290 : f32 to vector<1024x128xf32>
    %mul3A_292 = arith.mulf %get3A_1, %mul3A_291 : vector<1024x128xf32>
    %get3A_293 = arith.constant 9 : index
    %get3A_294 = arith.constant 1 : index
    %get3A_295 = memref.load %arg6[%get3A_293, %get3A_294] : memref<32x3xf32, #tpu.memory_space<smem>>
    %mul3A_296 = vector.broadcast %get3A_295 : f32 to vector<1024x128xf32>
    %mul3A_297 = arith.mulf %dot_general3A_20, %mul3A_296 : vector<1024x128xf32>
    %add3A_298 = arith.addf %mul3A_292, %mul3A_297 : vector<1024x128xf32>
    %get3A_299 = arith.constant 9 : index
    %get3A_300 = arith.constant 2 : index
    %get3A_301 = memref.load %arg6[%get3A_299, %get3A_300] : memref<32x3xf32, #tpu.memory_space<smem>>
    %mul3A_302 = vector.broadcast %get3A_301 : f32 to vector<1024x128xf32>
    %mul3A_303 = arith.mulf %get3A_4, %mul3A_302 : vector<1024x128xf32>
    %add3A_304 = arith.addf %add3A_298, %mul3A_303 : vector<1024x128xf32>
    %get3A_305 = arith.constant 9 : index
    %get3A_306 = memref.load %arg7[%get3A_305] : memref<32xf32, #tpu.memory_space<smem>>
    %add3A_307 = vector.broadcast %get3A_306 : f32 to vector<1024x128xf32>
    %add3A_308 = arith.addf %add3A_304, %add3A_307 : vector<1024x128xf32>
    %max3A_309 = arith.constant 0.000000e+00 : f32
    %max3A_310 = vector.broadcast %max3A_309 : f32 to vector<1024x128xf32>
    %max3A_311 = arith.maximumf %add3A_308, %max3A_310 : vector<1024x128xf32>
    %get3A_312 = arith.constant 9 : index
    %get3A_313 = arith.constant 0 : index
    %get3A_314 = vector.load %arg8[%get3A_312, %get3A_313] : memref<32x128xf32, #tpu.memory_space<vmem>>, vector<1x128xf32>
    %mul3A_315 = vector.broadcast %get3A_314 : vector<1x128xf32> to vector<1024x128xf32>
    %mul3A_316 = arith.mulf %max3A_311, %mul3A_315 : vector<1024x128xf32>
    %add3A_317 = arith.addf %add3A_287, %mul3A_316 : vector<1024x128xf32>
    %get3A_318 = arith.constant 10 : index
    %get3A_319 = arith.constant 0 : index
    %get3A_320 = memref.load %arg6[%get3A_318, %get3A_319] : memref<32x3xf32, #tpu.memory_space<smem>>
    %mul3A_321 = vector.broadcast %get3A_320 : f32 to vector<1024x128xf32>
    %mul3A_322 = arith.mulf %get3A_1, %mul3A_321 : vector<1024x128xf32>
    %get3A_323 = arith.constant 10 : index
    %get3A_324 = arith.constant 1 : index
    %get3A_325 = memref.load %arg6[%get3A_323, %get3A_324] : memref<32x3xf32, #tpu.memory_space<smem>>
    %mul3A_326 = vector.broadcast %get3A_325 : f32 to vector<1024x128xf32>
    %mul3A_327 = arith.mulf %dot_general3A_20, %mul3A_326 : vector<1024x128xf32>
    %add3A_328 = arith.addf %mul3A_322, %mul3A_327 : vector<1024x128xf32>
    %get3A_329 = arith.constant 10 : index
    %get3A_330 = arith.constant 2 : index
    %get3A_331 = memref.load %arg6[%get3A_329, %get3A_330] : memref<32x3xf32, #tpu.memory_space<smem>>
    %mul3A_332 = vector.broadcast %get3A_331 : f32 to vector<1024x128xf32>
    %mul3A_333 = arith.mulf %get3A_4, %mul3A_332 : vector<1024x128xf32>
    %add3A_334 = arith.addf %add3A_328, %mul3A_333 : vector<1024x128xf32>
    %get3A_335 = arith.constant 10 : index
    %get3A_336 = memref.load %arg7[%get3A_335] : memref<32xf32, #tpu.memory_space<smem>>
    %add3A_337 = vector.broadcast %get3A_336 : f32 to vector<1024x128xf32>
    %add3A_338 = arith.addf %add3A_334, %add3A_337 : vector<1024x128xf32>
    %max3A_339 = arith.constant 0.000000e+00 : f32
    %max3A_340 = vector.broadcast %max3A_339 : f32 to vector<1024x128xf32>
    %max3A_341 = arith.maximumf %add3A_338, %max3A_340 : vector<1024x128xf32>
    %get3A_342 = arith.constant 10 : index
    %get3A_343 = arith.constant 0 : index
    %get3A_344 = vector.load %arg8[%get3A_342, %get3A_343] : memref<32x128xf32, #tpu.memory_space<vmem>>, vector<1x128xf32>
    %mul3A_345 = vector.broadcast %get3A_344 : vector<1x128xf32> to vector<1024x128xf32>
    %mul3A_346 = arith.mulf %max3A_341, %mul3A_345 : vector<1024x128xf32>
    %add3A_347 = arith.addf %add3A_317, %mul3A_346 : vector<1024x128xf32>
    %get3A_348 = arith.constant 11 : index
    %get3A_349 = arith.constant 0 : index
    %get3A_350 = memref.load %arg6[%get3A_348, %get3A_349] : memref<32x3xf32, #tpu.memory_space<smem>>
    %mul3A_351 = vector.broadcast %get3A_350 : f32 to vector<1024x128xf32>
    %mul3A_352 = arith.mulf %get3A_1, %mul3A_351 : vector<1024x128xf32>
    %get3A_353 = arith.constant 11 : index
    %get3A_354 = arith.constant 1 : index
    %get3A_355 = memref.load %arg6[%get3A_353, %get3A_354] : memref<32x3xf32, #tpu.memory_space<smem>>
    %mul3A_356 = vector.broadcast %get3A_355 : f32 to vector<1024x128xf32>
    %mul3A_357 = arith.mulf %dot_general3A_20, %mul3A_356 : vector<1024x128xf32>
    %add3A_358 = arith.addf %mul3A_352, %mul3A_357 : vector<1024x128xf32>
    %get3A_359 = arith.constant 11 : index
    %get3A_360 = arith.constant 2 : index
    %get3A_361 = memref.load %arg6[%get3A_359, %get3A_360] : memref<32x3xf32, #tpu.memory_space<smem>>
    %mul3A_362 = vector.broadcast %get3A_361 : f32 to vector<1024x128xf32>
    %mul3A_363 = arith.mulf %get3A_4, %mul3A_362 : vector<1024x128xf32>
    %add3A_364 = arith.addf %add3A_358, %mul3A_363 : vector<1024x128xf32>
    %get3A_365 = arith.constant 11 : index
    %get3A_366 = memref.load %arg7[%get3A_365] : memref<32xf32, #tpu.memory_space<smem>>
    %add3A_367 = vector.broadcast %get3A_366 : f32 to vector<1024x128xf32>
    %add3A_368 = arith.addf %add3A_364, %add3A_367 : vector<1024x128xf32>
    %max3A_369 = arith.constant 0.000000e+00 : f32
    %max3A_370 = vector.broadcast %max3A_369 : f32 to vector<1024x128xf32>
    %max3A_371 = arith.maximumf %add3A_368, %max3A_370 : vector<1024x128xf32>
    %get3A_372 = arith.constant 11 : index
    %get3A_373 = arith.constant 0 : index
    %get3A_374 = vector.load %arg8[%get3A_372, %get3A_373] : memref<32x128xf32, #tpu.memory_space<vmem>>, vector<1x128xf32>
    %mul3A_375 = vector.broadcast %get3A_374 : vector<1x128xf32> to vector<1024x128xf32>
    %mul3A_376 = arith.mulf %max3A_371, %mul3A_375 : vector<1024x128xf32>
    %add3A_377 = arith.addf %add3A_347, %mul3A_376 : vector<1024x128xf32>
    %get3A_378 = arith.constant 12 : index
    %get3A_379 = arith.constant 0 : index
    %get3A_380 = memref.load %arg6[%get3A_378, %get3A_379] : memref<32x3xf32, #tpu.memory_space<smem>>
    %mul3A_381 = vector.broadcast %get3A_380 : f32 to vector<1024x128xf32>
    %mul3A_382 = arith.mulf %get3A_1, %mul3A_381 : vector<1024x128xf32>
    %get3A_383 = arith.constant 12 : index
    %get3A_384 = arith.constant 1 : index
    %get3A_385 = memref.load %arg6[%get3A_383, %get3A_384] : memref<32x3xf32, #tpu.memory_space<smem>>
    %mul3A_386 = vector.broadcast %get3A_385 : f32 to vector<1024x128xf32>
    %mul3A_387 = arith.mulf %dot_general3A_20, %mul3A_386 : vector<1024x128xf32>
    %add3A_388 = arith.addf %mul3A_382, %mul3A_387 : vector<1024x128xf32>
    %get3A_389 = arith.constant 12 : index
    %get3A_390 = arith.constant 2 : index
    %get3A_391 = memref.load %arg6[%get3A_389, %get3A_390] : memref<32x3xf32, #tpu.memory_space<smem>>
    %mul3A_392 = vector.broadcast %get3A_391 : f32 to vector<1024x128xf32>
    %mul3A_393 = arith.mulf %get3A_4, %mul3A_392 : vector<1024x128xf32>
    %add3A_394 = arith.addf %add3A_388, %mul3A_393 : vector<1024x128xf32>
    %get3A_395 = arith.constant 12 : index
    %get3A_396 = memref.load %arg7[%get3A_395] : memref<32xf32, #tpu.memory_space<smem>>
    %add3A_397 = vector.broadcast %get3A_396 : f32 to vector<1024x128xf32>
    %add3A_398 = arith.addf %add3A_394, %add3A_397 : vector<1024x128xf32>
    %max3A_399 = arith.constant 0.000000e+00 : f32
    %max3A_400 = vector.broadcast %max3A_399 : f32 to vector<1024x128xf32>
    %max3A_401 = arith.maximumf %add3A_398, %max3A_400 : vector<1024x128xf32>
    %get3A_402 = arith.constant 12 : index
    %get3A_403 = arith.constant 0 : index
    %get3A_404 = vector.load %arg8[%get3A_402, %get3A_403] : memref<32x128xf32, #tpu.memory_space<vmem>>, vector<1x128xf32>
    %mul3A_405 = vector.broadcast %get3A_404 : vector<1x128xf32> to vector<1024x128xf32>
    %mul3A_406 = arith.mulf %max3A_401, %mul3A_405 : vector<1024x128xf32>
    %add3A_407 = arith.addf %add3A_377, %mul3A_406 : vector<1024x128xf32>
    %get3A_408 = arith.constant 13 : index
    %get3A_409 = arith.constant 0 : index
    %get3A_410 = memref.load %arg6[%get3A_408, %get3A_409] : memref<32x3xf32, #tpu.memory_space<smem>>
    %mul3A_411 = vector.broadcast %get3A_410 : f32 to vector<1024x128xf32>
    %mul3A_412 = arith.mulf %get3A_1, %mul3A_411 : vector<1024x128xf32>
    %get3A_413 = arith.constant 13 : index
    %get3A_414 = arith.constant 1 : index
    %get3A_415 = memref.load %arg6[%get3A_413, %get3A_414] : memref<32x3xf32, #tpu.memory_space<smem>>
    %mul3A_416 = vector.broadcast %get3A_415 : f32 to vector<1024x128xf32>
    %mul3A_417 = arith.mulf %dot_general3A_20, %mul3A_416 : vector<1024x128xf32>
    %add3A_418 = arith.addf %mul3A_412, %mul3A_417 : vector<1024x128xf32>
    %get3A_419 = arith.constant 13 : index
    %get3A_420 = arith.constant 2 : index
    %get3A_421 = memref.load %arg6[%get3A_419, %get3A_420] : memref<32x3xf32, #tpu.memory_space<smem>>
    %mul3A_422 = vector.broadcast %get3A_421 : f32 to vector<1024x128xf32>
    %mul3A_423 = arith.mulf %get3A_4, %mul3A_422 : vector<1024x128xf32>
    %add3A_424 = arith.addf %add3A_418, %mul3A_423 : vector<1024x128xf32>
    %get3A_425 = arith.constant 13 : index
    %get3A_426 = memref.load %arg7[%get3A_425] : memref<32xf32, #tpu.memory_space<smem>>
    %add3A_427 = vector.broadcast %get3A_426 : f32 to vector<1024x128xf32>
    %add3A_428 = arith.addf %add3A_424, %add3A_427 : vector<1024x128xf32>
    %max3A_429 = arith.constant 0.000000e+00 : f32
    %max3A_430 = vector.broadcast %max3A_429 : f32 to vector<1024x128xf32>
    %max3A_431 = arith.maximumf %add3A_428, %max3A_430 : vector<1024x128xf32>
    %get3A_432 = arith.constant 13 : index
    %get3A_433 = arith.constant 0 : index
    %get3A_434 = vector.load %arg8[%get3A_432, %get3A_433] : memref<32x128xf32, #tpu.memory_space<vmem>>, vector<1x128xf32>
    %mul3A_435 = vector.broadcast %get3A_434 : vector<1x128xf32> to vector<1024x128xf32>
    %mul3A_436 = arith.mulf %max3A_431, %mul3A_435 : vector<1024x128xf32>
    %add3A_437 = arith.addf %add3A_407, %mul3A_436 : vector<1024x128xf32>
    %get3A_438 = arith.constant 14 : index
    %get3A_439 = arith.constant 0 : index
    %get3A_440 = memref.load %arg6[%get3A_438, %get3A_439] : memref<32x3xf32, #tpu.memory_space<smem>>
    %mul3A_441 = vector.broadcast %get3A_440 : f32 to vector<1024x128xf32>
    %mul3A_442 = arith.mulf %get3A_1, %mul3A_441 : vector<1024x128xf32>
    %get3A_443 = arith.constant 14 : index
    %get3A_444 = arith.constant 1 : index
    %get3A_445 = memref.load %arg6[%get3A_443, %get3A_444] : memref<32x3xf32, #tpu.memory_space<smem>>
    %mul3A_446 = vector.broadcast %get3A_445 : f32 to vector<1024x128xf32>
    %mul3A_447 = arith.mulf %dot_general3A_20, %mul3A_446 : vector<1024x128xf32>
    %add3A_448 = arith.addf %mul3A_442, %mul3A_447 : vector<1024x128xf32>
    %get3A_449 = arith.constant 14 : index
    %get3A_450 = arith.constant 2 : index
    %get3A_451 = memref.load %arg6[%get3A_449, %get3A_450] : memref<32x3xf32, #tpu.memory_space<smem>>
    %mul3A_452 = vector.broadcast %get3A_451 : f32 to vector<1024x128xf32>
    %mul3A_453 = arith.mulf %get3A_4, %mul3A_452 : vector<1024x128xf32>
    %add3A_454 = arith.addf %add3A_448, %mul3A_453 : vector<1024x128xf32>
    %get3A_455 = arith.constant 14 : index
    %get3A_456 = memref.load %arg7[%get3A_455] : memref<32xf32, #tpu.memory_space<smem>>
    %add3A_457 = vector.broadcast %get3A_456 : f32 to vector<1024x128xf32>
    %add3A_458 = arith.addf %add3A_454, %add3A_457 : vector<1024x128xf32>
    %max3A_459 = arith.constant 0.000000e+00 : f32
    %max3A_460 = vector.broadcast %max3A_459 : f32 to vector<1024x128xf32>
    %max3A_461 = arith.maximumf %add3A_458, %max3A_460 : vector<1024x128xf32>
    %get3A_462 = arith.constant 14 : index
    %get3A_463 = arith.constant 0 : index
    %get3A_464 = vector.load %arg8[%get3A_462, %get3A_463] : memref<32x128xf32, #tpu.memory_space<vmem>>, vector<1x128xf32>
    %mul3A_465 = vector.broadcast %get3A_464 : vector<1x128xf32> to vector<1024x128xf32>
    %mul3A_466 = arith.mulf %max3A_461, %mul3A_465 : vector<1024x128xf32>
    %add3A_467 = arith.addf %add3A_437, %mul3A_466 : vector<1024x128xf32>
    %get3A_468 = arith.constant 15 : index
    %get3A_469 = arith.constant 0 : index
    %get3A_470 = memref.load %arg6[%get3A_468, %get3A_469] : memref<32x3xf32, #tpu.memory_space<smem>>
    %mul3A_471 = vector.broadcast %get3A_470 : f32 to vector<1024x128xf32>
    %mul3A_472 = arith.mulf %get3A_1, %mul3A_471 : vector<1024x128xf32>
    %get3A_473 = arith.constant 15 : index
    %get3A_474 = arith.constant 1 : index
    %get3A_475 = memref.load %arg6[%get3A_473, %get3A_474] : memref<32x3xf32, #tpu.memory_space<smem>>
    %mul3A_476 = vector.broadcast %get3A_475 : f32 to vector<1024x128xf32>
    %mul3A_477 = arith.mulf %dot_general3A_20, %mul3A_476 : vector<1024x128xf32>
    %add3A_478 = arith.addf %mul3A_472, %mul3A_477 : vector<1024x128xf32>
    %get3A_479 = arith.constant 15 : index
    %get3A_480 = arith.constant 2 : index
    %get3A_481 = memref.load %arg6[%get3A_479, %get3A_480] : memref<32x3xf32, #tpu.memory_space<smem>>
    %mul3A_482 = vector.broadcast %get3A_481 : f32 to vector<1024x128xf32>
    %mul3A_483 = arith.mulf %get3A_4, %mul3A_482 : vector<1024x128xf32>
    %add3A_484 = arith.addf %add3A_478, %mul3A_483 : vector<1024x128xf32>
    %get3A_485 = arith.constant 15 : index
    %get3A_486 = memref.load %arg7[%get3A_485] : memref<32xf32, #tpu.memory_space<smem>>
    %add3A_487 = vector.broadcast %get3A_486 : f32 to vector<1024x128xf32>
    %add3A_488 = arith.addf %add3A_484, %add3A_487 : vector<1024x128xf32>
    %max3A_489 = arith.constant 0.000000e+00 : f32
    %max3A_490 = vector.broadcast %max3A_489 : f32 to vector<1024x128xf32>
    %max3A_491 = arith.maximumf %add3A_488, %max3A_490 : vector<1024x128xf32>
    %get3A_492 = arith.constant 15 : index
    %get3A_493 = arith.constant 0 : index
    %get3A_494 = vector.load %arg8[%get3A_492, %get3A_493] : memref<32x128xf32, #tpu.memory_space<vmem>>, vector<1x128xf32>
    %mul3A_495 = vector.broadcast %get3A_494 : vector<1x128xf32> to vector<1024x128xf32>
    %mul3A_496 = arith.mulf %max3A_491, %mul3A_495 : vector<1024x128xf32>
    %add3A_497 = arith.addf %add3A_467, %mul3A_496 : vector<1024x128xf32>
    %get3A_498 = arith.constant 16 : index
    %get3A_499 = arith.constant 0 : index
    %get3A_500 = memref.load %arg6[%get3A_498, %get3A_499] : memref<32x3xf32, #tpu.memory_space<smem>>
    %mul3A_501 = vector.broadcast %get3A_500 : f32 to vector<1024x128xf32>
    %mul3A_502 = arith.mulf %get3A_1, %mul3A_501 : vector<1024x128xf32>
    %get3A_503 = arith.constant 16 : index
    %get3A_504 = arith.constant 1 : index
    %get3A_505 = memref.load %arg6[%get3A_503, %get3A_504] : memref<32x3xf32, #tpu.memory_space<smem>>
    %mul3A_506 = vector.broadcast %get3A_505 : f32 to vector<1024x128xf32>
    %mul3A_507 = arith.mulf %dot_general3A_20, %mul3A_506 : vector<1024x128xf32>
    %add3A_508 = arith.addf %mul3A_502, %mul3A_507 : vector<1024x128xf32>
    %get3A_509 = arith.constant 16 : index
    %get3A_510 = arith.constant 2 : index
    %get3A_511 = memref.load %arg6[%get3A_509, %get3A_510] : memref<32x3xf32, #tpu.memory_space<smem>>
    %mul3A_512 = vector.broadcast %get3A_511 : f32 to vector<1024x128xf32>
    %mul3A_513 = arith.mulf %get3A_4, %mul3A_512 : vector<1024x128xf32>
    %add3A_514 = arith.addf %add3A_508, %mul3A_513 : vector<1024x128xf32>
    %get3A_515 = arith.constant 16 : index
    %get3A_516 = memref.load %arg7[%get3A_515] : memref<32xf32, #tpu.memory_space<smem>>
    %add3A_517 = vector.broadcast %get3A_516 : f32 to vector<1024x128xf32>
    %add3A_518 = arith.addf %add3A_514, %add3A_517 : vector<1024x128xf32>
    %max3A_519 = arith.constant 0.000000e+00 : f32
    %max3A_520 = vector.broadcast %max3A_519 : f32 to vector<1024x128xf32>
    %max3A_521 = arith.maximumf %add3A_518, %max3A_520 : vector<1024x128xf32>
    %get3A_522 = arith.constant 16 : index
    %get3A_523 = arith.constant 0 : index
    %get3A_524 = vector.load %arg8[%get3A_522, %get3A_523] : memref<32x128xf32, #tpu.memory_space<vmem>>, vector<1x128xf32>
    %mul3A_525 = vector.broadcast %get3A_524 : vector<1x128xf32> to vector<1024x128xf32>
    %mul3A_526 = arith.mulf %max3A_521, %mul3A_525 : vector<1024x128xf32>
    %add3A_527 = arith.addf %add3A_497, %mul3A_526 : vector<1024x128xf32>
    %get3A_528 = arith.constant 17 : index
    %get3A_529 = arith.constant 0 : index
    %get3A_530 = memref.load %arg6[%get3A_528, %get3A_529] : memref<32x3xf32, #tpu.memory_space<smem>>
    %mul3A_531 = vector.broadcast %get3A_530 : f32 to vector<1024x128xf32>
    %mul3A_532 = arith.mulf %get3A_1, %mul3A_531 : vector<1024x128xf32>
    %get3A_533 = arith.constant 17 : index
    %get3A_534 = arith.constant 1 : index
    %get3A_535 = memref.load %arg6[%get3A_533, %get3A_534] : memref<32x3xf32, #tpu.memory_space<smem>>
    %mul3A_536 = vector.broadcast %get3A_535 : f32 to vector<1024x128xf32>
    %mul3A_537 = arith.mulf %dot_general3A_20, %mul3A_536 : vector<1024x128xf32>
    %add3A_538 = arith.addf %mul3A_532, %mul3A_537 : vector<1024x128xf32>
    %get3A_539 = arith.constant 17 : index
    %get3A_540 = arith.constant 2 : index
    %get3A_541 = memref.load %arg6[%get3A_539, %get3A_540] : memref<32x3xf32, #tpu.memory_space<smem>>
    %mul3A_542 = vector.broadcast %get3A_541 : f32 to vector<1024x128xf32>
    %mul3A_543 = arith.mulf %get3A_4, %mul3A_542 : vector<1024x128xf32>
    %add3A_544 = arith.addf %add3A_538, %mul3A_543 : vector<1024x128xf32>
    %get3A_545 = arith.constant 17 : index
    %get3A_546 = memref.load %arg7[%get3A_545] : memref<32xf32, #tpu.memory_space<smem>>
    %add3A_547 = vector.broadcast %get3A_546 : f32 to vector<1024x128xf32>
    %add3A_548 = arith.addf %add3A_544, %add3A_547 : vector<1024x128xf32>
    %max3A_549 = arith.constant 0.000000e+00 : f32
    %max3A_550 = vector.broadcast %max3A_549 : f32 to vector<1024x128xf32>
    %max3A_551 = arith.maximumf %add3A_548, %max3A_550 : vector<1024x128xf32>
    %get3A_552 = arith.constant 17 : index
    %get3A_553 = arith.constant 0 : index
    %get3A_554 = vector.load %arg8[%get3A_552, %get3A_553] : memref<32x128xf32, #tpu.memory_space<vmem>>, vector<1x128xf32>
    %mul3A_555 = vector.broadcast %get3A_554 : vector<1x128xf32> to vector<1024x128xf32>
    %mul3A_556 = arith.mulf %max3A_551, %mul3A_555 : vector<1024x128xf32>
    %add3A_557 = arith.addf %add3A_527, %mul3A_556 : vector<1024x128xf32>
    %get3A_558 = arith.constant 18 : index
    %get3A_559 = arith.constant 0 : index
    %get3A_560 = memref.load %arg6[%get3A_558, %get3A_559] : memref<32x3xf32, #tpu.memory_space<smem>>
    %mul3A_561 = vector.broadcast %get3A_560 : f32 to vector<1024x128xf32>
    %mul3A_562 = arith.mulf %get3A_1, %mul3A_561 : vector<1024x128xf32>
    %get3A_563 = arith.constant 18 : index
    %get3A_564 = arith.constant 1 : index
    %get3A_565 = memref.load %arg6[%get3A_563, %get3A_564] : memref<32x3xf32, #tpu.memory_space<smem>>
    %mul3A_566 = vector.broadcast %get3A_565 : f32 to vector<1024x128xf32>
    %mul3A_567 = arith.mulf %dot_general3A_20, %mul3A_566 : vector<1024x128xf32>
    %add3A_568 = arith.addf %mul3A_562, %mul3A_567 : vector<1024x128xf32>
    %get3A_569 = arith.constant 18 : index
    %get3A_570 = arith.constant 2 : index
    %get3A_571 = memref.load %arg6[%get3A_569, %get3A_570] : memref<32x3xf32, #tpu.memory_space<smem>>
    %mul3A_572 = vector.broadcast %get3A_571 : f32 to vector<1024x128xf32>
    %mul3A_573 = arith.mulf %get3A_4, %mul3A_572 : vector<1024x128xf32>
    %add3A_574 = arith.addf %add3A_568, %mul3A_573 : vector<1024x128xf32>
    %get3A_575 = arith.constant 18 : index
    %get3A_576 = memref.load %arg7[%get3A_575] : memref<32xf32, #tpu.memory_space<smem>>
    %add3A_577 = vector.broadcast %get3A_576 : f32 to vector<1024x128xf32>
    %add3A_578 = arith.addf %add3A_574, %add3A_577 : vector<1024x128xf32>
    %max3A_579 = arith.constant 0.000000e+00 : f32
    %max3A_580 = vector.broadcast %max3A_579 : f32 to vector<1024x128xf32>
    %max3A_581 = arith.maximumf %add3A_578, %max3A_580 : vector<1024x128xf32>
    %get3A_582 = arith.constant 18 : index
    %get3A_583 = arith.constant 0 : index
    %get3A_584 = vector.load %arg8[%get3A_582, %get3A_583] : memref<32x128xf32, #tpu.memory_space<vmem>>, vector<1x128xf32>
    %mul3A_585 = vector.broadcast %get3A_584 : vector<1x128xf32> to vector<1024x128xf32>
    %mul3A_586 = arith.mulf %max3A_581, %mul3A_585 : vector<1024x128xf32>
    %add3A_587 = arith.addf %add3A_557, %mul3A_586 : vector<1024x128xf32>
    %get3A_588 = arith.constant 19 : index
    %get3A_589 = arith.constant 0 : index
    %get3A_590 = memref.load %arg6[%get3A_588, %get3A_589] : memref<32x3xf32, #tpu.memory_space<smem>>
    %mul3A_591 = vector.broadcast %get3A_590 : f32 to vector<1024x128xf32>
    %mul3A_592 = arith.mulf %get3A_1, %mul3A_591 : vector<1024x128xf32>
    %get3A_593 = arith.constant 19 : index
    %get3A_594 = arith.constant 1 : index
    %get3A_595 = memref.load %arg6[%get3A_593, %get3A_594] : memref<32x3xf32, #tpu.memory_space<smem>>
    %mul3A_596 = vector.broadcast %get3A_595 : f32 to vector<1024x128xf32>
    %mul3A_597 = arith.mulf %dot_general3A_20, %mul3A_596 : vector<1024x128xf32>
    %add3A_598 = arith.addf %mul3A_592, %mul3A_597 : vector<1024x128xf32>
    %get3A_599 = arith.constant 19 : index
    %get3A_600 = arith.constant 2 : index
    %get3A_601 = memref.load %arg6[%get3A_599, %get3A_600] : memref<32x3xf32, #tpu.memory_space<smem>>
    %mul3A_602 = vector.broadcast %get3A_601 : f32 to vector<1024x128xf32>
    %mul3A_603 = arith.mulf %get3A_4, %mul3A_602 : vector<1024x128xf32>
    %add3A_604 = arith.addf %add3A_598, %mul3A_603 : vector<1024x128xf32>
    %get3A_605 = arith.constant 19 : index
    %get3A_606 = memref.load %arg7[%get3A_605] : memref<32xf32, #tpu.memory_space<smem>>
    %add3A_607 = vector.broadcast %get3A_606 : f32 to vector<1024x128xf32>
    %add3A_608 = arith.addf %add3A_604, %add3A_607 : vector<1024x128xf32>
    %max3A_609 = arith.constant 0.000000e+00 : f32
    %max3A_610 = vector.broadcast %max3A_609 : f32 to vector<1024x128xf32>
    %max3A_611 = arith.maximumf %add3A_608, %max3A_610 : vector<1024x128xf32>
    %get3A_612 = arith.constant 19 : index
    %get3A_613 = arith.constant 0 : index
    %get3A_614 = vector.load %arg8[%get3A_612, %get3A_613] : memref<32x128xf32, #tpu.memory_space<vmem>>, vector<1x128xf32>
    %mul3A_615 = vector.broadcast %get3A_614 : vector<1x128xf32> to vector<1024x128xf32>
    %mul3A_616 = arith.mulf %max3A_611, %mul3A_615 : vector<1024x128xf32>
    %add3A_617 = arith.addf %add3A_587, %mul3A_616 : vector<1024x128xf32>
    %get3A_618 = arith.constant 20 : index
    %get3A_619 = arith.constant 0 : index
    %get3A_620 = memref.load %arg6[%get3A_618, %get3A_619] : memref<32x3xf32, #tpu.memory_space<smem>>
    %mul3A_621 = vector.broadcast %get3A_620 : f32 to vector<1024x128xf32>
    %mul3A_622 = arith.mulf %get3A_1, %mul3A_621 : vector<1024x128xf32>
    %get3A_623 = arith.constant 20 : index
    %get3A_624 = arith.constant 1 : index
    %get3A_625 = memref.load %arg6[%get3A_623, %get3A_624] : memref<32x3xf32, #tpu.memory_space<smem>>
    %mul3A_626 = vector.broadcast %get3A_625 : f32 to vector<1024x128xf32>
    %mul3A_627 = arith.mulf %dot_general3A_20, %mul3A_626 : vector<1024x128xf32>
    %add3A_628 = arith.addf %mul3A_622, %mul3A_627 : vector<1024x128xf32>
    %get3A_629 = arith.constant 20 : index
    %get3A_630 = arith.constant 2 : index
    %get3A_631 = memref.load %arg6[%get3A_629, %get3A_630] : memref<32x3xf32, #tpu.memory_space<smem>>
    %mul3A_632 = vector.broadcast %get3A_631 : f32 to vector<1024x128xf32>
    %mul3A_633 = arith.mulf %get3A_4, %mul3A_632 : vector<1024x128xf32>
    %add3A_634 = arith.addf %add3A_628, %mul3A_633 : vector<1024x128xf32>
    %get3A_635 = arith.constant 20 : index
    %get3A_636 = memref.load %arg7[%get3A_635] : memref<32xf32, #tpu.memory_space<smem>>
    %add3A_637 = vector.broadcast %get3A_636 : f32 to vector<1024x128xf32>
    %add3A_638 = arith.addf %add3A_634, %add3A_637 : vector<1024x128xf32>
    %max3A_639 = arith.constant 0.000000e+00 : f32
    %max3A_640 = vector.broadcast %max3A_639 : f32 to vector<1024x128xf32>
    %max3A_641 = arith.maximumf %add3A_638, %max3A_640 : vector<1024x128xf32>
    %get3A_642 = arith.constant 20 : index
    %get3A_643 = arith.constant 0 : index
    %get3A_644 = vector.load %arg8[%get3A_642, %get3A_643] : memref<32x128xf32, #tpu.memory_space<vmem>>, vector<1x128xf32>
    %mul3A_645 = vector.broadcast %get3A_644 : vector<1x128xf32> to vector<1024x128xf32>
    %mul3A_646 = arith.mulf %max3A_641, %mul3A_645 : vector<1024x128xf32>
    %add3A_647 = arith.addf %add3A_617, %mul3A_646 : vector<1024x128xf32>
    %get3A_648 = arith.constant 21 : index
    %get3A_649 = arith.constant 0 : index
    %get3A_650 = memref.load %arg6[%get3A_648, %get3A_649] : memref<32x3xf32, #tpu.memory_space<smem>>
    %mul3A_651 = vector.broadcast %get3A_650 : f32 to vector<1024x128xf32>
    %mul3A_652 = arith.mulf %get3A_1, %mul3A_651 : vector<1024x128xf32>
    %get3A_653 = arith.constant 21 : index
    %get3A_654 = arith.constant 1 : index
    %get3A_655 = memref.load %arg6[%get3A_653, %get3A_654] : memref<32x3xf32, #tpu.memory_space<smem>>
    %mul3A_656 = vector.broadcast %get3A_655 : f32 to vector<1024x128xf32>
    %mul3A_657 = arith.mulf %dot_general3A_20, %mul3A_656 : vector<1024x128xf32>
    %add3A_658 = arith.addf %mul3A_652, %mul3A_657 : vector<1024x128xf32>
    %get3A_659 = arith.constant 21 : index
    %get3A_660 = arith.constant 2 : index
    %get3A_661 = memref.load %arg6[%get3A_659, %get3A_660] : memref<32x3xf32, #tpu.memory_space<smem>>
    %mul3A_662 = vector.broadcast %get3A_661 : f32 to vector<1024x128xf32>
    %mul3A_663 = arith.mulf %get3A_4, %mul3A_662 : vector<1024x128xf32>
    %add3A_664 = arith.addf %add3A_658, %mul3A_663 : vector<1024x128xf32>
    %get3A_665 = arith.constant 21 : index
    %get3A_666 = memref.load %arg7[%get3A_665] : memref<32xf32, #tpu.memory_space<smem>>
    %add3A_667 = vector.broadcast %get3A_666 : f32 to vector<1024x128xf32>
    %add3A_668 = arith.addf %add3A_664, %add3A_667 : vector<1024x128xf32>
    %max3A_669 = arith.constant 0.000000e+00 : f32
    %max3A_670 = vector.broadcast %max3A_669 : f32 to vector<1024x128xf32>
    %max3A_671 = arith.maximumf %add3A_668, %max3A_670 : vector<1024x128xf32>
    %get3A_672 = arith.constant 21 : index
    %get3A_673 = arith.constant 0 : index
    %get3A_674 = vector.load %arg8[%get3A_672, %get3A_673] : memref<32x128xf32, #tpu.memory_space<vmem>>, vector<1x128xf32>
    %mul3A_675 = vector.broadcast %get3A_674 : vector<1x128xf32> to vector<1024x128xf32>
    %mul3A_676 = arith.mulf %max3A_671, %mul3A_675 : vector<1024x128xf32>
    %add3A_677 = arith.addf %add3A_647, %mul3A_676 : vector<1024x128xf32>
    %get3A_678 = arith.constant 22 : index
    %get3A_679 = arith.constant 0 : index
    %get3A_680 = memref.load %arg6[%get3A_678, %get3A_679] : memref<32x3xf32, #tpu.memory_space<smem>>
    %mul3A_681 = vector.broadcast %get3A_680 : f32 to vector<1024x128xf32>
    %mul3A_682 = arith.mulf %get3A_1, %mul3A_681 : vector<1024x128xf32>
    %get3A_683 = arith.constant 22 : index
    %get3A_684 = arith.constant 1 : index
    %get3A_685 = memref.load %arg6[%get3A_683, %get3A_684] : memref<32x3xf32, #tpu.memory_space<smem>>
    %mul3A_686 = vector.broadcast %get3A_685 : f32 to vector<1024x128xf32>
    %mul3A_687 = arith.mulf %dot_general3A_20, %mul3A_686 : vector<1024x128xf32>
    %add3A_688 = arith.addf %mul3A_682, %mul3A_687 : vector<1024x128xf32>
    %get3A_689 = arith.constant 22 : index
    %get3A_690 = arith.constant 2 : index
    %get3A_691 = memref.load %arg6[%get3A_689, %get3A_690] : memref<32x3xf32, #tpu.memory_space<smem>>
    %mul3A_692 = vector.broadcast %get3A_691 : f32 to vector<1024x128xf32>
    %mul3A_693 = arith.mulf %get3A_4, %mul3A_692 : vector<1024x128xf32>
    %add3A_694 = arith.addf %add3A_688, %mul3A_693 : vector<1024x128xf32>
    %get3A_695 = arith.constant 22 : index
    %get3A_696 = memref.load %arg7[%get3A_695] : memref<32xf32, #tpu.memory_space<smem>>
    %add3A_697 = vector.broadcast %get3A_696 : f32 to vector<1024x128xf32>
    %add3A_698 = arith.addf %add3A_694, %add3A_697 : vector<1024x128xf32>
    %max3A_699 = arith.constant 0.000000e+00 : f32
    %max3A_700 = vector.broadcast %max3A_699 : f32 to vector<1024x128xf32>
    %max3A_701 = arith.maximumf %add3A_698, %max3A_700 : vector<1024x128xf32>
    %get3A_702 = arith.constant 22 : index
    %get3A_703 = arith.constant 0 : index
    %get3A_704 = vector.load %arg8[%get3A_702, %get3A_703] : memref<32x128xf32, #tpu.memory_space<vmem>>, vector<1x128xf32>
    %mul3A_705 = vector.broadcast %get3A_704 : vector<1x128xf32> to vector<1024x128xf32>
    %mul3A_706 = arith.mulf %max3A_701, %mul3A_705 : vector<1024x128xf32>
    %add3A_707 = arith.addf %add3A_677, %mul3A_706 : vector<1024x128xf32>
    %get3A_708 = arith.constant 23 : index
    %get3A_709 = arith.constant 0 : index
    %get3A_710 = memref.load %arg6[%get3A_708, %get3A_709] : memref<32x3xf32, #tpu.memory_space<smem>>
    %mul3A_711 = vector.broadcast %get3A_710 : f32 to vector<1024x128xf32>
    %mul3A_712 = arith.mulf %get3A_1, %mul3A_711 : vector<1024x128xf32>
    %get3A_713 = arith.constant 23 : index
    %get3A_714 = arith.constant 1 : index
    %get3A_715 = memref.load %arg6[%get3A_713, %get3A_714] : memref<32x3xf32, #tpu.memory_space<smem>>
    %mul3A_716 = vector.broadcast %get3A_715 : f32 to vector<1024x128xf32>
    %mul3A_717 = arith.mulf %dot_general3A_20, %mul3A_716 : vector<1024x128xf32>
    %add3A_718 = arith.addf %mul3A_712, %mul3A_717 : vector<1024x128xf32>
    %get3A_719 = arith.constant 23 : index
    %get3A_720 = arith.constant 2 : index
    %get3A_721 = memref.load %arg6[%get3A_719, %get3A_720] : memref<32x3xf32, #tpu.memory_space<smem>>
    %mul3A_722 = vector.broadcast %get3A_721 : f32 to vector<1024x128xf32>
    %mul3A_723 = arith.mulf %get3A_4, %mul3A_722 : vector<1024x128xf32>
    %add3A_724 = arith.addf %add3A_718, %mul3A_723 : vector<1024x128xf32>
    %get3A_725 = arith.constant 23 : index
    %get3A_726 = memref.load %arg7[%get3A_725] : memref<32xf32, #tpu.memory_space<smem>>
    %add3A_727 = vector.broadcast %get3A_726 : f32 to vector<1024x128xf32>
    %add3A_728 = arith.addf %add3A_724, %add3A_727 : vector<1024x128xf32>
    %max3A_729 = arith.constant 0.000000e+00 : f32
    %max3A_730 = vector.broadcast %max3A_729 : f32 to vector<1024x128xf32>
    %max3A_731 = arith.maximumf %add3A_728, %max3A_730 : vector<1024x128xf32>
    %get3A_732 = arith.constant 23 : index
    %get3A_733 = arith.constant 0 : index
    %get3A_734 = vector.load %arg8[%get3A_732, %get3A_733] : memref<32x128xf32, #tpu.memory_space<vmem>>, vector<1x128xf32>
    %mul3A_735 = vector.broadcast %get3A_734 : vector<1x128xf32> to vector<1024x128xf32>
    %mul3A_736 = arith.mulf %max3A_731, %mul3A_735 : vector<1024x128xf32>
    %add3A_737 = arith.addf %add3A_707, %mul3A_736 : vector<1024x128xf32>
    %get3A_738 = arith.constant 24 : index
    %get3A_739 = arith.constant 0 : index
    %get3A_740 = memref.load %arg6[%get3A_738, %get3A_739] : memref<32x3xf32, #tpu.memory_space<smem>>
    %mul3A_741 = vector.broadcast %get3A_740 : f32 to vector<1024x128xf32>
    %mul3A_742 = arith.mulf %get3A_1, %mul3A_741 : vector<1024x128xf32>
    %get3A_743 = arith.constant 24 : index
    %get3A_744 = arith.constant 1 : index
    %get3A_745 = memref.load %arg6[%get3A_743, %get3A_744] : memref<32x3xf32, #tpu.memory_space<smem>>
    %mul3A_746 = vector.broadcast %get3A_745 : f32 to vector<1024x128xf32>
    %mul3A_747 = arith.mulf %dot_general3A_20, %mul3A_746 : vector<1024x128xf32>
    %add3A_748 = arith.addf %mul3A_742, %mul3A_747 : vector<1024x128xf32>
    %get3A_749 = arith.constant 24 : index
    %get3A_750 = arith.constant 2 : index
    %get3A_751 = memref.load %arg6[%get3A_749, %get3A_750] : memref<32x3xf32, #tpu.memory_space<smem>>
    %mul3A_752 = vector.broadcast %get3A_751 : f32 to vector<1024x128xf32>
    %mul3A_753 = arith.mulf %get3A_4, %mul3A_752 : vector<1024x128xf32>
    %add3A_754 = arith.addf %add3A_748, %mul3A_753 : vector<1024x128xf32>
    %get3A_755 = arith.constant 24 : index
    %get3A_756 = memref.load %arg7[%get3A_755] : memref<32xf32, #tpu.memory_space<smem>>
    %add3A_757 = vector.broadcast %get3A_756 : f32 to vector<1024x128xf32>
    %add3A_758 = arith.addf %add3A_754, %add3A_757 : vector<1024x128xf32>
    %max3A_759 = arith.constant 0.000000e+00 : f32
    %max3A_760 = vector.broadcast %max3A_759 : f32 to vector<1024x128xf32>
    %max3A_761 = arith.maximumf %add3A_758, %max3A_760 : vector<1024x128xf32>
    %get3A_762 = arith.constant 24 : index
    %get3A_763 = arith.constant 0 : index
    %get3A_764 = vector.load %arg8[%get3A_762, %get3A_763] : memref<32x128xf32, #tpu.memory_space<vmem>>, vector<1x128xf32>
    %mul3A_765 = vector.broadcast %get3A_764 : vector<1x128xf32> to vector<1024x128xf32>
    %mul3A_766 = arith.mulf %max3A_761, %mul3A_765 : vector<1024x128xf32>
    %add3A_767 = arith.addf %add3A_737, %mul3A_766 : vector<1024x128xf32>
    %get3A_768 = arith.constant 25 : index
    %get3A_769 = arith.constant 0 : index
    %get3A_770 = memref.load %arg6[%get3A_768, %get3A_769] : memref<32x3xf32, #tpu.memory_space<smem>>
    %mul3A_771 = vector.broadcast %get3A_770 : f32 to vector<1024x128xf32>
    %mul3A_772 = arith.mulf %get3A_1, %mul3A_771 : vector<1024x128xf32>
    %get3A_773 = arith.constant 25 : index
    %get3A_774 = arith.constant 1 : index
    %get3A_775 = memref.load %arg6[%get3A_773, %get3A_774] : memref<32x3xf32, #tpu.memory_space<smem>>
    %mul3A_776 = vector.broadcast %get3A_775 : f32 to vector<1024x128xf32>
    %mul3A_777 = arith.mulf %dot_general3A_20, %mul3A_776 : vector<1024x128xf32>
    %add3A_778 = arith.addf %mul3A_772, %mul3A_777 : vector<1024x128xf32>
    %get3A_779 = arith.constant 25 : index
    %get3A_780 = arith.constant 2 : index
    %get3A_781 = memref.load %arg6[%get3A_779, %get3A_780] : memref<32x3xf32, #tpu.memory_space<smem>>
    %mul3A_782 = vector.broadcast %get3A_781 : f32 to vector<1024x128xf32>
    %mul3A_783 = arith.mulf %get3A_4, %mul3A_782 : vector<1024x128xf32>
    %add3A_784 = arith.addf %add3A_778, %mul3A_783 : vector<1024x128xf32>
    %get3A_785 = arith.constant 25 : index
    %get3A_786 = memref.load %arg7[%get3A_785] : memref<32xf32, #tpu.memory_space<smem>>
    %add3A_787 = vector.broadcast %get3A_786 : f32 to vector<1024x128xf32>
    %add3A_788 = arith.addf %add3A_784, %add3A_787 : vector<1024x128xf32>
    %max3A_789 = arith.constant 0.000000e+00 : f32
    %max3A_790 = vector.broadcast %max3A_789 : f32 to vector<1024x128xf32>
    %max3A_791 = arith.maximumf %add3A_788, %max3A_790 : vector<1024x128xf32>
    %get3A_792 = arith.constant 25 : index
    %get3A_793 = arith.constant 0 : index
    %get3A_794 = vector.load %arg8[%get3A_792, %get3A_793] : memref<32x128xf32, #tpu.memory_space<vmem>>, vector<1x128xf32>
    %mul3A_795 = vector.broadcast %get3A_794 : vector<1x128xf32> to vector<1024x128xf32>
    %mul3A_796 = arith.mulf %max3A_791, %mul3A_795 : vector<1024x128xf32>
    %add3A_797 = arith.addf %add3A_767, %mul3A_796 : vector<1024x128xf32>
    %get3A_798 = arith.constant 26 : index
    %get3A_799 = arith.constant 0 : index
    %get3A_800 = memref.load %arg6[%get3A_798, %get3A_799] : memref<32x3xf32, #tpu.memory_space<smem>>
    %mul3A_801 = vector.broadcast %get3A_800 : f32 to vector<1024x128xf32>
    %mul3A_802 = arith.mulf %get3A_1, %mul3A_801 : vector<1024x128xf32>
    %get3A_803 = arith.constant 26 : index
    %get3A_804 = arith.constant 1 : index
    %get3A_805 = memref.load %arg6[%get3A_803, %get3A_804] : memref<32x3xf32, #tpu.memory_space<smem>>
    %mul3A_806 = vector.broadcast %get3A_805 : f32 to vector<1024x128xf32>
    %mul3A_807 = arith.mulf %dot_general3A_20, %mul3A_806 : vector<1024x128xf32>
    %add3A_808 = arith.addf %mul3A_802, %mul3A_807 : vector<1024x128xf32>
    %get3A_809 = arith.constant 26 : index
    %get3A_810 = arith.constant 2 : index
    %get3A_811 = memref.load %arg6[%get3A_809, %get3A_810] : memref<32x3xf32, #tpu.memory_space<smem>>
    %mul3A_812 = vector.broadcast %get3A_811 : f32 to vector<1024x128xf32>
    %mul3A_813 = arith.mulf %get3A_4, %mul3A_812 : vector<1024x128xf32>
    %add3A_814 = arith.addf %add3A_808, %mul3A_813 : vector<1024x128xf32>
    %get3A_815 = arith.constant 26 : index
    %get3A_816 = memref.load %arg7[%get3A_815] : memref<32xf32, #tpu.memory_space<smem>>
    %add3A_817 = vector.broadcast %get3A_816 : f32 to vector<1024x128xf32>
    %add3A_818 = arith.addf %add3A_814, %add3A_817 : vector<1024x128xf32>
    %max3A_819 = arith.constant 0.000000e+00 : f32
    %max3A_820 = vector.broadcast %max3A_819 : f32 to vector<1024x128xf32>
    %max3A_821 = arith.maximumf %add3A_818, %max3A_820 : vector<1024x128xf32>
    %get3A_822 = arith.constant 26 : index
    %get3A_823 = arith.constant 0 : index
    %get3A_824 = vector.load %arg8[%get3A_822, %get3A_823] : memref<32x128xf32, #tpu.memory_space<vmem>>, vector<1x128xf32>
    %mul3A_825 = vector.broadcast %get3A_824 : vector<1x128xf32> to vector<1024x128xf32>
    %mul3A_826 = arith.mulf %max3A_821, %mul3A_825 : vector<1024x128xf32>
    %add3A_827 = arith.addf %add3A_797, %mul3A_826 : vector<1024x128xf32>
    %get3A_828 = arith.constant 27 : index
    %get3A_829 = arith.constant 0 : index
    %get3A_830 = memref.load %arg6[%get3A_828, %get3A_829] : memref<32x3xf32, #tpu.memory_space<smem>>
    %mul3A_831 = vector.broadcast %get3A_830 : f32 to vector<1024x128xf32>
    %mul3A_832 = arith.mulf %get3A_1, %mul3A_831 : vector<1024x128xf32>
    %get3A_833 = arith.constant 27 : index
    %get3A_834 = arith.constant 1 : index
    %get3A_835 = memref.load %arg6[%get3A_833, %get3A_834] : memref<32x3xf32, #tpu.memory_space<smem>>
    %mul3A_836 = vector.broadcast %get3A_835 : f32 to vector<1024x128xf32>
    %mul3A_837 = arith.mulf %dot_general3A_20, %mul3A_836 : vector<1024x128xf32>
    %add3A_838 = arith.addf %mul3A_832, %mul3A_837 : vector<1024x128xf32>
    %get3A_839 = arith.constant 27 : index
    %get3A_840 = arith.constant 2 : index
    %get3A_841 = memref.load %arg6[%get3A_839, %get3A_840] : memref<32x3xf32, #tpu.memory_space<smem>>
    %mul3A_842 = vector.broadcast %get3A_841 : f32 to vector<1024x128xf32>
    %mul3A_843 = arith.mulf %get3A_4, %mul3A_842 : vector<1024x128xf32>
    %add3A_844 = arith.addf %add3A_838, %mul3A_843 : vector<1024x128xf32>
    %get3A_845 = arith.constant 27 : index
    %get3A_846 = memref.load %arg7[%get3A_845] : memref<32xf32, #tpu.memory_space<smem>>
    %add3A_847 = vector.broadcast %get3A_846 : f32 to vector<1024x128xf32>
    %add3A_848 = arith.addf %add3A_844, %add3A_847 : vector<1024x128xf32>
    %max3A_849 = arith.constant 0.000000e+00 : f32
    %max3A_850 = vector.broadcast %max3A_849 : f32 to vector<1024x128xf32>
    %max3A_851 = arith.maximumf %add3A_848, %max3A_850 : vector<1024x128xf32>
    %get3A_852 = arith.constant 27 : index
    %get3A_853 = arith.constant 0 : index
    %get3A_854 = vector.load %arg8[%get3A_852, %get3A_853] : memref<32x128xf32, #tpu.memory_space<vmem>>, vector<1x128xf32>
    %mul3A_855 = vector.broadcast %get3A_854 : vector<1x128xf32> to vector<1024x128xf32>
    %mul3A_856 = arith.mulf %max3A_851, %mul3A_855 : vector<1024x128xf32>
    %add3A_857 = arith.addf %add3A_827, %mul3A_856 : vector<1024x128xf32>
    %get3A_858 = arith.constant 28 : index
    %get3A_859 = arith.constant 0 : index
    %get3A_860 = memref.load %arg6[%get3A_858, %get3A_859] : memref<32x3xf32, #tpu.memory_space<smem>>
    %mul3A_861 = vector.broadcast %get3A_860 : f32 to vector<1024x128xf32>
    %mul3A_862 = arith.mulf %get3A_1, %mul3A_861 : vector<1024x128xf32>
    %get3A_863 = arith.constant 28 : index
    %get3A_864 = arith.constant 1 : index
    %get3A_865 = memref.load %arg6[%get3A_863, %get3A_864] : memref<32x3xf32, #tpu.memory_space<smem>>
    %mul3A_866 = vector.broadcast %get3A_865 : f32 to vector<1024x128xf32>
    %mul3A_867 = arith.mulf %dot_general3A_20, %mul3A_866 : vector<1024x128xf32>
    %add3A_868 = arith.addf %mul3A_862, %mul3A_867 : vector<1024x128xf32>
    %get3A_869 = arith.constant 28 : index
    %get3A_870 = arith.constant 2 : index
    %get3A_871 = memref.load %arg6[%get3A_869, %get3A_870] : memref<32x3xf32, #tpu.memory_space<smem>>
    %mul3A_872 = vector.broadcast %get3A_871 : f32 to vector<1024x128xf32>
    %mul3A_873 = arith.mulf %get3A_4, %mul3A_872 : vector<1024x128xf32>
    %add3A_874 = arith.addf %add3A_868, %mul3A_873 : vector<1024x128xf32>
    %get3A_875 = arith.constant 28 : index
    %get3A_876 = memref.load %arg7[%get3A_875] : memref<32xf32, #tpu.memory_space<smem>>
    %add3A_877 = vector.broadcast %get3A_876 : f32 to vector<1024x128xf32>
    %add3A_878 = arith.addf %add3A_874, %add3A_877 : vector<1024x128xf32>
    %max3A_879 = arith.constant 0.000000e+00 : f32
    %max3A_880 = vector.broadcast %max3A_879 : f32 to vector<1024x128xf32>
    %max3A_881 = arith.maximumf %add3A_878, %max3A_880 : vector<1024x128xf32>
    %get3A_882 = arith.constant 28 : index
    %get3A_883 = arith.constant 0 : index
    %get3A_884 = vector.load %arg8[%get3A_882, %get3A_883] : memref<32x128xf32, #tpu.memory_space<vmem>>, vector<1x128xf32>
    %mul3A_885 = vector.broadcast %get3A_884 : vector<1x128xf32> to vector<1024x128xf32>
    %mul3A_886 = arith.mulf %max3A_881, %mul3A_885 : vector<1024x128xf32>
    %add3A_887 = arith.addf %add3A_857, %mul3A_886 : vector<1024x128xf32>
    %get3A_888 = arith.constant 29 : index
    %get3A_889 = arith.constant 0 : index
    %get3A_890 = memref.load %arg6[%get3A_888, %get3A_889] : memref<32x3xf32, #tpu.memory_space<smem>>
    %mul3A_891 = vector.broadcast %get3A_890 : f32 to vector<1024x128xf32>
    %mul3A_892 = arith.mulf %get3A_1, %mul3A_891 : vector<1024x128xf32>
    %get3A_893 = arith.constant 29 : index
    %get3A_894 = arith.constant 1 : index
    %get3A_895 = memref.load %arg6[%get3A_893, %get3A_894] : memref<32x3xf32, #tpu.memory_space<smem>>
    %mul3A_896 = vector.broadcast %get3A_895 : f32 to vector<1024x128xf32>
    %mul3A_897 = arith.mulf %dot_general3A_20, %mul3A_896 : vector<1024x128xf32>
    %add3A_898 = arith.addf %mul3A_892, %mul3A_897 : vector<1024x128xf32>
    %get3A_899 = arith.constant 29 : index
    %get3A_900 = arith.constant 2 : index
    %get3A_901 = memref.load %arg6[%get3A_899, %get3A_900] : memref<32x3xf32, #tpu.memory_space<smem>>
    %mul3A_902 = vector.broadcast %get3A_901 : f32 to vector<1024x128xf32>
    %mul3A_903 = arith.mulf %get3A_4, %mul3A_902 : vector<1024x128xf32>
    %add3A_904 = arith.addf %add3A_898, %mul3A_903 : vector<1024x128xf32>
    %get3A_905 = arith.constant 29 : index
    %get3A_906 = memref.load %arg7[%get3A_905] : memref<32xf32, #tpu.memory_space<smem>>
    %add3A_907 = vector.broadcast %get3A_906 : f32 to vector<1024x128xf32>
    %add3A_908 = arith.addf %add3A_904, %add3A_907 : vector<1024x128xf32>
    %max3A_909 = arith.constant 0.000000e+00 : f32
    %max3A_910 = vector.broadcast %max3A_909 : f32 to vector<1024x128xf32>
    %max3A_911 = arith.maximumf %add3A_908, %max3A_910 : vector<1024x128xf32>
    %get3A_912 = arith.constant 29 : index
    %get3A_913 = arith.constant 0 : index
    %get3A_914 = vector.load %arg8[%get3A_912, %get3A_913] : memref<32x128xf32, #tpu.memory_space<vmem>>, vector<1x128xf32>
    %mul3A_915 = vector.broadcast %get3A_914 : vector<1x128xf32> to vector<1024x128xf32>
    %mul3A_916 = arith.mulf %max3A_911, %mul3A_915 : vector<1024x128xf32>
    %add3A_917 = arith.addf %add3A_887, %mul3A_916 : vector<1024x128xf32>
    %get3A_918 = arith.constant 30 : index
    %get3A_919 = arith.constant 0 : index
    %get3A_920 = memref.load %arg6[%get3A_918, %get3A_919] : memref<32x3xf32, #tpu.memory_space<smem>>
    %mul3A_921 = vector.broadcast %get3A_920 : f32 to vector<1024x128xf32>
    %mul3A_922 = arith.mulf %get3A_1, %mul3A_921 : vector<1024x128xf32>
    %get3A_923 = arith.constant 30 : index
    %get3A_924 = arith.constant 1 : index
    %get3A_925 = memref.load %arg6[%get3A_923, %get3A_924] : memref<32x3xf32, #tpu.memory_space<smem>>
    %mul3A_926 = vector.broadcast %get3A_925 : f32 to vector<1024x128xf32>
    %mul3A_927 = arith.mulf %dot_general3A_20, %mul3A_926 : vector<1024x128xf32>
    %add3A_928 = arith.addf %mul3A_922, %mul3A_927 : vector<1024x128xf32>
    %get3A_929 = arith.constant 30 : index
    %get3A_930 = arith.constant 2 : index
    %get3A_931 = memref.load %arg6[%get3A_929, %get3A_930] : memref<32x3xf32, #tpu.memory_space<smem>>
    %mul3A_932 = vector.broadcast %get3A_931 : f32 to vector<1024x128xf32>
    %mul3A_933 = arith.mulf %get3A_4, %mul3A_932 : vector<1024x128xf32>
    %add3A_934 = arith.addf %add3A_928, %mul3A_933 : vector<1024x128xf32>
    %get3A_935 = arith.constant 30 : index
    %get3A_936 = memref.load %arg7[%get3A_935] : memref<32xf32, #tpu.memory_space<smem>>
    %add3A_937 = vector.broadcast %get3A_936 : f32 to vector<1024x128xf32>
    %add3A_938 = arith.addf %add3A_934, %add3A_937 : vector<1024x128xf32>
    %max3A_939 = arith.constant 0.000000e+00 : f32
    %max3A_940 = vector.broadcast %max3A_939 : f32 to vector<1024x128xf32>
    %max3A_941 = arith.maximumf %add3A_938, %max3A_940 : vector<1024x128xf32>
    %get3A_942 = arith.constant 30 : index
    %get3A_943 = arith.constant 0 : index
    %get3A_944 = vector.load %arg8[%get3A_942, %get3A_943] : memref<32x128xf32, #tpu.memory_space<vmem>>, vector<1x128xf32>
    %mul3A_945 = vector.broadcast %get3A_944 : vector<1x128xf32> to vector<1024x128xf32>
    %mul3A_946 = arith.mulf %max3A_941, %mul3A_945 : vector<1024x128xf32>
    %add3A_947 = arith.addf %add3A_917, %mul3A_946 : vector<1024x128xf32>
    %get3A_948 = arith.constant 31 : index
    %get3A_949 = arith.constant 0 : index
    %get3A_950 = memref.load %arg6[%get3A_948, %get3A_949] : memref<32x3xf32, #tpu.memory_space<smem>>
    %mul3A_951 = vector.broadcast %get3A_950 : f32 to vector<1024x128xf32>
    %mul3A_952 = arith.mulf %get3A_1, %mul3A_951 : vector<1024x128xf32>
    %get3A_953 = arith.constant 31 : index
    %get3A_954 = arith.constant 1 : index
    %get3A_955 = memref.load %arg6[%get3A_953, %get3A_954] : memref<32x3xf32, #tpu.memory_space<smem>>
    %mul3A_956 = vector.broadcast %get3A_955 : f32 to vector<1024x128xf32>
    %mul3A_957 = arith.mulf %dot_general3A_20, %mul3A_956 : vector<1024x128xf32>
    %add3A_958 = arith.addf %mul3A_952, %mul3A_957 : vector<1024x128xf32>
    %get3A_959 = arith.constant 31 : index
    %get3A_960 = arith.constant 2 : index
    %get3A_961 = memref.load %arg6[%get3A_959, %get3A_960] : memref<32x3xf32, #tpu.memory_space<smem>>
    %mul3A_962 = vector.broadcast %get3A_961 : f32 to vector<1024x128xf32>
    %mul3A_963 = arith.mulf %get3A_4, %mul3A_962 : vector<1024x128xf32>
    %add3A_964 = arith.addf %add3A_958, %mul3A_963 : vector<1024x128xf32>
    %get3A_965 = arith.constant 31 : index
    %get3A_966 = memref.load %arg7[%get3A_965] : memref<32xf32, #tpu.memory_space<smem>>
    %add3A_967 = vector.broadcast %get3A_966 : f32 to vector<1024x128xf32>
    %add3A_968 = arith.addf %add3A_964, %add3A_967 : vector<1024x128xf32>
    %max3A_969 = arith.constant 0.000000e+00 : f32
    %max3A_970 = vector.broadcast %max3A_969 : f32 to vector<1024x128xf32>
    %max3A_971 = arith.maximumf %add3A_968, %max3A_970 : vector<1024x128xf32>
    %get3A_972 = arith.constant 31 : index
    %get3A_973 = arith.constant 0 : index
    %get3A_974 = vector.load %arg8[%get3A_972, %get3A_973] : memref<32x128xf32, #tpu.memory_space<vmem>>, vector<1x128xf32>
    %mul3A_975 = vector.broadcast %get3A_974 : vector<1x128xf32> to vector<1024x128xf32>
    %mul3A_976 = arith.mulf %max3A_971, %mul3A_975 : vector<1024x128xf32>
    %add3A_977 = arith.addf %add3A_947, %mul3A_976 : vector<1024x128xf32>
    %slice3A = vector.extract_strided_slice %add3A_977 {offsets = [0, 0], sizes = [1024, 64], strides = [1, 1]} : vector<1024x128xf32> to vector<1024x64xf32>
    %reduce_sum3A = arith.constant dense<0.000000e+00> : vector<1024xf32>
    %reduce_sum3A_978 = vector.multi_reduction <add>, %slice3A, %reduce_sum3A [1] : vector<1024x64xf32> to vector<1024xf32>
    %broadcast_in_dim3A = vector.shape_cast %reduce_sum3A_978 : vector<1024xf32> to vector<1024x1xf32>
    %slice3A_979 = vector.extract_strided_slice %add3A_977 {offsets = [0, 64], sizes = [1024, 64], strides = [1, 1]} : vector<1024x128xf32> to vector<1024x64xf32>
    %reduce_sum3A_980 = arith.constant dense<0.000000e+00> : vector<1024xf32>
    %reduce_sum3A_981 = vector.multi_reduction <add>, %slice3A_979, %reduce_sum3A_980 [1] : vector<1024x64xf32> to vector<1024xf32>
    %broadcast_in_dim3A_982 = vector.shape_cast %reduce_sum3A_981 : vector<1024xf32> to vector<1024x1xf32>
    %concatenate3A = tpu.concatenate %broadcast_in_dim3A, %broadcast_in_dim3A_982 in 1 : vector<1024x1xf32>, vector<1024x1xf32> -> vector<1024x2xf32>
    %swap3A = arith.constant 0 : index
    %swap3A_983 = arith.constant 0 : index
    %swap3A_984 = vector.load %arg9[%swap3A, %swap3A_983] : memref<1024x2xf32, #tpu.memory_space<vmem>>, vector<1024x2xf32>
    tpu.vector_store %arg9[%swap3A, %swap3A_983], %concatenate3A {strides = array<i32>} : memref<1024x2xf32, #tpu.memory_space<vmem>>, vector<1024x2xf32>,
    %mul3A_985 = arith.mulf %get3A_1, %get3A_1 : vector<1024x128xf32>
    %reduce_sum3A_986 = vector.shape_cast %mul3A_985 : vector<1024x128xf32> to vector<1x1024x128xf32>
    %reduce_sum3A_987 = arith.constant dense<0.000000e+00> : vector<1xf32>
    %reduce_sum3A_988 = vector.multi_reduction <add>, %reduce_sum3A_986, %reduce_sum3A_987 [1, 2] : vector<1x1024x128xf32> to vector<1xf32>
    %reduce_sum3A_989 = vector.shape_cast %reduce_sum3A_988 : vector<1xf32> to vector<1x1x1xf32>
    %reduce_sum3A_990 = vector.extract %reduce_sum3A_989[0, 0, 0] : f32 from vector<1x1x1xf32>
    %mul3A_991 = arith.mulf %get3A_4, %get3A_4 : vector<1024x128xf32>
    %reduce_sum3A_992 = vector.shape_cast %mul3A_991 : vector<1024x128xf32> to vector<1x1024x128xf32>
    %reduce_sum3A_993 = arith.constant dense<0.000000e+00> : vector<1xf32>
    %reduce_sum3A_994 = vector.multi_reduction <add>, %reduce_sum3A_992, %reduce_sum3A_993 [1, 2] : vector<1x1024x128xf32> to vector<1xf32>
    %reduce_sum3A_995 = vector.shape_cast %reduce_sum3A_994 : vector<1xf32> to vector<1x1x1xf32>
    %reduce_sum3A_996 = vector.extract %reduce_sum3A_995[0, 0, 0] : f32 from vector<1x1x1xf32>
    %add3A_997 = arith.addf %reduce_sum3A_990, %reduce_sum3A_996 : f32
    %mul3A_998 = arith.mulf %dot_general3A_20, %dot_general3A_20 : vector<1024x128xf32>
    %reduce_sum3A_999 = vector.shape_cast %mul3A_998 : vector<1024x128xf32> to vector<1x1024x128xf32>
    %reduce_sum3A_1000 = arith.constant dense<0.000000e+00> : vector<1xf32>
    %reduce_sum3A_1001 = vector.multi_reduction <add>, %reduce_sum3A_999, %reduce_sum3A_1000 [1, 2] : vector<1x1024x128xf32> to vector<1xf32>
    %reduce_sum3A_1002 = vector.shape_cast %reduce_sum3A_1001 : vector<1xf32> to vector<1x1x1xf32>
    %reduce_sum3A_1003 = vector.extract %reduce_sum3A_1002[0, 0, 0] : f32 from vector<1x1x1xf32>
    %add3A_1004 = arith.addf %add3A_997, %reduce_sum3A_1003 : f32
    %mul3A_1005 = arith.constant 3.17891448E-7 : f32
    %mul3A_1006 = arith.mulf %add3A_1004, %mul3A_1005 : f32
    %eq3A_1007 = arith.constant 0 : i32
    %eq3A_1008 = arith.cmpi eq, %arg0, %eq3A_1007 : i32
    %convert_element_type3A_1009 = arith.extui %eq3A_1008 : i1 to i32
    %cond3A = arith.constant 0 : i32
    %cond3A_1010 = arith.cmpi ne, %convert_element_type3A_1009, %cond3A : i32
    scf.if %cond3A_1010 {
      %swap3A_1015 = arith.constant 0 : index
      %swap3A_1016 = arith.constant 0 : index
      %swap3A_1017 = memref.load %arg10[%swap3A_1015, %swap3A_1016] : memref<1x1xf32, #tpu.memory_space<smem>>
      memref.store %mul3A_1006, %arg10[%swap3A_1015, %swap3A_1016] : memref<1x1xf32, #tpu.memory_space<smem>>
    } else {
    }
    %gt3A = arith.constant 0 : i32
    %gt3A_1011 = arith.cmpi sgt, %arg0, %gt3A : i32
    %convert_element_type3A_1012 = arith.extui %gt3A_1011 : i1 to i32
    %cond3A_1013 = arith.constant 0 : i32
    %cond3A_1014 = arith.cmpi ne, %convert_element_type3A_1012, %cond3A_1013 : i32
    scf.if %cond3A_1014 {
      %get3A_1015 = arith.constant 0 : index
      %get3A_1016 = arith.constant 0 : index
      %get3A_1017 = memref.load %arg10[%get3A_1015, %get3A_1016] : memref<1x1xf32, #tpu.memory_space<smem>>
      %add3A_1018 = arith.addf %get3A_1017, %mul3A_1006 : f32
      %swap3A_1019 = arith.constant 0 : index
      %swap3A_1020 = arith.constant 0 : index
      %swap3A_1021 = memref.load %arg10[%swap3A_1019, %swap3A_1020] : memref<1x1xf32, #tpu.memory_space<smem>>
      memref.store %add3A_1018, %arg10[%swap3A_1019, %swap3A_1020] : memref<1x1xf32, #tpu.memory_space<smem>>
    } else {
    }
    return
  }
  func.func @transform_0(%arg0: i32) -> (i32, i32) {
    %c0_i32 = arith.constant 0 : i32
    %c0_i32_0 = arith.constant 0 : i32
    return %arg0, %c0_i32 : i32, i32
  }
  func.func @transform_1(%arg0: i32) -> (i32, i32) {
    %c0_i32 = arith.constant 0 : i32
    %c0_i32_0 = arith.constant 0 : i32
    return %arg0, %c0_i32 : i32, i32
  }
  func.func @transform_2(%arg0: i32) -> (i32, i32) {
    %c0_i32 = arith.constant 0 : i32
    %c0_i32_0 = arith.constant 0 : i32
    return %arg0, %c0_i32 : i32, i32
  }
  func.func @transform_3(%arg0: i32) -> (i32, i32) {
    %c0_i32 = arith.constant 0 : i32
    %c0_i32_0 = arith.constant 0 : i32
    return %arg0, %c0_i32 : i32, i32
  }
  func.func @transform_4(%arg0: i32) -> (i32, i32) {
    %c0_i32 = arith.constant 0 : i32
    %c0_i32_0 = arith.constant 0 : i32
    %c0_i32_1 = arith.constant 0 : i32
    return %c0_i32, %c0_i32_0 : i32, i32
  }
  func.func @transform_5(%arg0: i32) -> (i32, i32) {
    %c0_i32 = arith.constant 0 : i32
    %c0_i32_0 = arith.constant 0 : i32
    %c0_i32_1 = arith.constant 0 : i32
    return %c0_i32, %c0_i32_0 : i32, i32
  }
  func.func @transform_6(%arg0: i32) -> i32 {
    %c0_i32 = arith.constant 0 : i32
    %c0_i32_0 = arith.constant 0 : i32
    return %c0_i32 : i32
  }
  func.func @transform_7(%arg0: i32) -> (i32, i32) {
    %c0_i32 = arith.constant 0 : i32
    %c0_i32_0 = arith.constant 0 : i32
    %c0_i32_1 = arith.constant 0 : i32
    return %c0_i32, %c0_i32_0 : i32, i32
  }
  func.func @transform_8(%arg0: i32) -> (i32, i32) {
    %c0_i32 = arith.constant 0 : i32
    %c0_i32_0 = arith.constant 0 : i32
    return %arg0, %c0_i32 : i32, i32
  }
  func.func @transform_9(%arg0: i32) -> (i32, i32) {
    %c0_i32 = arith.constant 0 : i32
    %c0_i32_0 = arith.constant 0 : i32
    %c0_i32_1 = arith.constant 0 : i32
    return %c0_i32, %c0_i32_0 : i32, i32
  }
}

</mosaic_0001>

<sc_bundles>
// kernel: kernel.4.cloned.1.call-start
scs
__scs_entry_jumppad:
0x0: {  	(pc) =	sbr.rel $0x88, $3  }
0x1: {  	(tag) =	ssettag $0x0;
	lr =	simm.s32 $0x1  }
0x2: {  	[smem:$0x3F99] =	sst lr;
	_ =	strace $0xD0000000  }
0x3: {  	_ = 	snop  }
0x4: {  	_ = 	snop  }
0x5: {  	_ = 	snop  }
0x6: {  	_ = 	snop  }
0x7: {  	_ = 	snop  }
__scs_overlays_trampoline_lowered:
0x8: {  	[smem:$0x3FA8] =	sst s0  }
0x9: {  	[smem:$0x3FA9] =	sst s1  }
0xa: {  	[smem:$0x3FAA] =	sst s2  }
0xb: {  	[smem:$0x3FAB] =	sst s3  }
0xc: {  	[smem:$0x3FAC] =	sst s4  }
0xd: {  	[smem:$0x3FAD] =	sst s5  }
0xe: {  	[smem:$0x3FAE] =	sst s6  }
0xf: {  	[smem:$0x3FAF] =	sst s7  }
0x10: {  	[smem:$0x3FB0] =	sst s8  }
0x11: {  	[smem:$0x3FB1] =	sst s9;
	s0 =	simm.s32 @!p0 $0x0  }
0x12: {  	s1 =	sld [smem:$0x3F97];
	s0 =	simm.s32 @p0 $0x1  }
0x13: {  	[smem:$0x3FB2] =	sst s0;
	s0 =	simm.s32 @!p1 $0x0  }
0x14: {  	s2 =	sld [smem:$0x3F96];
	s0 =	simm.s32 @p1 $0x1  }
0x15: {  	[smem:$0x3FB3] =	sst s0;
	s0 =	simm.s32 @!p2 $0x0  }
0x16: {  	s3 =	sld [smem:$0x3FDB];
	s0 =	simm.s32 @p2 $0x1  }
0x17: {  	s4 =	simm.s32 $0x1BF5;
	[smem:$0x3FB5] =	sst s0  }
0x18: {  	s0 =	sld [smem:$0x3F98];
	_ =	swait.ge [sflag:s4], $0x0  }
0x19: {  	s7 =	sld [smem:$0x3F99]  }
0x1a: {  	s8 =	sadd.s32 $0xFFFFE003, lr  }
0x1b: {  	s9 =	sadd.s32 $0xFFFFFEF7, lr;
	s5 =	simm.s32 $0xFFFFFFFF;
	p2 =	slt.u32 s8, $0xFFFFF086  }
0x1c: {  	p1 =	slt.u32 s9, $0xF7A;
	s5 =	simm.s32 @!p2 $0x0  }
0x1d: {  	s5 =	simm.s32 @p1 $0x1;
	p0 =	seq.s32 s7, s2  }
0x1e: {  	s7 =	smul.u32 @!p0 $0xF7A, s2;
	p2 =	seq.s32 @!p0 s5, $0x0  }
0x1f: {  	s9 =	smul.u32 $0xF7A, s1;
	s8 =	simm.s32 @!p0 $0x1BF5;
	p2 =	por !p2, p0  }
0x20: {  	[sflag:s8] =	ssyncset.s32 @!p0 $0xFFFFF086;
	s6 =	sadd.s32 @!p0 s3, s7;
	s7 =	simm.s32 @!p0 $0x108  }
0x21: {  	s3 =	sadd.s32 s3, s9;
	s6 =	sadd.s32 @!p0 $0x88, s6;
	s7 =	simm.s32 @p2 $0x1082  }
0x22: {  	[simem:s7], [sflag:s8] =	dma.local @!p0 [hbm:s6], $0xF7A  }
0x23: {  	s9 =	sor.u32 $0xD0000000, s2;
	s6 =	simm.s32 $0x108;
	_ =	swait.ge @!p0 [sflag:s8], $0x0  }
0x24: {  	s3 =	sadd.s32 $0x88, s3;
	s6 =	simm.s32 @!p1 $0x1082;
	[sflag:s4] =	ssyncset.s32 $0xFFFFF086  }
0x25: {  	[simem:s6], [sflag:s4] =	dma.local [hbm:s3], $0xF7A  }
0x26: {  	[smem:$0x3F99] =	sst s1;
	(tag) =	ssettag s2;
	_ =	strace s9  }
0x27: {  	s1 =	sld [smem:$0x3FA9]  }
0x28: {  	s2 =	sld [smem:$0x3FAA]  }
0x29: {  	s4 =	sld [smem:$0x3FAC]  }
0x2a: {  	p0 =	seq.s32 s5, $0x0;
	s5 =	sld [smem:$0x3FAD]  }
0x2b: {  	s6 =	sld [smem:$0x3FAE]  }
0x2c: {  	s7 =	sld [smem:$0x3FAF]  }
0x2d: {  	s3 =	simm.s32 $0x108;
	s8 =	sld [smem:$0x3FB0]  }
0x2e: {  	s3 =	simm.s32 @!p0 $0x1082;
	s9 =	sld [smem:$0x3FB1]  }
0x2f: {  	lr =	sadd.s32 s0, s3;
	s0 =	sld [smem:$0x3FA8]  }
0x30: {  	s3 =	sld [smem:$0x3FAB]  }
0x31: {  	[smem:$0x3FB4] =	sst s10  }
0x32: {  	s10 =	sld [smem:$0x3FB2];
	_ =	sdelay $0x3  }
0x33: {  	p0 =	seq.s32 s10, $0x1;
	s10 =	sld [smem:$0x3FB4];
	_ =	sdelay $0x3  }
0x34: {  	[smem:$0x3FB4] =	sst s10  }
0x35: {  	s10 =	sld [smem:$0x3FB3];
	_ =	sdelay $0x3  }
0x36: {  	p1 =	seq.s32 s10, $0x1;
	s10 =	sld [smem:$0x3FB4];
	_ =	sdelay $0x3  }
0x37: {  	[smem:$0x3FB4] =	sst s10  }
0x38: {  	s10 =	sld [smem:$0x3FB5]  }
0x39: {  	_ = 	snop;
	(pc) =	sbr.ind lr, $3  }
0x3a: {  	_ = 	snop  }
0x3b: {  	_ = 	snop  }
0x3c: {  	p2 =	seq.s32 s10, $0x1;
	s10 =	sld [smem:$0x3FB4]  }
0x3d: {  	_ =	shalt  }
0x3e: {  	_ =	shalt  }
0x3f: {  	_ =	shalt  }
0x40: {  	_ =	shalt  }
0x41: {  	_ =	shalt  }
0x42: {  	_ =	shalt  }
0x43: {  	_ =	shalt  }
0x44: {  	_ =	shalt  }
0x45: {  	_ =	shalt  }
0x46: {  	_ =	shalt  }
0x47: {  	_ =	shalt  }
0x48: {  	_ =	shalt  }
0x49: {  	_ =	shalt  }
0x4a: {  	_ =	shalt  }
0x4b: {  	_ =	shalt  }
0x4c: {  	_ =	shalt  }
0x4d: {  	_ =	shalt  }
0x4e: {  	_ =	shalt  }
0x4f: {  	_ =	shalt  }
0x50: {  	_ =	shalt  }
0x51: {  	_ =	shalt  }
0x52: {  	_ =	shalt  }
0x53: {  	_ =	shalt  }
0x54: {  	_ =	shalt  }
0x55: {  	_ =	shalt  }
0x56: {  	_ =	shalt  }
0x57: {  	_ =	shalt  }
0x58: {  	_ =	shalt  }
0x59: {  	_ =	shalt  }
0x5a: {  	_ =	shalt  }
0x5b: {  	_ =	shalt  }
0x5c: {  	_ =	shalt  }
0x5d: {  	_ =	shalt  }
0x5e: {  	_ =	shalt  }
0x5f: {  	_ =	shalt  }
0x60: {  	_ =	shalt  }
0x61: {  	_ =	shalt  }
0x62: {  	_ =	shalt  }
0x63: {  	_ =	shalt  }
0x64: {  	_ =	shalt  }
0x65: {  	_ =	shalt  }
0x66: {  	_ =	shalt  }
0x67: {  	_ =	shalt  }
0x68: {  	_ =	shalt  }
0x69: {  	_ =	shalt  }
0x6a: {  	_ =	shalt  }
0x6b: {  	_ =	shalt  }
0x6c: {  	_ =	shalt  }
0x6d: {  	_ =	shalt  }
0x6e: {  	_ =	shalt  }
0x6f: {  	_ =	shalt  }
0x70: {  	_ =	shalt  }
0x71: {  	_ =	shalt  }
0x72: {  	_ =	shalt  }
0x73: {  	_ =	shalt  }
0x74: {  	_ =	shalt  }
0x75: {  	_ =	shalt  }
0x76: {  	_ =	shalt  }
0x77: {  	_ =	shalt  }
0x78: {  	_ =	shalt  }
0x79: {  	_ =	shalt  }
0x7a: {  	_ =	shalt  }
0x7b: {  	_ =	shalt  }
0x7c: {  	_ =	shalt  }
0x7d: {  	_ =	shalt  }
0x7e: {  	_ =	shalt  }
0x7f: {  	_ =	shalt  }
0x80: {  	_ =	shalt  }
0x81: {  	_ =	shalt  }
0x82: {  	_ =	shalt  }
0x83: {  	_ =	shalt  }
0x84: {  	_ =	shalt  }
0x85: {  	_ =	shalt  }
0x86: {  	_ =	shalt  }
0x87: {  	_ =	shalt  }
.Lfunc_end0:
.L_simem_size_0:
called_computation_lowered:
.L_overlay_start_0:
0x88: {  	s2 =	sld [smem:$0x3FD9]  }
0x89: {  	s3 =	sld [smem:$0x3FFE];
	_ =	sdelay $0x1  }
0x8a: {  	s1 =	srdreg.scid  }
0x8b: {  	s0 =	sand.u32 $0x1, s1  }
0x8c: {  	s17 =	sshll.u32 s0, $0xA;
	s2 =	sadd.s32 s3, s2  }
0x8d: {  	s2 =	sadd.s32 s2, s17  }
0x8e: {  	[smem:$0x3FC0] =	sst s2  }
0x8f: {  	_ = 	snop  }
0x90: {  	s2 =	sld [smem:$0x3FC7]  }
0x91: {  	s18 =	sld [smem:$0x3FC5];
	(tm) =	ssettm $0x1  }
0x92: {  	s4 =	sld [smem:$0x3FFB];
	_ =	sdelay $0x3  }
0x93: {  	_ =	strace s4  }
0x94: {  	s4 =	sld [smem:$0x3FFC];
	_ =	sdelay $0x3  }
0x95: {  	_ =	strace s4  }
0x96: {  	s4 =	sld [smem:$0x3FFD];
	_ =	sdelay $0x3  }
0x97: {  	_ =	strace s4  }
0x98: {  	_ =	strace $0x8FFFFFFF  }
0x99: {  	s19 =	sld [smem:$0x3FDB];
	_ =	sdelay $0x1  }
0x9a: {  	s5 =	simm.s32 $_scs_section_size  }
0x9b: {  	s6 =	simm.s32 $_size__tile_overlayer_lowered;
	s7 =	simm.s32 $_tile_overlayer_lowered  }
0x9c: {  	s22 =	simm.s32 $0x1BFF;
	s21 =	sshll.u32 s7, $0x1;
	s4 =	sadd.s32 s5, s19  }
0x9d: {  	s8 =	simm.s32 $0x0;
	s20 =	sshll.u32 s6, $0x1;
	s6 =	sadd.s32 s21, s4  }
0x9e: {  	[timem:s8], [sflag:s22] =	dma.local [hbm:s6], s20  }
0x9f: {  	_ =	swait.ge [sflag:s22], s20  }
0xa0: {  	s5 =	ssub.s32 $0x0, s20;
	[sflag:s22] =	ssyncset.done $0x0  }
0xa1: {  	[sflag:s22] =	ssyncadd.s32 s5;
	_ =	sdelay $0x1  }
0xa2: {  	s23 =	simm.s32 $0x1B8B  }
0xa3: {  	_ =	swait.ge [sflag:s23], $0x1  }
0xa4: {  	[sflag:s23] =	ssyncset.done $0x0  }
0xa5: {  	s25 =	simm.s32 $0x1B8E;
	s24 =	sld [smem:$0x3FFE];
	[sflag:s23] =	ssyncadd.s32 $0xFFFFFFFF  }
0xa6: {  	s26 =	simm.s32 $execute0_lowered;
	[smem:$0x3FD2] =	sst s25  }
0xa7: {  	s6 =	sshll.u32 s26, $0x1;
	_ =	strace $0x80000046;
	[dreg:$0x1] =	wrdreg $0xFFFFFFFF  }
0xa8: {  	s28 =	simm.s32 $_size_execute0_lowered;
	s4 =	sadd.s32 s4, s6;
	[dreg:$0x0] =	wrdreg $0x0  }
0xa9: {  	s6 =	sshll.u32 s28, $0x1;
	[dreg:$0x2] =	wrdreg s4  }
0xaa: {  	[dreg:$0x3] =	wrdreg s6  }
0xab: {  	[dreg:$0x4] =	wrdreg $0xC0  }
0xac: {  	_ =	task [dreg:s8], $0x5FFFF  }
0xad: {  	[dreg:$0x1] =	wrdreg $0xFFFFFFFF  }
0xae: {  	[dreg:$0x0] =	wrdreg $0x60  }
0xaf: {  	[dreg:$0x2] =	wrdreg s24  }
0xb0: {  	[dreg:$0x3] =	wrdreg s2  }
0xb1: {  	[dreg:$0x4] =	wrdreg s18  }
0xb2: {  	[dreg:$0x5] =	wrdreg $0x9  }
0xb3: {  	_ =	task.clear_ibuf [dreg:s8], $0x6FFFF;
	_ =	strace $0x90000046  }
0xb4: {  	s29 =	simm.s32 $0x9;
	_ =	strace $0x80000048  }
0xb5: {  	_ =	swait.ge [sflag:s29], $0x1  }
0xb6: {  	[sflag:s29] =	ssyncadd.s32 $0xFFFFFFFF  }
0xb7: {  	_ =	strace $0x90000048  }
0xb8: {  	_ =	sfence  }
0xb9: {  	s30 =	sld [smem:$0x0];
	_ =	sdelay $0x2  }
0xba: {  	s31 =	sshll.u32 s1, $0xD;
	s1 =	sshrl.u32 s1, $0x2  }
0xbb: {  	s3 =	sand.u32 $0x4000, s31;
	s1 =	sadd.s32 s1, s30  }
0xbc: {  	s0 =	sor.u32 s3, s0;
	s1 =	sshll.u32 s1, $0x11  }
0xbd: {  	s0 =	sor.u32 s1, s0  }
0xbe: {  	s0 =	sadd.s32 $0x8F2B, s0  }
0xbf: {  	[sflag:s0] =	ssyncadd.remote.s32 $0x1  }
0xc0: {  	_ =	sfence.sel $0xFFFF  }
0xc1: {  	[dreg:$0x0] =	wrdreg $0xFFFFFFFF;
	(pc) =	sbr.abs _section_cstart, $3  }
0xc2: {  	[dreg:$0x1] =	wrdreg $0xFFFFFFFF  }
0xc3: {  	_ =	task.clear_ibuf [dreg:s8], $0x2FFFF;
	_ =	strace $0x9FFFFFFF  }
0xc4: {  	(tm) =	ssettm $0x7FFFFFFF  }
0xc5: {  	_ =	shalt  }
tec
execute0_lowered:
.L_overlay_start_1:
0x0: {  	(tag) =	ssettag $0x1  }
0x1: {  	s4 =	rddreg [dreg:$0x0]  }
0x2: {  	s5 =	rddreg [dreg:$0x1]  }
0x3: {  	s6 =	rddreg [dreg:$0x2]  }
0x4: {  	s0 =	rddreg [dreg:$0x3]  }
0x5: {  	s2 =	simm.s32 $0x0;
	s3 =	srdreg.scid;
	s1 =	stileid.u32  }
0x6: {  	s13 =	simm.s32 $0x400;
	s14 =	simm.s32 $0x8400;
	s15 =	simm.s32 $0x0  }
0x7: {  	[smem:$0x7FF] =	sst s2;
	s7 =	sand.u32 $0x1, s3;
	s3 =	sadd.s32 $0x1400, s4  }
0x8: {  	s8 =	sshll.u32 s1, $0xA;
	s10 =	sadd.s32 $0xF83800, s4;
	s9 =	sshll.u32 s7, $0x9  }
0x9: {  	vm0 =	vmmov $0x1;
	s28 =	sadd.s32 $0xF43800, s4;
	s7 =	ssub.s32 $0x2, s7;
	s8 =	sor.u32 s9, s8  }
0xa: {  	vm1 =	vcmask $0x308;
	vm2 =	vcmask $0x70C;
	vm3 =	vcmask $0xB10;
	_ =	strace $0x80000047;
	s29 =	sshrl.u32 s7, $0x1;
	s11 =	sshrl.u32 s8, $0x3  }
0xb: {  	vm4 =	vcmask $0xF14;
	vm5 =	vcmask $0x1318;
	vm6 =	vcmask $0x171C;
	s12 =	ssub.s32 s7, s29;
	s30 =	sshll.u32 s8, $0x4;
	s4 =	sadd.s32 s5, s11  }
0xc: {  	vm7 =	vcmask $0x1B20;
	vm8 =	vcmask $0x1F24;
	vm9 =	vcmask $0x2328;
	s5 =	sadd.s32 s6, s11;
	s6 =	sadd.s32 s10, s30;
	s31 =	sor.u32 $0x1000, s30  }
0xd: {  	vm10 =	vcmask $0x272C;
	vm11 =	vcmask $0x2B30;
	vm12 =	vcmask $0x2F34;
	s7 =	sadd.s32 s28, s30;
	s11 =	simm.s32 $0x2;
	s8 =	sadd.s32 s10, s31  }
0xe: {  	vm13 =	vcmask $0x3338;
	vm14 =	vcmask $0x373C;
	vm15 =	vmmov $0x7fff;
	s9 =	sadd.s32 s28, s31;
	s10 =	smax.u32 s12, $0x1;
	s12 =	simm.s32 $0x1  }
.LBB2_1:
0xf: {  	[tilespmem:s2], [sflag:$0x2] =	stream.linear.gather [hbm4b:s4+s2], $0x200, $0x38;
	[tilespmem:$0x10400] =	vst v63  }
0x10: {  	_ =	swait.ge [sflag:s11], $0x200  }
0x11: {  	[sflag:s11] =	ssyncset.done $0x0  }
0x12: {  	s16 =	simm.s32 $0x200;
	[sflag:s11] =	ssyncadd.s32 $0xFFFFFE00  }
0x13: {  	[tilespmem:s16], [sflag:$0x2] =	stream.linear.gather [hbm4b:s5+s2], $0x200, $0x38;
	[tilespmem:$0x10400] =	vst v63  }
0x14: {  	_ =	swait.ge [sflag:s11], $0x200  }
0x15: {  	[sflag:s11] =	ssyncset.done $0x0  }
0x16: {  	s17 =	simm.s32 $0x0;
	s18 =	simm.s32 $0x0;
	[sflag:s11] =	ssyncadd.s32 $0xFFFFFE00  }
.LBB2_2:
0x17: {  	v1 =	vld [tilespmem:s17+$0x0];
	_ =	sdelay $0x2  }
0x18: {  	v0 =	vld [tilespmem:s16+$0x0];
	_ =	sdelay $0x1  }
0x19: {  	v2 =	vnsel vm0, $0x0, v1  }
0x1a: {  	(xrf0) =	vadd.scan.msk.s32 $0xffff, v2;
	_ =	sdelay $0x1  }
0x1b: {  	v63 =	vnsel vm0, $0x0, v0  }
0x1c: {  	(xrf0) =	vadd.scan.msk.s32 $0xffff, v63;
	_ =	sdelay $0x2  }
0x1d: {  	v4, _, _ =	vpop (xrf0)  }
0x1e: {  	(v2sf) =	vpush v4, $0xF  }
0x1f: {  	v5 =	vsel vm1, $0x0, v1  }
0x20: {  	(xrf0) =	vadd.scan.msk.s32 $0xffff, v5;
	v6, _, _ =	vpop (xrf0)  }
0x21: {  	(v2sf) =	vpush v6, $0xF;
	_ =	sdelay $0x3  }
0x22: {  	v7 =	vsel vm1, $0x0, v0  }
0x23: {  	(xrf0) =	vadd.scan.msk.s32 $0xffff, v7;
	v8, _, _ =	vpop (xrf0)  }
0x24: {  	(v2sf) =	vpush v8, $0xF  }
0x25: {  	v9 =	vsel vm2, $0x0, v1  }
0x26: {  	(xrf0) =	vadd.scan.msk.s32 $0xffff, v9;
	_ =	sdelay $0x2  }
0x27: {  	v10, _, _ =	vpop (xrf0)  }
0x28: {  	s19 =	spop (v2sf);
	(v2sf) =	vpush v10, $0xF  }
0x29: {  	v11 =	vsel vm2, $0x0, v0  }
0x2a: {  	(xrf0) =	vadd.scan.msk.s32 $0xffff, v11;
	v12, _, _ =	vpop (xrf0)  }
0x2b: {  	s30 =	spop (v2sf);
	(v2sf) =	vpush v12, $0xF;
	_ =	sdelay $0x1  }
0x2c: {  	s20 =	sshll.u32 s19, $0x4  }
0x2d: {  	v13 =	vsel vm3, $0x0, v1;
	s19 =	sshra.s32 s18, $0x2;
	s20 =	sand.u32 $0x1FFFFFF0, s20  }
0x2e: {  	(xrf0) =	vadd.scan.msk.s32 $0xffff, v13;
	s21 =	sadd.s32 $0x400, s19;
	s20 =	sadd.s32 s3, s20  }
0x2f: {  	v14, _, _ =	vpop (xrf0);
	[tilespmem:s21], [sflag:$0x1] =	stream.linear.gather [hbm4b:s20+s2], $0x80, $0x38;
	[tilespmem:$0x10400] =	vst v63  }
0x30: {  	s21 =	spop (v2sf);
	(v2sf) =	vpush v14, $0xF  }
0x31: {  	v15 =	vsel vm3, $0x0, v0  }
0x32: {  	(xrf0) =	vadd.scan.msk.s32 $0xffff, v15;
	_ =	sdelay $0x2  }
0x33: {  	v16, _, _ =	vpop (xrf0)  }
0x34: {  	s23 =	spop (v2sf);
	(v2sf) =	vpush v16, $0xF  }
0x35: {  	v17 =	vsel vm4, $0x0, v1  }
0x36: {  	(xrf0) =	vadd.scan.msk.s32 $0xffff, v17;
	v18, _, _ =	vpop (xrf0)  }
0x37: {  	s25 =	spop (v2sf);
	(v2sf) =	vpush v18, $0xF;
	_ =	sdelay $0x3  }
0x38: {  	v19 =	vsel vm4, $0x0, v0  }
0x39: {  	(xrf0) =	vadd.scan.msk.s32 $0xffff, v19;
	v20, _, _ =	vpop (xrf0)  }
0x3a: {  	s28 =	spop (v2sf);
	(v2sf) =	vpush v20, $0xF  }
0x3b: {  	v21 =	vsel vm5, $0x0, v1  }
0x3c: {  	s20 =	sshll.u32 s30, $0x4;
	(xrf0) =	vadd.scan.msk.s32 $0xffff, v21  }
0x3d: {  	s20 =	sand.u32 $0x1FFFFFF0, s20  }
0x3e: {  	s31 =	sadd.s32 $0x8400, s19;
	s20 =	sadd.s32 s3, s20  }
0x3f: {  	[tilespmem:s31], [sflag:$0x1] =	stream.linear.gather [hbm4b:s20+s2], $0x80, $0x38;
	v22, _, _ =	vpop (xrf0);
	[tilespmem:$0x10400] =	vst v63  }
0x40: {  	s30 =	spop (v2sf);
	(v2sf) =	vpush v22, $0xF  }
0x41: {  	v23 =	vsel vm5, $0x0, v0;
	s20 =	sshll.u32 s21, $0x4  }
0x42: {  	s20 =	sand.u32 $0x1FFFFFF0, s20;
	(xrf0) =	vadd.scan.msk.s32 $0xffff, v23;
	v24, _, _ =	vpop (xrf0)  }
0x43: {  	s22 =	sadd.s32 $0x480, s19;
	s20 =	sadd.s32 s3, s20;
	s21 =	spop (v2sf);
	(v2sf) =	vpush v24, $0xF  }
0x44: {  	[tilespmem:s22], [sflag:$0x1] =	stream.linear.gather [hbm4b:s20+s2], $0x80, $0x38;
	[tilespmem:$0x10400] =	vst v63  }
0x45: {  	s20 =	sshll.u32 s23, $0x4  }
0x46: {  	v25 =	vsel vm6, $0x0, v1;
	s20 =	sand.u32 $0x1FFFFFF0, s20  }
0x47: {  	s24 =	sadd.s32 $0x8480, s19;
	(xrf0) =	vadd.scan.msk.s32 $0xffff, v25;
	s20 =	sadd.s32 s3, s20  }
0x48: {  	v26, _, _ =	vpop (xrf0);
	[tilespmem:s24], [sflag:$0x1] =	stream.linear.gather [hbm4b:s20+s2], $0x80, $0x38;
	[tilespmem:$0x10400] =	vst v63  }
0x49: {  	s23 =	spop (v2sf);
	(v2sf) =	vpush v26, $0xF  }
0x4a: {  	v27 =	vsel vm6, $0x0, v0;
	s20 =	sshll.u32 s25, $0x4  }
0x4b: {  	(xrf0) =	vadd.scan.msk.s32 $0xffff, v27;
	s20 =	sand.u32 $0x1FFFFFF0, s20  }
0x4c: {  	s26 =	sadd.s32 $0x500, s19;
	s20 =	sadd.s32 s3, s20  }
0x4d: {  	[tilespmem:s26], [sflag:$0x1] =	stream.linear.gather [hbm4b:s20+s2], $0x80, $0x38;
	[tilespmem:$0x10400] =	vst v63  }
0x4e: {  	v28, _, _ =	vpop (xrf0);
	s20 =	sshll.u32 s28, $0x4  }
0x4f: {  	v29 =	vsel vm7, $0x0, v1;
	s20 =	sand.u32 $0x1FFFFFF0, s20;
	s25 =	spop (v2sf);
	(v2sf) =	vpush v28, $0xF  }
0x50: {  	s29 =	sadd.s32 $0x8500, s19;
	(xrf0) =	vadd.scan.msk.s32 $0xffff, v29;
	s20 =	sadd.s32 s3, s20  }
0x51: {  	v30, _, _ =	vpop (xrf0);
	[tilespmem:s29], [sflag:$0x1] =	stream.linear.gather [hbm4b:s20+s2], $0x80, $0x38;
	[tilespmem:$0x10400] =	vst v63  }
0x52: {  	s20 =	sshll.u32 s30, $0x4;
	s28 =	spop (v2sf);
	(v2sf) =	vpush v30, $0xF  }
0x53: {  	s20 =	sand.u32 $0x1FFFFFF0, s20  }
0x54: {  	s31 =	sadd.s32 $0x580, s19;
	s20 =	sadd.s32 s3, s20  }
0x55: {  	[tilespmem:s31], [sflag:$0x1] =	stream.linear.gather [hbm4b:s20+s2], $0x80, $0x38;
	[tilespmem:$0x10400] =	vst v63  }
0x56: {  	v31 =	vsel vm7, $0x0, v0;
	s20 =	sshll.u32 s21, $0x4  }
0x57: {  	(xrf0) =	vadd.scan.msk.s32 $0xffff, v31;
	v32, _, _ =	vpop (xrf0);
	s20 =	sand.u32 $0x1FFFFFF0, s20  }
0x58: {  	s22 =	sadd.s32 $0x8580, s19;
	s20 =	sadd.s32 s3, s20;
	s30 =	spop (v2sf);
	(v2sf) =	vpush v32, $0xF  }
0x59: {  	v33 =	vsel vm8, $0x0, v1;
	[tilespmem:s22], [sflag:$0x1] =	stream.linear.gather [hbm4b:s20+s2], $0x80, $0x38;
	[tilespmem:$0x10400] =	vst v63  }
0x5a: {  	(xrf0) =	vadd.scan.msk.s32 $0xffff, v33;
	s20 =	sshll.u32 s23, $0x4  }
0x5b: {  	s20 =	sand.u32 $0x1FFFFFF0, s20  }
0x5c: {  	s24 =	sadd.s32 $0x600, s19;
	s20 =	sadd.s32 s3, s20  }
0x5d: {  	v34, _, _ =	vpop (xrf0);
	[tilespmem:s24], [sflag:$0x1] =	stream.linear.gather [hbm4b:s20+s2], $0x80, $0x38;
	[tilespmem:$0x10400] =	vst v63  }
0x5e: {  	s21 =	spop (v2sf);
	(v2sf) =	vpush v34, $0xF  }
0x5f: {  	v35 =	vsel vm8, $0x0, v0;
	s20 =	sshll.u32 s25, $0x4  }
0x60: {  	(xrf0) =	vadd.scan.msk.s32 $0xffff, v35;
	v36, _, _ =	vpop (xrf0);
	s20 =	sand.u32 $0x1FFFFFF0, s20  }
0x61: {  	s26 =	sadd.s32 $0x8600, s19;
	s20 =	sadd.s32 s3, s20;
	s23 =	spop (v2sf);
	(v2sf) =	vpush v36, $0xF  }
0x62: {  	[tilespmem:s26], [sflag:$0x1] =	stream.linear.gather [hbm4b:s20+s2], $0x80, $0x38;
	[tilespmem:$0x10400] =	vst v63  }
0x63: {  	s20 =	sshll.u32 s28, $0x4  }
0x64: {  	v37 =	vsel vm9, $0x0, v1;
	s20 =	sand.u32 $0x1FFFFFF0, s20  }
0x65: {  	s29 =	sadd.s32 $0x680, s19;
	(xrf0) =	vadd.scan.msk.s32 $0xffff, v37;
	s20 =	sadd.s32 s3, s20  }
0x66: {  	v38, _, _ =	vpop (xrf0);
	[tilespmem:s29], [sflag:$0x1] =	stream.linear.gather [hbm4b:s20+s2], $0x80, $0x38;
	[tilespmem:$0x10400] =	vst v63  }
0x67: {  	s25 =	spop (v2sf);
	(v2sf) =	vpush v38, $0xF  }
0x68: {  	v39 =	vsel vm9, $0x0, v0;
	s20 =	sshll.u32 s30, $0x4  }
0x69: {  	(xrf0) =	vadd.scan.msk.s32 $0xffff, v39;
	s20 =	sand.u32 $0x1FFFFFF0, s20  }
0x6a: {  	s31 =	sadd.s32 $0x8680, s19;
	s20 =	sadd.s32 s3, s20  }
0x6b: {  	[tilespmem:s31], [sflag:$0x1] =	stream.linear.gather [hbm4b:s20+s2], $0x80, $0x38;
	[tilespmem:$0x10400] =	vst v63  }
0x6c: {  	v40, _, _ =	vpop (xrf0);
	s20 =	sshll.u32 s21, $0x4  }
0x6d: {  	v41 =	vsel vm10, $0x0, v1;
	s20 =	sand.u32 $0x1FFFFFF0, s20;
	s28 =	spop (v2sf);
	(v2sf) =	vpush v40, $0xF  }
0x6e: {  	s22 =	sadd.s32 $0x700, s19;
	(xrf0) =	vadd.scan.msk.s32 $0xffff, v41;
	s20 =	sadd.s32 s3, s20  }
0x6f: {  	v42, _, _ =	vpop (xrf0);
	[tilespmem:s22], [sflag:$0x1] =	stream.linear.gather [hbm4b:s20+s2], $0x80, $0x38;
	[tilespmem:$0x10400] =	vst v63  }
0x70: {  	s20 =	sshll.u32 s23, $0x4;
	s30 =	spop (v2sf);
	(v2sf) =	vpush v42, $0xF  }
0x71: {  	s20 =	sand.u32 $0x1FFFFFF0, s20  }
0x72: {  	s24 =	sadd.s32 $0x8700, s19;
	s20 =	sadd.s32 s3, s20  }
0x73: {  	[tilespmem:s24], [sflag:$0x1] =	stream.linear.gather [hbm4b:s20+s2], $0x80, $0x38;
	[tilespmem:$0x10400] =	vst v63  }
0x74: {  	v43 =	vsel vm10, $0x0, v0;
	s20 =	sshll.u32 s25, $0x4  }
0x75: {  	(xrf0) =	vadd.scan.msk.s32 $0xffff, v43;
	v44, _, _ =	vpop (xrf0);
	s20 =	sand.u32 $0x1FFFFFF0, s20  }
0x76: {  	s26 =	sadd.s32 $0x780, s19;
	s20 =	sadd.s32 s3, s20;
	s21 =	spop (v2sf);
	(v2sf) =	vpush v44, $0xF  }
0x77: {  	v45 =	vsel vm11, $0x0, v1;
	[tilespmem:s26], [sflag:$0x1] =	stream.linear.gather [hbm4b:s20+s2], $0x80, $0x38;
	[tilespmem:$0x10400] =	vst v63  }
0x78: {  	(xrf0) =	vadd.scan.msk.s32 $0xffff, v45;
	s20 =	sshll.u32 s28, $0x4  }
0x79: {  	s20 =	sand.u32 $0x1FFFFFF0, s20  }
0x7a: {  	s29 =	sadd.s32 $0x8780, s19;
	s20 =	sadd.s32 s3, s20  }
0x7b: {  	v46, _, _ =	vpop (xrf0);
	[tilespmem:s29], [sflag:$0x1] =	stream.linear.gather [hbm4b:s20+s2], $0x80, $0x38;
	[tilespmem:$0x10400] =	vst v63  }
0x7c: {  	s23 =	spop (v2sf);
	(v2sf) =	vpush v46, $0xF  }
0x7d: {  	v47 =	vsel vm11, $0x0, v0;
	s20 =	sshll.u32 s30, $0x4  }
0x7e: {  	(xrf0) =	vadd.scan.msk.s32 $0xffff, v47;
	v48, _, _ =	vpop (xrf0);
	s20 =	sand.u32 $0x1FFFFFF0, s20  }
0x7f: {  	s31 =	sadd.s32 $0x800, s19;
	s20 =	sadd.s32 s3, s20;
	s25 =	spop (v2sf);
	(v2sf) =	vpush v48, $0xF  }
0x80: {  	[tilespmem:s31], [sflag:$0x1] =	stream.linear.gather [hbm4b:s20+s2], $0x80, $0x38;
	[tilespmem:$0x10400] =	vst v63  }
0x81: {  	s20 =	sshll.u32 s21, $0x4  }
0x82: {  	v49 =	vsel vm12, $0x0, v1;
	s20 =	sand.u32 $0x1FFFFFF0, s20  }
0x83: {  	(xrf0) =	vadd.scan.msk.s32 $0xffff, v49;
	s22 =	sadd.s32 $0x8800, s19;
	s20 =	sadd.s32 s3, s20  }
0x84: {  	v50, _, _ =	vpop (xrf0);
	[tilespmem:s22], [sflag:$0x1] =	stream.linear.gather [hbm4b:s20+s2], $0x80, $0x38;
	[tilespmem:$0x10400] =	vst v63  }
0x85: {  	s28 =	spop (v2sf);
	(v2sf) =	vpush v50, $0xF  }
0x86: {  	v51 =	vsel vm12, $0x0, v0;
	s20 =	sshll.u32 s23, $0x4  }
0x87: {  	(xrf0) =	vadd.scan.msk.s32 $0xffff, v51;
	s20 =	sand.u32 $0x1FFFFFF0, s20  }
0x88: {  	s24 =	sadd.s32 $0x880, s19;
	s20 =	sadd.s32 s3, s20  }
0x89: {  	[tilespmem:s24], [sflag:$0x1] =	stream.linear.gather [hbm4b:s20+s2], $0x80, $0x38;
	[tilespmem:$0x10400] =	vst v63  }
0x8a: {  	v52, _, _ =	vpop (xrf0);
	s20 =	sshll.u32 s25, $0x4  }
0x8b: {  	v53 =	vsel vm13, $0x0, v1;
	s20 =	sand.u32 $0x1FFFFFF0, s20;
	s30 =	spop (v2sf);
	(v2sf) =	vpush v52, $0xF  }
0x8c: {  	(xrf0) =	vadd.scan.msk.s32 $0xffff, v53;
	s26 =	sadd.s32 $0x8880, s19;
	s20 =	sadd.s32 s3, s20  }
0x8d: {  	v54, _, _ =	vpop (xrf0);
	[tilespmem:s26], [sflag:$0x1] =	stream.linear.gather [hbm4b:s20+s2], $0x80, $0x38;
	[tilespmem:$0x10400] =	vst v63  }
0x8e: {  	s20 =	sshll.u32 s28, $0x4;
	s21 =	spop (v2sf);
	(v2sf) =	vpush v54, $0xF  }
0x8f: {  	s20 =	sand.u32 $0x1FFFFFF0, s20  }
0x90: {  	s29 =	sadd.s32 $0x900, s19;
	s20 =	sadd.s32 s3, s20  }
0x91: {  	[tilespmem:s29], [sflag:$0x1] =	stream.linear.gather [hbm4b:s20+s2], $0x80, $0x38;
	[tilespmem:$0x10400] =	vst v63  }
0x92: {  	v55 =	vsel vm13, $0x0, v0;
	s20 =	sshll.u32 s30, $0x4  }
0x93: {  	(xrf0) =	vadd.scan.msk.s32 $0xffff, v55;
	v56, _, _ =	vpop (xrf0);
	s20 =	sand.u32 $0x1FFFFFF0, s20  }
0x94: {  	s31 =	sadd.s32 $0x8900, s19;
	s20 =	sadd.s32 s3, s20;
	s23 =	spop (v2sf);
	(v2sf) =	vpush v56, $0xF  }
0x95: {  	v57 =	vsel vm14, $0x0, v1;
	[tilespmem:s31], [sflag:$0x1] =	stream.linear.gather [hbm4b:s20+s2], $0x80, $0x38;
	[tilespmem:$0x10400] =	vst v63  }
0x96: {  	(xrf0) =	vadd.scan.msk.s32 $0xffff, v57;
	s20 =	sshll.u32 s21, $0x4  }
0x97: {  	s20 =	sand.u32 $0x1FFFFFF0, s20  }
0x98: {  	s22 =	sadd.s32 $0x980, s19;
	s20 =	sadd.s32 s3, s20  }
0x99: {  	v58, _, _ =	vpop (xrf0);
	[tilespmem:s22], [sflag:$0x1] =	stream.linear.gather [hbm4b:s20+s2], $0x80, $0x38;
	[tilespmem:$0x10400] =	vst v63  }
0x9a: {  	s25 =	spop (v2sf);
	(v2sf) =	vpush v58, $0xF  }
0x9b: {  	v59 =	vsel vm14, $0x0, v0;
	s20 =	sshll.u32 s23, $0x4  }
0x9c: {  	(xrf0) =	vadd.scan.msk.s32 $0xffff, v59;
	v60, _, _ =	vpop (xrf0);
	s20 =	sand.u32 $0x1FFFFFF0, s20  }
0x9d: {  	s24 =	sadd.s32 $0x8980, s19;
	s20 =	sadd.s32 s3, s20;
	s28 =	spop (v2sf);
	(v2sf) =	vpush v60, $0xF  }
0x9e: {  	[tilespmem:s24], [sflag:$0x1] =	stream.linear.gather [hbm4b:s20+s2], $0x80, $0x38;
	[tilespmem:$0x10400] =	vst v63  }
0x9f: {  	s20 =	sshll.u32 s25, $0x4  }
0xa0: {  	v1 =	vsel vm15, $0x0, v1;
	s20 =	sand.u32 $0x1FFFFFF0, s20  }
0xa1: {  	(xrf0) =	vadd.scan.msk.s32 $0xffff, v1;
	s26 =	sadd.s32 $0xA00, s19;
	s20 =	sadd.s32 s3, s20  }
0xa2: {  	v61, _, _ =	vpop (xrf0);
	[tilespmem:s26], [sflag:$0x1] =	stream.linear.gather [hbm4b:s20+s2], $0x80, $0x38;
	[tilespmem:$0x10400] =	vst v63  }
0xa3: {  	s30 =	spop (v2sf);
	(v2sf) =	vpush v61, $0xF  }
0xa4: {  	v0 =	vsel vm15, $0x0, v0;
	s20 =	sshll.u32 s28, $0x4  }
0xa5: {  	(xrf0) =	vadd.scan.msk.s32 $0xffff, v0;
	s20 =	sand.u32 $0x1FFFFFF0, s20  }
0xa6: {  	s29 =	sadd.s32 $0x8A00, s19;
	s20 =	sadd.s32 s3, s20  }
0xa7: {  	[tilespmem:s29], [sflag:$0x1] =	stream.linear.gather [hbm4b:s20+s2], $0x80, $0x38;
	[tilespmem:$0x10400] =	vst v63  }
0xa8: {  	v62, _, _ =	vpop (xrf0);
	s20 =	sshll.u32 s30, $0x4  }
0xa9: {  	s20 =	sand.u32 $0x1FFFFFF0, s20;
	s22 =	spop (v2sf);
	(v2sf) =	vpush v62, $0xF  }
0xaa: {  	s31 =	sadd.s32 $0xA80, s19;
	s20 =	sadd.s32 s3, s20  }
0xab: {  	v63, _, _ =	vpop (xrf0);
	[tilespmem:s31], [sflag:$0x1] =	stream.linear.gather [hbm4b:s20+s2], $0x80, $0x38;
	[tilespmem:$0x10400] =	vst v63  }
0xac: {  	s20 =	sshll.u32 s22, $0x4;
	s24 =	spop (v2sf);
	(v2sf) =	vpush v63, $0xF  }
0xad: {  	s20 =	sand.u32 $0x1FFFFFF0, s20  }
0xae: {  	s23 =	sadd.s32 $0x8A80, s19;
	s20 =	sadd.s32 s3, s20  }
0xaf: {  	[tilespmem:s23], [sflag:$0x1] =	stream.linear.gather [hbm4b:s20+s2], $0x80, $0x38;
	[tilespmem:$0x10400] =	vst v63  }
0xb0: {  	s20 =	sshll.u32 s24, $0x4  }
0xb1: {  	s20 =	sand.u32 $0x1FFFFFF0, s20  }
0xb2: {  	s25 =	sadd.s32 $0xB00, s19;
	s20 =	sadd.s32 s3, s20;
	s26 =	spop (v2sf)  }
0xb3: {  	[tilespmem:s25], [sflag:$0x1] =	stream.linear.gather [hbm4b:s20+s2], $0x80, $0x38;
	[tilespmem:$0x10400] =	vst v63  }
0xb4: {  	s20 =	sshll.u32 s26, $0x4  }
0xb5: {  	s20 =	sand.u32 $0x1FFFFFF0, s20  }
0xb6: {  	s28 =	sadd.s32 $0x8B00, s19;
	s20 =	sadd.s32 s3, s20  }
0xb7: {  	[tilespmem:s28], [sflag:$0x1] =	stream.linear.gather [hbm4b:s20+s2], $0x80, $0x38;
	[tilespmem:$0x10400] =	vst v63  }
0xb8: {  	s29 =	spop (v2sf)  }
0xb9: {  	s20 =	sshll.u32 s29, $0x4  }
0xba: {  	s20 =	sand.u32 $0x1FFFFFF0, s20  }
0xbb: {  	s30 =	sadd.s32 $0xB80, s19;
	s31 =	spop (v2sf);
	s20 =	sadd.s32 s3, s20  }
0xbc: {  	[tilespmem:s30], [sflag:$0x1] =	stream.linear.gather [hbm4b:s20+s2], $0x80, $0x38;
	[tilespmem:$0x10400] =	vst v63  }
0xbd: {  	s20 =	sshll.u32 s31, $0x4  }
0xbe: {  	s20 =	sand.u32 $0x1FFFFFF0, s20  }
0xbf: {  	s19 =	sadd.s32 $0x8B80, s19;
	s20 =	sadd.s32 s3, s20  }
0xc0: {  	[tilespmem:s19], [sflag:$0x1] =	stream.linear.gather [hbm4b:s20+s2], $0x80, $0x38;
	[tilespmem:$0x10400] =	vst v63  }
0xc1: {  	_ =	swait.ge [sflag:s12], $0x80  }
0xc2: {  	[sflag:s12] =	ssyncset.done $0x0  }
0xc3: {  	[sflag:s12] =	ssyncadd.s32 $0xFFFFFF80  }
0xc4: {  	_ =	swait.ge [sflag:s12], $0x80  }
0xc5: {  	[sflag:s12] =	ssyncset.done $0x0  }
0xc6: {  	[sflag:s12] =	ssyncadd.s32 $0xFFFFFF80  }
0xc7: {  	_ =	swait.ge [sflag:s12], $0x80  }
0xc8: {  	[sflag:s12] =	ssyncset.done $0x0  }
0xc9: {  	[sflag:s12] =	ssyncadd.s32 $0xFFFFFF80  }
0xca: {  	_ =	swait.ge [sflag:s12], $0x80  }
0xcb: {  	[sflag:s12] =	ssyncset.done $0x0  }
0xcc: {  	[sflag:s12] =	ssyncadd.s32 $0xFFFFFF80  }
0xcd: {  	_ =	swait.ge [sflag:s12], $0x80  }
0xce: {  	[sflag:s12] =	ssyncset.done $0x0  }
0xcf: {  	[sflag:s12] =	ssyncadd.s32 $0xFFFFFF80  }
0xd0: {  	_ =	swait.ge [sflag:s12], $0x80  }
0xd1: {  	[sflag:s12] =	ssyncset.done $0x0  }
0xd2: {  	[sflag:s12] =	ssyncadd.s32 $0xFFFFFF80  }
0xd3: {  	_ =	swait.ge [sflag:s12], $0x80  }
0xd4: {  	[sflag:s12] =	ssyncset.done $0x0  }
0xd5: {  	[sflag:s12] =	ssyncadd.s32 $0xFFFFFF80  }
0xd6: {  	_ =	swait.ge [sflag:s12], $0x80  }
0xd7: {  	[sflag:s12] =	ssyncset.done $0x0  }
0xd8: {  	[sflag:s12] =	ssyncadd.s32 $0xFFFFFF80  }
0xd9: {  	_ =	swait.ge [sflag:s12], $0x80  }
0xda: {  	[sflag:s12] =	ssyncset.done $0x0  }
0xdb: {  	[sflag:s12] =	ssyncadd.s32 $0xFFFFFF80  }
0xdc: {  	_ =	swait.ge [sflag:s12], $0x80  }
0xdd: {  	[sflag:s12] =	ssyncset.done $0x0  }
0xde: {  	[sflag:s12] =	ssyncadd.s32 $0xFFFFFF80  }
0xdf: {  	_ =	swait.ge [sflag:s12], $0x80  }
0xe0: {  	[sflag:s12] =	ssyncset.done $0x0  }
0xe1: {  	[sflag:s12] =	ssyncadd.s32 $0xFFFFFF80  }
0xe2: {  	_ =	swait.ge [sflag:s12], $0x80  }
0xe3: {  	[sflag:s12] =	ssyncset.done $0x0  }
0xe4: {  	[sflag:s12] =	ssyncadd.s32 $0xFFFFFF80  }
0xe5: {  	_ =	swait.ge [sflag:s12], $0x80  }
0xe6: {  	[sflag:s12] =	ssyncset.done $0x0  }
0xe7: {  	[sflag:s12] =	ssyncadd.s32 $0xFFFFFF80  }
0xe8: {  	_ =	swait.ge [sflag:s12], $0x80  }
0xe9: {  	[sflag:s12] =	ssyncset.done $0x0  }
0xea: {  	[sflag:s12] =	ssyncadd.s32 $0xFFFFFF80  }
0xeb: {  	_ =	swait.ge [sflag:s12], $0x80  }
0xec: {  	[sflag:s12] =	ssyncset.done $0x0  }
0xed: {  	[sflag:s12] =	ssyncadd.s32 $0xFFFFFF80  }
0xee: {  	_ =	swait.ge [sflag:s12], $0x80  }
0xef: {  	[sflag:s12] =	ssyncset.done $0x0  }
0xf0: {  	[sflag:s12] =	ssyncadd.s32 $0xFFFFFF80  }
0xf1: {  	_ =	swait.ge [sflag:s12], $0x80  }
0xf2: {  	[sflag:s12] =	ssyncset.done $0x0  }
0xf3: {  	[sflag:s12] =	ssyncadd.s32 $0xFFFFFF80  }
0xf4: {  	_ =	swait.ge [sflag:s12], $0x80  }
0xf5: {  	[sflag:s12] =	ssyncset.done $0x0  }
0xf6: {  	[sflag:s12] =	ssyncadd.s32 $0xFFFFFF80  }
0xf7: {  	_ =	swait.ge [sflag:s12], $0x80  }
0xf8: {  	[sflag:s12] =	ssyncset.done $0x0  }
0xf9: {  	[sflag:s12] =	ssyncadd.s32 $0xFFFFFF80  }
0xfa: {  	_ =	swait.ge [sflag:s12], $0x80  }
0xfb: {  	[sflag:s12] =	ssyncset.done $0x0  }
0xfc: {  	[sflag:s12] =	ssyncadd.s32 $0xFFFFFF80  }
0xfd: {  	_ =	swait.ge [sflag:s12], $0x80  }
0xfe: {  	[sflag:s12] =	ssyncset.done $0x0  }
0xff: {  	[sflag:s12] =	ssyncadd.s32 $0xFFFFFF80  }
0x100: {  	_ =	swait.ge [sflag:s12], $0x80  }
0x101: {  	[sflag:s12] =	ssyncset.done $0x0  }
0x102: {  	[sflag:s12] =	ssyncadd.s32 $0xFFFFFF80  }
0x103: {  	_ =	swait.ge [sflag:s12], $0x80  }
0x104: {  	[sflag:s12] =	ssyncset.done $0x0  }
0x105: {  	[sflag:s12] =	ssyncadd.s32 $0xFFFFFF80  }
0x106: {  	_ =	swait.ge [sflag:s12], $0x80  }
0x107: {  	[sflag:s12] =	ssyncset.done $0x0  }
0x108: {  	[sflag:s12] =	ssyncadd.s32 $0xFFFFFF80  }
0x109: {  	_ =	swait.ge [sflag:s12], $0x80  }
0x10a: {  	[sflag:s12] =	ssyncset.done $0x0  }
0x10b: {  	[sflag:s12] =	ssyncadd.s32 $0xFFFFFF80  }
0x10c: {  	_ =	swait.ge [sflag:s12], $0x80  }
0x10d: {  	[sflag:s12] =	ssyncset.done $0x0  }
0x10e: {  	[sflag:s12] =	ssyncadd.s32 $0xFFFFFF80  }
0x10f: {  	_ =	swait.ge [sflag:s12], $0x80  }
0x110: {  	[sflag:s12] =	ssyncset.done $0x0  }
0x111: {  	[sflag:s12] =	ssyncadd.s32 $0xFFFFFF80  }
0x112: {  	_ =	swait.ge [sflag:s12], $0x80  }
0x113: {  	[sflag:s12] =	ssyncset.done $0x0  }
0x114: {  	[sflag:s12] =	ssyncadd.s32 $0xFFFFFF80  }
0x115: {  	_ =	swait.ge [sflag:s12], $0x80  }
0x116: {  	[sflag:s12] =	ssyncset.done $0x0  }
0x117: {  	[sflag:s12] =	ssyncadd.s32 $0xFFFFFF80  }
0x118: {  	_ =	swait.ge [sflag:s12], $0x80  }
0x119: {  	[sflag:s12] =	ssyncset.done $0x0  }
0x11a: {  	[sflag:s12] =	ssyncadd.s32 $0xFFFFFF80  }
0x11b: {  	p0 =	sne.s32 s18, $0x1E000;
	_ =	swait.ge [sflag:s12], $0x80  }
.Ltmp0:
0x11c: {  	[sflag:s12] =	ssyncset.done $0x0;
	(pc) =	sbr.rel @p0 .LBB2_2-.Ltmp0, $4  }
0x11d: {  	[sflag:s12] =	ssyncadd.s32 $0xFFFFFF80  }
0x11e: {  	_ =	swait.ge [sflag:s12], $0x80  }
0x11f: {  	s17 =	sadd.s32 $0x10, s17;
	[sflag:s12] =	ssyncset.done $0x0  }
0x120: {  	s16 =	sadd.s32 $0x10, s16;
	s18 =	sadd.s32 $0x2000, s18;
	[sflag:s12] =	ssyncadd.s32 $0xFFFFFF80  }
0x121: {  	s16 =	simm.s32 $0x0  }
0x122: {  	[hbm4b:s6+s16] =	stream.linear.scatter [tilespmem:s13], [sflag:$0x2], $0x8000, $0x38;
	[tilespmem:$0x10400] =	vst v63  }
0x123: {  	_ =	swait.ge [sflag:s11], $0x8000  }
0x124: {  	[sflag:s11] =	ssyncset.done $0x0  }
0x125: {  	[sflag:s11] =	ssyncadd.s32 $0xFFFF8000  }
0x126: {  	[hbm4b:s7+s16] =	stream.linear.scatter [tilespmem:s14], [sflag:$0x2], $0x8000, $0x38;
	[tilespmem:$0x10400] =	vst v63  }
0x127: {  	_ =	swait.ge [sflag:s11], $0x8000  }
0x128: {  	[sflag:s11] =	ssyncset.done $0x0  }
0x129: {  	s17 =	simm.s32 $0x100;
	s18 =	simm.s32 $0x300;
	[sflag:s11] =	ssyncadd.s32 $0xFFFF8000  }
.LBB2_4:
0x12a: {  	v1 =	vld [tilespmem:s17+$0x0];
	_ =	sdelay $0x2  }
0x12b: {  	v0 =	vld [tilespmem:s18+$0x0];
	_ =	sdelay $0x1  }
0x12c: {  	v2 =	vnsel vm0, $0x0, v1  }
0x12d: {  	(xrf0) =	vadd.scan.msk.s32 $0xffff, v2;
	_ =	sdelay $0x1  }
0x12e: {  	v63 =	vnsel vm0, $0x0, v0  }
0x12f: {  	(xrf0) =	vadd.scan.msk.s32 $0xffff, v63;
	_ =	sdelay $0x2  }
0x130: {  	v4, _, _ =	vpop (xrf0)  }
0x131: {  	(v2sf) =	vpush v4, $0xF  }
0x132: {  	v5 =	vsel vm1, $0x0, v1  }
0x133: {  	(xrf0) =	vadd.scan.msk.s32 $0xffff, v5;
	v6, _, _ =	vpop (xrf0)  }
0x134: {  	(v2sf) =	vpush v6, $0xF;
	_ =	sdelay $0x3  }
0x135: {  	v7 =	vsel vm1, $0x0, v0  }
0x136: {  	(xrf0) =	vadd.scan.msk.s32 $0xffff, v7;
	v8, _, _ =	vpop (xrf0)  }
0x137: {  	(v2sf) =	vpush v8, $0xF  }
0x138: {  	v9 =	vsel vm2, $0x0, v1  }
0x139: {  	(xrf0) =	vadd.scan.msk.s32 $0xffff, v9;
	_ =	sdelay $0x2  }
0x13a: {  	v10, _, _ =	vpop (xrf0)  }
0x13b: {  	s19 =	spop (v2sf);
	(v2sf) =	vpush v10, $0xF  }
0x13c: {  	v11 =	vsel vm2, $0x0, v0  }
0x13d: {  	(xrf0) =	vadd.scan.msk.s32 $0xffff, v11;
	v12, _, _ =	vpop (xrf0)  }
0x13e: {  	s30 =	spop (v2sf);
	(v2sf) =	vpush v12, $0xF;
	_ =	sdelay $0x1  }
0x13f: {  	s20 =	sshll.u32 s19, $0x4  }
0x140: {  	v13 =	vsel vm3, $0x0, v1;
	s19 =	sshra.s32 s16, $0x2;
	s20 =	sand.u32 $0x1FFFFFF0, s20  }
0x141: {  	(xrf0) =	vadd.scan.msk.s32 $0xffff, v13;
	s21 =	sadd.s32 $0x400, s19;
	s20 =	sadd.s32 s3, s20  }
0x142: {  	v14, _, _ =	vpop (xrf0);
	[tilespmem:s21], [sflag:$0x1] =	stream.linear.gather [hbm4b:s20+s2], $0x80, $0x38;
	[tilespmem:$0x10400] =	vst v63  }
0x143: {  	s21 =	spop (v2sf);
	(v2sf) =	vpush v14, $0xF  }
0x144: {  	v15 =	vsel vm3, $0x0, v0  }
0x145: {  	(xrf0) =	vadd.scan.msk.s32 $0xffff, v15;
	_ =	sdelay $0x2  }
0x146: {  	v16, _, _ =	vpop (xrf0)  }
0x147: {  	s23 =	spop (v2sf);
	(v2sf) =	vpush v16, $0xF  }
0x148: {  	v17 =	vsel vm4, $0x0, v1  }
0x149: {  	(xrf0) =	vadd.scan.msk.s32 $0xffff, v17;
	v18, _, _ =	vpop (xrf0)  }
0x14a: {  	s25 =	spop (v2sf);
	(v2sf) =	vpush v18, $0xF;
	_ =	sdelay $0x3  }
0x14b: {  	v19 =	vsel vm4, $0x0, v0  }
0x14c: {  	(xrf0) =	vadd.scan.msk.s32 $0xffff, v19;
	v20, _, _ =	vpop (xrf0)  }
0x14d: {  	s28 =	spop (v2sf);
	(v2sf) =	vpush v20, $0xF  }
0x14e: {  	v21 =	vsel vm5, $0x0, v1  }
0x14f: {  	s20 =	sshll.u32 s30, $0x4;
	(xrf0) =	vadd.scan.msk.s32 $0xffff, v21  }
0x150: {  	s20 =	sand.u32 $0x1FFFFFF0, s20  }
0x151: {  	s31 =	sadd.s32 $0x8400, s19;
	s20 =	sadd.s32 s3, s20  }
0x152: {  	[tilespmem:s31], [sflag:$0x1] =	stream.linear.gather [hbm4b:s20+s2], $0x80, $0x38;
	v22, _, _ =	vpop (xrf0);
	[tilespmem:$0x10400] =	vst v63  }
0x153: {  	s30 =	spop (v2sf);
	(v2sf) =	vpush v22, $0xF  }
0x154: {  	v23 =	vsel vm5, $0x0, v0;
	s20 =	sshll.u32 s21, $0x4  }
0x155: {  	s20 =	sand.u32 $0x1FFFFFF0, s20;
	(xrf0) =	vadd.scan.msk.s32 $0xffff, v23;
	v24, _, _ =	vpop (xrf0)  }
0x156: {  	s22 =	sadd.s32 $0x480, s19;
	s20 =	sadd.s32 s3, s20;
	s21 =	spop (v2sf);
	(v2sf) =	vpush v24, $0xF  }
0x157: {  	[tilespmem:s22], [sflag:$0x1] =	stream.linear.gather [hbm4b:s20+s2], $0x80, $0x38;
	[tilespmem:$0x10400] =	vst v63  }
0x158: {  	s20 =	sshll.u32 s23, $0x4  }
0x159: {  	v25 =	vsel vm6, $0x0, v1;
	s20 =	sand.u32 $0x1FFFFFF0, s20  }
0x15a: {  	s24 =	sadd.s32 $0x8480, s19;
	(xrf0) =	vadd.scan.msk.s32 $0xffff, v25;
	s20 =	sadd.s32 s3, s20  }
0x15b: {  	v26, _, _ =	vpop (xrf0);
	[tilespmem:s24], [sflag:$0x1] =	stream.linear.gather [hbm4b:s20+s2], $0x80, $0x38;
	[tilespmem:$0x10400] =	vst v63  }
0x15c: {  	s23 =	spop (v2sf);
	(v2sf) =	vpush v26, $0xF  }
0x15d: {  	v27 =	vsel vm6, $0x0, v0;
	s20 =	sshll.u32 s25, $0x4  }
0x15e: {  	(xrf0) =	vadd.scan.msk.s32 $0xffff, v27;
	s20 =	sand.u32 $0x1FFFFFF0, s20  }
0x15f: {  	s26 =	sadd.s32 $0x500, s19;
	s20 =	sadd.s32 s3, s20  }
0x160: {  	[tilespmem:s26], [sflag:$0x1] =	stream.linear.gather [hbm4b:s20+s2], $0x80, $0x38;
	[tilespmem:$0x10400] =	vst v63  }
0x161: {  	v28, _, _ =	vpop (xrf0);
	s20 =	sshll.u32 s28, $0x4  }
0x162: {  	v29 =	vsel vm7, $0x0, v1;
	s20 =	sand.u32 $0x1FFFFFF0, s20;
	s25 =	spop (v2sf);
	(v2sf) =	vpush v28, $0xF  }
0x163: {  	s29 =	sadd.s32 $0x8500, s19;
	(xrf0) =	vadd.scan.msk.s32 $0xffff, v29;
	s20 =	sadd.s32 s3, s20  }
0x164: {  	v30, _, _ =	vpop (xrf0);
	[tilespmem:s29], [sflag:$0x1] =	stream.linear.gather [hbm4b:s20+s2], $0x80, $0x38;
	[tilespmem:$0x10400] =	vst v63  }
0x165: {  	s20 =	sshll.u32 s30, $0x4;
	s28 =	spop (v2sf);
	(v2sf) =	vpush v30, $0xF  }
0x166: {  	s20 =	sand.u32 $0x1FFFFFF0, s20  }
0x167: {  	s31 =	sadd.s32 $0x580, s19;
	s20 =	sadd.s32 s3, s20  }
0x168: {  	[tilespmem:s31], [sflag:$0x1] =	stream.linear.gather [hbm4b:s20+s2], $0x80, $0x38;
	[tilespmem:$0x10400] =	vst v63  }
0x169: {  	v31 =	vsel vm7, $0x0, v0;
	s20 =	sshll.u32 s21, $0x4  }
0x16a: {  	(xrf0) =	vadd.scan.msk.s32 $0xffff, v31;
	v32, _, _ =	vpop (xrf0);
	s20 =	sand.u32 $0x1FFFFFF0, s20  }
0x16b: {  	s22 =	sadd.s32 $0x8580, s19;
	s20 =	sadd.s32 s3, s20;
	s30 =	spop (v2sf);
	(v2sf) =	vpush v32, $0xF  }
0x16c: {  	v33 =	vsel vm8, $0x0, v1;
	[tilespmem:s22], [sflag:$0x1] =	stream.linear.gather [hbm4b:s20+s2], $0x80, $0x38;
	[tilespmem:$0x10400] =	vst v63  }
0x16d: {  	(xrf0) =	vadd.scan.msk.s32 $0xffff, v33;
	s20 =	sshll.u32 s23, $0x4  }
0x16e: {  	s20 =	sand.u32 $0x1FFFFFF0, s20  }
0x16f: {  	s24 =	sadd.s32 $0x600, s19;
	s20 =	sadd.s32 s3, s20  }
0x170: {  	v34, _, _ =	vpop (xrf0);
	[tilespmem:s24], [sflag:$0x1] =	stream.linear.gather [hbm4b:s20+s2], $0x80, $0x38;
	[tilespmem:$0x10400] =	vst v63  }
0x171: {  	s21 =	spop (v2sf);
	(v2sf) =	vpush v34, $0xF  }
0x172: {  	v35 =	vsel vm8, $0x0, v0;
	s20 =	sshll.u32 s25, $0x4  }
0x173: {  	(xrf0) =	vadd.scan.msk.s32 $0xffff, v35;
	v36, _, _ =	vpop (xrf0);
	s20 =	sand.u32 $0x1FFFFFF0, s20  }
0x174: {  	s26 =	sadd.s32 $0x8600, s19;
	s20 =	sadd.s32 s3, s20;
	s23 =	spop (v2sf);
	(v2sf) =	vpush v36, $0xF  }
0x175: {  	[tilespmem:s26], [sflag:$0x1] =	stream.linear.gather [hbm4b:s20+s2], $0x80, $0x38;
	[tilespmem:$0x10400] =	vst v63  }
0x176: {  	s20 =	sshll.u32 s28, $0x4  }
0x177: {  	v37 =	vsel vm9, $0x0, v1;
	s20 =	sand.u32 $0x1FFFFFF0, s20  }
0x178: {  	s29 =	sadd.s32 $0x680, s19;
	(xrf0) =	vadd.scan.msk.s32 $0xffff, v37;
	s20 =	sadd.s32 s3, s20  }
0x179: {  	v38, _, _ =	vpop (xrf0);
	[tilespmem:s29], [sflag:$0x1] =	stream.linear.gather [hbm4b:s20+s2], $0x80, $0x38;
	[tilespmem:$0x10400] =	vst v63  }
0x17a: {  	s25 =	spop (v2sf);
	(v2sf) =	vpush v38, $0xF  }
0x17b: {  	v39 =	vsel vm9, $0x0, v0;
	s20 =	sshll.u32 s30, $0x4  }
0x17c: {  	(xrf0) =	vadd.scan.msk.s32 $0xffff, v39;
	s20 =	sand.u32 $0x1FFFFFF0, s20  }
0x17d: {  	s31 =	sadd.s32 $0x8680, s19;
	s20 =	sadd.s32 s3, s20  }
0x17e: {  	[tilespmem:s31], [sflag:$0x1] =	stream.linear.gather [hbm4b:s20+s2], $0x80, $0x38;
	[tilespmem:$0x10400] =	vst v63  }
0x17f: {  	v40, _, _ =	vpop (xrf0);
	s20 =	sshll.u32 s21, $0x4  }
0x180: {  	v41 =	vsel vm10, $0x0, v1;
	s20 =	sand.u32 $0x1FFFFFF0, s20;
	s28 =	spop (v2sf);
	(v2sf) =	vpush v40, $0xF  }
0x181: {  	s22 =	sadd.s32 $0x700, s19;
	(xrf0) =	vadd.scan.msk.s32 $0xffff, v41;
	s20 =	sadd.s32 s3, s20  }
0x182: {  	v42, _, _ =	vpop (xrf0);
	[tilespmem:s22], [sflag:$0x1] =	stream.linear.gather [hbm4b:s20+s2], $0x80, $0x38;
	[tilespmem:$0x10400] =	vst v63  }
0x183: {  	s20 =	sshll.u32 s23, $0x4;
	s30 =	spop (v2sf);
	(v2sf) =	vpush v42, $0xF  }
0x184: {  	s20 =	sand.u32 $0x1FFFFFF0, s20  }
0x185: {  	s24 =	sadd.s32 $0x8700, s19;
	s20 =	sadd.s32 s3, s20  }
0x186: {  	[tilespmem:s24], [sflag:$0x1] =	stream.linear.gather [hbm4b:s20+s2], $0x80, $0x38;
	[tilespmem:$0x10400] =	vst v63  }
0x187: {  	v43 =	vsel vm10, $0x0, v0;
	s20 =	sshll.u32 s25, $0x4  }
0x188: {  	(xrf0) =	vadd.scan.msk.s32 $0xffff, v43;
	v44, _, _ =	vpop (xrf0);
	s20 =	sand.u32 $0x1FFFFFF0, s20  }
0x189: {  	s26 =	sadd.s32 $0x780, s19;
	s20 =	sadd.s32 s3, s20;
	s21 =	spop (v2sf);
	(v2sf) =	vpush v44, $0xF  }
0x18a: {  	v45 =	vsel vm11, $0x0, v1;
	[tilespmem:s26], [sflag:$0x1] =	stream.linear.gather [hbm4b:s20+s2], $0x80, $0x38;
	[tilespmem:$0x10400] =	vst v63  }
0x18b: {  	(xrf0) =	vadd.scan.msk.s32 $0xffff, v45;
	s20 =	sshll.u32 s28, $0x4  }
0x18c: {  	s20 =	sand.u32 $0x1FFFFFF0, s20  }
0x18d: {  	s29 =	sadd.s32 $0x8780, s19;
	s20 =	sadd.s32 s3, s20  }
0x18e: {  	v46, _, _ =	vpop (xrf0);
	[tilespmem:s29], [sflag:$0x1] =	stream.linear.gather [hbm4b:s20+s2], $0x80, $0x38;
	[tilespmem:$0x10400] =	vst v63  }
0x18f: {  	s23 =	spop (v2sf);
	(v2sf) =	vpush v46, $0xF  }
0x190: {  	v47 =	vsel vm11, $0x0, v0;
	s20 =	sshll.u32 s30, $0x4  }
0x191: {  	(xrf0) =	vadd.scan.msk.s32 $0xffff, v47;
	v48, _, _ =	vpop (xrf0);
	s20 =	sand.u32 $0x1FFFFFF0, s20  }
0x192: {  	s31 =	sadd.s32 $0x800, s19;
	s20 =	sadd.s32 s3, s20;
	s25 =	spop (v2sf);
	(v2sf) =	vpush v48, $0xF  }
0x193: {  	[tilespmem:s31], [sflag:$0x1] =	stream.linear.gather [hbm4b:s20+s2], $0x80, $0x38;
	[tilespmem:$0x10400] =	vst v63  }
0x194: {  	s20 =	sshll.u32 s21, $0x4  }
0x195: {  	v49 =	vsel vm12, $0x0, v1;
	s20 =	sand.u32 $0x1FFFFFF0, s20  }
0x196: {  	(xrf0) =	vadd.scan.msk.s32 $0xffff, v49;
	s22 =	sadd.s32 $0x8800, s19;
	s20 =	sadd.s32 s3, s20  }
0x197: {  	v50, _, _ =	vpop (xrf0);
	[tilespmem:s22], [sflag:$0x1] =	stream.linear.gather [hbm4b:s20+s2], $0x80, $0x38;
	[tilespmem:$0x10400] =	vst v63  }
0x198: {  	s28 =	spop (v2sf);
	(v2sf) =	vpush v50, $0xF  }
0x199: {  	v51 =	vsel vm12, $0x0, v0;
	s20 =	sshll.u32 s23, $0x4  }
0x19a: {  	(xrf0) =	vadd.scan.msk.s32 $0xffff, v51;
	s20 =	sand.u32 $0x1FFFFFF0, s20  }
0x19b: {  	s24 =	sadd.s32 $0x880, s19;
	s20 =	sadd.s32 s3, s20  }
0x19c: {  	[tilespmem:s24], [sflag:$0x1] =	stream.linear.gather [hbm4b:s20+s2], $0x80, $0x38;
	[tilespmem:$0x10400] =	vst v63  }
0x19d: {  	v52, _, _ =	vpop (xrf0);
	s20 =	sshll.u32 s25, $0x4  }
0x19e: {  	v53 =	vsel vm13, $0x0, v1;
	s20 =	sand.u32 $0x1FFFFFF0, s20;
	s30 =	spop (v2sf);
	(v2sf) =	vpush v52, $0xF  }
0x19f: {  	(xrf0) =	vadd.scan.msk.s32 $0xffff, v53;
	s26 =	sadd.s32 $0x8880, s19;
	s20 =	sadd.s32 s3, s20  }
0x1a0: {  	v54, _, _ =	vpop (xrf0);
	[tilespmem:s26], [sflag:$0x1] =	stream.linear.gather [hbm4b:s20+s2], $0x80, $0x38;
	[tilespmem:$0x10400] =	vst v63  }
0x1a1: {  	s20 =	sshll.u32 s28, $0x4;
	s21 =	spop (v2sf);
	(v2sf) =	vpush v54, $0xF  }
0x1a2: {  	s20 =	sand.u32 $0x1FFFFFF0, s20  }
0x1a3: {  	s29 =	sadd.s32 $0x900, s19;
	s20 =	sadd.s32 s3, s20  }
0x1a4: {  	[tilespmem:s29], [sflag:$0x1] =	stream.linear.gather [hbm4b:s20+s2], $0x80, $0x38;
	[tilespmem:$0x10400] =	vst v63  }
0x1a5: {  	v55 =	vsel vm13, $0x0, v0;
	s20 =	sshll.u32 s30, $0x4  }
0x1a6: {  	(xrf0) =	vadd.scan.msk.s32 $0xffff, v55;
	v56, _, _ =	vpop (xrf0);
	s20 =	sand.u32 $0x1FFFFFF0, s20  }
0x1a7: {  	s31 =	sadd.s32 $0x8900, s19;
	s20 =	sadd.s32 s3, s20;
	s23 =	spop (v2sf);
	(v2sf) =	vpush v56, $0xF  }
0x1a8: {  	v57 =	vsel vm14, $0x0, v1;
	[tilespmem:s31], [sflag:$0x1] =	stream.linear.gather [hbm4b:s20+s2], $0x80, $0x38;
	[tilespmem:$0x10400] =	vst v63  }
0x1a9: {  	(xrf0) =	vadd.scan.msk.s32 $0xffff, v57;
	s20 =	sshll.u32 s21, $0x4  }
0x1aa: {  	s20 =	sand.u32 $0x1FFFFFF0, s20  }
0x1ab: {  	s22 =	sadd.s32 $0x980, s19;
	s20 =	sadd.s32 s3, s20  }
0x1ac: {  	v58, _, _ =	vpop (xrf0);
	[tilespmem:s22], [sflag:$0x1] =	stream.linear.gather [hbm4b:s20+s2], $0x80, $0x38;
	[tilespmem:$0x10400] =	vst v63  }
0x1ad: {  	s25 =	spop (v2sf);
	(v2sf) =	vpush v58, $0xF  }
0x1ae: {  	v59 =	vsel vm14, $0x0, v0;
	s20 =	sshll.u32 s23, $0x4  }
0x1af: {  	(xrf0) =	vadd.scan.msk.s32 $0xffff, v59;
	v60, _, _ =	vpop (xrf0);
	s20 =	sand.u32 $0x1FFFFFF0, s20  }
0x1b0: {  	s24 =	sadd.s32 $0x8980, s19;
	s20 =	sadd.s32 s3, s20;
	s28 =	spop (v2sf);
	(v2sf) =	vpush v60, $0xF  }
0x1b1: {  	[tilespmem:s24], [sflag:$0x1] =	stream.linear.gather [hbm4b:s20+s2], $0x80, $0x38;
	[tilespmem:$0x10400] =	vst v63  }
0x1b2: {  	s20 =	sshll.u32 s25, $0x4  }
0x1b3: {  	v1 =	vsel vm15, $0x0, v1;
	s20 =	sand.u32 $0x1FFFFFF0, s20  }
0x1b4: {  	(xrf0) =	vadd.scan.msk.s32 $0xffff, v1;
	s26 =	sadd.s32 $0xA00, s19;
	s20 =	sadd.s32 s3, s20  }
0x1b5: {  	v61, _, _ =	vpop (xrf0);
	[tilespmem:s26], [sflag:$0x1] =	stream.linear.gather [hbm4b:s20+s2], $0x80, $0x38;
	[tilespmem:$0x10400] =	vst v63  }
0x1b6: {  	s30 =	spop (v2sf);
	(v2sf) =	vpush v61, $0xF  }
0x1b7: {  	v0 =	vsel vm15, $0x0, v0;
	s20 =	sshll.u32 s28, $0x4  }
0x1b8: {  	(xrf0) =	vadd.scan.msk.s32 $0xffff, v0;
	s20 =	sand.u32 $0x1FFFFFF0, s20  }
0x1b9: {  	s29 =	sadd.s32 $0x8A00, s19;
	s20 =	sadd.s32 s3, s20  }
0x1ba: {  	[tilespmem:s29], [sflag:$0x1] =	stream.linear.gather [hbm4b:s20+s2], $0x80, $0x38;
	[tilespmem:$0x10400] =	vst v63  }
0x1bb: {  	v62, _, _ =	vpop (xrf0);
	s20 =	sshll.u32 s30, $0x4  }
0x1bc: {  	s20 =	sand.u32 $0x1FFFFFF0, s20;
	s22 =	spop (v2sf);
	(v2sf) =	vpush v62, $0xF  }
0x1bd: {  	s31 =	sadd.s32 $0xA80, s19;
	s20 =	sadd.s32 s3, s20  }
0x1be: {  	v63, _, _ =	vpop (xrf0);
	[tilespmem:s31], [sflag:$0x1] =	stream.linear.gather [hbm4b:s20+s2], $0x80, $0x38;
	[tilespmem:$0x10400] =	vst v63  }
0x1bf: {  	s20 =	sshll.u32 s22, $0x4;
	s24 =	spop (v2sf);
	(v2sf) =	vpush v63, $0xF  }
0x1c0: {  	s20 =	sand.u32 $0x1FFFFFF0, s20  }
0x1c1: {  	s23 =	sadd.s32 $0x8A80, s19;
	s20 =	sadd.s32 s3, s20  }
0x1c2: {  	[tilespmem:s23], [sflag:$0x1] =	stream.linear.gather [hbm4b:s20+s2], $0x80, $0x38;
	[tilespmem:$0x10400] =	vst v63  }
0x1c3: {  	s20 =	sshll.u32 s24, $0x4  }
0x1c4: {  	s20 =	sand.u32 $0x1FFFFFF0, s20  }
0x1c5: {  	s25 =	sadd.s32 $0xB00, s19;
	s20 =	sadd.s32 s3, s20;
	s26 =	spop (v2sf)  }
0x1c6: {  	[tilespmem:s25], [sflag:$0x1] =	stream.linear.gather [hbm4b:s20+s2], $0x80, $0x38;
	[tilespmem:$0x10400] =	vst v63  }
0x1c7: {  	s20 =	sshll.u32 s26, $0x4  }
0x1c8: {  	s20 =	sand.u32 $0x1FFFFFF0, s20  }
0x1c9: {  	s28 =	sadd.s32 $0x8B00, s19;
	s20 =	sadd.s32 s3, s20  }
0x1ca: {  	[tilespmem:s28], [sflag:$0x1] =	stream.linear.gather [hbm4b:s20+s2], $0x80, $0x38;
	[tilespmem:$0x10400] =	vst v63  }
0x1cb: {  	s29 =	spop (v2sf)  }
0x1cc: {  	s20 =	sshll.u32 s29, $0x4  }
0x1cd: {  	s20 =	sand.u32 $0x1FFFFFF0, s20  }
0x1ce: {  	s30 =	sadd.s32 $0xB80, s19;
	s31 =	spop (v2sf);
	s20 =	sadd.s32 s3, s20  }
0x1cf: {  	[tilespmem:s30], [sflag:$0x1] =	stream.linear.gather [hbm4b:s20+s2], $0x80, $0x38;
	[tilespmem:$0x10400] =	vst v63  }
0x1d0: {  	s20 =	sshll.u32 s31, $0x4  }
0x1d1: {  	s20 =	sand.u32 $0x1FFFFFF0, s20  }
0x1d2: {  	s19 =	sadd.s32 $0x8B80, s19;
	s20 =	sadd.s32 s3, s20  }
0x1d3: {  	[tilespmem:s19], [sflag:$0x1] =	stream.linear.gather [hbm4b:s20+s2], $0x80, $0x38;
	[tilespmem:$0x10400] =	vst v63  }
0x1d4: {  	_ =	swait.ge [sflag:s12], $0x80  }
0x1d5: {  	[sflag:s12] =	ssyncset.done $0x0  }
0x1d6: {  	[sflag:s12] =	ssyncadd.s32 $0xFFFFFF80  }
0x1d7: {  	_ =	swait.ge [sflag:s12], $0x80  }
0x1d8: {  	[sflag:s12] =	ssyncset.done $0x0  }
0x1d9: {  	[sflag:s12] =	ssyncadd.s32 $0xFFFFFF80  }
0x1da: {  	_ =	swait.ge [sflag:s12], $0x80  }
0x1db: {  	[sflag:s12] =	ssyncset.done $0x0  }
0x1dc: {  	[sflag:s12] =	ssyncadd.s32 $0xFFFFFF80  }
0x1dd: {  	_ =	swait.ge [sflag:s12], $0x80  }
0x1de: {  	[sflag:s12] =	ssyncset.done $0x0  }
0x1df: {  	[sflag:s12] =	ssyncadd.s32 $0xFFFFFF80  }
0x1e0: {  	_ =	swait.ge [sflag:s12], $0x80  }
0x1e1: {  	[sflag:s12] =	ssyncset.done $0x0  }
0x1e2: {  	[sflag:s12] =	ssyncadd.s32 $0xFFFFFF80  }
0x1e3: {  	_ =	swait.ge [sflag:s12], $0x80  }
0x1e4: {  	[sflag:s12] =	ssyncset.done $0x0  }
0x1e5: {  	[sflag:s12] =	ssyncadd.s32 $0xFFFFFF80  }
0x1e6: {  	_ =	swait.ge [sflag:s12], $0x80  }
0x1e7: {  	[sflag:s12] =	ssyncset.done $0x0  }
0x1e8: {  	[sflag:s12] =	ssyncadd.s32 $0xFFFFFF80  }
0x1e9: {  	_ =	swait.ge [sflag:s12], $0x80  }
0x1ea: {  	[sflag:s12] =	ssyncset.done $0x0  }
0x1eb: {  	[sflag:s12] =	ssyncadd.s32 $0xFFFFFF80  }
0x1ec: {  	_ =	swait.ge [sflag:s12], $0x80  }
0x1ed: {  	[sflag:s12] =	ssyncset.done $0x0  }
0x1ee: {  	[sflag:s12] =	ssyncadd.s32 $0xFFFFFF80  }
0x1ef: {  	_ =	swait.ge [sflag:s12], $0x80  }
0x1f0: {  	[sflag:s12] =	ssyncset.done $0x0  }
0x1f1: {  	[sflag:s12] =	ssyncadd.s32 $0xFFFFFF80  }
0x1f2: {  	_ =	swait.ge [sflag:s12], $0x80  }
0x1f3: {  	[sflag:s12] =	ssyncset.done $0x0  }
0x1f4: {  	[sflag:s12] =	ssyncadd.s32 $0xFFFFFF80  }
0x1f5: {  	_ =	swait.ge [sflag:s12], $0x80  }
0x1f6: {  	[sflag:s12] =	ssyncset.done $0x0  }
0x1f7: {  	[sflag:s12] =	ssyncadd.s32 $0xFFFFFF80  }
0x1f8: {  	_ =	swait.ge [sflag:s12], $0x80  }
0x1f9: {  	[sflag:s12] =	ssyncset.done $0x0  }
0x1fa: {  	[sflag:s12] =	ssyncadd.s32 $0xFFFFFF80  }
0x1fb: {  	_ =	swait.ge [sflag:s12], $0x80  }
0x1fc: {  	[sflag:s12] =	ssyncset.done $0x0  }
0x1fd: {  	[sflag:s12] =	ssyncadd.s32 $0xFFFFFF80  }
0x1fe: {  	_ =	swait.ge [sflag:s12], $0x80  }
0x1ff: {  	[sflag:s12] =	ssyncset.done $0x0  }
0x200: {  	[sflag:s12] =	ssyncadd.s32 $0xFFFFFF80  }
0x201: {  	_ =	swait.ge [sflag:s12], $0x80  }
0x202: {  	[sflag:s12] =	ssyncset.done $0x0  }
0x203: {  	[sflag:s12] =	ssyncadd.s32 $0xFFFFFF80  }
0x204: {  	_ =	swait.ge [sflag:s12], $0x80  }
0x205: {  	[sflag:s12] =	ssyncset.done $0x0  }
0x206: {  	[sflag:s12] =	ssyncadd.s32 $0xFFFFFF80  }
0x207: {  	_ =	swait.ge [sflag:s12], $0x80  }
0x208: {  	[sflag:s12] =	ssyncset.done $0x0  }
0x209: {  	[sflag:s12] =	ssyncadd.s32 $0xFFFFFF80  }
0x20a: {  	_ =	swait.ge [sflag:s12], $0x80  }
0x20b: {  	[sflag:s12] =	ssyncset.done $0x0  }
0x20c: {  	[sflag:s12] =	ssyncadd.s32 $0xFFFFFF80  }
0x20d: {  	_ =	swait.ge [sflag:s12], $0x80  }
0x20e: {  	[sflag:s12] =	ssyncset.done $0x0  }
0x20f: {  	[sflag:s12] =	ssyncadd.s32 $0xFFFFFF80  }
0x210: {  	_ =	swait.ge [sflag:s12], $0x80  }
0x211: {  	[sflag:s12] =	ssyncset.done $0x0  }
0x212: {  	[sflag:s12] =	ssyncadd.s32 $0xFFFFFF80  }
0x213: {  	_ =	swait.ge [sflag:s12], $0x80  }
0x214: {  	[sflag:s12] =	ssyncset.done $0x0  }
0x215: {  	[sflag:s12] =	ssyncadd.s32 $0xFFFFFF80  }
0x216: {  	_ =	swait.ge [sflag:s12], $0x80  }
0x217: {  	[sflag:s12] =	ssyncset.done $0x0  }
0x218: {  	[sflag:s12] =	ssyncadd.s32 $0xFFFFFF80  }
0x219: {  	_ =	swait.ge [sflag:s12], $0x80  }
0x21a: {  	[sflag:s12] =	ssyncset.done $0x0  }
0x21b: {  	[sflag:s12] =	ssyncadd.s32 $0xFFFFFF80  }
0x21c: {  	_ =	swait.ge [sflag:s12], $0x80  }
0x21d: {  	[sflag:s12] =	ssyncset.done $0x0  }
0x21e: {  	[sflag:s12] =	ssyncadd.s32 $0xFFFFFF80  }
0x21f: {  	_ =	swait.ge [sflag:s12], $0x80  }
0x220: {  	[sflag:s12] =	ssyncset.done $0x0  }
0x221: {  	[sflag:s12] =	ssyncadd.s32 $0xFFFFFF80  }
0x222: {  	_ =	swait.ge [sflag:s12], $0x80  }
0x223: {  	[sflag:s12] =	ssyncset.done $0x0  }
0x224: {  	[sflag:s12] =	ssyncadd.s32 $0xFFFFFF80  }
0x225: {  	_ =	swait.ge [sflag:s12], $0x80  }
0x226: {  	[sflag:s12] =	ssyncset.done $0x0  }
0x227: {  	[sflag:s12] =	ssyncadd.s32 $0xFFFFFF80  }
0x228: {  	_ =	swait.ge [sflag:s12], $0x80  }
0x229: {  	[sflag:s12] =	ssyncset.done $0x0  }
0x22a: {  	[sflag:s12] =	ssyncadd.s32 $0xFFFFFF80  }
0x22b: {  	_ =	swait.ge [sflag:s12], $0x80  }
0x22c: {  	[sflag:s12] =	ssyncset.done $0x0  }
0x22d: {  	[sflag:s12] =	ssyncadd.s32 $0xFFFFFF80  }
0x22e: {  	p0 =	sne.s32 s16, $0x1E000;
	_ =	swait.ge [sflag:s12], $0x80  }
.Ltmp1:
0x22f: {  	[sflag:s12] =	ssyncset.done $0x0;
	(pc) =	sbr.rel @p0 .LBB2_4-.Ltmp1, $4  }
0x230: {  	[sflag:s12] =	ssyncadd.s32 $0xFFFFFF80  }
0x231: {  	_ =	swait.ge [sflag:s12], $0x80  }
0x232: {  	s17 =	sadd.s32 $0x10, s17;
	[sflag:s12] =	ssyncset.done $0x0  }
0x233: {  	s18 =	sadd.s32 $0x10, s18;
	s16 =	sadd.s32 $0x2000, s16;
	[sflag:s12] =	ssyncadd.s32 $0xFFFFFF80  }
0x234: {  	[hbm4b:s8+s2] =	stream.linear.scatter [tilespmem:s13], [sflag:$0x2], $0x8000, $0x38;
	[tilespmem:$0x10400] =	vst v63  }
0x235: {  	s15 =	sadd.s32 $0x1, s15;
	_ =	swait.ge [sflag:s11], $0x8000  }
0x236: {  	p0 =	sne.s32 s15, s10;
	[sflag:s11] =	ssyncset.done $0x0  }
.Ltmp2:
0x237: {  	[sflag:s11] =	ssyncadd.s32 $0xFFFF8000;
	(pc) =	sbr.rel @p0 .LBB2_1-.Ltmp2, $4  }
0x238: {  	[hbm4b:s9+s2] =	stream.linear.scatter [tilespmem:s14], [sflag:$0x2], $0x8000, $0x38;
	[tilespmem:$0x10400] =	vst v63  }
0x239: {  	_ =	swait.ge [sflag:s11], $0x8000  }
0x23a: {  	[sflag:s11] =	ssyncset.done $0x0  }
0x23b: {  	[sflag:s11] =	ssyncadd.s32 $0xFFFF8000  }
0x23c: {  	_ =	sfence.sel $0x180000  }
0x23d: {  	[bflag:$0x0] =	sbarrier.arrive $0xFFFF  }
0x23e: {  	p0 =	sne.s32 s1, $0x0;
	_ =	strace $0x90000047  }
0x23f: {  	s0 =	sadd.s32 @!p0 $0x100000, s0;
	[bflag:$0x2] =	sbarrier.arrive $0xFFFF  }
0x240: {  	[sflag:s0] =	ssyncadd.tile.s32 @!p0 $0x1;
	_ =	shalt  }
.Lfunc_end2:
_tile_overlayer_lowered:
.L_overlay_start_2:
0x241: {  	(tag) =	ssettag $0x2  }
0x242: {  	s0 =	rddreg [dreg:$0x0];
	s2 =	stileid.u32  }
0x243: {  	s1 =	rddreg [dreg:$0x1];
	p0 =	sne.s32 s2, $0x0  }
0x244: {  	s3 =	rddreg [dreg:$0x2];
	[bflag:$0x3] =	sbarrier.arrive $0xFFFF;
	s2 =	simm.s32 @!p0 $0x1C02  }
0x245: {  	[timem:s3], [sflag:s2] =	dma.local @!p0 [hbm:s0], s1  }
0x246: {  	s0 =	simm.s32 @!p0 $0x2  }
0x247: {  	_ =	swait.ge @!p0 [sflag:s0], s1  }
0x248: {  	s1 =	ssub.s32 @!p0 $0x0, s1;
	[sflag:s0] =	ssyncset.done @!p0 $0x0  }
0x249: {  	[sflag:s0] =	ssyncadd.s32 @!p0 s1  }
0x24a: {  	[bflag:$0x3] =	sbarrier.arrive $0xFFFF  }
0x24b: {  	_ =	shalt  }

</sc_bundles>
